<compile_context>
chip_gen: v7x
topology: tpu7x:2x2x1
jax: 0.10.2.dev20260603
libtpu: 0.0.44.dev20260713+nightly
codegen_flags: <defaults>
</compile_context>

<pallas_src>
import jax
import jax.numpy as jnp
from jax.experimental import pallas as pl

_E = 4
_EPS = 1e-5
_TN = 2048


def _stage_a(x_ref, w1_ref, g1_ref, b1_ref, wr_ref, br_ref,
             y_ref, tw_ref, ti_ref):
    xb = x_ref[...]
    y = jnp.dot(xb, w1_ref[...], preferred_element_type=jnp.float32)
    y = y * g1_ref[...] + b1_ref[...]
    y = y * jax.nn.sigmoid(y)
    y_ref[...] = y
    lg = jnp.dot(y, wr_ref[...], preferred_element_type=jnp.float32)
    lg = lg + br_ref[...]
    m = jnp.max(lg, axis=1, keepdims=True)
    ex = jnp.exp(lg - m)
    p = ex / jnp.sum(ex, axis=1, keepdims=True)
    p0 = p[:, 0:1]
    p1 = p[:, 1:2]
    p2 = p[:, 2:3]
    p3 = p[:, 3:4]
    m1 = jnp.maximum(jnp.maximum(p0, p1), jnp.maximum(p2, p3))
    i1 = jnp.where(p0 == m1, 0,
                   jnp.where(p1 == m1, 1,
                             jnp.where(p2 == m1, 2, 3))).astype(jnp.int32)
    q0 = jnp.where(i1 == 0, -1.0, p0)
    q1 = jnp.where(i1 == 1, -1.0, p1)
    q2 = jnp.where(i1 == 2, -1.0, p2)
    q3 = jnp.where(i1 == 3, -1.0, p3)
    m2 = jnp.maximum(jnp.maximum(q0, q1), jnp.maximum(q2, q3))
    i2 = jnp.where(q0 == m2, 0,
                   jnp.where(q1 == m2, 1,
                             jnp.where(q2 == m2, 2, 3))).astype(jnp.int32)
    s = m1 + m2
    tw_ref[:, 0:1] = m1 / s
    tw_ref[:, 1:2] = m2 / s
    ti_ref[:, 0:1] = i1
    ti_ref[:, 1:2] = i2


def _stage_b(r_ref, w_ref, g_ref, b_ref, o_ref):
    r = r_ref[0]
    eo = jnp.dot(r, w_ref[0], preferred_element_type=jnp.float32)
    eo = eo * g_ref[0] + b_ref[0]
    eo = eo * jax.nn.sigmoid(eo)
    o_ref[0] = eo


def _stage_c(m1_ref, m2_ref, tw_ref, w3_ref, g3_ref, b3_ref, xr_ref, o_ref):
    m = (m1_ref[...] * tw_ref[:, 0:1] + m2_ref[...] * tw_ref[:, 1:2])
    y = jnp.dot(m, w3_ref[...], preferred_element_type=jnp.float32)
    y = y * g3_ref[...] + b3_ref[...]
    y = y * jax.nn.sigmoid(y)
    o_ref[...] = y + xr_ref[...]


def kernel(x, w1, g1, b1, wr, br, we, ge, be, w3, g3, b3):
    B, C1, H, W = x.shape
    N = H * W
    C = w1.shape[0]
    C2 = w3.shape[0]
    inv = 1.0 / (1.0 + _EPS) ** 0.5

    x2 = x.reshape(C1, N)
    xt = x2.T
    w1m = w1[:, :, 0, 0].T
    g1s = (g1 * inv).reshape(1, C)
    b1r = b1.reshape(1, C)
    wrm = wr[:, :, 0, 0].T
    brr = br.reshape(1, _E)

    grid = N // _TN
    y, tw, ti = pl.pallas_call(
        _stage_a,
        grid=(grid,),
        in_specs=[
            pl.BlockSpec((_TN, C1), lambda i: (i, 0)),
            pl.BlockSpec((C1, C), lambda i: (0, 0)),
            pl.BlockSpec((1, C), lambda i: (0, 0)),
            pl.BlockSpec((1, C), lambda i: (0, 0)),
            pl.BlockSpec((C, _E), lambda i: (0, 0)),
            pl.BlockSpec((1, _E), lambda i: (0, 0)),
        ],
        out_specs=[
            pl.BlockSpec((_TN, C), lambda i: (i, 0)),
            pl.BlockSpec((_TN, 2), lambda i: (i, 0)),
            pl.BlockSpec((_TN, 2), lambda i: (i, 0)),
        ],
        out_shape=[
            jax.ShapeDtypeStruct((N, C), jnp.float32),
            jax.ShapeDtypeStruct((N, 2), jnp.float32),
            jax.ShapeDtypeStruct((N, 2), jnp.int32),
        ],
    )(xt, w1m, g1s, b1r, wrm, brr)

    i1 = ti[:, 0]
    i2 = ti[:, 1]
    tw1 = tw[:, 0]
    tw2 = tw[:, 1]
    yT = y.T
    rows = jnp.arange(N)
    flat = jnp.arange(N * C)

    r_list, rank_list = [], []
    for ei in range(_E):
        mask = (i1 == ei) | (i2 == ei)
        S_safe = jnp.maximum(jnp.sum(mask.astype(jnp.int32)), 1)
        sel = jnp.nonzero(mask, size=N, fill_value=0)[0]
        cidx = jnp.minimum(flat // S_safe, C - 1)
        tok = sel[flat % S_safe]
        r_list.append(yT[cidx, tok].reshape(N, C))
        rank_list.append(jnp.cumsum(mask.astype(jnp.int32)) - 1)

    r_all = jnp.stack(r_list)
    rank_all = jnp.stack(rank_list)

    wt = jnp.transpose(we[:, :, :, 1, 1], (0, 2, 1))
    ges = (ge * inv).reshape(_E, 1, C)
    ber = be.reshape(_E, 1, C)

    contrib = pl.pallas_call(
        _stage_b,
        grid=(_E, grid),
        in_specs=[
            pl.BlockSpec((1, _TN, C), lambda e, i: (e, i, 0)),
            pl.BlockSpec((1, C, C), lambda e, i: (e, 0, 0)),
            pl.BlockSpec((1, 1, C), lambda e, i: (e, 0, 0)),
            pl.BlockSpec((1, 1, C), lambda e, i: (e, 0, 0)),
        ],
        out_specs=pl.BlockSpec((1, _TN, C), lambda e, i: (e, i, 0)),
        out_shape=jax.ShapeDtypeStruct((_E, N, C), jnp.float32),
    )(r_all, wt, ges, ber)

    r1 = rank_all[i1, rows]
    r2 = rank_all[i2, rows]
    cf = contrib.reshape(_E * N, C)
    cf1 = cf[i1 * N + r1]
    cf2 = cf[i2 * N + r2]

    w3m = w3[:, :, 0, 0].T
    g3s = (g3 * inv).reshape(1, C2)
    b3r = b3.reshape(1, C2)
    out = pl.pallas_call(
        _stage_c,
        grid=(grid,),
        in_specs=[
            pl.BlockSpec((_TN, C), lambda i: (i, 0)),
            pl.BlockSpec((_TN, C), lambda i: (i, 0)),
            pl.BlockSpec((_TN, 2), lambda i: (i, 0)),
            pl.BlockSpec((C, C2), lambda i: (0, 0)),
            pl.BlockSpec((1, C2), lambda i: (0, 0)),
            pl.BlockSpec((1, C2), lambda i: (0, 0)),
            pl.BlockSpec((_TN, C2), lambda i: (i, 0)),
        ],
        out_specs=pl.BlockSpec((_TN, C2), lambda i: (i, 0)),
        out_shape=jax.ShapeDtypeStruct((N, C2), jnp.float32),
    )(cf1, cf2, tw, w3m, g3s, b3r, xt)

    return out.T.reshape(B, C2, H, W)

# --- scband reference (transcript-rebuilt; emitter-appended) ---
"""Pipeline reference for scband-mo-e-bottleneck-35476429865769 (READ-ONLY COPY).

The authoritative reference and input builder live on the scoring server;
editing this copy changes nothing except your own understanding.
"""

import jax, jax.numpy as jnp
import numpy as np

E = 4
K = 2
EPS = 1e-5

def silu(t):
    return t * jax.nn.sigmoid(t)

def bn_inf(t, g, b):
    # inference-mode BatchNorm2d with running_mean=0, running_var=1
    return t / jnp.sqrt(1.0 + EPS) * g.reshape(1, -1, 1, 1) + b.reshape(1, -1, 1, 1)

def conv1x1(t, w, bias=None):
    y = jnp.einsum('bchw,oc->bohw', t, w[:, :, 0, 0])
    if bias is not None:
        y = y + bias.reshape(1, -1, 1, 1)
    return y

def setup_inputs(seed: int = 0):
    key = jax.random.key(seed)
    ks = jax.random.split(key, 8)
    B, c1, H, W = 1, 192, 256, 256
    c2 = 192
    c_ = 96
    x = jax.random.normal(ks[0], (B, c1, H, W), dtype=jnp.float32)
    w1 = jax.random.normal(ks[1], (c_, c1, 1, 1), dtype=jnp.float32) * 0.05
    g1 = jnp.ones((c_,), jnp.float32); b1 = jnp.zeros((c_,), jnp.float32)
    wr = jax.random.normal(ks[2], (E, c_, 1, 1), dtype=jnp.float32) * 0.05
    br = jnp.zeros((E,), jnp.float32)
    we = jax.random.normal(ks[3], (E, c_, c_, 3, 3), dtype=jnp.float32) * 0.05
    ge = jnp.ones((E, c_), jnp.float32); be = jnp.zeros((E, c_), jnp.float32)
    w3 = jax.random.normal(ks[4], (c2, c_, 1, 1), dtype=jnp.float32) * 0.05
    g3 = jnp.ones((c2,), jnp.float32); b3 = jnp.zeros((c2,), jnp.float32)
    return {"x": x, "w1": w1, "g1": g1, "b1": b1, "wr": wr, "br": br,
            "we": we, "ge": ge, "be": be, "w3": w3, "g3": g3, "b3": b3}

def reference(x, w1, g1, b1, wr, br, we, ge, be, w3, g3, b3):
    B, _, H, W = x.shape
    x_in = silu(bn_inf(conv1x1(x, w1), g1, b1))          # [B, c_, H, W]
    C = x_in.shape[1]
    x_reshaped = jnp.transpose(x_in, (0, 2, 3, 1)).reshape(-1, C)
    router_logits = jnp.transpose(conv1x1(x_in, wr, br), (0, 2, 3, 1)).reshape(-1, E)
    routing_weights = jax.nn.softmax(router_logits, axis=-1)
    top_k_weights, top_k_indices = jax.lax.top_k(routing_weights, K)
    top_k_weights = top_k_weights / jnp.sum(top_k_weights, axis=-1, keepdims=True)
    output_moe = jnp.zeros_like(x_reshaped)
    Nfull = x_reshaped.shape[0]
    rows = jnp.arange(Nfull)
    flat = jnp.arange(Nfull * C)
    for i in range(E):
        expert_mask = jnp.any(top_k_indices == i, axis=-1)
        sel = jnp.nonzero(expert_mask, size=Nfull, fill_value=0)[0]
        S = jnp.sum(expert_mask)
        S_safe = jnp.maximum(S, 1)
        h = (sel // W) % H
        w = sel % W
        c = flat // S_safe
        s = flat % S_safe
        # gathered = x_in[:, :, h[:S], w[:S]] is [B, C, S]; its row-major
        # reshape(-1, C) maps expert_input[j, k] = x_in[0, (j*C+k)//S, h[(j*C+k)%S], w[(j*C+k)%S]]
        expert_input = x_in[0, c, h[s], w[s]].reshape(Nfull, C)
        wi = we[i][:, :, 1, 1]                   # 3x3 conv on zero-padded 1x1 input -> only center tap contributes
        eo = expert_input @ wi.T
        eo = silu(eo / jnp.sqrt(1.0 + EPS) * ge[i] + be[i])
        ewi = jnp.argmax(top_k_indices[sel] == i, axis=-1)
        ew = top_k_weights[sel, ewi]
        ew = jnp.where(rows < S, ew, 0.0)
        output_moe = output_moe.at[sel].add(eo * ew[:, None])
    output_moe = jnp.transpose(output_moe.reshape(B, H, W, C), (0, 3, 1, 2))
    x_out = silu(bn_inf(conv1x1(output_moe, w3), g3, b3))
    return x_out + x

if __name__ == "__main__":
    import jax
    _d = setup_inputs()
    print(jax.jit(kernel)(*tuple(_d.values())))

</pallas_src>

<mosaic_0001>
module attributes {stable_mosaic.version = 14 : i64} {
  func.func @_stage_a(%arg0: i32, %arg1: memref<2048x192xf32, #tpu.memory_space<vmem>>, %arg2: memref<192x96xf32, #tpu.memory_space<vmem>>, %arg3: memref<1x96xf32, #tpu.memory_space<vmem>>, %arg4: memref<1x96xf32, #tpu.memory_space<vmem>>, %arg5: memref<96x4xf32, #tpu.memory_space<vmem>>, %arg6: memref<1x4xf32, #tpu.memory_space<vmem>>, %arg7: memref<2048x96xf32, #tpu.memory_space<vmem>>, %arg8: memref<2048x2xf32, #tpu.memory_space<vmem>>, %arg9: memref<2048x2xi32, #tpu.memory_space<vmem>>) attributes {dimension_semantics = [#tpu.dimension_semantics<arbitrary>], iteration_bounds = array<i64: 32>, scalar_prefetch = 0 : i64, scratch_operands = 0 : i64, tpu.core_type = #tpu.core_type<tc>, window_params = [{transform_indices = @transform_0, window_bounds = array<i64: 2048, 192>}, {pipeline_mode = #tpu.pipeline_mode<synchronous>, transform_indices = @transform_1, window_bounds = array<i64: 192, 96>}, {pipeline_mode = #tpu.pipeline_mode<synchronous>, transform_indices = @transform_2, window_bounds = array<i64: 1, 96>}, {pipeline_mode = #tpu.pipeline_mode<synchronous>, transform_indices = @transform_3, window_bounds = array<i64: 1, 96>}, {pipeline_mode = #tpu.pipeline_mode<synchronous>, transform_indices = @transform_4, window_bounds = array<i64: 96, 4>}, {pipeline_mode = #tpu.pipeline_mode<synchronous>, transform_indices = @transform_5, window_bounds = array<i64: 1, 4>}, {transform_indices = @transform_6, window_bounds = array<i64: 2048, 96>}, {transform_indices = @transform_7, window_bounds = array<i64: 2048, 2>}, {transform_indices = @transform_8, window_bounds = array<i64: 2048, 2>}]} {
    %get3A = arith.constant 0 : index
    %get3A_0 = arith.constant 0 : index
    %get3A_1 = vector.load %arg1[%get3A, %get3A_0] : memref<2048x192xf32, #tpu.memory_space<vmem>>, vector<2048x192xf32>
    %get3A_2 = arith.constant 0 : index
    %get3A_3 = arith.constant 0 : index
    %get3A_4 = vector.load %arg2[%get3A_2, %get3A_3] : memref<192x96xf32, #tpu.memory_space<vmem>>, vector<192x96xf32>
    %dot_general3A = arith.constant dense<0.000000e+00> : vector<2048x96xf32>
    %dot_general3A_5 = tpu.matmul %get3A_1, %get3A_4, %dot_general3A {dimension_numbers = #tpu.dot_dimension_numbers<[1], [0], [0], [1], [0, 0, 1, 1], [], []>, transpose_lhs_hint = false} : vector<2048x192xf32>, vector<192x96xf32>, vector<2048x96xf32> -> vector<2048x96xf32>
    %get3A_6 = arith.constant 0 : index
    %get3A_7 = arith.constant 0 : index
    %get3A_8 = vector.load %arg3[%get3A_6, %get3A_7] : memref<1x96xf32, #tpu.memory_space<vmem>>, vector<1x96xf32>
    %mul3A = vector.broadcast %get3A_8 : vector<1x96xf32> to vector<2048x96xf32>
    %mul3A_9 = arith.mulf %dot_general3A_5, %mul3A : vector<2048x96xf32>
    %get3A_10 = arith.constant 0 : index
    %get3A_11 = arith.constant 0 : index
    %get3A_12 = vector.load %arg4[%get3A_10, %get3A_11] : memref<1x96xf32, #tpu.memory_space<vmem>>, vector<1x96xf32>
    %add3A = vector.broadcast %get3A_12 : vector<1x96xf32> to vector<2048x96xf32>
    %add3A_13 = arith.addf %mul3A_9, %add3A : vector<2048x96xf32>
    %logistic3A = arith.negf %add3A_13 : vector<2048x96xf32>
    %logistic3A_14 = math.exp %logistic3A : vector<2048x96xf32>
    %logistic3A_15 = arith.constant 1.000000e+00 : f32
    %logistic3A_16 = vector.broadcast %logistic3A_15 : f32 to vector<2048x96xf32>
    %logistic3A_17 = arith.addf %logistic3A_16, %logistic3A_14 : vector<2048x96xf32>
    %logistic3A_18 = arith.divf %logistic3A_16, %logistic3A_17 : vector<2048x96xf32>
    %mul3A_19 = arith.mulf %add3A_13, %logistic3A_18 : vector<2048x96xf32>
    %swap3A = arith.constant 0 : index
    %swap3A_20 = arith.constant 0 : index
    %swap3A_21 = vector.load %arg7[%swap3A, %swap3A_20] : memref<2048x96xf32, #tpu.memory_space<vmem>>, vector<2048x96xf32>
    tpu.vector_store %arg7[%swap3A, %swap3A_20], %mul3A_19 {strides = array<i32>} : memref<2048x96xf32, #tpu.memory_space<vmem>>, vector<2048x96xf32>,
    %get3A_22 = arith.constant 0 : index
    %get3A_23 = arith.constant 0 : index
    %get3A_24 = vector.load %arg5[%get3A_22, %get3A_23] : memref<96x4xf32, #tpu.memory_space<vmem>>, vector<96x4xf32>
    %dot_general3A_25 = arith.constant dense<0.000000e+00> : vector<2048x4xf32>
    %dot_general3A_26 = tpu.matmul %mul3A_19, %get3A_24, %dot_general3A_25 {dimension_numbers = #tpu.dot_dimension_numbers<[1], [0], [0], [1], [0, 0, 1, 1], [], []>, transpose_lhs_hint = false} : vector<2048x96xf32>, vector<96x4xf32>, vector<2048x4xf32> -> vector<2048x4xf32>
    %get3A_27 = arith.constant 0 : index
    %get3A_28 = arith.constant 0 : index
    %get3A_29 = vector.load %arg6[%get3A_27, %get3A_28] : memref<1x4xf32, #tpu.memory_space<vmem>>, vector<1x4xf32>
    %add3A_30 = vector.broadcast %get3A_29 : vector<1x4xf32> to vector<2048x4xf32>
    %add3A_31 = arith.addf %dot_general3A_26, %add3A_30 : vector<2048x4xf32>
    %reduce_max3A = arith.constant dense<0xFF800000> : vector<2048xf32>
    %reduce_max3A_32 = vector.multi_reduction <maximumf>, %add3A_31, %reduce_max3A [1] : vector<2048x4xf32> to vector<2048xf32>
    %broadcast_in_dim3A = vector.shape_cast %reduce_max3A_32 : vector<2048xf32> to vector<2048x1xf32>
    %sub3A = vector.broadcast %broadcast_in_dim3A : vector<2048x1xf32> to vector<2048x4xf32>
    %sub3A_33 = arith.subf %add3A_31, %sub3A : vector<2048x4xf32>
    %exp3A = math.exp %sub3A_33 : vector<2048x4xf32>
    %reduce_sum3A = arith.constant dense<0.000000e+00> : vector<2048xf32>
    %reduce_sum3A_34 = vector.multi_reduction <add>, %exp3A, %reduce_sum3A [1] : vector<2048x4xf32> to vector<2048xf32>
    %broadcast_in_dim3A_35 = vector.shape_cast %reduce_sum3A_34 : vector<2048xf32> to vector<2048x1xf32>
    %div3A = vector.broadcast %broadcast_in_dim3A_35 : vector<2048x1xf32> to vector<2048x4xf32>
    %div3A_36 = arith.divf %exp3A, %div3A : vector<2048x4xf32>
    %slice3A = vector.extract_strided_slice %div3A_36 {offsets = [0, 0], sizes = [2048, 1], strides = [1, 1]} : vector<2048x4xf32> to vector<2048x1xf32>
    %slice3A_37 = vector.extract_strided_slice %div3A_36 {offsets = [0, 1], sizes = [2048, 1], strides = [1, 1]} : vector<2048x4xf32> to vector<2048x1xf32>
    %slice3A_38 = vector.extract_strided_slice %div3A_36 {offsets = [0, 2], sizes = [2048, 1], strides = [1, 1]} : vector<2048x4xf32> to vector<2048x1xf32>
    %slice3A_39 = vector.extract_strided_slice %div3A_36 {offsets = [0, 3], sizes = [2048, 1], strides = [1, 1]} : vector<2048x4xf32> to vector<2048x1xf32>
    %max3A = arith.maximumf %slice3A, %slice3A_37 : vector<2048x1xf32>
    %max3A_40 = arith.maximumf %slice3A_38, %slice3A_39 : vector<2048x1xf32>
    %max3A_41 = arith.maximumf %max3A, %max3A_40 : vector<2048x1xf32>
    %eq3A = arith.cmpf oeq, %slice3A, %max3A_41 : vector<2048x1xf32>
    %eq3A_42 = arith.cmpf oeq, %slice3A_37, %max3A_41 : vector<2048x1xf32>
    %eq3A_43 = arith.cmpf oeq, %slice3A_38, %max3A_41 : vector<2048x1xf32>
    %jit3A = arith.constant 2 : i32
    %jit3A_44 = arith.constant 3 : i32
    %broadcast_in_dim3A_45 = vector.broadcast %jit3A : i32 to vector<2048x1xi32>
    %broadcast_in_dim3A_46 = vector.broadcast %jit3A_44 : i32 to vector<2048x1xi32>
    %select_n3A = arith.select %eq3A_43, %broadcast_in_dim3A_45, %broadcast_in_dim3A_46 : vector<2048x1xi1>, vector<2048x1xi32>
    %jit3A_47 = arith.constant 1 : i32
    %broadcast_in_dim3A_48 = vector.broadcast %jit3A_47 : i32 to vector<2048x1xi32>
    %select_n3A_49 = arith.select %eq3A_42, %broadcast_in_dim3A_48, %select_n3A : vector<2048x1xi1>, vector<2048x1xi32>
    %jit3A_50 = arith.constant 0 : i32
    %broadcast_in_dim3A_51 = vector.broadcast %jit3A_50 : i32 to vector<2048x1xi32>
    %select_n3A_52 = arith.select %eq3A, %broadcast_in_dim3A_51, %select_n3A_49 : vector<2048x1xi1>, vector<2048x1xi32>
    %eq3A_53 = arith.constant 0 : i32
    %eq3A_54 = vector.broadcast %eq3A_53 : i32 to vector<2048x1xi32>
    %eq3A_55 = arith.cmpi eq, %select_n3A_52, %eq3A_54 : vector<2048x1xi32>
    %jit3A_56 = arith.constant -1.000000e+00 : f32
    %broadcast_in_dim3A_57 = vector.broadcast %jit3A_56 : f32 to vector<2048x1xf32>
    %select_n3A_58 = arith.select %eq3A_55, %broadcast_in_dim3A_57, %slice3A : vector<2048x1xi1>, vector<2048x1xf32>
    %eq3A_59 = arith.constant 1 : i32
    %eq3A_60 = vector.broadcast %eq3A_59 : i32 to vector<2048x1xi32>
    %eq3A_61 = arith.cmpi eq, %select_n3A_52, %eq3A_60 : vector<2048x1xi32>
    %jit3A_62 = arith.constant -1.000000e+00 : f32
    %broadcast_in_dim3A_63 = vector.broadcast %jit3A_62 : f32 to vector<2048x1xf32>
    %select_n3A_64 = arith.select %eq3A_61, %broadcast_in_dim3A_63, %slice3A_37 : vector<2048x1xi1>, vector<2048x1xf32>
    %eq3A_65 = arith.constant 2 : i32
    %eq3A_66 = vector.broadcast %eq3A_65 : i32 to vector<2048x1xi32>
    %eq3A_67 = arith.cmpi eq, %select_n3A_52, %eq3A_66 : vector<2048x1xi32>
    %jit3A_68 = arith.constant -1.000000e+00 : f32
    %broadcast_in_dim3A_69 = vector.broadcast %jit3A_68 : f32 to vector<2048x1xf32>
    %select_n3A_70 = arith.select %eq3A_67, %broadcast_in_dim3A_69, %slice3A_38 : vector<2048x1xi1>, vector<2048x1xf32>
    %eq3A_71 = arith.constant 3 : i32
    %eq3A_72 = vector.broadcast %eq3A_71 : i32 to vector<2048x1xi32>
    %eq3A_73 = arith.cmpi eq, %select_n3A_52, %eq3A_72 : vector<2048x1xi32>
    %jit3A_74 = arith.constant -1.000000e+00 : f32
    %broadcast_in_dim3A_75 = vector.broadcast %jit3A_74 : f32 to vector<2048x1xf32>
    %select_n3A_76 = arith.select %eq3A_73, %broadcast_in_dim3A_75, %slice3A_39 : vector<2048x1xi1>, vector<2048x1xf32>
    %max3A_77 = arith.maximumf %select_n3A_58, %select_n3A_64 : vector<2048x1xf32>
    %max3A_78 = arith.maximumf %select_n3A_70, %select_n3A_76 : vector<2048x1xf32>
    %max3A_79 = arith.maximumf %max3A_77, %max3A_78 : vector<2048x1xf32>
    %eq3A_80 = arith.cmpf oeq, %select_n3A_58, %max3A_79 : vector<2048x1xf32>
    %eq3A_81 = arith.cmpf oeq, %select_n3A_64, %max3A_79 : vector<2048x1xf32>
    %eq3A_82 = arith.cmpf oeq, %select_n3A_70, %max3A_79 : vector<2048x1xf32>
    %jit3A_83 = arith.constant 2 : i32
    %jit3A_84 = arith.constant 3 : i32
    %broadcast_in_dim3A_85 = vector.broadcast %jit3A_83 : i32 to vector<2048x1xi32>
    %broadcast_in_dim3A_86 = vector.broadcast %jit3A_84 : i32 to vector<2048x1xi32>
    %select_n3A_87 = arith.select %eq3A_82, %broadcast_in_dim3A_85, %broadcast_in_dim3A_86 : vector<2048x1xi1>, vector<2048x1xi32>
    %jit3A_88 = arith.constant 1 : i32
    %broadcast_in_dim3A_89 = vector.broadcast %jit3A_88 : i32 to vector<2048x1xi32>
    %select_n3A_90 = arith.select %eq3A_81, %broadcast_in_dim3A_89, %select_n3A_87 : vector<2048x1xi1>, vector<2048x1xi32>
    %jit3A_91 = arith.constant 0 : i32
    %broadcast_in_dim3A_92 = vector.broadcast %jit3A_91 : i32 to vector<2048x1xi32>
    %select_n3A_93 = arith.select %eq3A_80, %broadcast_in_dim3A_92, %select_n3A_90 : vector<2048x1xi1>, vector<2048x1xi32>
    %add3A_94 = arith.addf %max3A_41, %max3A_79 : vector<2048x1xf32>
    %div3A_95 = arith.divf %max3A_41, %add3A_94 : vector<2048x1xf32>
    %swap3A_96 = arith.constant 0 : index
    %swap3A_97 = arith.constant 0 : index
    %swap3A_98 = vector.load %arg8[%swap3A_96, %swap3A_97] : memref<2048x2xf32, #tpu.memory_space<vmem>>, vector<2048x1xf32>
    tpu.vector_store %arg8[%swap3A_96, %swap3A_97], %div3A_95 {strides = array<i32>} : memref<2048x2xf32, #tpu.memory_space<vmem>>, vector<2048x1xf32>,
    %div3A_99 = arith.divf %max3A_79, %add3A_94 : vector<2048x1xf32>
    %swap3A_100 = arith.constant 0 : index
    %swap3A_101 = arith.constant 1 : index
    %swap3A_102 = vector.load %arg8[%swap3A_100, %swap3A_101] : memref<2048x2xf32, #tpu.memory_space<vmem>>, vector<2048x1xf32>
    tpu.vector_store %arg8[%swap3A_100, %swap3A_101], %div3A_99 {strides = array<i32>} : memref<2048x2xf32, #tpu.memory_space<vmem>>, vector<2048x1xf32>,
    %swap3A_103 = arith.constant 0 : index
    %swap3A_104 = arith.constant 0 : index
    %swap3A_105 = vector.load %arg9[%swap3A_103, %swap3A_104] : memref<2048x2xi32, #tpu.memory_space<vmem>>, vector<2048x1xi32>
    tpu.vector_store %arg9[%swap3A_103, %swap3A_104], %select_n3A_52 {strides = array<i32>} : memref<2048x2xi32, #tpu.memory_space<vmem>>, vector<2048x1xi32>,
    %swap3A_106 = arith.constant 0 : index
    %swap3A_107 = arith.constant 1 : index
    %swap3A_108 = vector.load %arg9[%swap3A_106, %swap3A_107] : memref<2048x2xi32, #tpu.memory_space<vmem>>, vector<2048x1xi32>
    tpu.vector_store %arg9[%swap3A_106, %swap3A_107], %select_n3A_93 {strides = array<i32>} : memref<2048x2xi32, #tpu.memory_space<vmem>>, vector<2048x1xi32>,
    return
  }
  func.func @transform_0(%arg0: i32) -> (i32, i32) {
    %c0_i32 = arith.constant 0 : i32
    %c0_i32_0 = arith.constant 0 : i32
    return %arg0, %c0_i32 : i32, i32
  }
  func.func @transform_1(%arg0: i32) -> (i32, i32) {
    %c0_i32 = arith.constant 0 : i32
    %c0_i32_0 = arith.constant 0 : i32
    %c0_i32_1 = arith.constant 0 : i32
    return %c0_i32, %c0_i32_0 : i32, i32
  }
  func.func @transform_2(%arg0: i32) -> (i32, i32) {
    %c0_i32 = arith.constant 0 : i32
    %c0_i32_0 = arith.constant 0 : i32
    %c0_i32_1 = arith.constant 0 : i32
    return %c0_i32, %c0_i32_0 : i32, i32
  }
  func.func @transform_3(%arg0: i32) -> (i32, i32) {
    %c0_i32 = arith.constant 0 : i32
    %c0_i32_0 = arith.constant 0 : i32
    %c0_i32_1 = arith.constant 0 : i32
    return %c0_i32, %c0_i32_0 : i32, i32
  }
  func.func @transform_4(%arg0: i32) -> (i32, i32) {
    %c0_i32 = arith.constant 0 : i32
    %c0_i32_0 = arith.constant 0 : i32
    %c0_i32_1 = arith.constant 0 : i32
    return %c0_i32, %c0_i32_0 : i32, i32
  }
  func.func @transform_5(%arg0: i32) -> (i32, i32) {
    %c0_i32 = arith.constant 0 : i32
    %c0_i32_0 = arith.constant 0 : i32
    %c0_i32_1 = arith.constant 0 : i32
    return %c0_i32, %c0_i32_0 : i32, i32
  }
  func.func @transform_6(%arg0: i32) -> (i32, i32) {
    %c0_i32 = arith.constant 0 : i32
    %c0_i32_0 = arith.constant 0 : i32
    return %arg0, %c0_i32 : i32, i32
  }
  func.func @transform_7(%arg0: i32) -> (i32, i32) {
    %c0_i32 = arith.constant 0 : i32
    %c0_i32_0 = arith.constant 0 : i32
    return %arg0, %c0_i32 : i32, i32
  }
  func.func @transform_8(%arg0: i32) -> (i32, i32) {
    %c0_i32 = arith.constant 0 : i32
    %c0_i32_0 = arith.constant 0 : i32
    return %arg0, %c0_i32 : i32, i32
  }
}

module attributes {stable_mosaic.version = 14 : i64} {
  func.func @_stage_b(%arg0: i32, %arg1: i32, %arg2: memref<1x2048x96xf32, #tpu.memory_space<vmem>>, %arg3: memref<1x96x96xf32, #tpu.memory_space<vmem>>, %arg4: memref<1x1x96xf32, #tpu.memory_space<vmem>>, %arg5: memref<1x1x96xf32, #tpu.memory_space<vmem>>, %arg6: memref<1x2048x96xf32, #tpu.memory_space<vmem>>) attributes {dimension_semantics = [#tpu.dimension_semantics<arbitrary>, #tpu.dimension_semantics<arbitrary>], iteration_bounds = array<i64: 4, 32>, scalar_prefetch = 0 : i64, scratch_operands = 0 : i64, tpu.core_type = #tpu.core_type<tc>, window_params = [{transform_indices = @transform_0, window_bounds = array<i64: 1, 2048, 96>}, {transform_indices = @transform_1, window_bounds = array<i64: 1, 96, 96>}, {transform_indices = @transform_2, window_bounds = array<i64: 1, 1, 96>}, {transform_indices = @transform_3, window_bounds = array<i64: 1, 1, 96>}, {transform_indices = @transform_4, window_bounds = array<i64: 1, 2048, 96>}]} {
    %get3A = arith.constant 0 : index
    %get3A_0 = arith.constant 0 : index
    %get3A_1 = arith.constant 0 : index
    %get3A_2 = vector.load %arg2[%get3A, %get3A_0, %get3A_1] : memref<1x2048x96xf32, #tpu.memory_space<vmem>>, vector<1x2048x96xf32>
    %get3A_3 = vector.shape_cast %get3A_2 : vector<1x2048x96xf32> to vector<2048x96xf32>
    %get3A_4 = arith.constant 0 : index
    %get3A_5 = arith.constant 0 : index
    %get3A_6 = arith.constant 0 : index
    %get3A_7 = vector.load %arg3[%get3A_4, %get3A_5, %get3A_6] : memref<1x96x96xf32, #tpu.memory_space<vmem>>, vector<1x96x96xf32>
    %get3A_8 = vector.shape_cast %get3A_7 : vector<1x96x96xf32> to vector<96x96xf32>
    %dot_general3A = arith.constant dense<0.000000e+00> : vector<2048x96xf32>
    %dot_general3A_9 = tpu.matmul %get3A_3, %get3A_8, %dot_general3A {dimension_numbers = #tpu.dot_dimension_numbers<[1], [0], [0], [1], [0, 0, 1, 1], [], []>, transpose_lhs_hint = false} : vector<2048x96xf32>, vector<96x96xf32>, vector<2048x96xf32> -> vector<2048x96xf32>
    %get3A_10 = arith.constant 0 : index
    %get3A_11 = arith.constant 0 : index
    %get3A_12 = arith.constant 0 : index
    %get3A_13 = vector.load %arg4[%get3A_10, %get3A_11, %get3A_12] : memref<1x1x96xf32, #tpu.memory_space<vmem>>, vector<1x1x96xf32>
    %get3A_14 = vector.shape_cast %get3A_13 : vector<1x1x96xf32> to vector<1x96xf32>
    %mul3A = vector.broadcast %get3A_14 : vector<1x96xf32> to vector<2048x96xf32>
    %mul3A_15 = arith.mulf %dot_general3A_9, %mul3A : vector<2048x96xf32>
    %get3A_16 = arith.constant 0 : index
    %get3A_17 = arith.constant 0 : index
    %get3A_18 = arith.constant 0 : index
    %get3A_19 = vector.load %arg5[%get3A_16, %get3A_17, %get3A_18] : memref<1x1x96xf32, #tpu.memory_space<vmem>>, vector<1x1x96xf32>
    %get3A_20 = vector.shape_cast %get3A_19 : vector<1x1x96xf32> to vector<1x96xf32>
    %add3A = vector.broadcast %get3A_20 : vector<1x96xf32> to vector<2048x96xf32>
    %add3A_21 = arith.addf %mul3A_15, %add3A : vector<2048x96xf32>
    %logistic3A = arith.negf %add3A_21 : vector<2048x96xf32>
    %logistic3A_22 = math.exp %logistic3A : vector<2048x96xf32>
    %logistic3A_23 = arith.constant 1.000000e+00 : f32
    %logistic3A_24 = vector.broadcast %logistic3A_23 : f32 to vector<2048x96xf32>
    %logistic3A_25 = arith.addf %logistic3A_24, %logistic3A_22 : vector<2048x96xf32>
    %logistic3A_26 = arith.divf %logistic3A_24, %logistic3A_25 : vector<2048x96xf32>
    %mul3A_27 = arith.mulf %add3A_21, %logistic3A_26 : vector<2048x96xf32>
    %swap3A = arith.constant 0 : index
    %swap3A_28 = arith.constant 0 : index
    %swap3A_29 = arith.constant 0 : index
    %swap3A_30 = vector.load %arg6[%swap3A, %swap3A_28, %swap3A_29] : memref<1x2048x96xf32, #tpu.memory_space<vmem>>, vector<1x2048x96xf32>
    %swap3A_31 = vector.shape_cast %swap3A_30 : vector<1x2048x96xf32> to vector<2048x96xf32>
    %swap3A_32 = vector.shape_cast %mul3A_27 : vector<2048x96xf32> to vector<1x2048x96xf32>
    tpu.vector_store %arg6[%swap3A, %swap3A_28, %swap3A_29], %swap3A_32 {strides = array<i32>} : memref<1x2048x96xf32, #tpu.memory_space<vmem>>, vector<1x2048x96xf32>,
    return
  }
  func.func @transform_0(%arg0: i32, %arg1: i32) -> (i32, i32, i32) {
    %c0_i32 = arith.constant 0 : i32
    %c0_i32_0 = arith.constant 0 : i32
    return %arg0, %arg1, %c0_i32 : i32, i32, i32
  }
  func.func @transform_1(%arg0: i32, %arg1: i32) -> (i32, i32, i32) {
    %c0_i32 = arith.constant 0 : i32
    %c0_i32_0 = arith.constant 0 : i32
    %c0_i32_1 = arith.constant 0 : i32
    return %arg0, %c0_i32, %c0_i32_0 : i32, i32, i32
  }
  func.func @transform_2(%arg0: i32, %arg1: i32) -> (i32, i32, i32) {
    %c0_i32 = arith.constant 0 : i32
    %c0_i32_0 = arith.constant 0 : i32
    %c0_i32_1 = arith.constant 0 : i32
    return %arg0, %c0_i32, %c0_i32_0 : i32, i32, i32
  }
  func.func @transform_3(%arg0: i32, %arg1: i32) -> (i32, i32, i32) {
    %c0_i32 = arith.constant 0 : i32
    %c0_i32_0 = arith.constant 0 : i32
    %c0_i32_1 = arith.constant 0 : i32
    return %arg0, %c0_i32, %c0_i32_0 : i32, i32, i32
  }
  func.func @transform_4(%arg0: i32, %arg1: i32) -> (i32, i32, i32) {
    %c0_i32 = arith.constant 0 : i32
    %c0_i32_0 = arith.constant 0 : i32
    return %arg0, %arg1, %c0_i32 : i32, i32, i32
  }
}

module attributes {stable_mosaic.version = 14 : i64} {
  func.func @_stage_c(%arg0: i32, %arg1: memref<2048x96xf32, #tpu.memory_space<vmem>>, %arg2: memref<2048x96xf32, #tpu.memory_space<vmem>>, %arg3: memref<2048x2xf32, #tpu.memory_space<vmem>>, %arg4: memref<96x192xf32, #tpu.memory_space<vmem>>, %arg5: memref<1x192xf32, #tpu.memory_space<vmem>>, %arg6: memref<1x192xf32, #tpu.memory_space<vmem>>, %arg7: memref<2048x192xf32, #tpu.memory_space<vmem>>, %arg8: memref<2048x192xf32, #tpu.memory_space<vmem>>) attributes {dimension_semantics = [#tpu.dimension_semantics<arbitrary>], iteration_bounds = array<i64: 32>, scalar_prefetch = 0 : i64, scratch_operands = 0 : i64, tpu.core_type = #tpu.core_type<tc>, window_params = [{transform_indices = @transform_0, window_bounds = array<i64: 2048, 96>}, {transform_indices = @transform_1, window_bounds = array<i64: 2048, 96>}, {transform_indices = @transform_2, window_bounds = array<i64: 2048, 2>}, {pipeline_mode = #tpu.pipeline_mode<synchronous>, transform_indices = @transform_3, window_bounds = array<i64: 96, 192>}, {pipeline_mode = #tpu.pipeline_mode<synchronous>, transform_indices = @transform_4, window_bounds = array<i64: 1, 192>}, {pipeline_mode = #tpu.pipeline_mode<synchronous>, transform_indices = @transform_5, window_bounds = array<i64: 1, 192>}, {transform_indices = @transform_6, window_bounds = array<i64: 2048, 192>}, {transform_indices = @transform_7, window_bounds = array<i64: 2048, 192>}]} {
    %get3A = arith.constant 0 : index
    %get3A_0 = arith.constant 0 : index
    %get3A_1 = vector.load %arg1[%get3A, %get3A_0] : memref<2048x96xf32, #tpu.memory_space<vmem>>, vector<2048x96xf32>
    %get3A_2 = arith.constant 0 : index
    %get3A_3 = arith.constant 0 : index
    %get3A_4 = vector.load %arg3[%get3A_2, %get3A_3] : memref<2048x2xf32, #tpu.memory_space<vmem>>, vector<2048x1xf32>
    %mul3A = vector.broadcast %get3A_4 : vector<2048x1xf32> to vector<2048x96xf32>
    %mul3A_5 = arith.mulf %get3A_1, %mul3A : vector<2048x96xf32>
    %get3A_6 = arith.constant 0 : index
    %get3A_7 = arith.constant 0 : index
    %get3A_8 = vector.load %arg2[%get3A_6, %get3A_7] : memref<2048x96xf32, #tpu.memory_space<vmem>>, vector<2048x96xf32>
    %get3A_9 = arith.constant 0 : index
    %get3A_10 = arith.constant 1 : index
    %get3A_11 = vector.load %arg3[%get3A_9, %get3A_10] : memref<2048x2xf32, #tpu.memory_space<vmem>>, vector<2048x1xf32>
    %mul3A_12 = vector.broadcast %get3A_11 : vector<2048x1xf32> to vector<2048x96xf32>
    %mul3A_13 = arith.mulf %get3A_8, %mul3A_12 : vector<2048x96xf32>
    %add3A = arith.addf %mul3A_5, %mul3A_13 : vector<2048x96xf32>
    %get3A_14 = arith.constant 0 : index
    %get3A_15 = arith.constant 0 : index
    %get3A_16 = vector.load %arg4[%get3A_14, %get3A_15] : memref<96x192xf32, #tpu.memory_space<vmem>>, vector<96x192xf32>
    %dot_general3A = arith.constant dense<0.000000e+00> : vector<2048x192xf32>
    %dot_general3A_17 = tpu.matmul %add3A, %get3A_16, %dot_general3A {dimension_numbers = #tpu.dot_dimension_numbers<[1], [0], [0], [1], [0, 0, 1, 1], [], []>, transpose_lhs_hint = false} : vector<2048x96xf32>, vector<96x192xf32>, vector<2048x192xf32> -> vector<2048x192xf32>
    %get3A_18 = arith.constant 0 : index
    %get3A_19 = arith.constant 0 : index
    %get3A_20 = vector.load %arg5[%get3A_18, %get3A_19] : memref<1x192xf32, #tpu.memory_space<vmem>>, vector<1x192xf32>
    %mul3A_21 = vector.broadcast %get3A_20 : vector<1x192xf32> to vector<2048x192xf32>
    %mul3A_22 = arith.mulf %dot_general3A_17, %mul3A_21 : vector<2048x192xf32>
    %get3A_23 = arith.constant 0 : index
    %get3A_24 = arith.constant 0 : index
    %get3A_25 = vector.load %arg6[%get3A_23, %get3A_24] : memref<1x192xf32, #tpu.memory_space<vmem>>, vector<1x192xf32>
    %add3A_26 = vector.broadcast %get3A_25 : vector<1x192xf32> to vector<2048x192xf32>
    %add3A_27 = arith.addf %mul3A_22, %add3A_26 : vector<2048x192xf32>
    %logistic3A = arith.negf %add3A_27 : vector<2048x192xf32>
    %logistic3A_28 = math.exp %logistic3A : vector<2048x192xf32>
    %logistic3A_29 = arith.constant 1.000000e+00 : f32
    %logistic3A_30 = vector.broadcast %logistic3A_29 : f32 to vector<2048x192xf32>
    %logistic3A_31 = arith.addf %logistic3A_30, %logistic3A_28 : vector<2048x192xf32>
    %logistic3A_32 = arith.divf %logistic3A_30, %logistic3A_31 : vector<2048x192xf32>
    %mul3A_33 = arith.mulf %add3A_27, %logistic3A_32 : vector<2048x192xf32>
    %get3A_34 = arith.constant 0 : index
    %get3A_35 = arith.constant 0 : index
    %get3A_36 = vector.load %arg7[%get3A_34, %get3A_35] : memref<2048x192xf32, #tpu.memory_space<vmem>>, vector<2048x192xf32>
    %add3A_37 = arith.addf %mul3A_33, %get3A_36 : vector<2048x192xf32>
    %swap3A = arith.constant 0 : index
    %swap3A_38 = arith.constant 0 : index
    %swap3A_39 = vector.load %arg8[%swap3A, %swap3A_38] : memref<2048x192xf32, #tpu.memory_space<vmem>>, vector<2048x192xf32>
    tpu.vector_store %arg8[%swap3A, %swap3A_38], %add3A_37 {strides = array<i32>} : memref<2048x192xf32, #tpu.memory_space<vmem>>, vector<2048x192xf32>,
    return
  }
  func.func @transform_0(%arg0: i32) -> (i32, i32) {
    %c0_i32 = arith.constant 0 : i32
    %c0_i32_0 = arith.constant 0 : i32
    return %arg0, %c0_i32 : i32, i32
  }
  func.func @transform_1(%arg0: i32) -> (i32, i32) {
    %c0_i32 = arith.constant 0 : i32
    %c0_i32_0 = arith.constant 0 : i32
    return %arg0, %c0_i32 : i32, i32
  }
  func.func @transform_2(%arg0: i32) -> (i32, i32) {
    %c0_i32 = arith.constant 0 : i32
    %c0_i32_0 = arith.constant 0 : i32
    return %arg0, %c0_i32 : i32, i32
  }
  func.func @transform_3(%arg0: i32) -> (i32, i32) {
    %c0_i32 = arith.constant 0 : i32
    %c0_i32_0 = arith.constant 0 : i32
    %c0_i32_1 = arith.constant 0 : i32
    return %c0_i32, %c0_i32_0 : i32, i32
  }
  func.func @transform_4(%arg0: i32) -> (i32, i32) {
    %c0_i32 = arith.constant 0 : i32
    %c0_i32_0 = arith.constant 0 : i32
    %c0_i32_1 = arith.constant 0 : i32
    return %c0_i32, %c0_i32_0 : i32, i32
  }
  func.func @transform_5(%arg0: i32) -> (i32, i32) {
    %c0_i32 = arith.constant 0 : i32
    %c0_i32_0 = arith.constant 0 : i32
    %c0_i32_1 = arith.constant 0 : i32
    return %c0_i32, %c0_i32_0 : i32, i32
  }
  func.func @transform_6(%arg0: i32) -> (i32, i32) {
    %c0_i32 = arith.constant 0 : i32
    %c0_i32_0 = arith.constant 0 : i32
    return %arg0, %c0_i32 : i32, i32
  }
  func.func @transform_7(%arg0: i32) -> (i32, i32) {
    %c0_i32 = arith.constant 0 : i32
    %c0_i32_0 = arith.constant 0 : i32
    return %arg0, %c0_i32 : i32, i32
  }
}

</mosaic_0001>

<sc_bundles>
// kernel: gather_offload_async_start.1
scs
__scs_entry_jumppad:
0x0: {  	(pc) =	sbr.rel $0x88, $3  }
0x1: {  	(tag) =	ssettag $0x0;
	lr =	simm.s32 $0x1  }
0x2: {  	[smem:$0x3F95] =	sst lr;
	_ =	strace $0xD0000000  }
0x3: {  	_ = 	snop  }
0x4: {  	_ = 	snop  }
0x5: {  	_ = 	snop  }
0x6: {  	_ = 	snop  }
0x7: {  	_ = 	snop  }
__scs_overlays_trampoline_lowered:
0x8: {  	[smem:$0x3FA4] =	sst s0  }
0x9: {  	[smem:$0x3FA5] =	sst s1  }
0xa: {  	[smem:$0x3FA6] =	sst s2  }
0xb: {  	[smem:$0x3FA7] =	sst s3  }
0xc: {  	[smem:$0x3FA8] =	sst s4  }
0xd: {  	[smem:$0x3FA9] =	sst s5  }
0xe: {  	[smem:$0x3FAA] =	sst s6  }
0xf: {  	[smem:$0x3FAB] =	sst s7  }
0x10: {  	[smem:$0x3FAC] =	sst s8  }
0x11: {  	[smem:$0x3FAD] =	sst s9;
	s0 =	simm.s32 @!p0 $0x0  }
0x12: {  	s1 =	sld [smem:$0x3F93];
	s0 =	simm.s32 @p0 $0x1  }
0x13: {  	[smem:$0x3FAE] =	sst s0;
	s0 =	simm.s32 @!p1 $0x0  }
0x14: {  	s2 =	sld [smem:$0x3F92];
	s0 =	simm.s32 @p1 $0x1  }
0x15: {  	[smem:$0x3FAF] =	sst s0;
	s0 =	simm.s32 @!p2 $0x0  }
0x16: {  	s3 =	sld [smem:$0x3FDB];
	s0 =	simm.s32 @p2 $0x1  }
0x17: {  	s4 =	simm.s32 $0x1BF5;
	[smem:$0x3FB1] =	sst s0  }
0x18: {  	s0 =	sld [smem:$0x3F94];
	_ =	swait.ge [sflag:s4], $0x0  }
0x19: {  	s7 =	sld [smem:$0x3F95]  }
0x1a: {  	s8 =	sadd.s32 $0xFFFFE003, lr  }
0x1b: {  	s9 =	sadd.s32 $0xFFFFFEF7, lr;
	s5 =	simm.s32 $0xFFFFFFFF;
	p2 =	slt.u32 s8, $0xFFFFF086  }
0x1c: {  	p1 =	slt.u32 s9, $0xF7A;
	s5 =	simm.s32 @!p2 $0x0  }
0x1d: {  	s5 =	simm.s32 @p1 $0x1;
	p0 =	seq.s32 s7, s2  }
0x1e: {  	s7 =	smul.u32 @!p0 $0xF7A, s2;
	p2 =	seq.s32 @!p0 s5, $0x0  }
0x1f: {  	s9 =	smul.u32 $0xF7A, s1;
	s8 =	simm.s32 @!p0 $0x1BF5;
	p2 =	por !p2, p0  }
0x20: {  	[sflag:s8] =	ssyncset.s32 @!p0 $0xFFFFF086;
	s6 =	sadd.s32 @!p0 s3, s7;
	s7 =	simm.s32 @!p0 $0x108  }
0x21: {  	s3 =	sadd.s32 s3, s9;
	s6 =	sadd.s32 @!p0 $0x88, s6;
	s7 =	simm.s32 @p2 $0x1082  }
0x22: {  	[simem:s7], [sflag:s8] =	dma.local @!p0 [hbm:s6], $0xF7A  }
0x23: {  	s9 =	sor.u32 $0xD0000000, s2;
	s6 =	simm.s32 $0x108;
	_ =	swait.ge @!p0 [sflag:s8], $0x0  }
0x24: {  	s3 =	sadd.s32 $0x88, s3;
	s6 =	simm.s32 @!p1 $0x1082;
	[sflag:s4] =	ssyncset.s32 $0xFFFFF086  }
0x25: {  	[simem:s6], [sflag:s4] =	dma.local [hbm:s3], $0xF7A  }
0x26: {  	[smem:$0x3F95] =	sst s1;
	(tag) =	ssettag s2;
	_ =	strace s9  }
0x27: {  	s1 =	sld [smem:$0x3FA5]  }
0x28: {  	s2 =	sld [smem:$0x3FA6]  }
0x29: {  	s4 =	sld [smem:$0x3FA8]  }
0x2a: {  	p0 =	seq.s32 s5, $0x0;
	s5 =	sld [smem:$0x3FA9]  }
0x2b: {  	s6 =	sld [smem:$0x3FAA]  }
0x2c: {  	s7 =	sld [smem:$0x3FAB]  }
0x2d: {  	s3 =	simm.s32 $0x108;
	s8 =	sld [smem:$0x3FAC]  }
0x2e: {  	s3 =	simm.s32 @!p0 $0x1082;
	s9 =	sld [smem:$0x3FAD]  }
0x2f: {  	lr =	sadd.s32 s0, s3;
	s0 =	sld [smem:$0x3FA4]  }
0x30: {  	s3 =	sld [smem:$0x3FA7]  }
0x31: {  	[smem:$0x3FB0] =	sst s10  }
0x32: {  	s10 =	sld [smem:$0x3FAE];
	_ =	sdelay $0x3  }
0x33: {  	p0 =	seq.s32 s10, $0x1;
	s10 =	sld [smem:$0x3FB0];
	_ =	sdelay $0x3  }
0x34: {  	[smem:$0x3FB0] =	sst s10  }
0x35: {  	s10 =	sld [smem:$0x3FAF];
	_ =	sdelay $0x3  }
0x36: {  	p1 =	seq.s32 s10, $0x1;
	s10 =	sld [smem:$0x3FB0];
	_ =	sdelay $0x3  }
0x37: {  	[smem:$0x3FB0] =	sst s10  }
0x38: {  	s10 =	sld [smem:$0x3FB1]  }
0x39: {  	_ = 	snop;
	(pc) =	sbr.ind lr, $3  }
0x3a: {  	_ = 	snop  }
0x3b: {  	_ = 	snop  }
0x3c: {  	p2 =	seq.s32 s10, $0x1;
	s10 =	sld [smem:$0x3FB0]  }
0x3d: {  	_ =	shalt  }
0x3e: {  	_ =	shalt  }
0x3f: {  	_ =	shalt  }
0x40: {  	_ =	shalt  }
0x41: {  	_ =	shalt  }
0x42: {  	_ =	shalt  }
0x43: {  	_ =	shalt  }
0x44: {  	_ =	shalt  }
0x45: {  	_ =	shalt  }
0x46: {  	_ =	shalt  }
0x47: {  	_ =	shalt  }
0x48: {  	_ =	shalt  }
0x49: {  	_ =	shalt  }
0x4a: {  	_ =	shalt  }
0x4b: {  	_ =	shalt  }
0x4c: {  	_ =	shalt  }
0x4d: {  	_ =	shalt  }
0x4e: {  	_ =	shalt  }
0x4f: {  	_ =	shalt  }
0x50: {  	_ =	shalt  }
0x51: {  	_ =	shalt  }
0x52: {  	_ =	shalt  }
0x53: {  	_ =	shalt  }
0x54: {  	_ =	shalt  }
0x55: {  	_ =	shalt  }
0x56: {  	_ =	shalt  }
0x57: {  	_ =	shalt  }
0x58: {  	_ =	shalt  }
0x59: {  	_ =	shalt  }
0x5a: {  	_ =	shalt  }
0x5b: {  	_ =	shalt  }
0x5c: {  	_ =	shalt  }
0x5d: {  	_ =	shalt  }
0x5e: {  	_ =	shalt  }
0x5f: {  	_ =	shalt  }
0x60: {  	_ =	shalt  }
0x61: {  	_ =	shalt  }
0x62: {  	_ =	shalt  }
0x63: {  	_ =	shalt  }
0x64: {  	_ =	shalt  }
0x65: {  	_ =	shalt  }
0x66: {  	_ =	shalt  }
0x67: {  	_ =	shalt  }
0x68: {  	_ =	shalt  }
0x69: {  	_ =	shalt  }
0x6a: {  	_ =	shalt  }
0x6b: {  	_ =	shalt  }
0x6c: {  	_ =	shalt  }
0x6d: {  	_ =	shalt  }
0x6e: {  	_ =	shalt  }
0x6f: {  	_ =	shalt  }
0x70: {  	_ =	shalt  }
0x71: {  	_ =	shalt  }
0x72: {  	_ =	shalt  }
0x73: {  	_ =	shalt  }
0x74: {  	_ =	shalt  }
0x75: {  	_ =	shalt  }
0x76: {  	_ =	shalt  }
0x77: {  	_ =	shalt  }
0x78: {  	_ =	shalt  }
0x79: {  	_ =	shalt  }
0x7a: {  	_ =	shalt  }
0x7b: {  	_ =	shalt  }
0x7c: {  	_ =	shalt  }
0x7d: {  	_ =	shalt  }
0x7e: {  	_ =	shalt  }
0x7f: {  	_ =	shalt  }
0x80: {  	_ =	shalt  }
0x81: {  	_ =	shalt  }
0x82: {  	_ =	shalt  }
0x83: {  	_ =	shalt  }
0x84: {  	_ =	shalt  }
0x85: {  	_ =	shalt  }
0x86: {  	_ =	shalt  }
0x87: {  	_ =	shalt  }
.Lfunc_end0:
.L_simem_size_0:
called_computation.6_lowered:
.L_overlay_start_0:
0x88: {  	s2 =	sld [smem:$0x3FD9]  }
0x89: {  	s3 =	sld [smem:$0x3FFE];
	_ =	sdelay $0x1  }
0x8a: {  	s1 =	srdreg.scid  }
0x8b: {  	s0 =	sand.u32 $0x1, s1  }
0x8c: {  	s17 =	sshll.u32 s0, $0xA;
	s2 =	sadd.s32 s3, s2  }
0x8d: {  	s2 =	sadd.s32 s2, s17  }
0x8e: {  	[smem:$0x3FBC] =	sst s2  }
0x8f: {  	_ = 	snop  }
0x90: {  	s2 =	sld [smem:$0x3FD0];
	(tm) =	ssettm $0x1  }
0x91: {  	s18 =	sld [smem:$0x3FFB];
	_ =	sdelay $0x3  }
0x92: {  	_ =	strace s18  }
0x93: {  	s3 =	sld [smem:$0x3FFC];
	_ =	sdelay $0x3  }
0x94: {  	_ =	strace s3  }
0x95: {  	s3 =	sld [smem:$0x3FFD];
	_ =	sdelay $0x3  }
0x96: {  	_ =	strace s3  }
0x97: {  	_ =	strace $0x8FFFFFFF  }
0x98: {  	s19 =	sld [smem:$0x3FDB];
	_ =	sdelay $0x1  }
0x99: {  	s4 =	simm.s32 $_scs_section_size  }
0x9a: {  	s5 =	simm.s32 $_size__tile_overlayer_lowered;
	s6 =	simm.s32 $_tile_overlayer_lowered  }
0x9b: {  	s22 =	simm.s32 $0x1BFF;
	s21 =	sshll.u32 s6, $0x1;
	s3 =	sadd.s32 s4, s19  }
0x9c: {  	s7 =	simm.s32 $0x0;
	s20 =	sshll.u32 s5, $0x1;
	s5 =	sadd.s32 s21, s3  }
0x9d: {  	[timem:s7], [sflag:s22] =	dma.local [hbm:s5], s20  }
0x9e: {  	_ =	swait.ge [sflag:s22], s20  }
0x9f: {  	s4 =	ssub.s32 $0x0, s20;
	[sflag:s22] =	ssyncset.done $0x0  }
0xa0: {  	[sflag:s22] =	ssyncadd.s32 s4;
	_ =	sdelay $0x1  }
0xa1: {  	s23 =	simm.s32 $0x1B8B  }
0xa2: {  	_ =	swait.ge [sflag:s23], $0x1  }
0xa3: {  	[sflag:s23] =	ssyncset.done $0x0  }
0xa4: {  	s25 =	simm.s32 $0x1B8E;
	s24 =	sld [smem:$0x3FFE];
	[sflag:s23] =	ssyncadd.s32 $0xFFFFFFFF  }
0xa5: {  	s26 =	simm.s32 $execute0_lowered;
	[smem:$0x3FD2] =	sst s25  }
0xa6: {  	s5 =	sshll.u32 s26, $0x1;
	_ =	strace $0x80000067;
	[dreg:$0x1] =	wrdreg $0xFFFFFFFF  }
0xa7: {  	s28 =	simm.s32 $_size_execute0_lowered;
	s3 =	sadd.s32 s3, s5;
	[dreg:$0x0] =	wrdreg $0x0  }
0xa8: {  	s5 =	sshll.u32 s28, $0x1;
	[dreg:$0x2] =	wrdreg s3  }
0xa9: {  	[dreg:$0x3] =	wrdreg s5  }
0xaa: {  	[dreg:$0x4] =	wrdreg $0xC0  }
0xab: {  	_ =	task [dreg:s7], $0x5FFFF  }
0xac: {  	[dreg:$0x1] =	wrdreg $0xFFFFFFFF  }
0xad: {  	[dreg:$0x0] =	wrdreg $0x60  }
0xae: {  	[dreg:$0x2] =	wrdreg s2  }
0xaf: {  	[dreg:$0x3] =	wrdreg s24  }
0xb0: {  	[dreg:$0x4] =	wrdreg $0xA  }
0xb1: {  	_ =	task.clear_ibuf [dreg:s7], $0x5FFFF;
	_ =	strace $0x90000067  }
0xb2: {  	s29 =	simm.s32 $0xA;
	_ =	strace $0x80000069  }
0xb3: {  	_ =	swait.ge [sflag:s29], $0x1  }
0xb4: {  	[sflag:s29] =	ssyncadd.s32 $0xFFFFFFFF  }
0xb5: {  	_ =	strace $0x90000069  }
0xb6: {  	_ =	sfence  }
0xb7: {  	s30 =	sld [smem:$0x0];
	_ =	sdelay $0x2  }
0xb8: {  	s31 =	sshll.u32 s1, $0xD;
	s1 =	sshrl.u32 s1, $0x2  }
0xb9: {  	s3 =	sand.u32 $0x4000, s31;
	s1 =	sadd.s32 s1, s30  }
0xba: {  	s0 =	sor.u32 s3, s0;
	s1 =	sshll.u32 s1, $0x11  }
0xbb: {  	s0 =	sor.u32 s1, s0  }
0xbc: {  	s0 =	sadd.s32 $0x8F2B, s0  }
0xbd: {  	[sflag:s0] =	ssyncadd.remote.s32 $0x1  }
0xbe: {  	_ =	sfence.sel $0xFFFF  }
0xbf: {  	[dreg:$0x0] =	wrdreg $0xFFFFFFFF;
	(pc) =	sbr.abs _section_cstart, $3  }
0xc0: {  	[dreg:$0x1] =	wrdreg $0xFFFFFFFF  }
0xc1: {  	_ =	task.clear_ibuf [dreg:s7], $0x2FFFF;
	_ =	strace $0x9FFFFFFF  }
0xc2: {  	(tm) =	ssettm $0x7FFFFFFF  }
0xc3: {  	_ =	shalt  }
tec
execute0_lowered:
.L_overlay_start_1:
0x0: {  	(tag) =	ssettag $0x1  }
0x1: {  	s2 =	rddreg [dreg:$0x0];
	s0 =	srdreg.scid  }
0x2: {  	s5 =	rddreg [dreg:$0x1];
	s1 =	stileid.u32;
	s6 =	simm.s32 $0x1  }
0x3: {  	s9 =	simm.s32 $0x1;
	s10 =	simm.s32 $0x3;
	s3 =	sshll.u32 s0, $0xF  }
0x4: {  	s13 =	simm.s32 $0x0;
	s4 =	sshll.u32 s1, $0x10;
	s3 =	sand.u32 $0x8000, s3  }
0x5: {  	s0 =	rddreg [dreg:$0x2];
	_ =	strace $0x80000068;
	s3 =	sor.u32 s4, s3  }
0x6: {  	s12 =	simm.s32 $0x0;
	[sflag:s6] =	ssyncpa.u1 $0x0;
	s8 =	ssub.s32 $0x600000, s3  }
.Ltmp0:
0x7: {  	s4 =	sadd.s32 $0x595E00, s5;
	s7 =	sand.u32 $0xF8000, s8;
	(pc) =	sbr.rel .LBB2_1-.Ltmp0, $4  }
0x8: {  	s5 =	sadd.s32 $0x715E00, s5;
	s11 =	smov.u32 s3;
	p0 =	sne.s32 s7, $0x0  }
0x9: {  	s8 =	sshrl.u32 s8, $0x14;
	s7 =	simm.s32 $0x2;
	s9 =	simm.s32 @!p0 $0x0  }
0xa: {  	[sflag:s7] =	ssyncpa.u1 $0x0;
	p0 =	por $0x0, $0x0;
	s8 =	sadd.s32 s9, s8  }
0xb: {  	vm0 =	vmmov $0xffff;
	[sflag:s10] =	ssyncpa.u1 $0x0;
	s10 =	simm.s32 $0x0;
	s9 =	sadd.s32 $0x1, s8  }
.LBB2_4:
0xc: {  	vm1 =	veq.s32 v1, $0x80000000;
	v5 =	vand.u32 $0x7F, v1;
	v59 =	vand.u32 $0x7FFF80, v1  }
0xd: {  	v5 =	vsel vm1, $0xFFFFFFFF, v5;
	v1 =	vsel vm1, $0xFFFFFF80, v59  }
0xe: {  	v3 =	vor.u32 v4, v3;
	v60 =	vand.u32 $0xFFFFFC00, v1;
	v6 =	vand.u32 $0xFFFFFC00, v5  }
0xf: {  	v2 =	vor.u32 v2, v3;
	v1 =	vand.u32 $0x380, v1;
	v61 =	vadd.s32 v6, v60  }
0x10: {  	v62 =	vand.u32 $0x7F, v5;
	v1 =	vor.u32 v1, v61  }
0x11: {  	v1 =	vor.u32 v62, v1  }
0x12: {  	[tilespmem:s16], [sflag:$0x1] =	stream.indirect_vreg.gather [hbm4b:s2+s10], $0x1, v0, vm0, $0x4038;
	v63 =	vld [tilespmem:$0x0]  }
0x13: {  	(ifvalue) =	ssetifvalue $0x7FFFFFFF  }
0x14: {  	[tilespmem:s15], [sflag:$0x1] =	stream.indirect_vreg.gather [hbm4b:s2+s10], $0x1, v2, vm0, $0x4038;
	v63 =	vld [tilespmem:$0x0]  }
0x15: {  	s29 =	sadd.s32 $0x10, s15;
	(ifvalue) =	ssetifvalue $0x7FFFFFFF  }
0x16: {  	[tilespmem:s29], [sflag:$0x1] =	stream.indirect_vreg.gather [hbm4b:s2+s10], $0x1, v1, vm0, $0x4038;
	v63 =	vld [tilespmem:$0x0]  }
0x17: {  	_ =	swait.ge [sflag:s6], $0x8000  }
0x18: {  	s30 =	sshrl.u32 s13, $0x3;
	[sflag:s6] =	ssyncset.done $0x0  }
0x19: {  	s31 =	sand.u32 $0x7, s13;
	s15 =	sadd.s32 s5, s30;
	[sflag:s6] =	ssyncadd.s32 $0xFFFF8000  }
0x1a: {  	[hbm4b:s15+s31] =	stream.linear.scatter [tilespmem:s14], [sflag:$0x3], $0x8000, $0x38;
	v63 =	vld [tilespmem:$0x0]  }
.LBB2_5:
0x1b: {  	s15 =	sadd.s32 $0x100000, s11  }
0x1c: {  	p2 =	sgt.s32 s15, $0x5FFFFF  }
0x1d: {  	s15 =	smov.u32 @p2 s3;
	p2 =	sne.s32 s12, s9  }
.Ltmp1:
0x1e: {  	p1 =	slt.u32 s12, $0x2;
	(pc) =	sbr.rel @!p2 .LBB2_6-.Ltmp1, $4  }
0x1f: {  	s14 =	simm.s32 @!p1 $0x3  }
0x20: {  	s16 =	sadd.s32 $0x1, s12;
	_ =	swait.ge @!p1 [sflag:s14], $0x8000  }
0x21: {  	s13 =	smov.u32 s11;
	p0 =	por !p0, !p0;
	[sflag:s14] =	ssyncset.done @!p1 $0x0  }
0x22: {  	s12 =	smov.u32 s16;
	s11 =	smov.u32 s15;
	[sflag:s14] =	ssyncadd.s32 @!p1 $0xFFFF8000  }
.LBB2_1:
0x23: {  	p1 =	sge.u32 s12, s8  }
0x24: {  	s14 =	sxor.u32 @!p1 $0xFFFFFFFF, s12  }
0x25: {  	s31 =	sadd.s32 $0xFFFFFFFF, s12;
	s15 =	sshrl.u32 @!p1 s11, $0x3;
	s14 =	sshll.u32 @!p1 s14, $0xF  }
0x26: {  	s16 =	sand.u32 @!p1 $0x7, s11;
	s15 =	sadd.s32 @!p1 s4, s15;
	s14 =	sand.u32 @!p1 $0x8000, s14  }
0x27: {  	[tilespmem:s14], [sflag:$0x2] =	stream.linear.gather @!p1 [hbm4b:s15+s16], $0x8000, $0x38;
	v63 =	vld [tilespmem:$0x0]  }
0x28: {  	p1 =	sge.u32 s31, s8  }
.Ltmp2:
0x29: {  	_ = 	snop;
	(pc) =	sbr.rel @p1 .LBB2_5-.Ltmp2, $1  }
0x2a: {  	_ =	sdelay $0x3  }
0x2b: {  	s14 =	simm.s32 $0x1  }
0x2c: {  	_ =	swait.ge [sflag:s7], $0x8000;
	s14 =	simm.s32 @!p0 $0x0  }
0x2d: {  	[sflag:s7] =	ssyncset.done $0x0;
	s14 =	sshll.u32 s14, $0xF  }
0x2e: {  	[sflag:s7] =	ssyncadd.s32 $0xFFFF8000;
	(ifvalue) =	ssetifvalue $0x7FFFFFFF;
	v0 =	vld.msk [tilespmem:s14+$0x0 ss:$0x1], $0xffff;
	_ =	sdelay $0x4  }
0x2f: {  	s15 =	sadd.s32 $0x10, s14;
	vm1 =	veq.s32 v0, $0x80000000;
	v2 =	vand.u32 $0x7F, v0;
	v0 =	vand.u32 $0x7FFF80, v0  }
0x30: {  	v1 =	vld.msk [tilespmem:s15+$0x0 ss:$0x1], $0xffff;
	v2 =	vsel vm1, $0xFFFFFFFF, v2;
	v0 =	vsel vm1, $0xFFFFFF80, v0  }
0x31: {  	v3 =	vand.u32 $0xFFFFFC00, v0;
	v4 =	vand.u32 $0xFFFFFC00, v2  }
0x32: {  	v0 =	vand.u32 $0x380, v0;
	v3 =	vadd.s32 v4, v3  }
0x33: {  	v2 =	vand.u32 $0x7F, v2;
	v0 =	vor.u32 v0, v3  }
0x34: {  	v0 =	vor.u32 v2, v0  }
0x35: {  	s16 =	sshll.u32 s12, $0xF;
	vm1 =	veq.s32 v1, $0x80000000;
	v4 =	vand.u32 $0x7F, v1;
	v1 =	vand.u32 $0x7FFF80, v1  }
0x36: {  	s18 =	sand.u32 $0x8000, s16;
	v3 =	vsel vm1, $0xFFFFFFFF, v4;
	v4 =	vsel vm1, $0xFFFFFF80, v1  }
0x37: {  	s16 =	sor.u32 $0x10000, s14;
	s14 =	sor.u32 $0x10000, s18;
	s17 =	sadd.s32 $0x10, s15;
	v5 =	vand.u32 $0xFFFFFC00, v4;
	v6 =	vand.u32 $0xFFFFFC00, v3  }
0x38: {  	s18 =	simm.s32 $0x20;
	s15 =	sadd.s32 $0x10, s16;
	v1 =	vld.msk [tilespmem:s17+$0x0 ss:$0x1], $0xffff;
	(ifvalue) =	ssetifvalue $0x7FFFFFFF;
	v2 =	vand.u32 $0x7F, v3;
	v4 =	vand.u32 $0x380, v4;
	v3 =	vadd.s32 v6, v5  }
.LBB2_3:
0x39: {  	[tilespmem:s16], [sflag:$0x1] =	stream.indirect_vreg.gather [hbm4b:s2+s10], $0x1, v0, vm0, $0x4038;
	v63 =	vld [tilespmem:$0x0]  }
0x3a: {  	s18 =	sadd.s32 $0x10, s18  }
0x3b: {  	v3 =	vor.u32 v4, v3;
	p1 =	slt.u32 s18, $0x7FF0  }
.Ltmp3:
0x3c: {  	s17 =	sadd.s32 $0x10, s17;
	v0 =	vor.u32 v2, v3;
	(pc) =	sbr.rel @p1 .LBB2_3-.Ltmp3, $4  }
0x3d: {  	vm1 =	veq.s32 v1, $0x80000000;
	s16 =	smov.u32 s15;
	v2 =	vand.u32 $0x7F, v1;
	v3 =	vand.u32 $0x7FFF80, v1;
	v1 =	vld.msk [tilespmem:s17+$0x0 ss:$0x1], $0xffff  }
0x3e: {  	v4 =	vsel vm1, $0xFFFFFFFF, v2;
	v5 =	vsel vm1, $0xFFFFFF80, v3  }
0x3f: {  	v2 =	vand.u32 $0x7F, v4;
	v3 =	vand.u32 $0xFFFFFC00, v5;
	v4 =	vand.u32 $0xFFFFFC00, v4  }
0x40: {  	s15 =	sadd.s32 $0x10, s15;
	v3 =	vadd.s32 v4, v3;
	v4 =	vand.u32 $0x380, v5;
	(ifvalue) =	ssetifvalue $0x7FFFFFFF  }
.Ltmp4:
0x41: {  	_ = 	snop;
	(pc) =	sbr.rel .LBB2_4-.Ltmp4, $1  }
0x42: {  	_ =	sdelay $0x3  }
.LBB2_6:
0x43: {  	_ =	sfence.sel $0x180000  }
0x44: {  	s2 =	simm.s32 $0x2;
	[bflag:$0x0] =	sbarrier.arrive $0xFFFF  }
0x45: {  	s30 =	simm.s32 $0x3;
	[sflag:s2] =	ssyncpa.u1 $0x1  }
0x46: {  	s31 =	simm.s32 $0x1;
	[sflag:s30] =	ssyncpa.u1 $0x1  }
0x47: {  	[sflag:s31] =	ssyncpa.u1 $0x1  }
0x48: {  	p0 =	sne.s32 s1, $0x0;
	_ =	strace $0x90000068  }
0x49: {  	s0 =	sadd.s32 @!p0 $0x100000, s0;
	[bflag:$0x2] =	sbarrier.arrive $0xFFFF  }
0x4a: {  	[sflag:s0] =	ssyncadd.tile.s32 @!p0 $0x1;
	_ =	shalt  }
.Lfunc_end2:
_tile_overlayer_lowered:
.L_overlay_start_2:
0x4b: {  	(tag) =	ssettag $0x2  }
0x4c: {  	s0 =	rddreg [dreg:$0x0];
	s2 =	stileid.u32  }
0x4d: {  	s1 =	rddreg [dreg:$0x1];
	p0 =	sne.s32 s2, $0x0  }
0x4e: {  	s3 =	rddreg [dreg:$0x2];
	[bflag:$0x3] =	sbarrier.arrive $0xFFFF;
	s2 =	simm.s32 @!p0 $0x1C01  }
0x4f: {  	[timem:s3], [sflag:s2] =	dma.local @!p0 [hbm:s0], s1  }
0x50: {  	s0 =	simm.s32 @!p0 $0x1  }
0x51: {  	_ =	swait.ge @!p0 [sflag:s0], s1  }
0x52: {  	s1 =	ssub.s32 @!p0 $0x0, s1;
	[sflag:s0] =	ssyncset.done @!p0 $0x0  }
0x53: {  	[sflag:s0] =	ssyncadd.s32 @!p0 s1  }
0x54: {  	[bflag:$0x3] =	sbarrier.arrive $0xFFFF  }
0x55: {  	_ =	shalt  }

// kernel: gather_offload_async_start.2
scs
__scs_entry_jumppad:
0x0: {  	(pc) =	sbr.rel $0x88, $3  }
0x1: {  	(tag) =	ssettag $0x0;
	lr =	simm.s32 $0x1  }
0x2: {  	[smem:$0x3F95] =	sst lr;
	_ =	strace $0xD0000000  }
0x3: {  	_ = 	snop  }
0x4: {  	_ = 	snop  }
0x5: {  	_ = 	snop  }
0x6: {  	_ = 	snop  }
0x7: {  	_ = 	snop  }
__scs_overlays_trampoline_lowered:
0x8: {  	[smem:$0x3FA4] =	sst s0  }
0x9: {  	[smem:$0x3FA5] =	sst s1  }
0xa: {  	[smem:$0x3FA6] =	sst s2  }
0xb: {  	[smem:$0x3FA7] =	sst s3  }
0xc: {  	[smem:$0x3FA8] =	sst s4  }
0xd: {  	[smem:$0x3FA9] =	sst s5  }
0xe: {  	[smem:$0x3FAA] =	sst s6  }
0xf: {  	[smem:$0x3FAB] =	sst s7  }
0x10: {  	[smem:$0x3FAC] =	sst s8  }
0x11: {  	[smem:$0x3FAD] =	sst s9;
	s0 =	simm.s32 @!p0 $0x0  }
0x12: {  	s1 =	sld [smem:$0x3F93];
	s0 =	simm.s32 @p0 $0x1  }
0x13: {  	[smem:$0x3FAE] =	sst s0;
	s0 =	simm.s32 @!p1 $0x0  }
0x14: {  	s2 =	sld [smem:$0x3F92];
	s0 =	simm.s32 @p1 $0x1  }
0x15: {  	[smem:$0x3FAF] =	sst s0;
	s0 =	simm.s32 @!p2 $0x0  }
0x16: {  	s3 =	sld [smem:$0x3FDB];
	s0 =	simm.s32 @p2 $0x1  }
0x17: {  	s4 =	simm.s32 $0x1BF5;
	[smem:$0x3FB1] =	sst s0  }
0x18: {  	s0 =	sld [smem:$0x3F94];
	_ =	swait.ge [sflag:s4], $0x0  }
0x19: {  	s7 =	sld [smem:$0x3F95]  }
0x1a: {  	s8 =	sadd.s32 $0xFFFFE003, lr  }
0x1b: {  	s9 =	sadd.s32 $0xFFFFFEF7, lr;
	s5 =	simm.s32 $0xFFFFFFFF;
	p2 =	slt.u32 s8, $0xFFFFF086  }
0x1c: {  	p1 =	slt.u32 s9, $0xF7A;
	s5 =	simm.s32 @!p2 $0x0  }
0x1d: {  	s5 =	simm.s32 @p1 $0x1;
	p0 =	seq.s32 s7, s2  }
0x1e: {  	s7 =	smul.u32 @!p0 $0xF7A, s2;
	p2 =	seq.s32 @!p0 s5, $0x0  }
0x1f: {  	s9 =	smul.u32 $0xF7A, s1;
	s8 =	simm.s32 @!p0 $0x1BF5;
	p2 =	por !p2, p0  }
0x20: {  	[sflag:s8] =	ssyncset.s32 @!p0 $0xFFFFF086;
	s6 =	sadd.s32 @!p0 s3, s7;
	s7 =	simm.s32 @!p0 $0x108  }
0x21: {  	s3 =	sadd.s32 s3, s9;
	s6 =	sadd.s32 @!p0 $0x88, s6;
	s7 =	simm.s32 @p2 $0x1082  }
0x22: {  	[simem:s7], [sflag:s8] =	dma.local @!p0 [hbm:s6], $0xF7A  }
0x23: {  	s9 =	sor.u32 $0xD0000000, s2;
	s6 =	simm.s32 $0x108;
	_ =	swait.ge @!p0 [sflag:s8], $0x0  }
0x24: {  	s3 =	sadd.s32 $0x88, s3;
	s6 =	simm.s32 @!p1 $0x1082;
	[sflag:s4] =	ssyncset.s32 $0xFFFFF086  }
0x25: {  	[simem:s6], [sflag:s4] =	dma.local [hbm:s3], $0xF7A  }
0x26: {  	[smem:$0x3F95] =	sst s1;
	(tag) =	ssettag s2;
	_ =	strace s9  }
0x27: {  	s1 =	sld [smem:$0x3FA5]  }
0x28: {  	s2 =	sld [smem:$0x3FA6]  }
0x29: {  	s4 =	sld [smem:$0x3FA8]  }
0x2a: {  	p0 =	seq.s32 s5, $0x0;
	s5 =	sld [smem:$0x3FA9]  }
0x2b: {  	s6 =	sld [smem:$0x3FAA]  }
0x2c: {  	s7 =	sld [smem:$0x3FAB]  }
0x2d: {  	s3 =	simm.s32 $0x108;
	s8 =	sld [smem:$0x3FAC]  }
0x2e: {  	s3 =	simm.s32 @!p0 $0x1082;
	s9 =	sld [smem:$0x3FAD]  }
0x2f: {  	lr =	sadd.s32 s0, s3;
	s0 =	sld [smem:$0x3FA4]  }
0x30: {  	s3 =	sld [smem:$0x3FA7]  }
0x31: {  	[smem:$0x3FB0] =	sst s10  }
0x32: {  	s10 =	sld [smem:$0x3FAE];
	_ =	sdelay $0x3  }
0x33: {  	p0 =	seq.s32 s10, $0x1;
	s10 =	sld [smem:$0x3FB0];
	_ =	sdelay $0x3  }
0x34: {  	[smem:$0x3FB0] =	sst s10  }
0x35: {  	s10 =	sld [smem:$0x3FAF];
	_ =	sdelay $0x3  }
0x36: {  	p1 =	seq.s32 s10, $0x1;
	s10 =	sld [smem:$0x3FB0];
	_ =	sdelay $0x3  }
0x37: {  	[smem:$0x3FB0] =	sst s10  }
0x38: {  	s10 =	sld [smem:$0x3FB1]  }
0x39: {  	_ = 	snop;
	(pc) =	sbr.ind lr, $3  }
0x3a: {  	_ = 	snop  }
0x3b: {  	_ = 	snop  }
0x3c: {  	p2 =	seq.s32 s10, $0x1;
	s10 =	sld [smem:$0x3FB0]  }
0x3d: {  	_ =	shalt  }
0x3e: {  	_ =	shalt  }
0x3f: {  	_ =	shalt  }
0x40: {  	_ =	shalt  }
0x41: {  	_ =	shalt  }
0x42: {  	_ =	shalt  }
0x43: {  	_ =	shalt  }
0x44: {  	_ =	shalt  }
0x45: {  	_ =	shalt  }
0x46: {  	_ =	shalt  }
0x47: {  	_ =	shalt  }
0x48: {  	_ =	shalt  }
0x49: {  	_ =	shalt  }
0x4a: {  	_ =	shalt  }
0x4b: {  	_ =	shalt  }
0x4c: {  	_ =	shalt  }
0x4d: {  	_ =	shalt  }
0x4e: {  	_ =	shalt  }
0x4f: {  	_ =	shalt  }
0x50: {  	_ =	shalt  }
0x51: {  	_ =	shalt  }
0x52: {  	_ =	shalt  }
0x53: {  	_ =	shalt  }
0x54: {  	_ =	shalt  }
0x55: {  	_ =	shalt  }
0x56: {  	_ =	shalt  }
0x57: {  	_ =	shalt  }
0x58: {  	_ =	shalt  }
0x59: {  	_ =	shalt  }
0x5a: {  	_ =	shalt  }
0x5b: {  	_ =	shalt  }
0x5c: {  	_ =	shalt  }
0x5d: {  	_ =	shalt  }
0x5e: {  	_ =	shalt  }
0x5f: {  	_ =	shalt  }
0x60: {  	_ =	shalt  }
0x61: {  	_ =	shalt  }
0x62: {  	_ =	shalt  }
0x63: {  	_ =	shalt  }
0x64: {  	_ =	shalt  }
0x65: {  	_ =	shalt  }
0x66: {  	_ =	shalt  }
0x67: {  	_ =	shalt  }
0x68: {  	_ =	shalt  }
0x69: {  	_ =	shalt  }
0x6a: {  	_ =	shalt  }
0x6b: {  	_ =	shalt  }
0x6c: {  	_ =	shalt  }
0x6d: {  	_ =	shalt  }
0x6e: {  	_ =	shalt  }
0x6f: {  	_ =	shalt  }
0x70: {  	_ =	shalt  }
0x71: {  	_ =	shalt  }
0x72: {  	_ =	shalt  }
0x73: {  	_ =	shalt  }
0x74: {  	_ =	shalt  }
0x75: {  	_ =	shalt  }
0x76: {  	_ =	shalt  }
0x77: {  	_ =	shalt  }
0x78: {  	_ =	shalt  }
0x79: {  	_ =	shalt  }
0x7a: {  	_ =	shalt  }
0x7b: {  	_ =	shalt  }
0x7c: {  	_ =	shalt  }
0x7d: {  	_ =	shalt  }
0x7e: {  	_ =	shalt  }
0x7f: {  	_ =	shalt  }
0x80: {  	_ =	shalt  }
0x81: {  	_ =	shalt  }
0x82: {  	_ =	shalt  }
0x83: {  	_ =	shalt  }
0x84: {  	_ =	shalt  }
0x85: {  	_ =	shalt  }
0x86: {  	_ =	shalt  }
0x87: {  	_ =	shalt  }
.Lfunc_end0:
.L_simem_size_0:
called_computation.7_lowered:
.L_overlay_start_0:
0x88: {  	s2 =	sld [smem:$0x3FD9]  }
0x89: {  	s3 =	sld [smem:$0x3FFE];
	_ =	sdelay $0x1  }
0x8a: {  	s1 =	srdreg.scid  }
0x8b: {  	s0 =	sand.u32 $0x1, s1  }
0x8c: {  	s17 =	sshll.u32 s0, $0xA;
	s2 =	sadd.s32 s3, s2  }
0x8d: {  	s2 =	sadd.s32 s2, s17  }
0x8e: {  	[smem:$0x3FBC] =	sst s2  }
0x8f: {  	_ = 	snop  }
0x90: {  	s18 =	sld [smem:$0x3FD0];
	(tm) =	ssettm $0x1  }
0x91: {  	s19 =	sld [smem:$0x3FFB];
	_ =	sdelay $0x3  }
0x92: {  	_ =	strace s19  }
0x93: {  	s2 =	sld [smem:$0x3FFC];
	_ =	sdelay $0x3  }
0x94: {  	_ =	strace s2  }
0x95: {  	s2 =	sld [smem:$0x3FFD];
	_ =	sdelay $0x3  }
0x96: {  	_ =	strace s2  }
0x97: {  	_ =	strace $0x8FFFFFFF  }
0x98: {  	s20 =	sld [smem:$0x3FDB];
	_ =	sdelay $0x1  }
0x99: {  	s4 =	simm.s32 $_scs_section_size  }
0x9a: {  	s5 =	simm.s32 $_size__tile_overlayer_lowered;
	s6 =	simm.s32 $_tile_overlayer_lowered  }
0x9b: {  	s7 =	simm.s32 $0x1BFF;
	s21 =	sshll.u32 s6, $0x1;
	s4 =	sadd.s32 s4, s20  }
0x9c: {  	s22 =	simm.s32 $0x0;
	s5 =	sshll.u32 s5, $0x1;
	s6 =	sadd.s32 s21, s4  }
0x9d: {  	[timem:s22], [sflag:s7] =	dma.local [hbm:s6], s5  }
0x9e: {  	_ =	swait.ge [sflag:s7], s5  }
0x9f: {  	s5 =	ssub.s32 $0x0, s5;
	[sflag:s7] =	ssyncset.done $0x0  }
0xa0: {  	[sflag:s7] =	ssyncadd.s32 s5;
	_ =	sdelay $0x1  }
0xa1: {  	s23 =	simm.s32 $0x1B8B  }
0xa2: {  	_ =	swait.ge [sflag:s23], $0x1  }
0xa3: {  	[sflag:s23] =	ssyncset.done $0x0  }
0xa4: {  	[sflag:s23] =	ssyncadd.s32 $0xFFFFFFFF  }
0xa5: {  	s5 =	sld [smem:$0x0]  }
0xa6: {  	s6 =	sand.u32 $0xFFFFFFFE, s1  }
0xa7: {  	p0 =	sne.s32 s1, s6  }
0xa8: {  	s6 =	sshll.u32 @p0 s6, $0xE  }
0xa9: {  	s6 =	sadd.s32 @p0 $0x11B8D, s6;
	s7 =	sshll.u32 @p0 s5, $0x11  }
0xaa: {  	s6 =	sor.u32 @p0 s7, s6  }
0xab: {  	[sflag:s6] =	ssyncadd.remote.s32 @p0 $0x1;
	_ =	sdelay $0x1  }
0xac: {  	s6 =	simm.s32 @p0 $0x1B8D  }
0xad: {  	_ =	swait.eq @p0 [sflag:s6], $0x1  }
0xae: {  	[sflag:s6] =	ssyncadd.s32 @p0 $0xFFFFFFFF  }
0xaf: {  	s7 =	sshll.u32 @!p0 s1, $0xE  }
0xb0: {  	s7 =	sor.u32 @!p0 $0x4000, s7;
	s6 =	simm.s32 @!p0 $0x1B8D  }
0xb1: {  	s5 =	sshll.u32 @!p0 s5, $0x11;
	s7 =	sadd.s32 @!p0 $0x11B8D, s7;
	_ =	swait.eq @!p0 [sflag:s6], $0x1  }
0xb2: {  	s5 =	sor.u32 @!p0 s5, s7;
	[sflag:s6] =	ssyncadd.s32 @!p0 $0xFFFFFFFF  }
0xb3: {  	s25 =	simm.s32 $0x1B8E;
	s24 =	sld [smem:$0x3FFE];
	[sflag:s5] =	ssyncadd.remote.s32 @!p0 $0x1  }
0xb4: {  	s26 =	simm.s32 $execute0_lowered;
	[smem:$0x3FD2] =	sst s25  }
0xb5: {  	s6 =	sshll.u32 s26, $0x1;
	_ =	strace $0x80000064;
	[dreg:$0x1] =	wrdreg $0xFFFFFFFF  }
0xb6: {  	s28 =	simm.s32 $_size_execute0_lowered;
	s4 =	sadd.s32 s4, s6;
	[dreg:$0x0] =	wrdreg $0x0  }
0xb7: {  	s6 =	sshll.u32 s28, $0x1;
	[dreg:$0x2] =	wrdreg s4  }
0xb8: {  	[dreg:$0x3] =	wrdreg s6  }
0xb9: {  	[dreg:$0x4] =	wrdreg $0xC0  }
0xba: {  	_ =	task [dreg:s22], $0x5FFFF  }
0xbb: {  	[dreg:$0x1] =	wrdreg $0xFFFFFFFF  }
0xbc: {  	[dreg:$0x0] =	wrdreg $0x60  }
0xbd: {  	[dreg:$0x2] =	wrdreg s18  }
0xbe: {  	[dreg:$0x3] =	wrdreg s24  }
0xbf: {  	[dreg:$0x4] =	wrdreg $0x9  }
0xc0: {  	_ =	task.clear_ibuf [dreg:s22], $0x5FFFF;
	_ =	strace $0x90000064  }
0xc1: {  	s29 =	simm.s32 $0x9;
	_ =	strace $0x80000066  }
0xc2: {  	_ =	swait.ge [sflag:s29], $0x1  }
0xc3: {  	[sflag:s29] =	ssyncadd.s32 $0xFFFFFFFF  }
0xc4: {  	_ =	strace $0x90000066  }
0xc5: {  	_ =	sfence  }
0xc6: {  	s30 =	sld [smem:$0x0];
	_ =	sdelay $0x2  }
0xc7: {  	s31 =	sshll.u32 s1, $0xD;
	s1 =	sshrl.u32 s1, $0x2  }
0xc8: {  	s4 =	sand.u32 $0x4000, s31;
	s1 =	sadd.s32 s1, s30  }
0xc9: {  	s0 =	sor.u32 s4, s0;
	s1 =	sshll.u32 s1, $0x11  }
0xca: {  	s0 =	sor.u32 s1, s0  }
0xcb: {  	s0 =	sadd.s32 $0x8F2B, s0  }
0xcc: {  	[sflag:s0] =	ssyncadd.remote.s32 $0x1  }
0xcd: {  	_ =	sfence.sel $0xFFFF  }
0xce: {  	[dreg:$0x0] =	wrdreg $0xFFFFFFFF;
	(pc) =	sbr.abs _section_cstart, $3  }
0xcf: {  	[dreg:$0x1] =	wrdreg $0xFFFFFFFF  }
0xd0: {  	_ =	task.clear_ibuf [dreg:s22], $0x2FFFF;
	_ =	strace $0x9FFFFFFF  }
0xd1: {  	(tm) =	ssettm $0x7FFFFFFF  }
tec
execute0_lowered:
.L_overlay_start_1:
0x0: {  	(tag) =	ssettag $0x1  }
0x1: {  	s2 =	rddreg [dreg:$0x0];
	s0 =	srdreg.scid  }
0x2: {  	s5 =	rddreg [dreg:$0x1];
	s1 =	stileid.u32;
	s6 =	simm.s32 $0x1  }
0x3: {  	s9 =	simm.s32 $0x1;
	s10 =	simm.s32 $0x3;
	s3 =	sshll.u32 s0, $0xF  }
0x4: {  	s13 =	simm.s32 $0x0;
	s4 =	sshll.u32 s1, $0x10;
	s3 =	sand.u32 $0x8000, s3  }
0x5: {  	s0 =	rddreg [dreg:$0x2];
	_ =	strace $0x80000065;
	s3 =	sor.u32 s4, s3  }
0x6: {  	s12 =	simm.s32 $0x0;
	[sflag:s6] =	ssyncpa.u1 $0x0;
	s8 =	ssub.s32 $0x600000, s3  }
.Ltmp0:
0x7: {  	s4 =	sadd.s32 $0x4D5E00, s5;
	s7 =	sand.u32 $0xF8000, s8;
	(pc) =	sbr.rel .LBB2_1-.Ltmp0, $4  }
0x8: {  	s5 =	sadd.s32 $0x715E00, s5;
	s11 =	smov.u32 s3;
	p0 =	sne.s32 s7, $0x0  }
0x9: {  	s8 =	sshrl.u32 s8, $0x14;
	s7 =	simm.s32 $0x2;
	s9 =	simm.s32 @!p0 $0x0  }
0xa: {  	[sflag:s7] =	ssyncpa.u1 $0x0;
	p0 =	por $0x0, $0x0;
	s8 =	sadd.s32 s9, s8  }
0xb: {  	vm0 =	vmmov $0xffff;
	[sflag:s10] =	ssyncpa.u1 $0x0;
	s10 =	simm.s32 $0x0;
	s9 =	sadd.s32 $0x1, s8  }
.LBB2_4:
0xc: {  	vm1 =	veq.s32 v1, $0x80000000;
	v5 =	vand.u32 $0x7F, v1;
	v59 =	vand.u32 $0x7FFF80, v1  }
0xd: {  	v5 =	vsel vm1, $0xFFFFFFFF, v5;
	v1 =	vsel vm1, $0xFFFFFF80, v59  }
0xe: {  	v3 =	vor.u32 v4, v3;
	v60 =	vand.u32 $0xFFFFFC00, v1;
	v6 =	vand.u32 $0xFFFFFC00, v5  }
0xf: {  	v2 =	vor.u32 v2, v3;
	v1 =	vand.u32 $0x380, v1;
	v61 =	vadd.s32 v6, v60  }
0x10: {  	v62 =	vand.u32 $0x7F, v5;
	v1 =	vor.u32 v1, v61  }
0x11: {  	v1 =	vor.u32 v62, v1  }
0x12: {  	[tilespmem:s16], [sflag:$0x1] =	stream.indirect_vreg.gather [hbm4b:s2+s10], $0x1, v0, vm0, $0x4038;
	v63 =	vld [tilespmem:$0x0]  }
0x13: {  	(ifvalue) =	ssetifvalue $0x7FFFFFFF  }
0x14: {  	[tilespmem:s15], [sflag:$0x1] =	stream.indirect_vreg.gather [hbm4b:s2+s10], $0x1, v2, vm0, $0x4038;
	v63 =	vld [tilespmem:$0x0]  }
0x15: {  	s29 =	sadd.s32 $0x10, s15;
	(ifvalue) =	ssetifvalue $0x7FFFFFFF  }
0x16: {  	[tilespmem:s29], [sflag:$0x1] =	stream.indirect_vreg.gather [hbm4b:s2+s10], $0x1, v1, vm0, $0x4038;
	v63 =	vld [tilespmem:$0x0]  }
0x17: {  	_ =	swait.ge [sflag:s6], $0x8000  }
0x18: {  	s30 =	sshrl.u32 s13, $0x3;
	[sflag:s6] =	ssyncset.done $0x0  }
0x19: {  	s31 =	sand.u32 $0x7, s13;
	s15 =	sadd.s32 s5, s30;
	[sflag:s6] =	ssyncadd.s32 $0xFFFF8000  }
0x1a: {  	[hbm4b:s15+s31] =	stream.linear.scatter [tilespmem:s14], [sflag:$0x3], $0x8000, $0x38;
	v63 =	vld [tilespmem:$0x0]  }
.LBB2_5:
0x1b: {  	s15 =	sadd.s32 $0x100000, s11  }
0x1c: {  	p2 =	sgt.s32 s15, $0x5FFFFF  }
0x1d: {  	s15 =	smov.u32 @p2 s3;
	p2 =	sne.s32 s12, s9  }
.Ltmp1:
0x1e: {  	p1 =	slt.u32 s12, $0x2;
	(pc) =	sbr.rel @!p2 .LBB2_6-.Ltmp1, $4  }
0x1f: {  	s14 =	simm.s32 @!p1 $0x3  }
0x20: {  	s16 =	sadd.s32 $0x1, s12;
	_ =	swait.ge @!p1 [sflag:s14], $0x8000  }
0x21: {  	s13 =	smov.u32 s11;
	p0 =	por !p0, !p0;
	[sflag:s14] =	ssyncset.done @!p1 $0x0  }
0x22: {  	s12 =	smov.u32 s16;
	s11 =	smov.u32 s15;
	[sflag:s14] =	ssyncadd.s32 @!p1 $0xFFFF8000  }
.LBB2_1:
0x23: {  	p1 =	sge.u32 s12, s8  }
0x24: {  	s14 =	sxor.u32 @!p1 $0xFFFFFFFF, s12  }
0x25: {  	s31 =	sadd.s32 $0xFFFFFFFF, s12;
	s15 =	sshrl.u32 @!p1 s11, $0x3;
	s14 =	sshll.u32 @!p1 s14, $0xF  }
0x26: {  	s16 =	sand.u32 @!p1 $0x7, s11;
	s15 =	sadd.s32 @!p1 s4, s15;
	s14 =	sand.u32 @!p1 $0x8000, s14  }
0x27: {  	[tilespmem:s14], [sflag:$0x2] =	stream.linear.gather @!p1 [hbm4b:s15+s16], $0x8000, $0x38;
	v63 =	vld [tilespmem:$0x0]  }
0x28: {  	p1 =	sge.u32 s31, s8  }
.Ltmp2:
0x29: {  	_ = 	snop;
	(pc) =	sbr.rel @p1 .LBB2_5-.Ltmp2, $1  }
0x2a: {  	_ =	sdelay $0x3  }
0x2b: {  	s14 =	simm.s32 $0x1  }
0x2c: {  	_ =	swait.ge [sflag:s7], $0x8000;
	s14 =	simm.s32 @!p0 $0x0  }
0x2d: {  	[sflag:s7] =	ssyncset.done $0x0;
	s14 =	sshll.u32 s14, $0xF  }
0x2e: {  	[sflag:s7] =	ssyncadd.s32 $0xFFFF8000;
	(ifvalue) =	ssetifvalue $0x7FFFFFFF;
	v0 =	vld.msk [tilespmem:s14+$0x0 ss:$0x1], $0xffff;
	_ =	sdelay $0x4  }
0x2f: {  	s15 =	sadd.s32 $0x10, s14;
	vm1 =	veq.s32 v0, $0x80000000;
	v2 =	vand.u32 $0x7F, v0;
	v0 =	vand.u32 $0x7FFF80, v0  }
0x30: {  	v1 =	vld.msk [tilespmem:s15+$0x0 ss:$0x1], $0xffff;
	v2 =	vsel vm1, $0xFFFFFFFF, v2;
	v0 =	vsel vm1, $0xFFFFFF80, v0  }
0x31: {  	v3 =	vand.u32 $0xFFFFFC00, v0;
	v4 =	vand.u32 $0xFFFFFC00, v2  }
0x32: {  	v0 =	vand.u32 $0x380, v0;
	v3 =	vadd.s32 v4, v3  }
0x33: {  	v2 =	vand.u32 $0x7F, v2;
	v0 =	vor.u32 v0, v3  }
0x34: {  	v0 =	vor.u32 v2, v0  }
0x35: {  	s16 =	sshll.u32 s12, $0xF;
	vm1 =	veq.s32 v1, $0x80000000;
	v4 =	vand.u32 $0x7F, v1;
	v1 =	vand.u32 $0x7FFF80, v1  }
0x36: {  	s18 =	sand.u32 $0x8000, s16;
	v3 =	vsel vm1, $0xFFFFFFFF, v4;
	v4 =	vsel vm1, $0xFFFFFF80, v1  }
0x37: {  	s16 =	sor.u32 $0x10000, s14;
	s14 =	sor.u32 $0x10000, s18;
	s17 =	sadd.s32 $0x10, s15;
	v5 =	vand.u32 $0xFFFFFC00, v4;
	v6 =	vand.u32 $0xFFFFFC00, v3  }
0x38: {  	s18 =	simm.s32 $0x20;
	s15 =	sadd.s32 $0x10, s16;
	v1 =	vld.msk [tilespmem:s17+$0x0 ss:$0x1], $0xffff;
	(ifvalue) =	ssetifvalue $0x7FFFFFFF;
	v2 =	vand.u32 $0x7F, v3;
	v4 =	vand.u32 $0x380, v4;
	v3 =	vadd.s32 v6, v5  }
.LBB2_3:
0x39: {  	[tilespmem:s16], [sflag:$0x1] =	stream.indirect_vreg.gather [hbm4b:s2+s10], $0x1, v0, vm0, $0x4038;
	v63 =	vld [tilespmem:$0x0]  }
0x3a: {  	s18 =	sadd.s32 $0x10, s18  }
0x3b: {  	v3 =	vor.u32 v4, v3;
	p1 =	slt.u32 s18, $0x7FF0  }
.Ltmp3:
0x3c: {  	s17 =	sadd.s32 $0x10, s17;
	v0 =	vor.u32 v2, v3;
	(pc) =	sbr.rel @p1 .LBB2_3-.Ltmp3, $4  }
0x3d: {  	vm1 =	veq.s32 v1, $0x80000000;
	s16 =	smov.u32 s15;
	v2 =	vand.u32 $0x7F, v1;
	v3 =	vand.u32 $0x7FFF80, v1;
	v1 =	vld.msk [tilespmem:s17+$0x0 ss:$0x1], $0xffff  }
0x3e: {  	v4 =	vsel vm1, $0xFFFFFFFF, v2;
	v5 =	vsel vm1, $0xFFFFFF80, v3  }
0x3f: {  	v2 =	vand.u32 $0x7F, v4;
	v3 =	vand.u32 $0xFFFFFC00, v5;
	v4 =	vand.u32 $0xFFFFFC00, v4  }
0x40: {  	s15 =	sadd.s32 $0x10, s15;
	v3 =	vadd.s32 v4, v3;
	v4 =	vand.u32 $0x380, v5;
	(ifvalue) =	ssetifvalue $0x7FFFFFFF  }
.Ltmp4:
0x41: {  	_ = 	snop;
	(pc) =	sbr.rel .LBB2_4-.Ltmp4, $1  }
0x42: {  	_ =	sdelay $0x3  }
.LBB2_6:
0x43: {  	_ =	sfence.sel $0x180000  }
0x44: {  	s2 =	simm.s32 $0x2;
	[bflag:$0x0] =	sbarrier.arrive $0xFFFF  }
0x45: {  	s30 =	simm.s32 $0x3;
	[sflag:s2] =	ssyncpa.u1 $0x1  }
0x46: {  	s31 =	simm.s32 $0x1;
	[sflag:s30] =	ssyncpa.u1 $0x1  }
0x47: {  	[sflag:s31] =	ssyncpa.u1 $0x1  }
0x48: {  	p0 =	sne.s32 s1, $0x0;
	_ =	strace $0x90000065  }
0x49: {  	s0 =	sadd.s32 @!p0 $0x100000, s0;
	[bflag:$0x2] =	sbarrier.arrive $0xFFFF  }
0x4a: {  	[sflag:s0] =	ssyncadd.tile.s32 @!p0 $0x1;
	_ =	shalt  }
.Lfunc_end2:
_tile_overlayer_lowered:
.L_overlay_start_2:
0x4b: {  	(tag) =	ssettag $0x2  }
0x4c: {  	s0 =	rddreg [dreg:$0x0];
	s2 =	stileid.u32  }
0x4d: {  	s1 =	rddreg [dreg:$0x1];
	p0 =	sne.s32 s2, $0x0  }
0x4e: {  	s3 =	rddreg [dreg:$0x2];
	[bflag:$0x3] =	sbarrier.arrive $0xFFFF;
	s2 =	simm.s32 @!p0 $0x1C01  }
0x4f: {  	[timem:s3], [sflag:s2] =	dma.local @!p0 [hbm:s0], s1  }
0x50: {  	s0 =	simm.s32 @!p0 $0x1  }
0x51: {  	_ =	swait.ge @!p0 [sflag:s0], s1  }
0x52: {  	s1 =	ssub.s32 @!p0 $0x0, s1;
	[sflag:s0] =	ssyncset.done @!p0 $0x0  }
0x53: {  	[sflag:s0] =	ssyncadd.s32 @!p0 s1  }
0x54: {  	[bflag:$0x3] =	sbarrier.arrive $0xFFFF  }
0x55: {  	_ =	shalt  }

// kernel: gather_offload_async_start.3
scs
__scs_entry_jumppad:
0x0: {  	(pc) =	sbr.rel $0x88, $3  }
0x1: {  	(tag) =	ssettag $0x0;
	lr =	simm.s32 $0x1  }
0x2: {  	[smem:$0x3F95] =	sst lr;
	_ =	strace $0xD0000000  }
0x3: {  	_ = 	snop  }
0x4: {  	_ = 	snop  }
0x5: {  	_ = 	snop  }
0x6: {  	_ = 	snop  }
0x7: {  	_ = 	snop  }
__scs_overlays_trampoline_lowered:
0x8: {  	[smem:$0x3FA4] =	sst s0  }
0x9: {  	[smem:$0x3FA5] =	sst s1  }
0xa: {  	[smem:$0x3FA6] =	sst s2  }
0xb: {  	[smem:$0x3FA7] =	sst s3  }
0xc: {  	[smem:$0x3FA8] =	sst s4  }
0xd: {  	[smem:$0x3FA9] =	sst s5  }
0xe: {  	[smem:$0x3FAA] =	sst s6  }
0xf: {  	[smem:$0x3FAB] =	sst s7  }
0x10: {  	[smem:$0x3FAC] =	sst s8  }
0x11: {  	[smem:$0x3FAD] =	sst s9;
	s0 =	simm.s32 @!p0 $0x0  }
0x12: {  	s1 =	sld [smem:$0x3F93];
	s0 =	simm.s32 @p0 $0x1  }
0x13: {  	[smem:$0x3FAE] =	sst s0;
	s0 =	simm.s32 @!p1 $0x0  }
0x14: {  	s2 =	sld [smem:$0x3F92];
	s0 =	simm.s32 @p1 $0x1  }
0x15: {  	[smem:$0x3FAF] =	sst s0;
	s0 =	simm.s32 @!p2 $0x0  }
0x16: {  	s3 =	sld [smem:$0x3FDB];
	s0 =	simm.s32 @p2 $0x1  }
0x17: {  	s4 =	simm.s32 $0x1BF5;
	[smem:$0x3FB1] =	sst s0  }
0x18: {  	s0 =	sld [smem:$0x3F94];
	_ =	swait.ge [sflag:s4], $0x0  }
0x19: {  	s7 =	sld [smem:$0x3F95]  }
0x1a: {  	s8 =	sadd.s32 $0xFFFFE003, lr  }
0x1b: {  	s9 =	sadd.s32 $0xFFFFFEF7, lr;
	s5 =	simm.s32 $0xFFFFFFFF;
	p2 =	slt.u32 s8, $0xFFFFF086  }
0x1c: {  	p1 =	slt.u32 s9, $0xF7A;
	s5 =	simm.s32 @!p2 $0x0  }
0x1d: {  	s5 =	simm.s32 @p1 $0x1;
	p0 =	seq.s32 s7, s2  }
0x1e: {  	s7 =	smul.u32 @!p0 $0xF7A, s2;
	p2 =	seq.s32 @!p0 s5, $0x0  }
0x1f: {  	s9 =	smul.u32 $0xF7A, s1;
	s8 =	simm.s32 @!p0 $0x1BF5;
	p2 =	por !p2, p0  }
0x20: {  	[sflag:s8] =	ssyncset.s32 @!p0 $0xFFFFF086;
	s6 =	sadd.s32 @!p0 s3, s7;
	s7 =	simm.s32 @!p0 $0x108  }
0x21: {  	s3 =	sadd.s32 s3, s9;
	s6 =	sadd.s32 @!p0 $0x88, s6;
	s7 =	simm.s32 @p2 $0x1082  }
0x22: {  	[simem:s7], [sflag:s8] =	dma.local @!p0 [hbm:s6], $0xF7A  }
0x23: {  	s9 =	sor.u32 $0xD0000000, s2;
	s6 =	simm.s32 $0x108;
	_ =	swait.ge @!p0 [sflag:s8], $0x0  }
0x24: {  	s3 =	sadd.s32 $0x88, s3;
	s6 =	simm.s32 @!p1 $0x1082;
	[sflag:s4] =	ssyncset.s32 $0xFFFFF086  }
0x25: {  	[simem:s6], [sflag:s4] =	dma.local [hbm:s3], $0xF7A  }
0x26: {  	[smem:$0x3F95] =	sst s1;
	(tag) =	ssettag s2;
	_ =	strace s9  }
0x27: {  	s1 =	sld [smem:$0x3FA5]  }
0x28: {  	s2 =	sld [smem:$0x3FA6]  }
0x29: {  	s4 =	sld [smem:$0x3FA8]  }
0x2a: {  	p0 =	seq.s32 s5, $0x0;
	s5 =	sld [smem:$0x3FA9]  }
0x2b: {  	s6 =	sld [smem:$0x3FAA]  }
0x2c: {  	s7 =	sld [smem:$0x3FAB]  }
0x2d: {  	s3 =	simm.s32 $0x108;
	s8 =	sld [smem:$0x3FAC]  }
0x2e: {  	s3 =	simm.s32 @!p0 $0x1082;
	s9 =	sld [smem:$0x3FAD]  }
0x2f: {  	lr =	sadd.s32 s0, s3;
	s0 =	sld [smem:$0x3FA4]  }
0x30: {  	s3 =	sld [smem:$0x3FA7]  }
0x31: {  	[smem:$0x3FB0] =	sst s10  }
0x32: {  	s10 =	sld [smem:$0x3FAE];
	_ =	sdelay $0x3  }
0x33: {  	p0 =	seq.s32 s10, $0x1;
	s10 =	sld [smem:$0x3FB0];
	_ =	sdelay $0x3  }
0x34: {  	[smem:$0x3FB0] =	sst s10  }
0x35: {  	s10 =	sld [smem:$0x3FAF];
	_ =	sdelay $0x3  }
0x36: {  	p1 =	seq.s32 s10, $0x1;
	s10 =	sld [smem:$0x3FB0];
	_ =	sdelay $0x3  }
0x37: {  	[smem:$0x3FB0] =	sst s10  }
0x38: {  	s10 =	sld [smem:$0x3FB1]  }
0x39: {  	_ = 	snop;
	(pc) =	sbr.ind lr, $3  }
0x3a: {  	_ = 	snop  }
0x3b: {  	_ = 	snop  }
0x3c: {  	p2 =	seq.s32 s10, $0x1;
	s10 =	sld [smem:$0x3FB0]  }
0x3d: {  	_ =	shalt  }
0x3e: {  	_ =	shalt  }
0x3f: {  	_ =	shalt  }
0x40: {  	_ =	shalt  }
0x41: {  	_ =	shalt  }
0x42: {  	_ =	shalt  }
0x43: {  	_ =	shalt  }
0x44: {  	_ =	shalt  }
0x45: {  	_ =	shalt  }
0x46: {  	_ =	shalt  }
0x47: {  	_ =	shalt  }
0x48: {  	_ =	shalt  }
0x49: {  	_ =	shalt  }
0x4a: {  	_ =	shalt  }
0x4b: {  	_ =	shalt  }
0x4c: {  	_ =	shalt  }
0x4d: {  	_ =	shalt  }
0x4e: {  	_ =	shalt  }
0x4f: {  	_ =	shalt  }
0x50: {  	_ =	shalt  }
0x51: {  	_ =	shalt  }
0x52: {  	_ =	shalt  }
0x53: {  	_ =	shalt  }
0x54: {  	_ =	shalt  }
0x55: {  	_ =	shalt  }
0x56: {  	_ =	shalt  }
0x57: {  	_ =	shalt  }
0x58: {  	_ =	shalt  }
0x59: {  	_ =	shalt  }
0x5a: {  	_ =	shalt  }
0x5b: {  	_ =	shalt  }
0x5c: {  	_ =	shalt  }
0x5d: {  	_ =	shalt  }
0x5e: {  	_ =	shalt  }
0x5f: {  	_ =	shalt  }
0x60: {  	_ =	shalt  }
0x61: {  	_ =	shalt  }
0x62: {  	_ =	shalt  }
0x63: {  	_ =	shalt  }
0x64: {  	_ =	shalt  }
0x65: {  	_ =	shalt  }
0x66: {  	_ =	shalt  }
0x67: {  	_ =	shalt  }
0x68: {  	_ =	shalt  }
0x69: {  	_ =	shalt  }
0x6a: {  	_ =	shalt  }
0x6b: {  	_ =	shalt  }
0x6c: {  	_ =	shalt  }
0x6d: {  	_ =	shalt  }
0x6e: {  	_ =	shalt  }
0x6f: {  	_ =	shalt  }
0x70: {  	_ =	shalt  }
0x71: {  	_ =	shalt  }
0x72: {  	_ =	shalt  }
0x73: {  	_ =	shalt  }
0x74: {  	_ =	shalt  }
0x75: {  	_ =	shalt  }
0x76: {  	_ =	shalt  }
0x77: {  	_ =	shalt  }
0x78: {  	_ =	shalt  }
0x79: {  	_ =	shalt  }
0x7a: {  	_ =	shalt  }
0x7b: {  	_ =	shalt  }
0x7c: {  	_ =	shalt  }
0x7d: {  	_ =	shalt  }
0x7e: {  	_ =	shalt  }
0x7f: {  	_ =	shalt  }
0x80: {  	_ =	shalt  }
0x81: {  	_ =	shalt  }
0x82: {  	_ =	shalt  }
0x83: {  	_ =	shalt  }
0x84: {  	_ =	shalt  }
0x85: {  	_ =	shalt  }
0x86: {  	_ =	shalt  }
0x87: {  	_ =	shalt  }
.Lfunc_end0:
.L_simem_size_0:
called_computation.8_lowered:
.L_overlay_start_0:
0x88: {  	s2 =	sld [smem:$0x3FD9]  }
0x89: {  	s3 =	sld [smem:$0x3FFE];
	_ =	sdelay $0x1  }
0x8a: {  	s1 =	srdreg.scid  }
0x8b: {  	s0 =	sand.u32 $0x1, s1  }
0x8c: {  	s17 =	sshll.u32 s0, $0xA;
	s2 =	sadd.s32 s3, s2  }
0x8d: {  	s2 =	sadd.s32 s2, s17  }
0x8e: {  	[smem:$0x3FBC] =	sst s2  }
0x8f: {  	_ = 	snop  }
0x90: {  	s2 =	sld [smem:$0x3FD0];
	(tm) =	ssettm $0x1  }
0x91: {  	s18 =	sld [smem:$0x3FFB];
	_ =	sdelay $0x3  }
0x92: {  	_ =	strace s18  }
0x93: {  	s3 =	sld [smem:$0x3FFC];
	_ =	sdelay $0x3  }
0x94: {  	_ =	strace s3  }
0x95: {  	s3 =	sld [smem:$0x3FFD];
	_ =	sdelay $0x3  }
0x96: {  	_ =	strace s3  }
0x97: {  	_ =	strace $0x8FFFFFFF  }
0x98: {  	s19 =	sld [smem:$0x3FDB];
	_ =	sdelay $0x1  }
0x99: {  	s4 =	simm.s32 $_scs_section_size  }
0x9a: {  	s5 =	simm.s32 $_size__tile_overlayer_lowered;
	s6 =	simm.s32 $_tile_overlayer_lowered  }
0x9b: {  	s22 =	simm.s32 $0x1BFF;
	s21 =	sshll.u32 s6, $0x1;
	s3 =	sadd.s32 s4, s19  }
0x9c: {  	s7 =	simm.s32 $0x0;
	s20 =	sshll.u32 s5, $0x1;
	s5 =	sadd.s32 s21, s3  }
0x9d: {  	[timem:s7], [sflag:s22] =	dma.local [hbm:s5], s20  }
0x9e: {  	_ =	swait.ge [sflag:s22], s20  }
0x9f: {  	s4 =	ssub.s32 $0x0, s20;
	[sflag:s22] =	ssyncset.done $0x0  }
0xa0: {  	[sflag:s22] =	ssyncadd.s32 s4;
	_ =	sdelay $0x1  }
0xa1: {  	s23 =	simm.s32 $0x1B8B  }
0xa2: {  	_ =	swait.ge [sflag:s23], $0x1  }
0xa3: {  	[sflag:s23] =	ssyncset.done $0x0  }
0xa4: {  	s25 =	simm.s32 $0x1B8E;
	s24 =	sld [smem:$0x3FFE];
	[sflag:s23] =	ssyncadd.s32 $0xFFFFFFFF  }
0xa5: {  	s26 =	simm.s32 $execute0_lowered;
	[smem:$0x3FD2] =	sst s25  }
0xa6: {  	s5 =	sshll.u32 s26, $0x1;
	_ =	strace $0x80000061;
	[dreg:$0x1] =	wrdreg $0xFFFFFFFF  }
0xa7: {  	s28 =	simm.s32 $_size_execute0_lowered;
	s3 =	sadd.s32 s3, s5;
	[dreg:$0x0] =	wrdreg $0x0  }
0xa8: {  	s5 =	sshll.u32 s28, $0x1;
	[dreg:$0x2] =	wrdreg s3  }
0xa9: {  	[dreg:$0x3] =	wrdreg s5  }
0xaa: {  	[dreg:$0x4] =	wrdreg $0xC0  }
0xab: {  	_ =	task [dreg:s7], $0x5FFFF  }
0xac: {  	[dreg:$0x1] =	wrdreg $0xFFFFFFFF  }
0xad: {  	[dreg:$0x0] =	wrdreg $0x60  }
0xae: {  	[dreg:$0x2] =	wrdreg s2  }
0xaf: {  	[dreg:$0x3] =	wrdreg s24  }
0xb0: {  	[dreg:$0x4] =	wrdreg $0xA  }
0xb1: {  	_ =	task.clear_ibuf [dreg:s7], $0x5FFFF;
	_ =	strace $0x90000061  }
0xb2: {  	s29 =	simm.s32 $0xA;
	_ =	strace $0x80000063  }
0xb3: {  	_ =	swait.ge [sflag:s29], $0x1  }
0xb4: {  	[sflag:s29] =	ssyncadd.s32 $0xFFFFFFFF  }
0xb5: {  	_ =	strace $0x90000063  }
0xb6: {  	_ =	sfence  }
0xb7: {  	s30 =	sld [smem:$0x0];
	_ =	sdelay $0x2  }
0xb8: {  	s31 =	sshll.u32 s1, $0xD;
	s1 =	sshrl.u32 s1, $0x2  }
0xb9: {  	s3 =	sand.u32 $0x4000, s31;
	s1 =	sadd.s32 s1, s30  }
0xba: {  	s0 =	sor.u32 s3, s0;
	s1 =	sshll.u32 s1, $0x11  }
0xbb: {  	s0 =	sor.u32 s1, s0  }
0xbc: {  	s0 =	sadd.s32 $0x8F2B, s0  }
0xbd: {  	[sflag:s0] =	ssyncadd.remote.s32 $0x1  }
0xbe: {  	_ =	sfence.sel $0xFFFF  }
0xbf: {  	[dreg:$0x0] =	wrdreg $0xFFFFFFFF;
	(pc) =	sbr.abs _section_cstart, $3  }
0xc0: {  	[dreg:$0x1] =	wrdreg $0xFFFFFFFF  }
0xc1: {  	_ =	task.clear_ibuf [dreg:s7], $0x2FFFF;
	_ =	strace $0x9FFFFFFF  }
0xc2: {  	(tm) =	ssettm $0x7FFFFFFF  }
0xc3: {  	_ =	shalt  }
tec
execute0_lowered:
.L_overlay_start_1:
0x0: {  	(tag) =	ssettag $0x1  }
0x1: {  	s1 =	srdreg.scid;
	s2 =	rddreg [dreg:$0x0]  }
0x2: {  	s0 =	stileid.u32;
	s5 =	rddreg [dreg:$0x1];
	s6 =	simm.s32 $0x1  }
0x3: {  	s9 =	simm.s32 $0x1;
	s10 =	simm.s32 $0x3;
	s1 =	sshll.u32 s1, $0xF  }
0x4: {  	s13 =	simm.s32 $0x0;
	s3 =	sshll.u32 s0, $0x10;
	s4 =	sand.u32 $0x8000, s1  }
0x5: {  	s12 =	simm.s32 $0x0;
	s1 =	rddreg [dreg:$0x2];
	s3 =	sor.u32 s3, s4  }
0x6: {  	_ =	strace $0x80000062;
	s4 =	sadd.s32 $0x200000, s5;
	s8 =	ssub.s32 $0x600000, s3  }
.Ltmp0:
0x7: {  	s5 =	sadd.s32 $0x415E00, s5;
	s7 =	sand.u32 $0xF8000, s8;
	(pc) =	sbr.rel .LBB2_1-.Ltmp0, $4  }
0x8: {  	[sflag:s6] =	ssyncpa.u1 $0x0;
	s11 =	smov.u32 s3;
	p0 =	sne.s32 s7, $0x0  }
0x9: {  	s8 =	sshrl.u32 s8, $0x14;
	s7 =	simm.s32 $0x2;
	s9 =	simm.s32 @!p0 $0x0  }
0xa: {  	[sflag:s7] =	ssyncpa.u1 $0x0;
	p0 =	por $0x0, $0x0;
	s8 =	sadd.s32 s9, s8  }
0xb: {  	vm0 =	vmmov $0xffff;
	[sflag:s10] =	ssyncpa.u1 $0x0;
	s10 =	simm.s32 $0x0;
	s9 =	sadd.s32 $0x1, s8  }
.LBB2_4:
0xc: {  	vm1 =	veq.s32 v1, $0x80000000;
	v5 =	vand.u32 $0x7F, v1;
	v59 =	vand.u32 $0x7FFF80, v1  }
0xd: {  	v5 =	vsel vm1, $0xFFFFFFFF, v5;
	v1 =	vsel vm1, $0xFFFFFF80, v59  }
0xe: {  	v3 =	vor.u32 v4, v3;
	v60 =	vand.u32 $0xFFFFFC00, v1;
	v6 =	vand.u32 $0xFFFFFC00, v5  }
0xf: {  	v2 =	vor.u32 v2, v3;
	v1 =	vand.u32 $0x380, v1;
	v61 =	vadd.s32 v6, v60  }
0x10: {  	v62 =	vand.u32 $0x7F, v5;
	v1 =	vor.u32 v1, v61  }
0x11: {  	v1 =	vor.u32 v62, v1  }
0x12: {  	[tilespmem:s16], [sflag:$0x1] =	stream.indirect_vreg.gather [hbm4b:s2+s10], $0x1, v0, vm0, $0x4038;
	v63 =	vld [tilespmem:$0x0]  }
0x13: {  	(ifvalue) =	ssetifvalue $0x7FFFFFFF  }
0x14: {  	[tilespmem:s15], [sflag:$0x1] =	stream.indirect_vreg.gather [hbm4b:s2+s10], $0x1, v2, vm0, $0x4038;
	v63 =	vld [tilespmem:$0x0]  }
0x15: {  	s29 =	sadd.s32 $0x10, s15;
	(ifvalue) =	ssetifvalue $0x7FFFFFFF  }
0x16: {  	[tilespmem:s29], [sflag:$0x1] =	stream.indirect_vreg.gather [hbm4b:s2+s10], $0x1, v1, vm0, $0x4038;
	v63 =	vld [tilespmem:$0x0]  }
0x17: {  	_ =	swait.ge [sflag:s6], $0x8000  }
0x18: {  	s30 =	sshrl.u32 s13, $0x3;
	[sflag:s6] =	ssyncset.done $0x0  }
0x19: {  	s31 =	sand.u32 $0x7, s13;
	s15 =	sadd.s32 s5, s30;
	[sflag:s6] =	ssyncadd.s32 $0xFFFF8000  }
0x1a: {  	[hbm4b:s15+s31] =	stream.linear.scatter [tilespmem:s14], [sflag:$0x3], $0x8000, $0x38;
	v63 =	vld [tilespmem:$0x0]  }
.LBB2_5:
0x1b: {  	s15 =	sadd.s32 $0x100000, s11  }
0x1c: {  	p2 =	sgt.s32 s15, $0x5FFFFF  }
0x1d: {  	s15 =	smov.u32 @p2 s3;
	p2 =	sne.s32 s12, s9  }
.Ltmp1:
0x1e: {  	p1 =	slt.u32 s12, $0x2;
	(pc) =	sbr.rel @!p2 .LBB2_6-.Ltmp1, $4  }
0x1f: {  	s14 =	simm.s32 @!p1 $0x3  }
0x20: {  	s16 =	sadd.s32 $0x1, s12;
	_ =	swait.ge @!p1 [sflag:s14], $0x8000  }
0x21: {  	s13 =	smov.u32 s11;
	p0 =	por !p0, !p0;
	[sflag:s14] =	ssyncset.done @!p1 $0x0  }
0x22: {  	s12 =	smov.u32 s16;
	s11 =	smov.u32 s15;
	[sflag:s14] =	ssyncadd.s32 @!p1 $0xFFFF8000  }
.LBB2_1:
0x23: {  	p1 =	sge.u32 s12, s8  }
0x24: {  	s14 =	sxor.u32 @!p1 $0xFFFFFFFF, s12  }
0x25: {  	s31 =	sadd.s32 $0xFFFFFFFF, s12;
	s15 =	sshrl.u32 @!p1 s11, $0x3;
	s14 =	sshll.u32 @!p1 s14, $0xF  }
0x26: {  	s16 =	sand.u32 @!p1 $0x7, s11;
	s15 =	sadd.s32 @!p1 s4, s15;
	s14 =	sand.u32 @!p1 $0x8000, s14  }
0x27: {  	[tilespmem:s14], [sflag:$0x2] =	stream.linear.gather @!p1 [hbm4b:s15+s16], $0x8000, $0x38;
	v63 =	vld [tilespmem:$0x0]  }
0x28: {  	p1 =	sge.u32 s31, s8  }
.Ltmp2:
0x29: {  	_ = 	snop;
	(pc) =	sbr.rel @p1 .LBB2_5-.Ltmp2, $1  }
0x2a: {  	_ =	sdelay $0x3  }
0x2b: {  	s14 =	simm.s32 $0x1  }
0x2c: {  	_ =	swait.ge [sflag:s7], $0x8000;
	s14 =	simm.s32 @!p0 $0x0  }
0x2d: {  	[sflag:s7] =	ssyncset.done $0x0;
	s14 =	sshll.u32 s14, $0xF  }
0x2e: {  	[sflag:s7] =	ssyncadd.s32 $0xFFFF8000;
	(ifvalue) =	ssetifvalue $0x7FFFFFFF;
	v0 =	vld.msk [tilespmem:s14+$0x0 ss:$0x1], $0xffff;
	_ =	sdelay $0x4  }
0x2f: {  	s15 =	sadd.s32 $0x10, s14;
	vm1 =	veq.s32 v0, $0x80000000;
	v2 =	vand.u32 $0x7F, v0;
	v0 =	vand.u32 $0x7FFF80, v0  }
0x30: {  	v1 =	vld.msk [tilespmem:s15+$0x0 ss:$0x1], $0xffff;
	v2 =	vsel vm1, $0xFFFFFFFF, v2;
	v0 =	vsel vm1, $0xFFFFFF80, v0  }
0x31: {  	v3 =	vand.u32 $0xFFFFFC00, v0;
	v4 =	vand.u32 $0xFFFFFC00, v2  }
0x32: {  	v0 =	vand.u32 $0x380, v0;
	v3 =	vadd.s32 v4, v3  }
0x33: {  	v2 =	vand.u32 $0x7F, v2;
	v0 =	vor.u32 v0, v3  }
0x34: {  	v0 =	vor.u32 v2, v0  }
0x35: {  	s16 =	sshll.u32 s12, $0xF;
	vm1 =	veq.s32 v1, $0x80000000;
	v4 =	vand.u32 $0x7F, v1;
	v1 =	vand.u32 $0x7FFF80, v1  }
0x36: {  	s18 =	sand.u32 $0x8000, s16;
	v3 =	vsel vm1, $0xFFFFFFFF, v4;
	v4 =	vsel vm1, $0xFFFFFF80, v1  }
0x37: {  	s16 =	sor.u32 $0x10000, s14;
	s14 =	sor.u32 $0x10000, s18;
	s17 =	sadd.s32 $0x10, s15;
	v5 =	vand.u32 $0xFFFFFC00, v4;
	v6 =	vand.u32 $0xFFFFFC00, v3  }
0x38: {  	s18 =	simm.s32 $0x20;
	s15 =	sadd.s32 $0x10, s16;
	v1 =	vld.msk [tilespmem:s17+$0x0 ss:$0x1], $0xffff;
	(ifvalue) =	ssetifvalue $0x7FFFFFFF;
	v2 =	vand.u32 $0x7F, v3;
	v4 =	vand.u32 $0x380, v4;
	v3 =	vadd.s32 v6, v5  }
.LBB2_3:
0x39: {  	[tilespmem:s16], [sflag:$0x1] =	stream.indirect_vreg.gather [hbm4b:s2+s10], $0x1, v0, vm0, $0x4038;
	v63 =	vld [tilespmem:$0x0]  }
0x3a: {  	s18 =	sadd.s32 $0x10, s18  }
0x3b: {  	v3 =	vor.u32 v4, v3;
	p1 =	slt.u32 s18, $0x7FF0  }
.Ltmp3:
0x3c: {  	s17 =	sadd.s32 $0x10, s17;
	v0 =	vor.u32 v2, v3;
	(pc) =	sbr.rel @p1 .LBB2_3-.Ltmp3, $4  }
0x3d: {  	vm1 =	veq.s32 v1, $0x80000000;
	s16 =	smov.u32 s15;
	v2 =	vand.u32 $0x7F, v1;
	v3 =	vand.u32 $0x7FFF80, v1;
	v1 =	vld.msk [tilespmem:s17+$0x0 ss:$0x1], $0xffff  }
0x3e: {  	v4 =	vsel vm1, $0xFFFFFFFF, v2;
	v5 =	vsel vm1, $0xFFFFFF80, v3  }
0x3f: {  	v2 =	vand.u32 $0x7F, v4;
	v3 =	vand.u32 $0xFFFFFC00, v5;
	v4 =	vand.u32 $0xFFFFFC00, v4  }
0x40: {  	s15 =	sadd.s32 $0x10, s15;
	v3 =	vadd.s32 v4, v3;
	v4 =	vand.u32 $0x380, v5;
	(ifvalue) =	ssetifvalue $0x7FFFFFFF  }
.Ltmp4:
0x41: {  	_ = 	snop;
	(pc) =	sbr.rel .LBB2_4-.Ltmp4, $1  }
0x42: {  	_ =	sdelay $0x3  }
.LBB2_6:
0x43: {  	_ =	sfence.sel $0x180000  }
0x44: {  	s2 =	simm.s32 $0x2;
	[bflag:$0x0] =	sbarrier.arrive $0xFFFF  }
0x45: {  	s30 =	simm.s32 $0x3;
	[sflag:s2] =	ssyncpa.u1 $0x1  }
0x46: {  	s31 =	simm.s32 $0x1;
	[sflag:s30] =	ssyncpa.u1 $0x1  }
0x47: {  	[sflag:s31] =	ssyncpa.u1 $0x1  }
0x48: {  	p0 =	sne.s32 s0, $0x0;
	_ =	strace $0x90000062  }
0x49: {  	s0 =	sadd.s32 @!p0 $0x100000, s1;
	[bflag:$0x2] =	sbarrier.arrive $0xFFFF  }
0x4a: {  	[sflag:s0] =	ssyncadd.tile.s32 @!p0 $0x1;
	_ =	shalt  }
.Lfunc_end2:
_tile_overlayer_lowered:
.L_overlay_start_2:
0x4b: {  	(tag) =	ssettag $0x2  }
0x4c: {  	s0 =	rddreg [dreg:$0x0];
	s2 =	stileid.u32  }
0x4d: {  	s1 =	rddreg [dreg:$0x1];
	p0 =	sne.s32 s2, $0x0  }
0x4e: {  	s3 =	rddreg [dreg:$0x2];
	[bflag:$0x3] =	sbarrier.arrive $0xFFFF;
	s2 =	simm.s32 @!p0 $0x1C01  }
0x4f: {  	[timem:s3], [sflag:s2] =	dma.local @!p0 [hbm:s0], s1  }
0x50: {  	s0 =	simm.s32 @!p0 $0x1  }
0x51: {  	_ =	swait.ge @!p0 [sflag:s0], s1  }
0x52: {  	s1 =	ssub.s32 @!p0 $0x0, s1;
	[sflag:s0] =	ssyncset.done @!p0 $0x0  }
0x53: {  	[sflag:s0] =	ssyncadd.s32 @!p0 s1  }
0x54: {  	[bflag:$0x3] =	sbarrier.arrive $0xFFFF  }
0x55: {  	_ =	shalt  }

// kernel: gather_offload_async_start.4
scs
__scs_entry_jumppad:
0x0: {  	(pc) =	sbr.rel $0x88, $3  }
0x1: {  	(tag) =	ssettag $0x0;
	lr =	simm.s32 $0x1  }
0x2: {  	[smem:$0x3F95] =	sst lr;
	_ =	strace $0xD0000000  }
0x3: {  	_ = 	snop  }
0x4: {  	_ = 	snop  }
0x5: {  	_ = 	snop  }
0x6: {  	_ = 	snop  }
0x7: {  	_ = 	snop  }
__scs_overlays_trampoline_lowered:
0x8: {  	[smem:$0x3FA4] =	sst s0  }
0x9: {  	[smem:$0x3FA5] =	sst s1  }
0xa: {  	[smem:$0x3FA6] =	sst s2  }
0xb: {  	[smem:$0x3FA7] =	sst s3  }
0xc: {  	[smem:$0x3FA8] =	sst s4  }
0xd: {  	[smem:$0x3FA9] =	sst s5  }
0xe: {  	[smem:$0x3FAA] =	sst s6  }
0xf: {  	[smem:$0x3FAB] =	sst s7  }
0x10: {  	[smem:$0x3FAC] =	sst s8  }
0x11: {  	[smem:$0x3FAD] =	sst s9;
	s0 =	simm.s32 @!p0 $0x0  }
0x12: {  	s1 =	sld [smem:$0x3F93];
	s0 =	simm.s32 @p0 $0x1  }
0x13: {  	[smem:$0x3FAE] =	sst s0;
	s0 =	simm.s32 @!p1 $0x0  }
0x14: {  	s2 =	sld [smem:$0x3F92];
	s0 =	simm.s32 @p1 $0x1  }
0x15: {  	[smem:$0x3FAF] =	sst s0;
	s0 =	simm.s32 @!p2 $0x0  }
0x16: {  	s3 =	sld [smem:$0x3FDB];
	s0 =	simm.s32 @p2 $0x1  }
0x17: {  	s4 =	simm.s32 $0x1BF5;
	[smem:$0x3FB1] =	sst s0  }
0x18: {  	s0 =	sld [smem:$0x3F94];
	_ =	swait.ge [sflag:s4], $0x0  }
0x19: {  	s7 =	sld [smem:$0x3F95]  }
0x1a: {  	s8 =	sadd.s32 $0xFFFFE003, lr  }
0x1b: {  	s9 =	sadd.s32 $0xFFFFFEF7, lr;
	s5 =	simm.s32 $0xFFFFFFFF;
	p2 =	slt.u32 s8, $0xFFFFF086  }
0x1c: {  	p1 =	slt.u32 s9, $0xF7A;
	s5 =	simm.s32 @!p2 $0x0  }
0x1d: {  	s5 =	simm.s32 @p1 $0x1;
	p0 =	seq.s32 s7, s2  }
0x1e: {  	s7 =	smul.u32 @!p0 $0xF7A, s2;
	p2 =	seq.s32 @!p0 s5, $0x0  }
0x1f: {  	s9 =	smul.u32 $0xF7A, s1;
	s8 =	simm.s32 @!p0 $0x1BF5;
	p2 =	por !p2, p0  }
0x20: {  	[sflag:s8] =	ssyncset.s32 @!p0 $0xFFFFF086;
	s6 =	sadd.s32 @!p0 s3, s7;
	s7 =	simm.s32 @!p0 $0x108  }
0x21: {  	s3 =	sadd.s32 s3, s9;
	s6 =	sadd.s32 @!p0 $0x88, s6;
	s7 =	simm.s32 @p2 $0x1082  }
0x22: {  	[simem:s7], [sflag:s8] =	dma.local @!p0 [hbm:s6], $0xF7A  }
0x23: {  	s9 =	sor.u32 $0xD0000000, s2;
	s6 =	simm.s32 $0x108;
	_ =	swait.ge @!p0 [sflag:s8], $0x0  }
0x24: {  	s3 =	sadd.s32 $0x88, s3;
	s6 =	simm.s32 @!p1 $0x1082;
	[sflag:s4] =	ssyncset.s32 $0xFFFFF086  }
0x25: {  	[simem:s6], [sflag:s4] =	dma.local [hbm:s3], $0xF7A  }
0x26: {  	[smem:$0x3F95] =	sst s1;
	(tag) =	ssettag s2;
	_ =	strace s9  }
0x27: {  	s1 =	sld [smem:$0x3FA5]  }
0x28: {  	s2 =	sld [smem:$0x3FA6]  }
0x29: {  	s4 =	sld [smem:$0x3FA8]  }
0x2a: {  	p0 =	seq.s32 s5, $0x0;
	s5 =	sld [smem:$0x3FA9]  }
0x2b: {  	s6 =	sld [smem:$0x3FAA]  }
0x2c: {  	s7 =	sld [smem:$0x3FAB]  }
0x2d: {  	s3 =	simm.s32 $0x108;
	s8 =	sld [smem:$0x3FAC]  }
0x2e: {  	s3 =	simm.s32 @!p0 $0x1082;
	s9 =	sld [smem:$0x3FAD]  }
0x2f: {  	lr =	sadd.s32 s0, s3;
	s0 =	sld [smem:$0x3FA4]  }
0x30: {  	s3 =	sld [smem:$0x3FA7]  }
0x31: {  	[smem:$0x3FB0] =	sst s10  }
0x32: {  	s10 =	sld [smem:$0x3FAE];
	_ =	sdelay $0x3  }
0x33: {  	p0 =	seq.s32 s10, $0x1;
	s10 =	sld [smem:$0x3FB0];
	_ =	sdelay $0x3  }
0x34: {  	[smem:$0x3FB0] =	sst s10  }
0x35: {  	s10 =	sld [smem:$0x3FAF];
	_ =	sdelay $0x3  }
0x36: {  	p1 =	seq.s32 s10, $0x1;
	s10 =	sld [smem:$0x3FB0];
	_ =	sdelay $0x3  }
0x37: {  	[smem:$0x3FB0] =	sst s10  }
0x38: {  	s10 =	sld [smem:$0x3FB1]  }
0x39: {  	_ = 	snop;
	(pc) =	sbr.ind lr, $3  }
0x3a: {  	_ = 	snop  }
0x3b: {  	_ = 	snop  }
0x3c: {  	p2 =	seq.s32 s10, $0x1;
	s10 =	sld [smem:$0x3FB0]  }
0x3d: {  	_ =	shalt  }
0x3e: {  	_ =	shalt  }
0x3f: {  	_ =	shalt  }
0x40: {  	_ =	shalt  }
0x41: {  	_ =	shalt  }
0x42: {  	_ =	shalt  }
0x43: {  	_ =	shalt  }
0x44: {  	_ =	shalt  }
0x45: {  	_ =	shalt  }
0x46: {  	_ =	shalt  }
0x47: {  	_ =	shalt  }
0x48: {  	_ =	shalt  }
0x49: {  	_ =	shalt  }
0x4a: {  	_ =	shalt  }
0x4b: {  	_ =	shalt  }
0x4c: {  	_ =	shalt  }
0x4d: {  	_ =	shalt  }
0x4e: {  	_ =	shalt  }
0x4f: {  	_ =	shalt  }
0x50: {  	_ =	shalt  }
0x51: {  	_ =	shalt  }
0x52: {  	_ =	shalt  }
0x53: {  	_ =	shalt  }
0x54: {  	_ =	shalt  }
0x55: {  	_ =	shalt  }
0x56: {  	_ =	shalt  }
0x57: {  	_ =	shalt  }
0x58: {  	_ =	shalt  }
0x59: {  	_ =	shalt  }
0x5a: {  	_ =	shalt  }
0x5b: {  	_ =	shalt  }
0x5c: {  	_ =	shalt  }
0x5d: {  	_ =	shalt  }
0x5e: {  	_ =	shalt  }
0x5f: {  	_ =	shalt  }
0x60: {  	_ =	shalt  }
0x61: {  	_ =	shalt  }
0x62: {  	_ =	shalt  }
0x63: {  	_ =	shalt  }
0x64: {  	_ =	shalt  }
0x65: {  	_ =	shalt  }
0x66: {  	_ =	shalt  }
0x67: {  	_ =	shalt  }
0x68: {  	_ =	shalt  }
0x69: {  	_ =	shalt  }
0x6a: {  	_ =	shalt  }
0x6b: {  	_ =	shalt  }
0x6c: {  	_ =	shalt  }
0x6d: {  	_ =	shalt  }
0x6e: {  	_ =	shalt  }
0x6f: {  	_ =	shalt  }
0x70: {  	_ =	shalt  }
0x71: {  	_ =	shalt  }
0x72: {  	_ =	shalt  }
0x73: {  	_ =	shalt  }
0x74: {  	_ =	shalt  }
0x75: {  	_ =	shalt  }
0x76: {  	_ =	shalt  }
0x77: {  	_ =	shalt  }
0x78: {  	_ =	shalt  }
0x79: {  	_ =	shalt  }
0x7a: {  	_ =	shalt  }
0x7b: {  	_ =	shalt  }
0x7c: {  	_ =	shalt  }
0x7d: {  	_ =	shalt  }
0x7e: {  	_ =	shalt  }
0x7f: {  	_ =	shalt  }
0x80: {  	_ =	shalt  }
0x81: {  	_ =	shalt  }
0x82: {  	_ =	shalt  }
0x83: {  	_ =	shalt  }
0x84: {  	_ =	shalt  }
0x85: {  	_ =	shalt  }
0x86: {  	_ =	shalt  }
0x87: {  	_ =	shalt  }
.Lfunc_end0:
.L_simem_size_0:
called_computation.9_lowered:
.L_overlay_start_0:
0x88: {  	s2 =	sld [smem:$0x3FD9]  }
0x89: {  	s3 =	sld [smem:$0x3FFE];
	_ =	sdelay $0x1  }
0x8a: {  	s1 =	srdreg.scid  }
0x8b: {  	s0 =	sand.u32 $0x1, s1  }
0x8c: {  	s16 =	sshll.u32 s0, $0xA;
	s2 =	sadd.s32 s3, s2  }
0x8d: {  	s2 =	sadd.s32 s2, s16  }
0x8e: {  	[smem:$0x3FBC] =	sst s2  }
0x8f: {  	_ = 	snop  }
0x90: {  	(tm) =	ssettm $0x1  }
0x91: {  	s17 =	sld [smem:$0x3FFB];
	_ =	sdelay $0x3  }
0x92: {  	_ =	strace s17  }
0x93: {  	s2 =	sld [smem:$0x3FFC];
	_ =	sdelay $0x3  }
0x94: {  	_ =	strace s2  }
0x95: {  	s2 =	sld [smem:$0x3FFD];
	_ =	sdelay $0x3  }
0x96: {  	_ =	strace s2  }
0x97: {  	_ =	strace $0x8FFFFFFF  }
0x98: {  	s18 =	sld [smem:$0x3FDB];
	_ =	sdelay $0x1  }
0x99: {  	s19 =	simm.s32 $_scs_section_size  }
0x9a: {  	s4 =	simm.s32 $_size__tile_overlayer_lowered;
	s5 =	simm.s32 $_tile_overlayer_lowered  }
0x9b: {  	s22 =	simm.s32 $0x1BFF;
	s21 =	sshll.u32 s5, $0x1;
	s2 =	sadd.s32 s19, s18  }
0x9c: {  	s6 =	simm.s32 $0x0;
	s20 =	sshll.u32 s4, $0x1;
	s4 =	sadd.s32 s21, s2  }
0x9d: {  	[timem:s6], [sflag:s22] =	dma.local [hbm:s4], s20  }
0x9e: {  	_ =	swait.ge [sflag:s22], s20  }
0x9f: {  	s3 =	ssub.s32 $0x0, s20;
	[sflag:s22] =	ssyncset.done $0x0  }
0xa0: {  	[sflag:s22] =	ssyncadd.s32 s3;
	_ =	sdelay $0x1  }
0xa1: {  	s23 =	simm.s32 $0x1B8B  }
0xa2: {  	_ =	swait.ge [sflag:s23], $0x1  }
0xa3: {  	[sflag:s23] =	ssyncset.done $0x0  }
0xa4: {  	s25 =	simm.s32 $0x1B8E;
	s24 =	sld [smem:$0x3FFE];
	[sflag:s23] =	ssyncadd.s32 $0xFFFFFFFF  }
0xa5: {  	s26 =	simm.s32 $execute0_lowered;
	[smem:$0x3FD2] =	sst s25  }
0xa6: {  	s4 =	sshll.u32 s26, $0x1;
	_ =	strace $0x80000049;
	[dreg:$0x1] =	wrdreg $0xFFFFFFFF  }
0xa7: {  	s28 =	simm.s32 $_size_execute0_lowered;
	s2 =	sadd.s32 s2, s4;
	[dreg:$0x0] =	wrdreg $0x0  }
0xa8: {  	s4 =	sshll.u32 s28, $0x1;
	[dreg:$0x2] =	wrdreg s2  }
0xa9: {  	[dreg:$0x3] =	wrdreg s4  }
0xaa: {  	[dreg:$0x4] =	wrdreg $0xC0  }
0xab: {  	_ =	task [dreg:s6], $0x5FFFF  }
0xac: {  	[dreg:$0x1] =	wrdreg $0xFFFFFFFF  }
0xad: {  	[dreg:$0x0] =	wrdreg $0x60  }
0xae: {  	[dreg:$0x2] =	wrdreg s24  }
0xaf: {  	[dreg:$0x3] =	wrdreg $0x9  }
0xb0: {  	_ =	task.clear_ibuf [dreg:s6], $0x4FFFF;
	_ =	strace $0x90000049  }
0xb1: {  	s29 =	simm.s32 $0x9;
	_ =	strace $0x8000004B  }
0xb2: {  	_ =	swait.ge [sflag:s29], $0x1  }
0xb3: {  	[sflag:s29] =	ssyncadd.s32 $0xFFFFFFFF  }
0xb4: {  	_ =	strace $0x9000004B  }
0xb5: {  	_ =	sfence  }
0xb6: {  	s30 =	sld [smem:$0x0];
	_ =	sdelay $0x2  }
0xb7: {  	s31 =	sshll.u32 s1, $0xD;
	s1 =	sshrl.u32 s1, $0x2  }
0xb8: {  	s3 =	sand.u32 $0x4000, s31;
	s1 =	sadd.s32 s1, s30  }
0xb9: {  	s0 =	sor.u32 s3, s0;
	s1 =	sshll.u32 s1, $0x11  }
0xba: {  	s0 =	sor.u32 s1, s0  }
0xbb: {  	s0 =	sadd.s32 $0x8F2B, s0  }
0xbc: {  	[sflag:s0] =	ssyncadd.remote.s32 $0x1  }
0xbd: {  	_ =	sfence.sel $0xFFFF  }
0xbe: {  	[dreg:$0x0] =	wrdreg $0xFFFFFFFF;
	(pc) =	sbr.abs _section_cstart, $3  }
0xbf: {  	[dreg:$0x1] =	wrdreg $0xFFFFFFFF  }
0xc0: {  	_ =	task.clear_ibuf [dreg:s6], $0x2FFFF;
	_ =	strace $0x9FFFFFFF  }
0xc1: {  	(tm) =	ssettm $0x7FFFFFFF  }
tec
execute0_lowered:
.L_overlay_start_1:
0x0: {  	(tag) =	ssettag $0x1  }
0x1: {  	s0 =	srdreg.scid;
	s5 =	rddreg [dreg:$0x0]  }
0x2: {  	s1 =	stileid.u32;
	s6 =	simm.s32 $0x1;
	s9 =	simm.s32 $0x1  }
0x3: {  	s10 =	simm.s32 $0x3;
	s13 =	simm.s32 $0x0;
	s2 =	sshll.u32 s0, $0xA  }
0x4: {  	s12 =	simm.s32 $0x0;
	s3 =	sshll.u32 s1, $0xB;
	s4 =	sand.u32 $0x400, s2  }
0x5: {  	s0 =	rddreg [dreg:$0x1];
	_ =	strace $0x8000004A;
	s3 =	sor.u32 s3, s4  }
0x6: {  	s2 =	sadd.s32 $0x40BC00, s5;
	[sflag:s6] =	ssyncpa.u1 $0x0;
	s8 =	ssub.s32 $0x10000, s3  }
.Ltmp0:
0x7: {  	s4 =	sadd.s32 $0x400400, s5;
	s7 =	sand.u32 $0x7C00, s8;
	(pc) =	sbr.rel .LBB2_1-.Ltmp0, $4  }
0x8: {  	s5 =	sadd.s32 $0x415E00, s5;
	s11 =	smov.u32 s3;
	p0 =	sne.s32 s7, $0x0  }
0x9: {  	s8 =	sshrl.u32 s8, $0xF;
	s7 =	simm.s32 $0x2;
	s9 =	simm.s32 @!p0 $0x0  }
0xa: {  	[sflag:s7] =	ssyncpa.u1 $0x0;
	p0 =	por $0x0, $0x0;
	s8 =	sadd.s32 s9, s8  }
0xb: {  	vm0 =	vmmov $0xffff;
	[sflag:s10] =	ssyncpa.u1 $0x0;
	s10 =	simm.s32 $0x0;
	s9 =	sadd.s32 $0x1, s8  }
.LBB2_4:
0xc: {  	v5 =	vld.msk [tilespmem:s18+$0x0 ss:$0x1], $0xffff  }
0xd: {  	v6 =	vand.u32 $0x3, v1;
	v7 =	vshrl.u32 v1, $0x2  }
0xe: {  	v3 =	vor.u32 v4, v3;
	vm1 =	veq.s32 v1, $0x80000000;
	v53 =	vand.u32 $0xFFFF, v7  }
0xf: {  	v2 =	vor.u32 v2, v3;
	v54 =	vsel vm1, $0xFFFFFFFF, v6;
	v1 =	vsel vm1, $0xFFFFFFFF, v53  }
0x10: {  	v6 =	vshll.u32 v54, $0x7;
	v3 =	vand.u32 $0xFFFC0000, v54;
	v55 =	vand.u32 $0x7F, v1  }
0x11: {  	v1 =	vshll.u32 v1, $0x2;
	v6 =	vand.u32 $0x180, v6;
	v56 =	vshrl.u32 v5, $0x2  }
0x12: {  	v1 =	vand.u32 $0xFFFFFE00, v1;
	vm1 =	veq.s32 v5, $0x80000000;
	v57 =	vand.u32 $0xFFFF, v56  }
0x13: {  	v1 =	vadd.s32 v3, v1;
	v5 =	vand.u32 $0x3, v5;
	v3 =	vsel vm1, $0xFFFFFFFF, v57  }
0x14: {  	v1 =	vor.u32 v6, v1;
	v5 =	vsel vm1, $0xFFFFFFFF, v5;
	v58 =	vshll.u32 v3, $0x2  }
0x15: {  	v59 =	vshll.u32 v5, $0x7;
	v5 =	vand.u32 $0xFFFC0000, v5;
	v6 =	vand.u32 $0xFFFFFE00, v58  }
0x16: {  	v1 =	vor.u32 v55, v1;
	v61 =	vand.u32 $0x180, v59;
	v60 =	vadd.s32 v5, v6  }
0x17: {  	[tilespmem:s16], [sflag:$0x1] =	stream.indirect_vreg.gather [hbm4b:s2+s10], $0x1, v0, vm0, $0x4038;
	v62 =	vand.u32 $0x7F, v3;
	v63 =	vor.u32 v61, v60;
	[tilespmem:$0x1000] =	vst v63  }
0x18: {  	(ifvalue) =	ssetifvalue $0x7FFFFFFF;
	v0 =	vor.u32 v62, v63  }
0x19: {  	[tilespmem:s15], [sflag:$0x1] =	stream.indirect_vreg.gather [hbm4b:s2+s10], $0x1, v2, vm0, $0x4038;
	[tilespmem:$0x1000] =	vst v63  }
0x1a: {  	s29 =	sadd.s32 $0x10, s15;
	(ifvalue) =	ssetifvalue $0x7FFFFFFF  }
0x1b: {  	[tilespmem:s29], [sflag:$0x1] =	stream.indirect_vreg.gather [hbm4b:s2+s10], $0x1, v1, vm0, $0x4038;
	[tilespmem:$0x1000] =	vst v63  }
0x1c: {  	s15 =	sadd.s32 $0x10, s29;
	(ifvalue) =	ssetifvalue $0x7FFFFFFF  }
0x1d: {  	[tilespmem:s15], [sflag:$0x1] =	stream.indirect_vreg.gather [hbm4b:s2+s10], $0x1, v0, vm0, $0x4038;
	[tilespmem:$0x1000] =	vst v63  }
0x1e: {  	_ =	swait.ge [sflag:s6], $0x400  }
0x1f: {  	s30 =	sshrl.u32 s13, $0x3;
	[sflag:s6] =	ssyncset.done $0x0  }
0x20: {  	s31 =	sand.u32 $0x7, s13;
	s15 =	sadd.s32 s5, s30;
	[sflag:s6] =	ssyncadd.s32 $0xFFFFFC00  }
0x21: {  	[hbm4b:s15+s31] =	stream.linear.scatter [tilespmem:s14], [sflag:$0x3], $0x400, $0x38;
	[tilespmem:$0x1000] =	vst v63  }
.LBB2_5:
0x22: {  	s15 =	sadd.s32 $0x8000, s11  }
0x23: {  	p2 =	sgt.s32 s15, $0xFFFF  }
0x24: {  	s15 =	smov.u32 @p2 s3;
	p2 =	sne.s32 s12, s9  }
.Ltmp1:
0x25: {  	p1 =	slt.u32 s12, $0x2;
	(pc) =	sbr.rel @!p2 .LBB2_6-.Ltmp1, $4  }
0x26: {  	s14 =	simm.s32 @!p1 $0x3  }
0x27: {  	s16 =	sadd.s32 $0x1, s12;
	_ =	swait.ge @!p1 [sflag:s14], $0x400  }
0x28: {  	s13 =	smov.u32 s11;
	p0 =	por !p0, !p0;
	[sflag:s14] =	ssyncset.done @!p1 $0x0  }
0x29: {  	s12 =	smov.u32 s16;
	s11 =	smov.u32 s15;
	[sflag:s14] =	ssyncadd.s32 @!p1 $0xFFFFFC00  }
.LBB2_1:
0x2a: {  	p1 =	sge.u32 s12, s8  }
0x2b: {  	s14 =	sxor.u32 @!p1 $0xFFFFFFFF, s12  }
0x2c: {  	s31 =	sadd.s32 $0xFFFFFFFF, s12;
	s15 =	sshrl.u32 @!p1 s11, $0x3;
	s14 =	sshll.u32 @!p1 s14, $0xA  }
0x2d: {  	s16 =	sand.u32 @!p1 $0x7, s11;
	s15 =	sadd.s32 @!p1 s4, s15;
	s14 =	sand.u32 @!p1 $0x400, s14  }
0x2e: {  	[tilespmem:s14], [sflag:$0x2] =	stream.linear.gather @!p1 [hbm4b:s15+s16], $0x400, $0x38;
	[tilespmem:$0x1000] =	vst v63  }
0x2f: {  	p1 =	sge.u32 s31, s8  }
.Ltmp2:
0x30: {  	_ = 	snop;
	(pc) =	sbr.rel @p1 .LBB2_5-.Ltmp2, $1  }
0x31: {  	_ =	sdelay $0x3  }
0x32: {  	s14 =	simm.s32 $0x1  }
0x33: {  	_ =	swait.ge [sflag:s7], $0x400;
	s14 =	simm.s32 @!p0 $0x0  }
0x34: {  	[sflag:s7] =	ssyncset.done $0x0;
	s14 =	sshll.u32 s14, $0xA  }
0x35: {  	[sflag:s7] =	ssyncadd.s32 $0xFFFFFC00;
	(ifvalue) =	ssetifvalue $0x7FFFFFFF;
	v0 =	vld.msk [tilespmem:s14+$0x0 ss:$0x1], $0xffff;
	_ =	sdelay $0x4  }
0x36: {  	s15 =	sadd.s32 $0x10, s14;
	v2 =	vshrl.u32 v0, $0x2  }
0x37: {  	v1 =	vld.msk [tilespmem:s15+$0x0 ss:$0x1], $0xffff;
	vm1 =	veq.s32 v0, $0x80000000;
	v2 =	vand.u32 $0xFFFF, v2  }
0x38: {  	v0 =	vand.u32 $0x3, v0;
	v2 =	vsel vm1, $0xFFFFFFFF, v2  }
0x39: {  	v0 =	vsel vm1, $0xFFFFFFFF, v0;
	v3 =	vshll.u32 v2, $0x2  }
0x3a: {  	v4 =	vand.u32 $0xFFFC0000, v0;
	v0 =	vshll.u32 v0, $0x7;
	v3 =	vand.u32 $0xFFFFFE00, v3  }
0x3b: {  	v0 =	vand.u32 $0x180, v0;
	v3 =	vadd.s32 v4, v3  }
0x3c: {  	v2 =	vand.u32 $0x7F, v2;
	v4 =	vshrl.u32 v1, $0x2;
	v0 =	vor.u32 v0, v3  }
0x3d: {  	vm1 =	veq.s32 v1, $0x80000000;
	v4 =	vand.u32 $0xFFFF, v4;
	v0 =	vor.u32 v2, v0  }
0x3e: {  	s16 =	sshll.u32 s12, $0xA;
	s15 =	sadd.s32 $0x10, s15;
	v1 =	vand.u32 $0x3, v1;
	v3 =	vsel vm1, $0xFFFFFFFF, v4  }
0x3f: {  	s17 =	sand.u32 $0x400, s16;
	v2 =	vsel vm1, $0xFFFFFFFF, v1;
	v1 =	vld.msk [tilespmem:s15+$0x0 ss:$0x1], $0xffff;
	v4 =	vshll.u32 v3, $0x2  }
0x40: {  	s16 =	sor.u32 $0x800, s14;
	s14 =	sor.u32 $0x800, s17;
	s17 =	simm.s32 $0x30;
	v5 =	vshll.u32 v2, $0x7;
	v6 =	vand.u32 $0xFFFC0000, v2;
	v4 =	vand.u32 $0xFFFFFE00, v4  }
0x41: {  	s18 =	sadd.s32 $0x10, s15;
	(ifvalue) =	ssetifvalue $0x7FFFFFFF;
	s15 =	sadd.s32 $0x10, s16;
	v2 =	vand.u32 $0x7F, v3;
	v3 =	vadd.s32 v6, v4;
	v4 =	vand.u32 $0x180, v5  }
.LBB2_3:
0x42: {  	[tilespmem:s16], [sflag:$0x1] =	stream.indirect_vreg.gather [hbm4b:s2+s10], $0x1, v0, vm0, $0x4038;
	[tilespmem:$0x1000] =	vst v63  }
0x43: {  	s17 =	sadd.s32 $0x10, s17  }
0x44: {  	v5 =	vand.u32 $0x3, v1;
	v6 =	vshrl.u32 v1, $0x2;
	v3 =	vor.u32 v4, v3;
	v0 =	vmovc v1;
	v1 =	vld.msk [tilespmem:s18+$0x0 ss:$0x1], $0xffff;
	p1 =	slt.u32 s17, $0x3F0  }
.Ltmp3:
0x45: {  	s16 =	smov.u32 s15;
	vm1 =	veq.s32 v0, $0x80000000;
	v4 =	vand.u32 $0xFFFF, v6;
	v0 =	vor.u32 v2, v3;
	(pc) =	sbr.rel @p1 .LBB2_3-.Ltmp3, $4  }
0x46: {  	v3 =	vsel vm1, $0xFFFFFFFF, v5;
	v4 =	vsel vm1, $0xFFFFFFFF, v4  }
0x47: {  	v2 =	vand.u32 $0x7F, v4;
	v4 =	vshll.u32 v4, $0x2;
	v5 =	vshll.u32 v3, $0x7  }
0x48: {  	v3 =	vand.u32 $0xFFFC0000, v3;
	v4 =	vand.u32 $0xFFFFFE00, v4  }
0x49: {  	s18 =	sadd.s32 $0x10, s18;
	s15 =	sadd.s32 $0x10, s15;
	v3 =	vadd.s32 v3, v4;
	v4 =	vand.u32 $0x180, v5;
	(ifvalue) =	ssetifvalue $0x7FFFFFFF  }
.Ltmp4:
0x4a: {  	_ = 	snop;
	(pc) =	sbr.rel .LBB2_4-.Ltmp4, $1  }
0x4b: {  	_ =	sdelay $0x3  }
.LBB2_6:
0x4c: {  	_ =	sfence.sel $0x180000  }
0x4d: {  	s2 =	simm.s32 $0x2;
	[bflag:$0x0] =	sbarrier.arrive $0xFFFF  }
0x4e: {  	s30 =	simm.s32 $0x3;
	[sflag:s2] =	ssyncpa.u1 $0x1  }
0x4f: {  	s31 =	simm.s32 $0x1;
	[sflag:s30] =	ssyncpa.u1 $0x1  }
0x50: {  	[sflag:s31] =	ssyncpa.u1 $0x1  }
0x51: {  	p0 =	sne.s32 s1, $0x0;
	_ =	strace $0x9000004A  }
0x52: {  	s0 =	sadd.s32 @!p0 $0x100000, s0;
	[bflag:$0x2] =	sbarrier.arrive $0xFFFF  }
0x53: {  	[sflag:s0] =	ssyncadd.tile.s32 @!p0 $0x1;
	_ =	shalt  }
.Lfunc_end2:
_tile_overlayer_lowered:
.L_overlay_start_2:
0x54: {  	(tag) =	ssettag $0x2  }
0x55: {  	s0 =	rddreg [dreg:$0x0];
	s2 =	stileid.u32  }
0x56: {  	s1 =	rddreg [dreg:$0x1];
	p0 =	sne.s32 s2, $0x0  }
0x57: {  	s3 =	rddreg [dreg:$0x2];
	[bflag:$0x3] =	sbarrier.arrive $0xFFFF;
	s2 =	simm.s32 @!p0 $0x1C01  }
0x58: {  	[timem:s3], [sflag:s2] =	dma.local @!p0 [hbm:s0], s1  }
0x59: {  	s0 =	simm.s32 @!p0 $0x1  }
0x5a: {  	_ =	swait.ge @!p0 [sflag:s0], s1  }
0x5b: {  	s1 =	ssub.s32 @!p0 $0x0, s1;
	[sflag:s0] =	ssyncset.done @!p0 $0x0  }
0x5c: {  	[sflag:s0] =	ssyncadd.s32 @!p0 s1  }
0x5d: {  	[bflag:$0x3] =	sbarrier.arrive $0xFFFF  }
0x5e: {  	_ =	shalt  }

// kernel: gather_offload_async_start.5
scs
__scs_entry_jumppad:
0x0: {  	(pc) =	sbr.rel $0x88, $3  }
0x1: {  	(tag) =	ssettag $0x0;
	lr =	simm.s32 $0x1  }
0x2: {  	[smem:$0x3F95] =	sst lr;
	_ =	strace $0xD0000000  }
0x3: {  	_ = 	snop  }
0x4: {  	_ = 	snop  }
0x5: {  	_ = 	snop  }
0x6: {  	_ = 	snop  }
0x7: {  	_ = 	snop  }
__scs_overlays_trampoline_lowered:
0x8: {  	[smem:$0x3FA4] =	sst s0  }
0x9: {  	[smem:$0x3FA5] =	sst s1  }
0xa: {  	[smem:$0x3FA6] =	sst s2  }
0xb: {  	[smem:$0x3FA7] =	sst s3  }
0xc: {  	[smem:$0x3FA8] =	sst s4  }
0xd: {  	[smem:$0x3FA9] =	sst s5  }
0xe: {  	[smem:$0x3FAA] =	sst s6  }
0xf: {  	[smem:$0x3FAB] =	sst s7  }
0x10: {  	[smem:$0x3FAC] =	sst s8  }
0x11: {  	[smem:$0x3FAD] =	sst s9;
	s0 =	simm.s32 @!p0 $0x0  }
0x12: {  	s1 =	sld [smem:$0x3F93];
	s0 =	simm.s32 @p0 $0x1  }
0x13: {  	[smem:$0x3FAE] =	sst s0;
	s0 =	simm.s32 @!p1 $0x0  }
0x14: {  	s2 =	sld [smem:$0x3F92];
	s0 =	simm.s32 @p1 $0x1  }
0x15: {  	[smem:$0x3FAF] =	sst s0;
	s0 =	simm.s32 @!p2 $0x0  }
0x16: {  	s3 =	sld [smem:$0x3FDB];
	s0 =	simm.s32 @p2 $0x1  }
0x17: {  	s4 =	simm.s32 $0x1BF5;
	[smem:$0x3FB1] =	sst s0  }
0x18: {  	s0 =	sld [smem:$0x3F94];
	_ =	swait.ge [sflag:s4], $0x0  }
0x19: {  	s7 =	sld [smem:$0x3F95]  }
0x1a: {  	s8 =	sadd.s32 $0xFFFFE003, lr  }
0x1b: {  	s9 =	sadd.s32 $0xFFFFFEF7, lr;
	s5 =	simm.s32 $0xFFFFFFFF;
	p2 =	slt.u32 s8, $0xFFFFF086  }
0x1c: {  	p1 =	slt.u32 s9, $0xF7A;
	s5 =	simm.s32 @!p2 $0x0  }
0x1d: {  	s5 =	simm.s32 @p1 $0x1;
	p0 =	seq.s32 s7, s2  }
0x1e: {  	s7 =	smul.u32 @!p0 $0xF7A, s2;
	p2 =	seq.s32 @!p0 s5, $0x0  }
0x1f: {  	s9 =	smul.u32 $0xF7A, s1;
	s8 =	simm.s32 @!p0 $0x1BF5;
	p2 =	por !p2, p0  }
0x20: {  	[sflag:s8] =	ssyncset.s32 @!p0 $0xFFFFF086;
	s6 =	sadd.s32 @!p0 s3, s7;
	s7 =	simm.s32 @!p0 $0x108  }
0x21: {  	s3 =	sadd.s32 s3, s9;
	s6 =	sadd.s32 @!p0 $0x88, s6;
	s7 =	simm.s32 @p2 $0x1082  }
0x22: {  	[simem:s7], [sflag:s8] =	dma.local @!p0 [hbm:s6], $0xF7A  }
0x23: {  	s9 =	sor.u32 $0xD0000000, s2;
	s6 =	simm.s32 $0x108;
	_ =	swait.ge @!p0 [sflag:s8], $0x0  }
0x24: {  	s3 =	sadd.s32 $0x88, s3;
	s6 =	simm.s32 @!p1 $0x1082;
	[sflag:s4] =	ssyncset.s32 $0xFFFFF086  }
0x25: {  	[simem:s6], [sflag:s4] =	dma.local [hbm:s3], $0xF7A  }
0x26: {  	[smem:$0x3F95] =	sst s1;
	(tag) =	ssettag s2;
	_ =	strace s9  }
0x27: {  	s1 =	sld [smem:$0x3FA5]  }
0x28: {  	s2 =	sld [smem:$0x3FA6]  }
0x29: {  	s4 =	sld [smem:$0x3FA8]  }
0x2a: {  	p0 =	seq.s32 s5, $0x0;
	s5 =	sld [smem:$0x3FA9]  }
0x2b: {  	s6 =	sld [smem:$0x3FAA]  }
0x2c: {  	s7 =	sld [smem:$0x3FAB]  }
0x2d: {  	s3 =	simm.s32 $0x108;
	s8 =	sld [smem:$0x3FAC]  }
0x2e: {  	s3 =	simm.s32 @!p0 $0x1082;
	s9 =	sld [smem:$0x3FAD]  }
0x2f: {  	lr =	sadd.s32 s0, s3;
	s0 =	sld [smem:$0x3FA4]  }
0x30: {  	s3 =	sld [smem:$0x3FA7]  }
0x31: {  	[smem:$0x3FB0] =	sst s10  }
0x32: {  	s10 =	sld [smem:$0x3FAE];
	_ =	sdelay $0x3  }
0x33: {  	p0 =	seq.s32 s10, $0x1;
	s10 =	sld [smem:$0x3FB0];
	_ =	sdelay $0x3  }
0x34: {  	[smem:$0x3FB0] =	sst s10  }
0x35: {  	s10 =	sld [smem:$0x3FAF];
	_ =	sdelay $0x3  }
0x36: {  	p1 =	seq.s32 s10, $0x1;
	s10 =	sld [smem:$0x3FB0];
	_ =	sdelay $0x3  }
0x37: {  	[smem:$0x3FB0] =	sst s10  }
0x38: {  	s10 =	sld [smem:$0x3FB1]  }
0x39: {  	_ = 	snop;
	(pc) =	sbr.ind lr, $3  }
0x3a: {  	_ = 	snop  }
0x3b: {  	_ = 	snop  }
0x3c: {  	p2 =	seq.s32 s10, $0x1;
	s10 =	sld [smem:$0x3FB0]  }
0x3d: {  	_ =	shalt  }
0x3e: {  	_ =	shalt  }
0x3f: {  	_ =	shalt  }
0x40: {  	_ =	shalt  }
0x41: {  	_ =	shalt  }
0x42: {  	_ =	shalt  }
0x43: {  	_ =	shalt  }
0x44: {  	_ =	shalt  }
0x45: {  	_ =	shalt  }
0x46: {  	_ =	shalt  }
0x47: {  	_ =	shalt  }
0x48: {  	_ =	shalt  }
0x49: {  	_ =	shalt  }
0x4a: {  	_ =	shalt  }
0x4b: {  	_ =	shalt  }
0x4c: {  	_ =	shalt  }
0x4d: {  	_ =	shalt  }
0x4e: {  	_ =	shalt  }
0x4f: {  	_ =	shalt  }
0x50: {  	_ =	shalt  }
0x51: {  	_ =	shalt  }
0x52: {  	_ =	shalt  }
0x53: {  	_ =	shalt  }
0x54: {  	_ =	shalt  }
0x55: {  	_ =	shalt  }
0x56: {  	_ =	shalt  }
0x57: {  	_ =	shalt  }
0x58: {  	_ =	shalt  }
0x59: {  	_ =	shalt  }
0x5a: {  	_ =	shalt  }
0x5b: {  	_ =	shalt  }
0x5c: {  	_ =	shalt  }
0x5d: {  	_ =	shalt  }
0x5e: {  	_ =	shalt  }
0x5f: {  	_ =	shalt  }
0x60: {  	_ =	shalt  }
0x61: {  	_ =	shalt  }
0x62: {  	_ =	shalt  }
0x63: {  	_ =	shalt  }
0x64: {  	_ =	shalt  }
0x65: {  	_ =	shalt  }
0x66: {  	_ =	shalt  }
0x67: {  	_ =	shalt  }
0x68: {  	_ =	shalt  }
0x69: {  	_ =	shalt  }
0x6a: {  	_ =	shalt  }
0x6b: {  	_ =	shalt  }
0x6c: {  	_ =	shalt  }
0x6d: {  	_ =	shalt  }
0x6e: {  	_ =	shalt  }
0x6f: {  	_ =	shalt  }
0x70: {  	_ =	shalt  }
0x71: {  	_ =	shalt  }
0x72: {  	_ =	shalt  }
0x73: {  	_ =	shalt  }
0x74: {  	_ =	shalt  }
0x75: {  	_ =	shalt  }
0x76: {  	_ =	shalt  }
0x77: {  	_ =	shalt  }
0x78: {  	_ =	shalt  }
0x79: {  	_ =	shalt  }
0x7a: {  	_ =	shalt  }
0x7b: {  	_ =	shalt  }
0x7c: {  	_ =	shalt  }
0x7d: {  	_ =	shalt  }
0x7e: {  	_ =	shalt  }
0x7f: {  	_ =	shalt  }
0x80: {  	_ =	shalt  }
0x81: {  	_ =	shalt  }
0x82: {  	_ =	shalt  }
0x83: {  	_ =	shalt  }
0x84: {  	_ =	shalt  }
0x85: {  	_ =	shalt  }
0x86: {  	_ =	shalt  }
0x87: {  	_ =	shalt  }
.Lfunc_end0:
.L_simem_size_0:
called_computation.10_lowered:
.L_overlay_start_0:
0x88: {  	s2 =	sld [smem:$0x3FD9]  }
0x89: {  	s3 =	sld [smem:$0x3FFE];
	_ =	sdelay $0x1  }
0x8a: {  	s1 =	srdreg.scid  }
0x8b: {  	s0 =	sand.u32 $0x1, s1  }
0x8c: {  	s16 =	sshll.u32 s0, $0xA;
	s2 =	sadd.s32 s3, s2  }
0x8d: {  	s2 =	sadd.s32 s2, s16  }
0x8e: {  	[smem:$0x3FBC] =	sst s2  }
0x8f: {  	_ = 	snop  }
0x90: {  	(tm) =	ssettm $0x1  }
0x91: {  	s17 =	sld [smem:$0x3FFB];
	_ =	sdelay $0x3  }
0x92: {  	_ =	strace s17  }
0x93: {  	s2 =	sld [smem:$0x3FFC];
	_ =	sdelay $0x3  }
0x94: {  	_ =	strace s2  }
0x95: {  	s2 =	sld [smem:$0x3FFD];
	_ =	sdelay $0x3  }
0x96: {  	_ =	strace s2  }
0x97: {  	_ =	strace $0x8FFFFFFF  }
0x98: {  	s18 =	sld [smem:$0x3FDB];
	_ =	sdelay $0x1  }
0x99: {  	s19 =	simm.s32 $_scs_section_size  }
0x9a: {  	s4 =	simm.s32 $_size__tile_overlayer_lowered;
	s5 =	simm.s32 $_tile_overlayer_lowered  }
0x9b: {  	s22 =	simm.s32 $0x1BFF;
	s21 =	sshll.u32 s5, $0x1;
	s2 =	sadd.s32 s19, s18  }
0x9c: {  	s6 =	simm.s32 $0x0;
	s20 =	sshll.u32 s4, $0x1;
	s4 =	sadd.s32 s21, s2  }
0x9d: {  	[timem:s6], [sflag:s22] =	dma.local [hbm:s4], s20  }
0x9e: {  	_ =	swait.ge [sflag:s22], s20  }
0x9f: {  	s3 =	ssub.s32 $0x0, s20;
	[sflag:s22] =	ssyncset.done $0x0  }
0xa0: {  	[sflag:s22] =	ssyncadd.s32 s3;
	_ =	sdelay $0x1  }
0xa1: {  	s23 =	simm.s32 $0x1B8B  }
0xa2: {  	_ =	swait.ge [sflag:s23], $0x1  }
0xa3: {  	[sflag:s23] =	ssyncset.done $0x0  }
0xa4: {  	s25 =	simm.s32 $0x1B8E;
	s24 =	sld [smem:$0x3FFE];
	[sflag:s23] =	ssyncadd.s32 $0xFFFFFFFF  }
0xa5: {  	s26 =	simm.s32 $execute0_lowered;
	[smem:$0x3FD2] =	sst s25  }
0xa6: {  	s4 =	sshll.u32 s26, $0x1;
	_ =	strace $0x80000046;
	[dreg:$0x1] =	wrdreg $0xFFFFFFFF  }
0xa7: {  	s28 =	simm.s32 $_size_execute0_lowered;
	s2 =	sadd.s32 s2, s4;
	[dreg:$0x0] =	wrdreg $0x0  }
0xa8: {  	s4 =	sshll.u32 s28, $0x1;
	[dreg:$0x2] =	wrdreg s2  }
0xa9: {  	[dreg:$0x3] =	wrdreg s4  }
0xaa: {  	[dreg:$0x4] =	wrdreg $0xC0  }
0xab: {  	_ =	task [dreg:s6], $0x5FFFF  }
0xac: {  	[dreg:$0x1] =	wrdreg $0xFFFFFFFF  }
0xad: {  	[dreg:$0x0] =	wrdreg $0x60  }
0xae: {  	[dreg:$0x2] =	wrdreg s24  }
0xaf: {  	[dreg:$0x3] =	wrdreg $0x9  }
0xb0: {  	_ =	task.clear_ibuf [dreg:s6], $0x4FFFF;
	_ =	strace $0x90000046  }
0xb1: {  	s29 =	simm.s32 $0x9;
	_ =	strace $0x80000048  }
0xb2: {  	_ =	swait.ge [sflag:s29], $0x1  }
0xb3: {  	[sflag:s29] =	ssyncadd.s32 $0xFFFFFFFF  }
0xb4: {  	_ =	strace $0x90000048  }
0xb5: {  	_ =	sfence  }
0xb6: {  	s30 =	sld [smem:$0x0];
	_ =	sdelay $0x2  }
0xb7: {  	s31 =	sshll.u32 s1, $0xD;
	s1 =	sshrl.u32 s1, $0x2  }
0xb8: {  	s3 =	sand.u32 $0x4000, s31;
	s1 =	sadd.s32 s1, s30  }
0xb9: {  	s0 =	sor.u32 s3, s0;
	s1 =	sshll.u32 s1, $0x11  }
0xba: {  	s0 =	sor.u32 s1, s0  }
0xbb: {  	s0 =	sadd.s32 $0x8F2B, s0  }
0xbc: {  	[sflag:s0] =	ssyncadd.remote.s32 $0x1  }
0xbd: {  	_ =	sfence.sel $0xFFFF  }
0xbe: {  	[dreg:$0x0] =	wrdreg $0xFFFFFFFF;
	(pc) =	sbr.abs _section_cstart, $3  }
0xbf: {  	[dreg:$0x1] =	wrdreg $0xFFFFFFFF  }
0xc0: {  	_ =	task.clear_ibuf [dreg:s6], $0x2FFFF;
	_ =	strace $0x9FFFFFFF  }
0xc1: {  	(tm) =	ssettm $0x7FFFFFFF  }
tec
execute0_lowered:
.L_overlay_start_1:
0x0: {  	(tag) =	ssettag $0x1  }
0x1: {  	s0 =	srdreg.scid;
	s5 =	rddreg [dreg:$0x0]  }
0x2: {  	s1 =	stileid.u32;
	s6 =	simm.s32 $0x1;
	s9 =	simm.s32 $0x1  }
0x3: {  	s10 =	simm.s32 $0x3;
	s13 =	simm.s32 $0x0;
	s2 =	sshll.u32 s0, $0xA  }
0x4: {  	s12 =	simm.s32 $0x0;
	s3 =	sshll.u32 s1, $0xB;
	s4 =	sand.u32 $0x400, s2  }
0x5: {  	s0 =	rddreg [dreg:$0x1];
	_ =	strace $0x80000047;
	s3 =	sor.u32 s3, s4  }
0x6: {  	s2 =	sadd.s32 $0x40BC00, s5;
	[sflag:s6] =	ssyncpa.u1 $0x0;
	s8 =	ssub.s32 $0x10000, s3  }
.Ltmp0:
0x7: {  	s4 =	sadd.s32 $0x400400, s5;
	s7 =	sand.u32 $0x7C00, s8;
	(pc) =	sbr.rel .LBB2_1-.Ltmp0, $4  }
0x8: {  	s5 =	sadd.s32 $0x413C00, s5;
	s11 =	smov.u32 s3;
	p0 =	sne.s32 s7, $0x0  }
0x9: {  	s8 =	sshrl.u32 s8, $0xF;
	s7 =	simm.s32 $0x2;
	s9 =	simm.s32 @!p0 $0x0  }
0xa: {  	[sflag:s7] =	ssyncpa.u1 $0x0;
	p0 =	por $0x0, $0x0;
	s8 =	sadd.s32 s9, s8  }
0xb: {  	vm0 =	vmmov $0xffff;
	[sflag:s10] =	ssyncpa.u1 $0x0;
	s10 =	simm.s32 $0x0;
	s9 =	sadd.s32 $0x1, s8  }
.LBB2_4:
0xc: {  	v5 =	vld.msk [tilespmem:s18+$0x0 ss:$0x1], $0xffff  }
0xd: {  	v6 =	vand.u32 $0x3, v1;
	v7 =	vshrl.u32 v1, $0x2  }
0xe: {  	v3 =	vor.u32 v4, v3;
	vm1 =	veq.s32 v1, $0x80000000;
	v53 =	vand.u32 $0xFFFF, v7  }
0xf: {  	v2 =	vor.u32 v2, v3;
	v54 =	vsel vm1, $0xFFFFFFFF, v6;
	v1 =	vsel vm1, $0xFFFFFFFF, v53  }
0x10: {  	v6 =	vshll.u32 v54, $0x7;
	v3 =	vand.u32 $0xFFFC0000, v54;
	v55 =	vand.u32 $0x7F, v1  }
0x11: {  	v1 =	vshll.u32 v1, $0x2;
	v6 =	vand.u32 $0x180, v6;
	v56 =	vshrl.u32 v5, $0x2  }
0x12: {  	v1 =	vand.u32 $0xFFFFFE00, v1;
	vm1 =	veq.s32 v5, $0x80000000;
	v57 =	vand.u32 $0xFFFF, v56  }
0x13: {  	v1 =	vadd.s32 v3, v1;
	v5 =	vand.u32 $0x3, v5;
	v3 =	vsel vm1, $0xFFFFFFFF, v57  }
0x14: {  	v1 =	vor.u32 v6, v1;
	v5 =	vsel vm1, $0xFFFFFFFF, v5;
	v58 =	vshll.u32 v3, $0x2  }
0x15: {  	v59 =	vshll.u32 v5, $0x7;
	v5 =	vand.u32 $0xFFFC0000, v5;
	v6 =	vand.u32 $0xFFFFFE00, v58  }
0x16: {  	v1 =	vor.u32 v55, v1;
	v61 =	vand.u32 $0x180, v59;
	v60 =	vadd.s32 v5, v6  }
0x17: {  	[tilespmem:s16], [sflag:$0x1] =	stream.indirect_vreg.gather [hbm4b:s2+s10], $0x1, v0, vm0, $0x4038;
	v62 =	vand.u32 $0x7F, v3;
	v63 =	vor.u32 v61, v60;
	[tilespmem:$0x1000] =	vst v63  }
0x18: {  	(ifvalue) =	ssetifvalue $0x7FFFFFFF;
	v0 =	vor.u32 v62, v63  }
0x19: {  	[tilespmem:s15], [sflag:$0x1] =	stream.indirect_vreg.gather [hbm4b:s2+s10], $0x1, v2, vm0, $0x4038;
	[tilespmem:$0x1000] =	vst v63  }
0x1a: {  	s29 =	sadd.s32 $0x10, s15;
	(ifvalue) =	ssetifvalue $0x7FFFFFFF  }
0x1b: {  	[tilespmem:s29], [sflag:$0x1] =	stream.indirect_vreg.gather [hbm4b:s2+s10], $0x1, v1, vm0, $0x4038;
	[tilespmem:$0x1000] =	vst v63  }
0x1c: {  	s15 =	sadd.s32 $0x10, s29;
	(ifvalue) =	ssetifvalue $0x7FFFFFFF  }
0x1d: {  	[tilespmem:s15], [sflag:$0x1] =	stream.indirect_vreg.gather [hbm4b:s2+s10], $0x1, v0, vm0, $0x4038;
	[tilespmem:$0x1000] =	vst v63  }
0x1e: {  	_ =	swait.ge [sflag:s6], $0x400  }
0x1f: {  	s30 =	sshrl.u32 s13, $0x3;
	[sflag:s6] =	ssyncset.done $0x0  }
0x20: {  	s31 =	sand.u32 $0x7, s13;
	s15 =	sadd.s32 s5, s30;
	[sflag:s6] =	ssyncadd.s32 $0xFFFFFC00  }
0x21: {  	[hbm4b:s15+s31] =	stream.linear.scatter [tilespmem:s14], [sflag:$0x3], $0x400, $0x38;
	[tilespmem:$0x1000] =	vst v63  }
.LBB2_5:
0x22: {  	s15 =	sadd.s32 $0x8000, s11  }
0x23: {  	p2 =	sgt.s32 s15, $0xFFFF  }
0x24: {  	s15 =	smov.u32 @p2 s3;
	p2 =	sne.s32 s12, s9  }
.Ltmp1:
0x25: {  	p1 =	slt.u32 s12, $0x2;
	(pc) =	sbr.rel @!p2 .LBB2_6-.Ltmp1, $4  }
0x26: {  	s14 =	simm.s32 @!p1 $0x3  }
0x27: {  	s16 =	sadd.s32 $0x1, s12;
	_ =	swait.ge @!p1 [sflag:s14], $0x400  }
0x28: {  	s13 =	smov.u32 s11;
	p0 =	por !p0, !p0;
	[sflag:s14] =	ssyncset.done @!p1 $0x0  }
0x29: {  	s12 =	smov.u32 s16;
	s11 =	smov.u32 s15;
	[sflag:s14] =	ssyncadd.s32 @!p1 $0xFFFFFC00  }
.LBB2_1:
0x2a: {  	p1 =	sge.u32 s12, s8  }
0x2b: {  	s14 =	sxor.u32 @!p1 $0xFFFFFFFF, s12  }
0x2c: {  	s31 =	sadd.s32 $0xFFFFFFFF, s12;
	s15 =	sshrl.u32 @!p1 s11, $0x3;
	s14 =	sshll.u32 @!p1 s14, $0xA  }
0x2d: {  	s16 =	sand.u32 @!p1 $0x7, s11;
	s15 =	sadd.s32 @!p1 s4, s15;
	s14 =	sand.u32 @!p1 $0x400, s14  }
0x2e: {  	[tilespmem:s14], [sflag:$0x2] =	stream.linear.gather @!p1 [hbm4b:s15+s16], $0x400, $0x38;
	[tilespmem:$0x1000] =	vst v63  }
0x2f: {  	p1 =	sge.u32 s31, s8  }
.Ltmp2:
0x30: {  	_ = 	snop;
	(pc) =	sbr.rel @p1 .LBB2_5-.Ltmp2, $1  }
0x31: {  	_ =	sdelay $0x3  }
0x32: {  	s14 =	simm.s32 $0x1  }
0x33: {  	_ =	swait.ge [sflag:s7], $0x400;
	s14 =	simm.s32 @!p0 $0x0  }
0x34: {  	[sflag:s7] =	ssyncset.done $0x0;
	s14 =	sshll.u32 s14, $0xA  }
0x35: {  	[sflag:s7] =	ssyncadd.s32 $0xFFFFFC00;
	(ifvalue) =	ssetifvalue $0x7FFFFFFF;
	v0 =	vld.msk [tilespmem:s14+$0x0 ss:$0x1], $0xffff;
	_ =	sdelay $0x4  }
0x36: {  	s15 =	sadd.s32 $0x10, s14;
	v2 =	vshrl.u32 v0, $0x2  }
0x37: {  	v1 =	vld.msk [tilespmem:s15+$0x0 ss:$0x1], $0xffff;
	vm1 =	veq.s32 v0, $0x80000000;
	v2 =	vand.u32 $0xFFFF, v2  }
0x38: {  	v0 =	vand.u32 $0x3, v0;
	v2 =	vsel vm1, $0xFFFFFFFF, v2  }
0x39: {  	v0 =	vsel vm1, $0xFFFFFFFF, v0;
	v3 =	vshll.u32 v2, $0x2  }
0x3a: {  	v4 =	vand.u32 $0xFFFC0000, v0;
	v0 =	vshll.u32 v0, $0x7;
	v3 =	vand.u32 $0xFFFFFE00, v3  }
0x3b: {  	v0 =	vand.u32 $0x180, v0;
	v3 =	vadd.s32 v4, v3  }
0x3c: {  	v2 =	vand.u32 $0x7F, v2;
	v4 =	vshrl.u32 v1, $0x2;
	v0 =	vor.u32 v0, v3  }
0x3d: {  	vm1 =	veq.s32 v1, $0x80000000;
	v4 =	vand.u32 $0xFFFF, v4;
	v0 =	vor.u32 v2, v0  }
0x3e: {  	s16 =	sshll.u32 s12, $0xA;
	s15 =	sadd.s32 $0x10, s15;
	v1 =	vand.u32 $0x3, v1;
	v3 =	vsel vm1, $0xFFFFFFFF, v4  }
0x3f: {  	s17 =	sand.u32 $0x400, s16;
	v2 =	vsel vm1, $0xFFFFFFFF, v1;
	v1 =	vld.msk [tilespmem:s15+$0x0 ss:$0x1], $0xffff;
	v4 =	vshll.u32 v3, $0x2  }
0x40: {  	s16 =	sor.u32 $0x800, s14;
	s14 =	sor.u32 $0x800, s17;
	s17 =	simm.s32 $0x30;
	v5 =	vshll.u32 v2, $0x7;
	v6 =	vand.u32 $0xFFFC0000, v2;
	v4 =	vand.u32 $0xFFFFFE00, v4  }
0x41: {  	s18 =	sadd.s32 $0x10, s15;
	(ifvalue) =	ssetifvalue $0x7FFFFFFF;
	s15 =	sadd.s32 $0x10, s16;
	v2 =	vand.u32 $0x7F, v3;
	v3 =	vadd.s32 v6, v4;
	v4 =	vand.u32 $0x180, v5  }
.LBB2_3:
0x42: {  	[tilespmem:s16], [sflag:$0x1] =	stream.indirect_vreg.gather [hbm4b:s2+s10], $0x1, v0, vm0, $0x4038;
	[tilespmem:$0x1000] =	vst v63  }
0x43: {  	s17 =	sadd.s32 $0x10, s17  }
0x44: {  	v5 =	vand.u32 $0x3, v1;
	v6 =	vshrl.u32 v1, $0x2;
	v3 =	vor.u32 v4, v3;
	v0 =	vmovc v1;
	v1 =	vld.msk [tilespmem:s18+$0x0 ss:$0x1], $0xffff;
	p1 =	slt.u32 s17, $0x3F0  }
.Ltmp3:
0x45: {  	s16 =	smov.u32 s15;
	vm1 =	veq.s32 v0, $0x80000000;
	v4 =	vand.u32 $0xFFFF, v6;
	v0 =	vor.u32 v2, v3;
	(pc) =	sbr.rel @p1 .LBB2_3-.Ltmp3, $4  }
0x46: {  	v3 =	vsel vm1, $0xFFFFFFFF, v5;
	v4 =	vsel vm1, $0xFFFFFFFF, v4  }
0x47: {  	v2 =	vand.u32 $0x7F, v4;
	v4 =	vshll.u32 v4, $0x2;
	v5 =	vshll.u32 v3, $0x7  }
0x48: {  	v3 =	vand.u32 $0xFFFC0000, v3;
	v4 =	vand.u32 $0xFFFFFE00, v4  }
0x49: {  	s18 =	sadd.s32 $0x10, s18;
	s15 =	sadd.s32 $0x10, s15;
	v3 =	vadd.s32 v3, v4;
	v4 =	vand.u32 $0x180, v5;
	(ifvalue) =	ssetifvalue $0x7FFFFFFF  }
.Ltmp4:
0x4a: {  	_ = 	snop;
	(pc) =	sbr.rel .LBB2_4-.Ltmp4, $1  }
0x4b: {  	_ =	sdelay $0x3  }
.LBB2_6:
0x4c: {  	_ =	sfence.sel $0x180000  }
0x4d: {  	s2 =	simm.s32 $0x2;
	[bflag:$0x0] =	sbarrier.arrive $0xFFFF  }
0x4e: {  	s30 =	simm.s32 $0x3;
	[sflag:s2] =	ssyncpa.u1 $0x1  }
0x4f: {  	s31 =	simm.s32 $0x1;
	[sflag:s30] =	ssyncpa.u1 $0x1  }
0x50: {  	[sflag:s31] =	ssyncpa.u1 $0x1  }
0x51: {  	p0 =	sne.s32 s1, $0x0;
	_ =	strace $0x90000047  }
0x52: {  	s0 =	sadd.s32 @!p0 $0x100000, s0;
	[bflag:$0x2] =	sbarrier.arrive $0xFFFF  }
0x53: {  	[sflag:s0] =	ssyncadd.tile.s32 @!p0 $0x1;
	_ =	shalt  }
.Lfunc_end2:
_tile_overlayer_lowered:
.L_overlay_start_2:
0x54: {  	(tag) =	ssettag $0x2  }
0x55: {  	s0 =	rddreg [dreg:$0x0];
	s2 =	stileid.u32  }
0x56: {  	s1 =	rddreg [dreg:$0x1];
	p0 =	sne.s32 s2, $0x0  }
0x57: {  	s3 =	rddreg [dreg:$0x2];
	[bflag:$0x3] =	sbarrier.arrive $0xFFFF;
	s2 =	simm.s32 @!p0 $0x1C01  }
0x58: {  	[timem:s3], [sflag:s2] =	dma.local @!p0 [hbm:s0], s1  }
0x59: {  	s0 =	simm.s32 @!p0 $0x1  }
0x5a: {  	_ =	swait.ge @!p0 [sflag:s0], s1  }
0x5b: {  	s1 =	ssub.s32 @!p0 $0x0, s1;
	[sflag:s0] =	ssyncset.done @!p0 $0x0  }
0x5c: {  	[sflag:s0] =	ssyncadd.s32 @!p0 s1  }
0x5d: {  	[bflag:$0x3] =	sbarrier.arrive $0xFFFF  }
0x5e: {  	_ =	shalt  }

// kernel: gather_offload_async_start.6
scs
__scs_entry_jumppad:
0x0: {  	(pc) =	sbr.rel $0x88, $3  }
0x1: {  	(tag) =	ssettag $0x0;
	lr =	simm.s32 $0x1  }
0x2: {  	[smem:$0x3F95] =	sst lr;
	_ =	strace $0xD0000000  }
0x3: {  	_ = 	snop  }
0x4: {  	_ = 	snop  }
0x5: {  	_ = 	snop  }
0x6: {  	_ = 	snop  }
0x7: {  	_ = 	snop  }
__scs_overlays_trampoline_lowered:
0x8: {  	[smem:$0x3FA4] =	sst s0  }
0x9: {  	[smem:$0x3FA5] =	sst s1  }
0xa: {  	[smem:$0x3FA6] =	sst s2  }
0xb: {  	[smem:$0x3FA7] =	sst s3  }
0xc: {  	[smem:$0x3FA8] =	sst s4  }
0xd: {  	[smem:$0x3FA9] =	sst s5  }
0xe: {  	[smem:$0x3FAA] =	sst s6  }
0xf: {  	[smem:$0x3FAB] =	sst s7  }
0x10: {  	[smem:$0x3FAC] =	sst s8  }
0x11: {  	[smem:$0x3FAD] =	sst s9;
	s0 =	simm.s32 @!p0 $0x0  }
0x12: {  	s1 =	sld [smem:$0x3F93];
	s0 =	simm.s32 @p0 $0x1  }
0x13: {  	[smem:$0x3FAE] =	sst s0;
	s0 =	simm.s32 @!p1 $0x0  }
0x14: {  	s2 =	sld [smem:$0x3F92];
	s0 =	simm.s32 @p1 $0x1  }
0x15: {  	[smem:$0x3FAF] =	sst s0;
	s0 =	simm.s32 @!p2 $0x0  }
0x16: {  	s3 =	sld [smem:$0x3FDB];
	s0 =	simm.s32 @p2 $0x1  }
0x17: {  	s4 =	simm.s32 $0x1BF5;
	[smem:$0x3FB1] =	sst s0  }
0x18: {  	s0 =	sld [smem:$0x3F94];
	_ =	swait.ge [sflag:s4], $0x0  }
0x19: {  	s7 =	sld [smem:$0x3F95]  }
0x1a: {  	s8 =	sadd.s32 $0xFFFFE003, lr  }
0x1b: {  	s9 =	sadd.s32 $0xFFFFFEF7, lr;
	s5 =	simm.s32 $0xFFFFFFFF;
	p2 =	slt.u32 s8, $0xFFFFF086  }
0x1c: {  	p1 =	slt.u32 s9, $0xF7A;
	s5 =	simm.s32 @!p2 $0x0  }
0x1d: {  	s5 =	simm.s32 @p1 $0x1;
	p0 =	seq.s32 s7, s2  }
0x1e: {  	s7 =	smul.u32 @!p0 $0xF7A, s2;
	p2 =	seq.s32 @!p0 s5, $0x0  }
0x1f: {  	s9 =	smul.u32 $0xF7A, s1;
	s8 =	simm.s32 @!p0 $0x1BF5;
	p2 =	por !p2, p0  }
0x20: {  	[sflag:s8] =	ssyncset.s32 @!p0 $0xFFFFF086;
	s6 =	sadd.s32 @!p0 s3, s7;
	s7 =	simm.s32 @!p0 $0x108  }
0x21: {  	s3 =	sadd.s32 s3, s9;
	s6 =	sadd.s32 @!p0 $0x88, s6;
	s7 =	simm.s32 @p2 $0x1082  }
0x22: {  	[simem:s7], [sflag:s8] =	dma.local @!p0 [hbm:s6], $0xF7A  }
0x23: {  	s9 =	sor.u32 $0xD0000000, s2;
	s6 =	simm.s32 $0x108;
	_ =	swait.ge @!p0 [sflag:s8], $0x0  }
0x24: {  	s3 =	sadd.s32 $0x88, s3;
	s6 =	simm.s32 @!p1 $0x1082;
	[sflag:s4] =	ssyncset.s32 $0xFFFFF086  }
0x25: {  	[simem:s6], [sflag:s4] =	dma.local [hbm:s3], $0xF7A  }
0x26: {  	[smem:$0x3F95] =	sst s1;
	(tag) =	ssettag s2;
	_ =	strace s9  }
0x27: {  	s1 =	sld [smem:$0x3FA5]  }
0x28: {  	s2 =	sld [smem:$0x3FA6]  }
0x29: {  	s4 =	sld [smem:$0x3FA8]  }
0x2a: {  	p0 =	seq.s32 s5, $0x0;
	s5 =	sld [smem:$0x3FA9]  }
0x2b: {  	s6 =	sld [smem:$0x3FAA]  }
0x2c: {  	s7 =	sld [smem:$0x3FAB]  }
0x2d: {  	s3 =	simm.s32 $0x108;
	s8 =	sld [smem:$0x3FAC]  }
0x2e: {  	s3 =	simm.s32 @!p0 $0x1082;
	s9 =	sld [smem:$0x3FAD]  }
0x2f: {  	lr =	sadd.s32 s0, s3;
	s0 =	sld [smem:$0x3FA4]  }
0x30: {  	s3 =	sld [smem:$0x3FA7]  }
0x31: {  	[smem:$0x3FB0] =	sst s10  }
0x32: {  	s10 =	sld [smem:$0x3FAE];
	_ =	sdelay $0x3  }
0x33: {  	p0 =	seq.s32 s10, $0x1;
	s10 =	sld [smem:$0x3FB0];
	_ =	sdelay $0x3  }
0x34: {  	[smem:$0x3FB0] =	sst s10  }
0x35: {  	s10 =	sld [smem:$0x3FAF];
	_ =	sdelay $0x3  }
0x36: {  	p1 =	seq.s32 s10, $0x1;
	s10 =	sld [smem:$0x3FB0];
	_ =	sdelay $0x3  }
0x37: {  	[smem:$0x3FB0] =	sst s10  }
0x38: {  	s10 =	sld [smem:$0x3FB1]  }
0x39: {  	_ = 	snop;
	(pc) =	sbr.ind lr, $3  }
0x3a: {  	_ = 	snop  }
0x3b: {  	_ = 	snop  }
0x3c: {  	p2 =	seq.s32 s10, $0x1;
	s10 =	sld [smem:$0x3FB0]  }
0x3d: {  	_ =	shalt  }
0x3e: {  	_ =	shalt  }
0x3f: {  	_ =	shalt  }
0x40: {  	_ =	shalt  }
0x41: {  	_ =	shalt  }
0x42: {  	_ =	shalt  }
0x43: {  	_ =	shalt  }
0x44: {  	_ =	shalt  }
0x45: {  	_ =	shalt  }
0x46: {  	_ =	shalt  }
0x47: {  	_ =	shalt  }
0x48: {  	_ =	shalt  }
0x49: {  	_ =	shalt  }
0x4a: {  	_ =	shalt  }
0x4b: {  	_ =	shalt  }
0x4c: {  	_ =	shalt  }
0x4d: {  	_ =	shalt  }
0x4e: {  	_ =	shalt  }
0x4f: {  	_ =	shalt  }
0x50: {  	_ =	shalt  }
0x51: {  	_ =	shalt  }
0x52: {  	_ =	shalt  }
0x53: {  	_ =	shalt  }
0x54: {  	_ =	shalt  }
0x55: {  	_ =	shalt  }
0x56: {  	_ =	shalt  }
0x57: {  	_ =	shalt  }
0x58: {  	_ =	shalt  }
0x59: {  	_ =	shalt  }
0x5a: {  	_ =	shalt  }
0x5b: {  	_ =	shalt  }
0x5c: {  	_ =	shalt  }
0x5d: {  	_ =	shalt  }
0x5e: {  	_ =	shalt  }
0x5f: {  	_ =	shalt  }
0x60: {  	_ =	shalt  }
0x61: {  	_ =	shalt  }
0x62: {  	_ =	shalt  }
0x63: {  	_ =	shalt  }
0x64: {  	_ =	shalt  }
0x65: {  	_ =	shalt  }
0x66: {  	_ =	shalt  }
0x67: {  	_ =	shalt  }
0x68: {  	_ =	shalt  }
0x69: {  	_ =	shalt  }
0x6a: {  	_ =	shalt  }
0x6b: {  	_ =	shalt  }
0x6c: {  	_ =	shalt  }
0x6d: {  	_ =	shalt  }
0x6e: {  	_ =	shalt  }
0x6f: {  	_ =	shalt  }
0x70: {  	_ =	shalt  }
0x71: {  	_ =	shalt  }
0x72: {  	_ =	shalt  }
0x73: {  	_ =	shalt  }
0x74: {  	_ =	shalt  }
0x75: {  	_ =	shalt  }
0x76: {  	_ =	shalt  }
0x77: {  	_ =	shalt  }
0x78: {  	_ =	shalt  }
0x79: {  	_ =	shalt  }
0x7a: {  	_ =	shalt  }
0x7b: {  	_ =	shalt  }
0x7c: {  	_ =	shalt  }
0x7d: {  	_ =	shalt  }
0x7e: {  	_ =	shalt  }
0x7f: {  	_ =	shalt  }
0x80: {  	_ =	shalt  }
0x81: {  	_ =	shalt  }
0x82: {  	_ =	shalt  }
0x83: {  	_ =	shalt  }
0x84: {  	_ =	shalt  }
0x85: {  	_ =	shalt  }
0x86: {  	_ =	shalt  }
0x87: {  	_ =	shalt  }
.Lfunc_end0:
.L_simem_size_0:
called_computation.11_lowered:
.L_overlay_start_0:
0x88: {  	s2 =	sld [smem:$0x3FD9]  }
0x89: {  	s3 =	sld [smem:$0x3FFE];
	_ =	sdelay $0x1  }
0x8a: {  	s1 =	srdreg.scid  }
0x8b: {  	s0 =	sand.u32 $0x1, s1  }
0x8c: {  	s16 =	sshll.u32 s0, $0xA;
	s2 =	sadd.s32 s3, s2  }
0x8d: {  	s2 =	sadd.s32 s2, s16  }
0x8e: {  	[smem:$0x3FBC] =	sst s2  }
0x8f: {  	_ = 	snop  }
0x90: {  	(tm) =	ssettm $0x1  }
0x91: {  	s17 =	sld [smem:$0x3FFB];
	_ =	sdelay $0x3  }
0x92: {  	_ =	strace s17  }
0x93: {  	s2 =	sld [smem:$0x3FFC];
	_ =	sdelay $0x3  }
0x94: {  	_ =	strace s2  }
0x95: {  	s2 =	sld [smem:$0x3FFD];
	_ =	sdelay $0x3  }
0x96: {  	_ =	strace s2  }
0x97: {  	_ =	strace $0x8FFFFFFF  }
0x98: {  	s18 =	sld [smem:$0x3FDB];
	_ =	sdelay $0x1  }
0x99: {  	s19 =	simm.s32 $_scs_section_size  }
0x9a: {  	s4 =	simm.s32 $_size__tile_overlayer_lowered;
	s5 =	simm.s32 $_tile_overlayer_lowered  }
0x9b: {  	s22 =	simm.s32 $0x1BFF;
	s21 =	sshll.u32 s5, $0x1;
	s2 =	sadd.s32 s19, s18  }
0x9c: {  	s6 =	simm.s32 $0x0;
	s20 =	sshll.u32 s4, $0x1;
	s4 =	sadd.s32 s21, s2  }
0x9d: {  	[timem:s6], [sflag:s22] =	dma.local [hbm:s4], s20  }
0x9e: {  	_ =	swait.ge [sflag:s22], s20  }
0x9f: {  	s3 =	ssub.s32 $0x0, s20;
	[sflag:s22] =	ssyncset.done $0x0  }
0xa0: {  	[sflag:s22] =	ssyncadd.s32 s3;
	_ =	sdelay $0x1  }
0xa1: {  	s23 =	simm.s32 $0x1B8B  }
0xa2: {  	_ =	swait.ge [sflag:s23], $0x1  }
0xa3: {  	[sflag:s23] =	ssyncset.done $0x0  }
0xa4: {  	s25 =	simm.s32 $0x1B8E;
	s24 =	sld [smem:$0x3FFE];
	[sflag:s23] =	ssyncadd.s32 $0xFFFFFFFF  }
0xa5: {  	s26 =	simm.s32 $execute0_lowered;
	[smem:$0x3FD2] =	sst s25  }
0xa6: {  	s4 =	sshll.u32 s26, $0x1;
	_ =	strace $0x8000006D;
	[dreg:$0x1] =	wrdreg $0xFFFFFFFF  }
0xa7: {  	s28 =	simm.s32 $_size_execute0_lowered;
	s2 =	sadd.s32 s2, s4;
	[dreg:$0x0] =	wrdreg $0x0  }
0xa8: {  	s4 =	sshll.u32 s28, $0x1;
	[dreg:$0x2] =	wrdreg s2  }
0xa9: {  	[dreg:$0x3] =	wrdreg s4  }
0xaa: {  	[dreg:$0x4] =	wrdreg $0xC0  }
0xab: {  	_ =	task [dreg:s6], $0x5FFFF  }
0xac: {  	[dreg:$0x1] =	wrdreg $0xFFFFFFFF  }
0xad: {  	[dreg:$0x0] =	wrdreg $0x60  }
0xae: {  	[dreg:$0x2] =	wrdreg s24  }
0xaf: {  	[dreg:$0x3] =	wrdreg $0x9  }
0xb0: {  	_ =	task.clear_ibuf [dreg:s6], $0x4FFFF;
	_ =	strace $0x9000006D  }
0xb1: {  	s29 =	simm.s32 $0x9;
	_ =	strace $0x8000006F  }
0xb2: {  	_ =	swait.ge [sflag:s29], $0x1  }
0xb3: {  	[sflag:s29] =	ssyncadd.s32 $0xFFFFFFFF  }
0xb4: {  	_ =	strace $0x9000006F  }
0xb5: {  	_ =	sfence  }
0xb6: {  	s30 =	sld [smem:$0x0];
	_ =	sdelay $0x2  }
0xb7: {  	s31 =	sshll.u32 s1, $0xD;
	s1 =	sshrl.u32 s1, $0x2  }
0xb8: {  	s3 =	sand.u32 $0x4000, s31;
	s1 =	sadd.s32 s1, s30  }
0xb9: {  	s0 =	sor.u32 s3, s0;
	s1 =	sshll.u32 s1, $0x11  }
0xba: {  	s0 =	sor.u32 s1, s0  }
0xbb: {  	s0 =	sadd.s32 $0x8F2B, s0  }
0xbc: {  	[sflag:s0] =	ssyncadd.remote.s32 $0x1  }
0xbd: {  	_ =	sfence.sel $0xFFFF  }
0xbe: {  	[dreg:$0x0] =	wrdreg $0xFFFFFFFF;
	(pc) =	sbr.abs _section_cstart, $3  }
0xbf: {  	[dreg:$0x1] =	wrdreg $0xFFFFFFFF  }
0xc0: {  	_ =	task.clear_ibuf [dreg:s6], $0x2FFFF;
	_ =	strace $0x9FFFFFFF  }
0xc1: {  	(tm) =	ssettm $0x7FFFFFFF  }
tec
execute0_lowered:
.L_overlay_start_1:
0x0: {  	(tag) =	ssettag $0x1  }
0x1: {  	s7 =	rddreg [dreg:$0x0]  }
0x2: {  	s0 =	rddreg [dreg:$0x1];
	_ =	strace $0x8000006E  }
0x3: {  	s1 =	srdreg.scid;
	s4 =	simm.s32 $0x1;
	s9 =	simm.s32 $0x3  }
0x4: {  	s11 =	simm.s32 $0x0;
	p0 =	por $0x0, $0x0;
	s5 =	sshll.u32 s1, $0x4  }
.Ltmp0:
0x5: {  	s1 =	stileid.u32;
	s5 =	sand.u32 $0x10, s5;
	(pc) =	sbr.rel .LBB2_1-.Ltmp0, $4  }
0x6: {  	s2 =	sadd.s32 $0xA15E00, s7;
	s3 =	sadd.s32 $0x400400, s7;
	s6 =	sor.u32 s1, s5  }
0x7: {  	[sflag:s4] =	ssyncpa.u1 $0x0;
	s5 =	simm.s32 $0x2;
	s6 =	sshll.u32 s6, $0xB  }
0x8: {  	s7 =	sadd.s32 $0x200000, s7;
	[sflag:s5] =	ssyncpa.u1 $0x0;
	s8 =	sadd.s32 $0x800, s6  }
0x9: {  	vm0 =	vmmov $0xff;
	vm1 =	vcmask $0x3F20;
	[sflag:s9] =	ssyncpa.u1 $0x0;
	s10 =	smov.u32 s6;
	s9 =	simm.s32 $0x0  }
.LBB2_7:
0xa: {  	p1 =	slt.u32 s9, $0x2;
	s11 =	sadd.s32 $0x100, s10  }
0xb: {  	s13 =	smov.u32 s6;
	s9 =	sadd.s32 $0x1, s9;
	p2 =	slt.s32 s11, s8  }
0xc: {  	s13 =	smov.u32 @p2 s11;
	p2 =	sne.s32 s9, $0xA  }
.Ltmp1:
0xd: {  	_ = 	snop;
	(pc) =	sbr.rel @!p2 .LBB2_8-.Ltmp1, $4  }
0xe: {  	s12 =	simm.s32 @!p1 $0x3  }
0xf: {  	_ =	swait.ge @!p1 [sflag:s12], $0x8000  }
0x10: {  	p0 =	por !p0, !p0;
	[sflag:s12] =	ssyncset.done @!p1 $0x0  }
0x11: {  	s11 =	smov.u32 s10;
	s10 =	smov.u32 s13;
	[sflag:s12] =	ssyncadd.s32 @!p1 $0xFFFF8000  }
.LBB2_1:
0x12: {  	p1 =	sgt.u32 s9, $0x7  }
0x13: {  	s12 =	sxor.u32 @!p1 $0xFFFFFFFF, s9  }
0x14: {  	s13 =	sshrl.u32 @!p1 s10, $0x3;
	s12 =	sshll.u32 @!p1 s12, $0x8  }
0x15: {  	s14 =	sand.u32 @!p1 $0x7, s10;
	s13 =	sadd.s32 @!p1 s3, s13;
	s12 =	sand.u32 @!p1 $0x100, s12  }
0x16: {  	[tilespmem:s12], [sflag:$0x2] =	stream.linear.gather @!p1 [hbm4b:s13+s14], $0x100, $0x38;
	[tilespmem:$0x10200] =	vst v63  }
0x17: {  	p1 =	seq.s32 s9, $0x0  }
0x18: {  	p2 =	seq.s32 @!p1 s9, $0x9  }
0x19: {  	p1 =	por p1, p2  }
.Ltmp2:
0x1a: {  	_ = 	snop;
	(pc) =	sbr.rel @p1 .LBB2_7-.Ltmp2, $1  }
0x1b: {  	_ =	sdelay $0x3  }
0x1c: {  	s12 =	simm.s32 $0x1  }
0x1d: {  	_ =	swait.ge [sflag:s5], $0x100;
	s12 =	simm.s32 @!p0 $0x0  }
0x1e: {  	[sflag:s5] =	ssyncset.done $0x0;
	s14 =	sshll.u32 s12, $0x8  }
0x1f: {  	[sflag:s5] =	ssyncadd.s32 $0xFFFFFF00;
	s13 =	sadd.s32 $0x0, s14  }
0x20: {  	v0 =	vld.msk [tilespmem:s13+$0x0 ss:$0x1], $0xffff;
	_ =	sdelay $0x4  }
0x21: {  	vm2 =	vgt.s32 v0, $0x0  }
0x22: {  	v0 =	vnsel vm2, $0x0, v0  }
0x23: {  	v0 =	vmin.u32 v0, $0x3FFFF  }
0x24: {  	v0 =	vshll.u32 v0, $0x4;
	_ =	sdelay $0x2  }
0x25: {  	s12 =	sshll.u32 s12, $0xF  }
0x26: {  	s12 =	sor.u32 $0x200, s12  }
0x27: {  	[tilespmem:s12], [sflag:$0x1] =	stream.indirect_vreg.gather [hbm:s2], $0x80, v0, vm0, $0x38;
	[tilespmem:$0x10200] =	vst v63  }
0x28: {  	s15 =	sadd.s32 $0x10, s14;
	s13 =	sadd.s32 $0x400, s12  }
0x29: {  	[tilespmem:s13], [sflag:$0x1] =	stream.indirect_vreg.gather [hbm:s2], $0x80, v0, vm1, $0x38;
	[tilespmem:$0x10200] =	vst v63  }
0x2a: {  	s16 =	simm.s32 $0x80;
	v0 =	vld.msk [tilespmem:s15+$0x0 ss:$0x1], $0xffff;
	s15 =	smov.u32 s12  }
.LBB2_3:
0x2b: {  	p1 =	sne.s32 s16, $0x3C0;
	_ =	sdelay $0x4  }
0x2c: {  	vm2 =	vgt.s32 v0, $0x0  }
0x2d: {  	v0 =	vnsel vm2, $0x0, v0  }
0x2e: {  	v0 =	vmin.u32 v0, $0x3FFFF  }
0x2f: {  	v0 =	vshll.u32 v0, $0x4;
	_ =	sdelay $0x3  }
.Ltmp3:
0x30: {  	s17 =	sshra.s32 s16, $0x2;
	s15 =	sadd.s32 $0x800, s15;
	(pc) =	sbr.rel @p1 .LBB2_3-.Ltmp3, $4  }
0x31: {  	[tilespmem:s15], [sflag:$0x1] =	stream.indirect_vreg.gather [hbm:s2], $0x80, v0, vm0, $0x38;
	[tilespmem:$0x10200] =	vst v63  }
0x32: {  	s17 =	sadd.s32 s17, s14;
	s18 =	sadd.s32 $0x400, s15  }
0x33: {  	[tilespmem:s18], [sflag:$0x1] =	stream.indirect_vreg.gather [hbm:s2], $0x80, v0, vm1, $0x38;
	[tilespmem:$0x10200] =	vst v63  }
0x34: {  	s16 =	sadd.s32 $0x40, s16;
	v0 =	vld.msk [tilespmem:s17+$0x0 ss:$0x1], $0xffff  }
0x35: {  	_ =	sdelay $0x3  }
0x36: {  	vm2 =	vgt.s32 v0, $0x0  }
0x37: {  	v0 =	vnsel vm2, $0x0, v0  }
0x38: {  	v0 =	vmin.u32 v0, $0x3FFFF  }
0x39: {  	v0 =	vshll.u32 v0, $0x4;
	_ =	sdelay $0x3  }
0x3a: {  	s14 =	sadd.s32 $0x800, s15  }
0x3b: {  	[tilespmem:s14], [sflag:$0x1] =	stream.indirect_vreg.gather [hbm:s2], $0x80, v0, vm0, $0x38;
	[tilespmem:$0x10200] =	vst v63  }
0x3c: {  	s14 =	sadd.s32 $0x400, s14  }
0x3d: {  	[tilespmem:s14], [sflag:$0x1] =	stream.indirect_vreg.gather [hbm:s2], $0x80, v0, vm1, $0x38;
	[tilespmem:$0x10200] =	vst v63  }
0x3e: {  	s11 =	sshll.u32 s11, $0x4;
	_ =	swait.ge [sflag:s4], $0x8000  }
0x3f: {  	s11 =	sadd.s32 s11, s7;
	[sflag:s4] =	ssyncset.done $0x0  }
0x40: {  	s15 =	sadd.s32 $0x0, s11;
	s14 =	simm.s32 $0x80;
	[sflag:s4] =	ssyncadd.s32 $0xFFFF8000  }
.LBB2_5:
0x41: {  	[hbm:s15] =	stream.linear.scatter [tilespmem:s12], [sflag:$0x3], $0x400, $0x38;
	[tilespmem:$0x10200] =	vst v63  }
0x42: {  	s15 =	smov.u32 s14;
	s12 =	smov.u32 s13;
	p1 =	sne.s32 s14, $0xF80  }
.Ltmp4:
0x43: {  	s14 =	sadd.s32 $0x80, s14;
	(pc) =	sbr.rel @p1 .LBB2_5-.Ltmp4, $2  }
0x44: {  	_ =	sdelay $0x2  }
0x45: {  	s13 =	sadd.s32 $0x400, s13;
	s15 =	sadd.s32 s15, s11  }
.Ltmp5:
0x46: {  	(pc) =	sbr.rel .LBB2_7-.Ltmp5, $2  }
0x47: {  	_ =	sdelay $0x2  }
0x48: {  	[hbm:s15] =	stream.linear.scatter [tilespmem:s12], [sflag:$0x3], $0x400, $0x38;
	[tilespmem:$0x10200] =	vst v63  }
.LBB2_8:
0x49: {  	_ =	sfence.sel $0x180000  }
0x4a: {  	s2 =	simm.s32 $0x2;
	[bflag:$0x0] =	sbarrier.arrive $0xFFFF  }
0x4b: {  	s30 =	simm.s32 $0x3;
	[sflag:s2] =	ssyncpa.u1 $0x1  }
0x4c: {  	s31 =	simm.s32 $0x1;
	[sflag:s30] =	ssyncpa.u1 $0x1  }
0x4d: {  	[sflag:s31] =	ssyncpa.u1 $0x1  }
0x4e: {  	p0 =	sne.s32 s1, $0x0;
	_ =	strace $0x9000006E  }
0x4f: {  	s0 =	sadd.s32 @!p0 $0x100000, s0;
	[bflag:$0x2] =	sbarrier.arrive $0xFFFF  }
0x50: {  	[sflag:s0] =	ssyncadd.tile.s32 @!p0 $0x1;
	_ =	shalt  }
.Lfunc_end2:
_tile_overlayer_lowered:
.L_overlay_start_2:
0x51: {  	(tag) =	ssettag $0x2  }
0x52: {  	s0 =	rddreg [dreg:$0x0];
	s2 =	stileid.u32  }
0x53: {  	s1 =	rddreg [dreg:$0x1];
	p0 =	sne.s32 s2, $0x0  }
0x54: {  	s3 =	rddreg [dreg:$0x2];
	[bflag:$0x3] =	sbarrier.arrive $0xFFFF;
	s2 =	simm.s32 @!p0 $0x1C01  }
0x55: {  	[timem:s3], [sflag:s2] =	dma.local @!p0 [hbm:s0], s1  }
0x56: {  	s0 =	simm.s32 @!p0 $0x1  }
0x57: {  	_ =	swait.ge @!p0 [sflag:s0], s1  }
0x58: {  	s1 =	ssub.s32 @!p0 $0x0, s1;
	[sflag:s0] =	ssyncset.done @!p0 $0x0  }
0x59: {  	[sflag:s0] =	ssyncadd.s32 @!p0 s1  }
0x5a: {  	[bflag:$0x3] =	sbarrier.arrive $0xFFFF  }
0x5b: {  	_ =	shalt  }

// kernel: gather_offload_async_start.7
scs
__scs_entry_jumppad:
0x0: {  	(pc) =	sbr.rel $0x88, $3  }
0x1: {  	(tag) =	ssettag $0x0;
	lr =	simm.s32 $0x1  }
0x2: {  	[smem:$0x3F95] =	sst lr;
	_ =	strace $0xD0000000  }
0x3: {  	_ = 	snop  }
0x4: {  	_ = 	snop  }
0x5: {  	_ = 	snop  }
0x6: {  	_ = 	snop  }
0x7: {  	_ = 	snop  }
__scs_overlays_trampoline_lowered:
0x8: {  	[smem:$0x3FA4] =	sst s0  }
0x9: {  	[smem:$0x3FA5] =	sst s1  }
0xa: {  	[smem:$0x3FA6] =	sst s2  }
0xb: {  	[smem:$0x3FA7] =	sst s3  }
0xc: {  	[smem:$0x3FA8] =	sst s4  }
0xd: {  	[smem:$0x3FA9] =	sst s5  }
0xe: {  	[smem:$0x3FAA] =	sst s6  }
0xf: {  	[smem:$0x3FAB] =	sst s7  }
0x10: {  	[smem:$0x3FAC] =	sst s8  }
0x11: {  	[smem:$0x3FAD] =	sst s9;
	s0 =	simm.s32 @!p0 $0x0  }
0x12: {  	s1 =	sld [smem:$0x3F93];
	s0 =	simm.s32 @p0 $0x1  }
0x13: {  	[smem:$0x3FAE] =	sst s0;
	s0 =	simm.s32 @!p1 $0x0  }
0x14: {  	s2 =	sld [smem:$0x3F92];
	s0 =	simm.s32 @p1 $0x1  }
0x15: {  	[smem:$0x3FAF] =	sst s0;
	s0 =	simm.s32 @!p2 $0x0  }
0x16: {  	s3 =	sld [smem:$0x3FDB];
	s0 =	simm.s32 @p2 $0x1  }
0x17: {  	s4 =	simm.s32 $0x1BF5;
	[smem:$0x3FB1] =	sst s0  }
0x18: {  	s0 =	sld [smem:$0x3F94];
	_ =	swait.ge [sflag:s4], $0x0  }
0x19: {  	s7 =	sld [smem:$0x3F95]  }
0x1a: {  	s8 =	sadd.s32 $0xFFFFE003, lr  }
0x1b: {  	s9 =	sadd.s32 $0xFFFFFEF7, lr;
	s5 =	simm.s32 $0xFFFFFFFF;
	p2 =	slt.u32 s8, $0xFFFFF086  }
0x1c: {  	p1 =	slt.u32 s9, $0xF7A;
	s5 =	simm.s32 @!p2 $0x0  }
0x1d: {  	s5 =	simm.s32 @p1 $0x1;
	p0 =	seq.s32 s7, s2  }
0x1e: {  	s7 =	smul.u32 @!p0 $0xF7A, s2;
	p2 =	seq.s32 @!p0 s5, $0x0  }
0x1f: {  	s9 =	smul.u32 $0xF7A, s1;
	s8 =	simm.s32 @!p0 $0x1BF5;
	p2 =	por !p2, p0  }
0x20: {  	[sflag:s8] =	ssyncset.s32 @!p0 $0xFFFFF086;
	s6 =	sadd.s32 @!p0 s3, s7;
	s7 =	simm.s32 @!p0 $0x108  }
0x21: {  	s3 =	sadd.s32 s3, s9;
	s6 =	sadd.s32 @!p0 $0x88, s6;
	s7 =	simm.s32 @p2 $0x1082  }
0x22: {  	[simem:s7], [sflag:s8] =	dma.local @!p0 [hbm:s6], $0xF7A  }
0x23: {  	s9 =	sor.u32 $0xD0000000, s2;
	s6 =	simm.s32 $0x108;
	_ =	swait.ge @!p0 [sflag:s8], $0x0  }
0x24: {  	s3 =	sadd.s32 $0x88, s3;
	s6 =	simm.s32 @!p1 $0x1082;
	[sflag:s4] =	ssyncset.s32 $0xFFFFF086  }
0x25: {  	[simem:s6], [sflag:s4] =	dma.local [hbm:s3], $0xF7A  }
0x26: {  	[smem:$0x3F95] =	sst s1;
	(tag) =	ssettag s2;
	_ =	strace s9  }
0x27: {  	s1 =	sld [smem:$0x3FA5]  }
0x28: {  	s2 =	sld [smem:$0x3FA6]  }
0x29: {  	s4 =	sld [smem:$0x3FA8]  }
0x2a: {  	p0 =	seq.s32 s5, $0x0;
	s5 =	sld [smem:$0x3FA9]  }
0x2b: {  	s6 =	sld [smem:$0x3FAA]  }
0x2c: {  	s7 =	sld [smem:$0x3FAB]  }
0x2d: {  	s3 =	simm.s32 $0x108;
	s8 =	sld [smem:$0x3FAC]  }
0x2e: {  	s3 =	simm.s32 @!p0 $0x1082;
	s9 =	sld [smem:$0x3FAD]  }
0x2f: {  	lr =	sadd.s32 s0, s3;
	s0 =	sld [smem:$0x3FA4]  }
0x30: {  	s3 =	sld [smem:$0x3FA7]  }
0x31: {  	[smem:$0x3FB0] =	sst s10  }
0x32: {  	s10 =	sld [smem:$0x3FAE];
	_ =	sdelay $0x3  }
0x33: {  	p0 =	seq.s32 s10, $0x1;
	s10 =	sld [smem:$0x3FB0];
	_ =	sdelay $0x3  }
0x34: {  	[smem:$0x3FB0] =	sst s10  }
0x35: {  	s10 =	sld [smem:$0x3FAF];
	_ =	sdelay $0x3  }
0x36: {  	p1 =	seq.s32 s10, $0x1;
	s10 =	sld [smem:$0x3FB0];
	_ =	sdelay $0x3  }
0x37: {  	[smem:$0x3FB0] =	sst s10  }
0x38: {  	s10 =	sld [smem:$0x3FB1]  }
0x39: {  	_ = 	snop;
	(pc) =	sbr.ind lr, $3  }
0x3a: {  	_ = 	snop  }
0x3b: {  	_ = 	snop  }
0x3c: {  	p2 =	seq.s32 s10, $0x1;
	s10 =	sld [smem:$0x3FB0]  }
0x3d: {  	_ =	shalt  }
0x3e: {  	_ =	shalt  }
0x3f: {  	_ =	shalt  }
0x40: {  	_ =	shalt  }
0x41: {  	_ =	shalt  }
0x42: {  	_ =	shalt  }
0x43: {  	_ =	shalt  }
0x44: {  	_ =	shalt  }
0x45: {  	_ =	shalt  }
0x46: {  	_ =	shalt  }
0x47: {  	_ =	shalt  }
0x48: {  	_ =	shalt  }
0x49: {  	_ =	shalt  }
0x4a: {  	_ =	shalt  }
0x4b: {  	_ =	shalt  }
0x4c: {  	_ =	shalt  }
0x4d: {  	_ =	shalt  }
0x4e: {  	_ =	shalt  }
0x4f: {  	_ =	shalt  }
0x50: {  	_ =	shalt  }
0x51: {  	_ =	shalt  }
0x52: {  	_ =	shalt  }
0x53: {  	_ =	shalt  }
0x54: {  	_ =	shalt  }
0x55: {  	_ =	shalt  }
0x56: {  	_ =	shalt  }
0x57: {  	_ =	shalt  }
0x58: {  	_ =	shalt  }
0x59: {  	_ =	shalt  }
0x5a: {  	_ =	shalt  }
0x5b: {  	_ =	shalt  }
0x5c: {  	_ =	shalt  }
0x5d: {  	_ =	shalt  }
0x5e: {  	_ =	shalt  }
0x5f: {  	_ =	shalt  }
0x60: {  	_ =	shalt  }
0x61: {  	_ =	shalt  }
0x62: {  	_ =	shalt  }
0x63: {  	_ =	shalt  }
0x64: {  	_ =	shalt  }
0x65: {  	_ =	shalt  }
0x66: {  	_ =	shalt  }
0x67: {  	_ =	shalt  }
0x68: {  	_ =	shalt  }
0x69: {  	_ =	shalt  }
0x6a: {  	_ =	shalt  }
0x6b: {  	_ =	shalt  }
0x6c: {  	_ =	shalt  }
0x6d: {  	_ =	shalt  }
0x6e: {  	_ =	shalt  }
0x6f: {  	_ =	shalt  }
0x70: {  	_ =	shalt  }
0x71: {  	_ =	shalt  }
0x72: {  	_ =	shalt  }
0x73: {  	_ =	shalt  }
0x74: {  	_ =	shalt  }
0x75: {  	_ =	shalt  }
0x76: {  	_ =	shalt  }
0x77: {  	_ =	shalt  }
0x78: {  	_ =	shalt  }
0x79: {  	_ =	shalt  }
0x7a: {  	_ =	shalt  }
0x7b: {  	_ =	shalt  }
0x7c: {  	_ =	shalt  }
0x7d: {  	_ =	shalt  }
0x7e: {  	_ =	shalt  }
0x7f: {  	_ =	shalt  }
0x80: {  	_ =	shalt  }
0x81: {  	_ =	shalt  }
0x82: {  	_ =	shalt  }
0x83: {  	_ =	shalt  }
0x84: {  	_ =	shalt  }
0x85: {  	_ =	shalt  }
0x86: {  	_ =	shalt  }
0x87: {  	_ =	shalt  }
.Lfunc_end0:
.L_simem_size_0:
called_computation.12_lowered:
.L_overlay_start_0:
0x88: {  	s2 =	sld [smem:$0x3FD9]  }
0x89: {  	s3 =	sld [smem:$0x3FFE];
	_ =	sdelay $0x1  }
0x8a: {  	s1 =	srdreg.scid  }
0x8b: {  	s0 =	sand.u32 $0x1, s1  }
0x8c: {  	s17 =	sshll.u32 s0, $0xA;
	s2 =	sadd.s32 s3, s2  }
0x8d: {  	s2 =	sadd.s32 s2, s17  }
0x8e: {  	[smem:$0x3FBC] =	sst s2  }
0x8f: {  	_ = 	snop  }
0x90: {  	s18 =	sld [smem:$0x3FD0];
	(tm) =	ssettm $0x1  }
0x91: {  	s19 =	sld [smem:$0x3FFB];
	_ =	sdelay $0x3  }
0x92: {  	_ =	strace s19  }
0x93: {  	s2 =	sld [smem:$0x3FFC];
	_ =	sdelay $0x3  }
0x94: {  	_ =	strace s2  }
0x95: {  	s2 =	sld [smem:$0x3FFD];
	_ =	sdelay $0x3  }
0x96: {  	_ =	strace s2  }
0x97: {  	_ =	strace $0x8FFFFFFF  }
0x98: {  	s20 =	sld [smem:$0x3FDB];
	_ =	sdelay $0x1  }
0x99: {  	s4 =	simm.s32 $_scs_section_size  }
0x9a: {  	s5 =	simm.s32 $_size__tile_overlayer_lowered;
	s6 =	simm.s32 $_tile_overlayer_lowered  }
0x9b: {  	s7 =	simm.s32 $0x1BFF;
	s21 =	sshll.u32 s6, $0x1;
	s4 =	sadd.s32 s4, s20  }
0x9c: {  	s22 =	simm.s32 $0x0;
	s5 =	sshll.u32 s5, $0x1;
	s6 =	sadd.s32 s21, s4  }
0x9d: {  	[timem:s22], [sflag:s7] =	dma.local [hbm:s6], s5  }
0x9e: {  	_ =	swait.ge [sflag:s7], s5  }
0x9f: {  	s5 =	ssub.s32 $0x0, s5;
	[sflag:s7] =	ssyncset.done $0x0  }
0xa0: {  	[sflag:s7] =	ssyncadd.s32 s5;
	_ =	sdelay $0x1  }
0xa1: {  	s23 =	simm.s32 $0x1B8B  }
0xa2: {  	_ =	swait.ge [sflag:s23], $0x1  }
0xa3: {  	[sflag:s23] =	ssyncset.done $0x0  }
0xa4: {  	[sflag:s23] =	ssyncadd.s32 $0xFFFFFFFF  }
0xa5: {  	s5 =	sld [smem:$0x0]  }
0xa6: {  	s6 =	sand.u32 $0xFFFFFFFE, s1  }
0xa7: {  	p0 =	sne.s32 s1, s6  }
0xa8: {  	s6 =	sshll.u32 @p0 s6, $0xE  }
0xa9: {  	s6 =	sadd.s32 @p0 $0x11B8D, s6;
	s7 =	sshll.u32 @p0 s5, $0x11  }
0xaa: {  	s6 =	sor.u32 @p0 s7, s6  }
0xab: {  	[sflag:s6] =	ssyncadd.remote.s32 @p0 $0x1;
	_ =	sdelay $0x1  }
0xac: {  	s6 =	simm.s32 @p0 $0x1B8D  }
0xad: {  	_ =	swait.eq @p0 [sflag:s6], $0x1  }
0xae: {  	[sflag:s6] =	ssyncadd.s32 @p0 $0xFFFFFFFF  }
0xaf: {  	s7 =	sshll.u32 @!p0 s1, $0xE  }
0xb0: {  	s7 =	sor.u32 @!p0 $0x4000, s7;
	s6 =	simm.s32 @!p0 $0x1B8D  }
0xb1: {  	s5 =	sshll.u32 @!p0 s5, $0x11;
	s7 =	sadd.s32 @!p0 $0x11B8D, s7;
	_ =	swait.eq @!p0 [sflag:s6], $0x1  }
0xb2: {  	s5 =	sor.u32 @!p0 s5, s7;
	[sflag:s6] =	ssyncadd.s32 @!p0 $0xFFFFFFFF  }
0xb3: {  	s25 =	simm.s32 $0x1B8E;
	s24 =	sld [smem:$0x3FFE];
	[sflag:s5] =	ssyncadd.remote.s32 @!p0 $0x1  }
0xb4: {  	s26 =	simm.s32 $execute0_lowered;
	[smem:$0x3FD2] =	sst s25  }
0xb5: {  	s6 =	sshll.u32 s26, $0x1;
	_ =	strace $0x80000070;
	[dreg:$0x1] =	wrdreg $0xFFFFFFFF  }
0xb6: {  	s28 =	simm.s32 $_size_execute0_lowered;
	s4 =	sadd.s32 s4, s6;
	[dreg:$0x0] =	wrdreg $0x0  }
0xb7: {  	s6 =	sshll.u32 s28, $0x1;
	[dreg:$0x2] =	wrdreg s4  }
0xb8: {  	[dreg:$0x3] =	wrdreg s6  }
0xb9: {  	[dreg:$0x4] =	wrdreg $0xC0  }
0xba: {  	_ =	task [dreg:s22], $0x5FFFF  }
0xbb: {  	[dreg:$0x1] =	wrdreg $0xFFFFFFFF  }
0xbc: {  	[dreg:$0x0] =	wrdreg $0x60  }
0xbd: {  	[dreg:$0x2] =	wrdreg s24  }
0xbe: {  	[dreg:$0x3] =	wrdreg s18  }
0xbf: {  	[dreg:$0x4] =	wrdreg $0xA  }
0xc0: {  	_ =	task.clear_ibuf [dreg:s22], $0x5FFFF;
	_ =	strace $0x90000070  }
0xc1: {  	s29 =	simm.s32 $0xA;
	_ =	strace $0x80000072  }
0xc2: {  	_ =	swait.ge [sflag:s29], $0x1  }
0xc3: {  	[sflag:s29] =	ssyncadd.s32 $0xFFFFFFFF  }
0xc4: {  	_ =	strace $0x90000072  }
0xc5: {  	_ =	sfence  }
0xc6: {  	s30 =	sld [smem:$0x0];
	_ =	sdelay $0x2  }
0xc7: {  	s31 =	sshll.u32 s1, $0xD;
	s1 =	sshrl.u32 s1, $0x2  }
0xc8: {  	s4 =	sand.u32 $0x4000, s31;
	s1 =	sadd.s32 s1, s30  }
0xc9: {  	s0 =	sor.u32 s4, s0;
	s1 =	sshll.u32 s1, $0x11  }
0xca: {  	s0 =	sor.u32 s1, s0  }
0xcb: {  	s0 =	sadd.s32 $0x8F2B, s0  }
0xcc: {  	[sflag:s0] =	ssyncadd.remote.s32 $0x1  }
0xcd: {  	_ =	sfence.sel $0xFFFF  }
0xce: {  	[dreg:$0x0] =	wrdreg $0xFFFFFFFF;
	(pc) =	sbr.abs _section_cstart, $3  }
0xcf: {  	[dreg:$0x1] =	wrdreg $0xFFFFFFFF  }
0xd0: {  	_ =	task.clear_ibuf [dreg:s22], $0x2FFFF;
	_ =	strace $0x9FFFFFFF  }
0xd1: {  	(tm) =	ssettm $0x7FFFFFFF  }
tec
execute0_lowered:
.L_overlay_start_1:
0x0: {  	(tag) =	ssettag $0x1  }
0x1: {  	s7 =	rddreg [dreg:$0x0]  }
0x2: {  	s2 =	rddreg [dreg:$0x1]  }
0x3: {  	s0 =	rddreg [dreg:$0x2]  }
0x4: {  	s1 =	srdreg.scid;
	_ =	strace $0x80000071;
	s4 =	simm.s32 $0x1  }
0x5: {  	s9 =	simm.s32 $0x3;
	s11 =	simm.s32 $0x0;
	s5 =	sshll.u32 s1, $0x4  }
.Ltmp0:
0x6: {  	s1 =	stileid.u32;
	s5 =	sand.u32 $0x10, s5;
	(pc) =	sbr.rel .LBB2_1-.Ltmp0, $4  }
0x7: {  	p0 =	por $0x0, $0x0;
	s3 =	sadd.s32 $0xA15E00, s7;
	s6 =	sor.u32 s1, s5  }
0x8: {  	[sflag:s4] =	ssyncpa.u1 $0x0;
	s5 =	simm.s32 $0x2;
	s6 =	sshll.u32 s6, $0xB  }
0x9: {  	s7 =	sadd.s32 $0x402400, s7;
	[sflag:s5] =	ssyncpa.u1 $0x0;
	s8 =	sadd.s32 $0x800, s6  }
0xa: {  	vm0 =	vmmov $0xff;
	vm1 =	vcmask $0x3F20;
	[sflag:s9] =	ssyncpa.u1 $0x0;
	s10 =	smov.u32 s6;
	s9 =	simm.s32 $0x0  }
.LBB2_7:
0xb: {  	p1 =	slt.u32 s9, $0x2;
	s11 =	sadd.s32 $0x100, s10  }
0xc: {  	s13 =	smov.u32 s6;
	s9 =	sadd.s32 $0x1, s9;
	p2 =	slt.s32 s11, s8  }
0xd: {  	s13 =	smov.u32 @p2 s11;
	p2 =	sne.s32 s9, $0xA  }
.Ltmp1:
0xe: {  	_ = 	snop;
	(pc) =	sbr.rel @!p2 .LBB2_8-.Ltmp1, $4  }
0xf: {  	s12 =	simm.s32 @!p1 $0x3  }
0x10: {  	_ =	swait.ge @!p1 [sflag:s12], $0x8000  }
0x11: {  	p0 =	por !p0, !p0;
	[sflag:s12] =	ssyncset.done @!p1 $0x0  }
0x12: {  	s11 =	smov.u32 s10;
	s10 =	smov.u32 s13;
	[sflag:s12] =	ssyncadd.s32 @!p1 $0xFFFF8000  }
.LBB2_1:
0x13: {  	p1 =	sgt.u32 s9, $0x7  }
0x14: {  	s12 =	sxor.u32 @!p1 $0xFFFFFFFF, s9  }
0x15: {  	s13 =	sshrl.u32 @!p1 s10, $0x3;
	s12 =	sshll.u32 @!p1 s12, $0x8  }
0x16: {  	s14 =	sand.u32 @!p1 $0x7, s10;
	s13 =	sadd.s32 @!p1 s7, s13;
	s12 =	sand.u32 @!p1 $0x100, s12  }
0x17: {  	[tilespmem:s12], [sflag:$0x2] =	stream.linear.gather @!p1 [hbm4b:s13+s14], $0x100, $0x38;
	[tilespmem:$0x10200] =	vst v63  }
0x18: {  	p1 =	seq.s32 s9, $0x0  }
0x19: {  	p2 =	seq.s32 @!p1 s9, $0x9  }
0x1a: {  	p1 =	por p1, p2  }
.Ltmp2:
0x1b: {  	_ = 	snop;
	(pc) =	sbr.rel @p1 .LBB2_7-.Ltmp2, $1  }
0x1c: {  	_ =	sdelay $0x3  }
0x1d: {  	s12 =	simm.s32 $0x1  }
0x1e: {  	_ =	swait.ge [sflag:s5], $0x100;
	s12 =	simm.s32 @!p0 $0x0  }
0x1f: {  	[sflag:s5] =	ssyncset.done $0x0;
	s14 =	sshll.u32 s12, $0x8  }
0x20: {  	[sflag:s5] =	ssyncadd.s32 $0xFFFFFF00;
	s13 =	sadd.s32 $0x0, s14  }
0x21: {  	v0 =	vld.msk [tilespmem:s13+$0x0 ss:$0x1], $0xffff;
	_ =	sdelay $0x4  }
0x22: {  	vm2 =	vgt.s32 v0, $0x0  }
0x23: {  	v0 =	vnsel vm2, $0x0, v0  }
0x24: {  	v0 =	vmin.u32 v0, $0x3FFFF  }
0x25: {  	v0 =	vshll.u32 v0, $0x4;
	_ =	sdelay $0x2  }
0x26: {  	s12 =	sshll.u32 s12, $0xF  }
0x27: {  	s12 =	sor.u32 $0x200, s12  }
0x28: {  	[tilespmem:s12], [sflag:$0x1] =	stream.indirect_vreg.gather [hbm:s3], $0x80, v0, vm0, $0x38;
	[tilespmem:$0x10200] =	vst v63  }
0x29: {  	s15 =	sadd.s32 $0x10, s14;
	s13 =	sadd.s32 $0x400, s12  }
0x2a: {  	[tilespmem:s13], [sflag:$0x1] =	stream.indirect_vreg.gather [hbm:s3], $0x80, v0, vm1, $0x38;
	[tilespmem:$0x10200] =	vst v63  }
0x2b: {  	s16 =	simm.s32 $0x80;
	v0 =	vld.msk [tilespmem:s15+$0x0 ss:$0x1], $0xffff;
	s15 =	smov.u32 s12  }
.LBB2_3:
0x2c: {  	p1 =	sne.s32 s16, $0x3C0;
	_ =	sdelay $0x4  }
0x2d: {  	vm2 =	vgt.s32 v0, $0x0  }
0x2e: {  	v0 =	vnsel vm2, $0x0, v0  }
0x2f: {  	v0 =	vmin.u32 v0, $0x3FFFF  }
0x30: {  	v0 =	vshll.u32 v0, $0x4;
	_ =	sdelay $0x3  }
.Ltmp3:
0x31: {  	s17 =	sshra.s32 s16, $0x2;
	s15 =	sadd.s32 $0x800, s15;
	(pc) =	sbr.rel @p1 .LBB2_3-.Ltmp3, $4  }
0x32: {  	[tilespmem:s15], [sflag:$0x1] =	stream.indirect_vreg.gather [hbm:s3], $0x80, v0, vm0, $0x38;
	[tilespmem:$0x10200] =	vst v63  }
0x33: {  	s17 =	sadd.s32 s17, s14;
	s18 =	sadd.s32 $0x400, s15  }
0x34: {  	[tilespmem:s18], [sflag:$0x1] =	stream.indirect_vreg.gather [hbm:s3], $0x80, v0, vm1, $0x38;
	[tilespmem:$0x10200] =	vst v63  }
0x35: {  	s16 =	sadd.s32 $0x40, s16;
	v0 =	vld.msk [tilespmem:s17+$0x0 ss:$0x1], $0xffff  }
0x36: {  	_ =	sdelay $0x3  }
0x37: {  	vm2 =	vgt.s32 v0, $0x0  }
0x38: {  	v0 =	vnsel vm2, $0x0, v0  }
0x39: {  	v0 =	vmin.u32 v0, $0x3FFFF  }
0x3a: {  	v0 =	vshll.u32 v0, $0x4;
	_ =	sdelay $0x3  }
0x3b: {  	s14 =	sadd.s32 $0x800, s15  }
0x3c: {  	[tilespmem:s14], [sflag:$0x1] =	stream.indirect_vreg.gather [hbm:s3], $0x80, v0, vm0, $0x38;
	[tilespmem:$0x10200] =	vst v63  }
0x3d: {  	s14 =	sadd.s32 $0x400, s14  }
0x3e: {  	[tilespmem:s14], [sflag:$0x1] =	stream.indirect_vreg.gather [hbm:s3], $0x80, v0, vm1, $0x38;
	[tilespmem:$0x10200] =	vst v63  }
0x3f: {  	s11 =	sshll.u32 s11, $0x4;
	_ =	swait.ge [sflag:s4], $0x8000  }
0x40: {  	s11 =	sadd.s32 s11, s2;
	[sflag:s4] =	ssyncset.done $0x0  }
0x41: {  	s15 =	sadd.s32 $0x0, s11;
	s14 =	simm.s32 $0x80;
	[sflag:s4] =	ssyncadd.s32 $0xFFFF8000  }
.LBB2_5:
0x42: {  	[hbm:s15] =	stream.linear.scatter [tilespmem:s12], [sflag:$0x3], $0x400, $0x38;
	[tilespmem:$0x10200] =	vst v63  }
0x43: {  	s15 =	smov.u32 s14;
	s12 =	smov.u32 s13;
	p1 =	sne.s32 s14, $0xF80  }
.Ltmp4:
0x44: {  	s14 =	sadd.s32 $0x80, s14;
	(pc) =	sbr.rel @p1 .LBB2_5-.Ltmp4, $2  }
0x45: {  	_ =	sdelay $0x2  }
0x46: {  	s13 =	sadd.s32 $0x400, s13;
	s15 =	sadd.s32 s15, s11  }
.Ltmp5:
0x47: {  	(pc) =	sbr.rel .LBB2_7-.Ltmp5, $2  }
0x48: {  	_ =	sdelay $0x2  }
0x49: {  	[hbm:s15] =	stream.linear.scatter [tilespmem:s12], [sflag:$0x3], $0x400, $0x38;
	[tilespmem:$0x10200] =	vst v63  }
.LBB2_8:
0x4a: {  	_ =	sfence.sel $0x180000  }
0x4b: {  	s2 =	simm.s32 $0x2;
	[bflag:$0x0] =	sbarrier.arrive $0xFFFF  }
0x4c: {  	s30 =	simm.s32 $0x3;
	[sflag:s2] =	ssyncpa.u1 $0x1  }
0x4d: {  	s31 =	simm.s32 $0x1;
	[sflag:s30] =	ssyncpa.u1 $0x1  }
0x4e: {  	[sflag:s31] =	ssyncpa.u1 $0x1  }
0x4f: {  	p0 =	sne.s32 s1, $0x0;
	_ =	strace $0x90000071  }
0x50: {  	s0 =	sadd.s32 @!p0 $0x100000, s0;
	[bflag:$0x2] =	sbarrier.arrive $0xFFFF  }
0x51: {  	[sflag:s0] =	ssyncadd.tile.s32 @!p0 $0x1;
	_ =	shalt  }
.Lfunc_end2:
_tile_overlayer_lowered:
.L_overlay_start_2:
0x52: {  	(tag) =	ssettag $0x2  }
0x53: {  	s0 =	rddreg [dreg:$0x0];
	s2 =	stileid.u32  }
0x54: {  	s1 =	rddreg [dreg:$0x1];
	p0 =	sne.s32 s2, $0x0  }
0x55: {  	s3 =	rddreg [dreg:$0x2];
	[bflag:$0x3] =	sbarrier.arrive $0xFFFF;
	s2 =	simm.s32 @!p0 $0x1C01  }
0x56: {  	[timem:s3], [sflag:s2] =	dma.local @!p0 [hbm:s0], s1  }
0x57: {  	s0 =	simm.s32 @!p0 $0x1  }
0x58: {  	_ =	swait.ge @!p0 [sflag:s0], s1  }
0x59: {  	s1 =	ssub.s32 @!p0 $0x0, s1;
	[sflag:s0] =	ssyncset.done @!p0 $0x0  }
0x5a: {  	[sflag:s0] =	ssyncadd.s32 @!p0 s1  }
0x5b: {  	[bflag:$0x3] =	sbarrier.arrive $0xFFFF  }
0x5c: {  	_ =	shalt  }

// kernel: gather_offload_async_start
scs
__scs_entry_jumppad:
0x0: {  	(pc) =	sbr.rel $0x88, $3  }
0x1: {  	(tag) =	ssettag $0x0;
	lr =	simm.s32 $0x1  }
0x2: {  	[smem:$0x3F95] =	sst lr;
	_ =	strace $0xD0000000  }
0x3: {  	_ = 	snop  }
0x4: {  	_ = 	snop  }
0x5: {  	_ = 	snop  }
0x6: {  	_ = 	snop  }
0x7: {  	_ = 	snop  }
__scs_overlays_trampoline_lowered:
0x8: {  	[smem:$0x3FA4] =	sst s0  }
0x9: {  	[smem:$0x3FA5] =	sst s1  }
0xa: {  	[smem:$0x3FA6] =	sst s2  }
0xb: {  	[smem:$0x3FA7] =	sst s3  }
0xc: {  	[smem:$0x3FA8] =	sst s4  }
0xd: {  	[smem:$0x3FA9] =	sst s5  }
0xe: {  	[smem:$0x3FAA] =	sst s6  }
0xf: {  	[smem:$0x3FAB] =	sst s7  }
0x10: {  	[smem:$0x3FAC] =	sst s8  }
0x11: {  	[smem:$0x3FAD] =	sst s9;
	s0 =	simm.s32 @!p0 $0x0  }
0x12: {  	s1 =	sld [smem:$0x3F93];
	s0 =	simm.s32 @p0 $0x1  }
0x13: {  	[smem:$0x3FAE] =	sst s0;
	s0 =	simm.s32 @!p1 $0x0  }
0x14: {  	s2 =	sld [smem:$0x3F92];
	s0 =	simm.s32 @p1 $0x1  }
0x15: {  	[smem:$0x3FAF] =	sst s0;
	s0 =	simm.s32 @!p2 $0x0  }
0x16: {  	s3 =	sld [smem:$0x3FDB];
	s0 =	simm.s32 @p2 $0x1  }
0x17: {  	s4 =	simm.s32 $0x1BF5;
	[smem:$0x3FB1] =	sst s0  }
0x18: {  	s0 =	sld [smem:$0x3F94];
	_ =	swait.ge [sflag:s4], $0x0  }
0x19: {  	s7 =	sld [smem:$0x3F95]  }
0x1a: {  	s8 =	sadd.s32 $0xFFFFE003, lr  }
0x1b: {  	s9 =	sadd.s32 $0xFFFFFEF7, lr;
	s5 =	simm.s32 $0xFFFFFFFF;
	p2 =	slt.u32 s8, $0xFFFFF086  }
0x1c: {  	p1 =	slt.u32 s9, $0xF7A;
	s5 =	simm.s32 @!p2 $0x0  }
0x1d: {  	s5 =	simm.s32 @p1 $0x1;
	p0 =	seq.s32 s7, s2  }
0x1e: {  	s7 =	smul.u32 @!p0 $0xF7A, s2;
	p2 =	seq.s32 @!p0 s5, $0x0  }
0x1f: {  	s9 =	smul.u32 $0xF7A, s1;
	s8 =	simm.s32 @!p0 $0x1BF5;
	p2 =	por !p2, p0  }
0x20: {  	[sflag:s8] =	ssyncset.s32 @!p0 $0xFFFFF086;
	s6 =	sadd.s32 @!p0 s3, s7;
	s7 =	simm.s32 @!p0 $0x108  }
0x21: {  	s3 =	sadd.s32 s3, s9;
	s6 =	sadd.s32 @!p0 $0x88, s6;
	s7 =	simm.s32 @p2 $0x1082  }
0x22: {  	[simem:s7], [sflag:s8] =	dma.local @!p0 [hbm:s6], $0xF7A  }
0x23: {  	s9 =	sor.u32 $0xD0000000, s2;
	s6 =	simm.s32 $0x108;
	_ =	swait.ge @!p0 [sflag:s8], $0x0  }
0x24: {  	s3 =	sadd.s32 $0x88, s3;
	s6 =	simm.s32 @!p1 $0x1082;
	[sflag:s4] =	ssyncset.s32 $0xFFFFF086  }
0x25: {  	[simem:s6], [sflag:s4] =	dma.local [hbm:s3], $0xF7A  }
0x26: {  	[smem:$0x3F95] =	sst s1;
	(tag) =	ssettag s2;
	_ =	strace s9  }
0x27: {  	s1 =	sld [smem:$0x3FA5]  }
0x28: {  	s2 =	sld [smem:$0x3FA6]  }
0x29: {  	s4 =	sld [smem:$0x3FA8]  }
0x2a: {  	p0 =	seq.s32 s5, $0x0;
	s5 =	sld [smem:$0x3FA9]  }
0x2b: {  	s6 =	sld [smem:$0x3FAA]  }
0x2c: {  	s7 =	sld [smem:$0x3FAB]  }
0x2d: {  	s3 =	simm.s32 $0x108;
	s8 =	sld [smem:$0x3FAC]  }
0x2e: {  	s3 =	simm.s32 @!p0 $0x1082;
	s9 =	sld [smem:$0x3FAD]  }
0x2f: {  	lr =	sadd.s32 s0, s3;
	s0 =	sld [smem:$0x3FA4]  }
0x30: {  	s3 =	sld [smem:$0x3FA7]  }
0x31: {  	[smem:$0x3FB0] =	sst s10  }
0x32: {  	s10 =	sld [smem:$0x3FAE];
	_ =	sdelay $0x3  }
0x33: {  	p0 =	seq.s32 s10, $0x1;
	s10 =	sld [smem:$0x3FB0];
	_ =	sdelay $0x3  }
0x34: {  	[smem:$0x3FB0] =	sst s10  }
0x35: {  	s10 =	sld [smem:$0x3FAF];
	_ =	sdelay $0x3  }
0x36: {  	p1 =	seq.s32 s10, $0x1;
	s10 =	sld [smem:$0x3FB0];
	_ =	sdelay $0x3  }
0x37: {  	[smem:$0x3FB0] =	sst s10  }
0x38: {  	s10 =	sld [smem:$0x3FB1]  }
0x39: {  	_ = 	snop;
	(pc) =	sbr.ind lr, $3  }
0x3a: {  	_ = 	snop  }
0x3b: {  	_ = 	snop  }
0x3c: {  	p2 =	seq.s32 s10, $0x1;
	s10 =	sld [smem:$0x3FB0]  }
0x3d: {  	_ =	shalt  }
0x3e: {  	_ =	shalt  }
0x3f: {  	_ =	shalt  }
0x40: {  	_ =	shalt  }
0x41: {  	_ =	shalt  }
0x42: {  	_ =	shalt  }
0x43: {  	_ =	shalt  }
0x44: {  	_ =	shalt  }
0x45: {  	_ =	shalt  }
0x46: {  	_ =	shalt  }
0x47: {  	_ =	shalt  }
0x48: {  	_ =	shalt  }
0x49: {  	_ =	shalt  }
0x4a: {  	_ =	shalt  }
0x4b: {  	_ =	shalt  }
0x4c: {  	_ =	shalt  }
0x4d: {  	_ =	shalt  }
0x4e: {  	_ =	shalt  }
0x4f: {  	_ =	shalt  }
0x50: {  	_ =	shalt  }
0x51: {  	_ =	shalt  }
0x52: {  	_ =	shalt  }
0x53: {  	_ =	shalt  }
0x54: {  	_ =	shalt  }
0x55: {  	_ =	shalt  }
0x56: {  	_ =	shalt  }
0x57: {  	_ =	shalt  }
0x58: {  	_ =	shalt  }
0x59: {  	_ =	shalt  }
0x5a: {  	_ =	shalt  }
0x5b: {  	_ =	shalt  }
0x5c: {  	_ =	shalt  }
0x5d: {  	_ =	shalt  }
0x5e: {  	_ =	shalt  }
0x5f: {  	_ =	shalt  }
0x60: {  	_ =	shalt  }
0x61: {  	_ =	shalt  }
0x62: {  	_ =	shalt  }
0x63: {  	_ =	shalt  }
0x64: {  	_ =	shalt  }
0x65: {  	_ =	shalt  }
0x66: {  	_ =	shalt  }
0x67: {  	_ =	shalt  }
0x68: {  	_ =	shalt  }
0x69: {  	_ =	shalt  }
0x6a: {  	_ =	shalt  }
0x6b: {  	_ =	shalt  }
0x6c: {  	_ =	shalt  }
0x6d: {  	_ =	shalt  }
0x6e: {  	_ =	shalt  }
0x6f: {  	_ =	shalt  }
0x70: {  	_ =	shalt  }
0x71: {  	_ =	shalt  }
0x72: {  	_ =	shalt  }
0x73: {  	_ =	shalt  }
0x74: {  	_ =	shalt  }
0x75: {  	_ =	shalt  }
0x76: {  	_ =	shalt  }
0x77: {  	_ =	shalt  }
0x78: {  	_ =	shalt  }
0x79: {  	_ =	shalt  }
0x7a: {  	_ =	shalt  }
0x7b: {  	_ =	shalt  }
0x7c: {  	_ =	shalt  }
0x7d: {  	_ =	shalt  }
0x7e: {  	_ =	shalt  }
0x7f: {  	_ =	shalt  }
0x80: {  	_ =	shalt  }
0x81: {  	_ =	shalt  }
0x82: {  	_ =	shalt  }
0x83: {  	_ =	shalt  }
0x84: {  	_ =	shalt  }
0x85: {  	_ =	shalt  }
0x86: {  	_ =	shalt  }
0x87: {  	_ =	shalt  }
.Lfunc_end0:
.L_simem_size_0:
called_computation.5_lowered:
.L_overlay_start_0:
0x88: {  	s2 =	sld [smem:$0x3FD9]  }
0x89: {  	s3 =	sld [smem:$0x3FFE];
	_ =	sdelay $0x1  }
0x8a: {  	s1 =	srdreg.scid  }
0x8b: {  	s0 =	sand.u32 $0x1, s1  }
0x8c: {  	s17 =	sshll.u32 s0, $0xA;
	s2 =	sadd.s32 s3, s2  }
0x8d: {  	s2 =	sadd.s32 s2, s17  }
0x8e: {  	[smem:$0x3FBC] =	sst s2  }
0x8f: {  	_ = 	snop  }
0x90: {  	s18 =	sld [smem:$0x3FD0];
	(tm) =	ssettm $0x1  }
0x91: {  	s19 =	sld [smem:$0x3FFB];
	_ =	sdelay $0x3  }
0x92: {  	_ =	strace s19  }
0x93: {  	s2 =	sld [smem:$0x3FFC];
	_ =	sdelay $0x3  }
0x94: {  	_ =	strace s2  }
0x95: {  	s2 =	sld [smem:$0x3FFD];
	_ =	sdelay $0x3  }
0x96: {  	_ =	strace s2  }
0x97: {  	_ =	strace $0x8FFFFFFF  }
0x98: {  	s20 =	sld [smem:$0x3FDB];
	_ =	sdelay $0x1  }
0x99: {  	s4 =	simm.s32 $_scs_section_size  }
0x9a: {  	s5 =	simm.s32 $_size__tile_overlayer_lowered;
	s6 =	simm.s32 $_tile_overlayer_lowered  }
0x9b: {  	s7 =	simm.s32 $0x1BFF;
	s21 =	sshll.u32 s6, $0x1;
	s4 =	sadd.s32 s4, s20  }
0x9c: {  	s22 =	simm.s32 $0x0;
	s5 =	sshll.u32 s5, $0x1;
	s6 =	sadd.s32 s21, s4  }
0x9d: {  	[timem:s22], [sflag:s7] =	dma.local [hbm:s6], s5  }
0x9e: {  	_ =	swait.ge [sflag:s7], s5  }
0x9f: {  	s5 =	ssub.s32 $0x0, s5;
	[sflag:s7] =	ssyncset.done $0x0  }
0xa0: {  	[sflag:s7] =	ssyncadd.s32 s5;
	_ =	sdelay $0x1  }
0xa1: {  	s23 =	simm.s32 $0x1B8B  }
0xa2: {  	_ =	swait.ge [sflag:s23], $0x1  }
0xa3: {  	[sflag:s23] =	ssyncset.done $0x0  }
0xa4: {  	[sflag:s23] =	ssyncadd.s32 $0xFFFFFFFF  }
0xa5: {  	s5 =	sld [smem:$0x0]  }
0xa6: {  	s6 =	sand.u32 $0xFFFFFFFE, s1  }
0xa7: {  	p0 =	sne.s32 s1, s6  }
0xa8: {  	s6 =	sshll.u32 @p0 s6, $0xE  }
0xa9: {  	s6 =	sadd.s32 @p0 $0x11B8D, s6;
	s7 =	sshll.u32 @p0 s5, $0x11  }
0xaa: {  	s6 =	sor.u32 @p0 s7, s6  }
0xab: {  	[sflag:s6] =	ssyncadd.remote.s32 @p0 $0x1;
	_ =	sdelay $0x1  }
0xac: {  	s6 =	simm.s32 @p0 $0x1B8D  }
0xad: {  	_ =	swait.eq @p0 [sflag:s6], $0x1  }
0xae: {  	[sflag:s6] =	ssyncadd.s32 @p0 $0xFFFFFFFF  }
0xaf: {  	s7 =	sshll.u32 @!p0 s1, $0xE  }
0xb0: {  	s7 =	sor.u32 @!p0 $0x4000, s7;
	s6 =	simm.s32 @!p0 $0x1B8D  }
0xb1: {  	s5 =	sshll.u32 @!p0 s5, $0x11;
	s7 =	sadd.s32 @!p0 $0x11B8D, s7;
	_ =	swait.eq @!p0 [sflag:s6], $0x1  }
0xb2: {  	s5 =	sor.u32 @!p0 s5, s7;
	[sflag:s6] =	ssyncadd.s32 @!p0 $0xFFFFFFFF  }
0xb3: {  	s25 =	simm.s32 $0x1B8E;
	s24 =	sld [smem:$0x3FFE];
	[sflag:s5] =	ssyncadd.remote.s32 @!p0 $0x1  }
0xb4: {  	s26 =	simm.s32 $execute0_lowered;
	[smem:$0x3FD2] =	sst s25  }
0xb5: {  	s6 =	sshll.u32 s26, $0x1;
	_ =	strace $0x8000006A;
	[dreg:$0x1] =	wrdreg $0xFFFFFFFF  }
0xb6: {  	s28 =	simm.s32 $_size_execute0_lowered;
	s4 =	sadd.s32 s4, s6;
	[dreg:$0x0] =	wrdreg $0x0  }
0xb7: {  	s6 =	sshll.u32 s28, $0x1;
	[dreg:$0x2] =	wrdreg s4  }
0xb8: {  	[dreg:$0x3] =	wrdreg s6  }
0xb9: {  	[dreg:$0x4] =	wrdreg $0xC0  }
0xba: {  	_ =	task [dreg:s22], $0x5FFFF  }
0xbb: {  	[dreg:$0x1] =	wrdreg $0xFFFFFFFF  }
0xbc: {  	[dreg:$0x0] =	wrdreg $0x60  }
0xbd: {  	[dreg:$0x2] =	wrdreg s18  }
0xbe: {  	[dreg:$0x3] =	wrdreg s24  }
0xbf: {  	[dreg:$0x4] =	wrdreg $0x9  }
0xc0: {  	_ =	task.clear_ibuf [dreg:s22], $0x5FFFF;
	_ =	strace $0x9000006A  }
0xc1: {  	s29 =	simm.s32 $0x9;
	_ =	strace $0x8000006C  }
0xc2: {  	_ =	swait.ge [sflag:s29], $0x1  }
0xc3: {  	[sflag:s29] =	ssyncadd.s32 $0xFFFFFFFF  }
0xc4: {  	_ =	strace $0x9000006C  }
0xc5: {  	_ =	sfence  }
0xc6: {  	s30 =	sld [smem:$0x0];
	_ =	sdelay $0x2  }
0xc7: {  	s31 =	sshll.u32 s1, $0xD;
	s1 =	sshrl.u32 s1, $0x2  }
0xc8: {  	s4 =	sand.u32 $0x4000, s31;
	s1 =	sadd.s32 s1, s30  }
0xc9: {  	s0 =	sor.u32 s4, s0;
	s1 =	sshll.u32 s1, $0x11  }
0xca: {  	s0 =	sor.u32 s1, s0  }
0xcb: {  	s0 =	sadd.s32 $0x8F2B, s0  }
0xcc: {  	[sflag:s0] =	ssyncadd.remote.s32 $0x1  }
0xcd: {  	_ =	sfence.sel $0xFFFF  }
0xce: {  	[dreg:$0x0] =	wrdreg $0xFFFFFFFF;
	(pc) =	sbr.abs _section_cstart, $3  }
0xcf: {  	[dreg:$0x1] =	wrdreg $0xFFFFFFFF  }
0xd0: {  	_ =	task.clear_ibuf [dreg:s22], $0x2FFFF;
	_ =	strace $0x9FFFFFFF  }
0xd1: {  	(tm) =	ssettm $0x7FFFFFFF  }
tec
execute0_lowered:
.L_overlay_start_1:
0x0: {  	(tag) =	ssettag $0x1  }
0x1: {  	s2 =	rddreg [dreg:$0x0];
	s0 =	srdreg.scid  }
0x2: {  	s5 =	rddreg [dreg:$0x1];
	s1 =	stileid.u32;
	s6 =	simm.s32 $0x1  }
0x3: {  	s9 =	simm.s32 $0x1;
	s10 =	simm.s32 $0x3;
	s3 =	sshll.u32 s0, $0xF  }
0x4: {  	s13 =	simm.s32 $0x0;
	s4 =	sshll.u32 s1, $0x10;
	s3 =	sand.u32 $0x8000, s3  }
0x5: {  	s0 =	rddreg [dreg:$0x2];
	_ =	strace $0x8000006B;
	s3 =	sor.u32 s4, s3  }
0x6: {  	s12 =	simm.s32 $0x0;
	[sflag:s6] =	ssyncpa.u1 $0x0;
	s8 =	ssub.s32 $0x600000, s3  }
.Ltmp0:
0x7: {  	s4 =	sadd.s32 $0x655E00, s5;
	s7 =	sand.u32 $0xF8000, s8;
	(pc) =	sbr.rel .LBB2_1-.Ltmp0, $4  }
0x8: {  	s5 =	sadd.s32 $0x7D5E00, s5;
	s11 =	smov.u32 s3;
	p0 =	sne.s32 s7, $0x0  }
0x9: {  	s8 =	sshrl.u32 s8, $0x14;
	s7 =	simm.s32 $0x2;
	s9 =	simm.s32 @!p0 $0x0  }
0xa: {  	[sflag:s7] =	ssyncpa.u1 $0x0;
	p0 =	por $0x0, $0x0;
	s8 =	sadd.s32 s9, s8  }
0xb: {  	vm0 =	vmmov $0xffff;
	[sflag:s10] =	ssyncpa.u1 $0x0;
	s10 =	simm.s32 $0x0;
	s9 =	sadd.s32 $0x1, s8  }
.LBB2_4:
0xc: {  	vm1 =	veq.s32 v1, $0x80000000;
	v5 =	vand.u32 $0x7F, v1;
	v59 =	vand.u32 $0x7FFF80, v1  }
0xd: {  	v5 =	vsel vm1, $0xFFFFFFFF, v5;
	v1 =	vsel vm1, $0xFFFFFF80, v59  }
0xe: {  	v3 =	vor.u32 v4, v3;
	v60 =	vand.u32 $0xFFFFFC00, v1;
	v6 =	vand.u32 $0xFFFFFC00, v5  }
0xf: {  	v2 =	vor.u32 v2, v3;
	v1 =	vand.u32 $0x380, v1;
	v61 =	vadd.s32 v6, v60  }
0x10: {  	v62 =	vand.u32 $0x7F, v5;
	v1 =	vor.u32 v1, v61  }
0x11: {  	v1 =	vor.u32 v62, v1  }
0x12: {  	[tilespmem:s16], [sflag:$0x1] =	stream.indirect_vreg.gather [hbm4b:s2+s10], $0x1, v0, vm0, $0x4038;
	v63 =	vld [tilespmem:$0x0]  }
0x13: {  	(ifvalue) =	ssetifvalue $0x7FFFFFFF  }
0x14: {  	[tilespmem:s15], [sflag:$0x1] =	stream.indirect_vreg.gather [hbm4b:s2+s10], $0x1, v2, vm0, $0x4038;
	v63 =	vld [tilespmem:$0x0]  }
0x15: {  	s29 =	sadd.s32 $0x10, s15;
	(ifvalue) =	ssetifvalue $0x7FFFFFFF  }
0x16: {  	[tilespmem:s29], [sflag:$0x1] =	stream.indirect_vreg.gather [hbm4b:s2+s10], $0x1, v1, vm0, $0x4038;
	v63 =	vld [tilespmem:$0x0]  }
0x17: {  	_ =	swait.ge [sflag:s6], $0x8000  }
0x18: {  	s30 =	sshrl.u32 s13, $0x3;
	[sflag:s6] =	ssyncset.done $0x0  }
0x19: {  	s31 =	sand.u32 $0x7, s13;
	s15 =	sadd.s32 s5, s30;
	[sflag:s6] =	ssyncadd.s32 $0xFFFF8000  }
0x1a: {  	[hbm4b:s15+s31] =	stream.linear.scatter [tilespmem:s14], [sflag:$0x3], $0x8000, $0x38;
	v63 =	vld [tilespmem:$0x0]  }
.LBB2_5:
0x1b: {  	s15 =	sadd.s32 $0x100000, s11  }
0x1c: {  	p2 =	sgt.s32 s15, $0x5FFFFF  }
0x1d: {  	s15 =	smov.u32 @p2 s3;
	p2 =	sne.s32 s12, s9  }
.Ltmp1:
0x1e: {  	p1 =	slt.u32 s12, $0x2;
	(pc) =	sbr.rel @!p2 .LBB2_6-.Ltmp1, $4  }
0x1f: {  	s14 =	simm.s32 @!p1 $0x3  }
0x20: {  	s16 =	sadd.s32 $0x1, s12;
	_ =	swait.ge @!p1 [sflag:s14], $0x8000  }
0x21: {  	s13 =	smov.u32 s11;
	p0 =	por !p0, !p0;
	[sflag:s14] =	ssyncset.done @!p1 $0x0  }
0x22: {  	s12 =	smov.u32 s16;
	s11 =	smov.u32 s15;
	[sflag:s14] =	ssyncadd.s32 @!p1 $0xFFFF8000  }
.LBB2_1:
0x23: {  	p1 =	sge.u32 s12, s8  }
0x24: {  	s14 =	sxor.u32 @!p1 $0xFFFFFFFF, s12  }
0x25: {  	s31 =	sadd.s32 $0xFFFFFFFF, s12;
	s15 =	sshrl.u32 @!p1 s11, $0x3;
	s14 =	sshll.u32 @!p1 s14, $0xF  }
0x26: {  	s16 =	sand.u32 @!p1 $0x7, s11;
	s15 =	sadd.s32 @!p1 s4, s15;
	s14 =	sand.u32 @!p1 $0x8000, s14  }
0x27: {  	[tilespmem:s14], [sflag:$0x2] =	stream.linear.gather @!p1 [hbm4b:s15+s16], $0x8000, $0x38;
	v63 =	vld [tilespmem:$0x0]  }
0x28: {  	p1 =	sge.u32 s31, s8  }
.Ltmp2:
0x29: {  	_ = 	snop;
	(pc) =	sbr.rel @p1 .LBB2_5-.Ltmp2, $1  }
0x2a: {  	_ =	sdelay $0x3  }
0x2b: {  	s14 =	simm.s32 $0x1  }
0x2c: {  	_ =	swait.ge [sflag:s7], $0x8000;
	s14 =	simm.s32 @!p0 $0x0  }
0x2d: {  	[sflag:s7] =	ssyncset.done $0x0;
	s14 =	sshll.u32 s14, $0xF  }
0x2e: {  	[sflag:s7] =	ssyncadd.s32 $0xFFFF8000;
	(ifvalue) =	ssetifvalue $0x7FFFFFFF;
	v0 =	vld.msk [tilespmem:s14+$0x0 ss:$0x1], $0xffff;
	_ =	sdelay $0x4  }
0x2f: {  	s15 =	sadd.s32 $0x10, s14;
	vm1 =	veq.s32 v0, $0x80000000;
	v2 =	vand.u32 $0x7F, v0;
	v0 =	vand.u32 $0x7FFF80, v0  }
0x30: {  	v1 =	vld.msk [tilespmem:s15+$0x0 ss:$0x1], $0xffff;
	v2 =	vsel vm1, $0xFFFFFFFF, v2;
	v0 =	vsel vm1, $0xFFFFFF80, v0  }
0x31: {  	v3 =	vand.u32 $0xFFFFFC00, v0;
	v4 =	vand.u32 $0xFFFFFC00, v2  }
0x32: {  	v0 =	vand.u32 $0x380, v0;
	v3 =	vadd.s32 v4, v3  }
0x33: {  	v2 =	vand.u32 $0x7F, v2;
	v0 =	vor.u32 v0, v3  }
0x34: {  	v0 =	vor.u32 v2, v0  }
0x35: {  	s16 =	sshll.u32 s12, $0xF;
	vm1 =	veq.s32 v1, $0x80000000;
	v4 =	vand.u32 $0x7F, v1;
	v1 =	vand.u32 $0x7FFF80, v1  }
0x36: {  	s18 =	sand.u32 $0x8000, s16;
	v3 =	vsel vm1, $0xFFFFFFFF, v4;
	v4 =	vsel vm1, $0xFFFFFF80, v1  }
0x37: {  	s16 =	sor.u32 $0x10000, s14;
	s14 =	sor.u32 $0x10000, s18;
	s17 =	sadd.s32 $0x10, s15;
	v5 =	vand.u32 $0xFFFFFC00, v4;
	v6 =	vand.u32 $0xFFFFFC00, v3  }
0x38: {  	s18 =	simm.s32 $0x20;
	s15 =	sadd.s32 $0x10, s16;
	v1 =	vld.msk [tilespmem:s17+$0x0 ss:$0x1], $0xffff;
	(ifvalue) =	ssetifvalue $0x7FFFFFFF;
	v2 =	vand.u32 $0x7F, v3;
	v4 =	vand.u32 $0x380, v4;
	v3 =	vadd.s32 v6, v5  }
.LBB2_3:
0x39: {  	[tilespmem:s16], [sflag:$0x1] =	stream.indirect_vreg.gather [hbm4b:s2+s10], $0x1, v0, vm0, $0x4038;
	v63 =	vld [tilespmem:$0x0]  }
0x3a: {  	s18 =	sadd.s32 $0x10, s18  }
0x3b: {  	v3 =	vor.u32 v4, v3;
	p1 =	slt.u32 s18, $0x7FF0  }
.Ltmp3:
0x3c: {  	s17 =	sadd.s32 $0x10, s17;
	v0 =	vor.u32 v2, v3;
	(pc) =	sbr.rel @p1 .LBB2_3-.Ltmp3, $4  }
0x3d: {  	vm1 =	veq.s32 v1, $0x80000000;
	s16 =	smov.u32 s15;
	v2 =	vand.u32 $0x7F, v1;
	v3 =	vand.u32 $0x7FFF80, v1;
	v1 =	vld.msk [tilespmem:s17+$0x0 ss:$0x1], $0xffff  }
0x3e: {  	v4 =	vsel vm1, $0xFFFFFFFF, v2;
	v5 =	vsel vm1, $0xFFFFFF80, v3  }
0x3f: {  	v2 =	vand.u32 $0x7F, v4;
	v3 =	vand.u32 $0xFFFFFC00, v5;
	v4 =	vand.u32 $0xFFFFFC00, v4  }
0x40: {  	s15 =	sadd.s32 $0x10, s15;
	v3 =	vadd.s32 v4, v3;
	v4 =	vand.u32 $0x380, v5;
	(ifvalue) =	ssetifvalue $0x7FFFFFFF  }
.Ltmp4:
0x41: {  	_ = 	snop;
	(pc) =	sbr.rel .LBB2_4-.Ltmp4, $1  }
0x42: {  	_ =	sdelay $0x3  }
.LBB2_6:
0x43: {  	_ =	sfence.sel $0x180000  }
0x44: {  	s2 =	simm.s32 $0x2;
	[bflag:$0x0] =	sbarrier.arrive $0xFFFF  }
0x45: {  	s30 =	simm.s32 $0x3;
	[sflag:s2] =	ssyncpa.u1 $0x1  }
0x46: {  	s31 =	simm.s32 $0x1;
	[sflag:s30] =	ssyncpa.u1 $0x1  }
0x47: {  	[sflag:s31] =	ssyncpa.u1 $0x1  }
0x48: {  	p0 =	sne.s32 s1, $0x0;
	_ =	strace $0x9000006B  }
0x49: {  	s0 =	sadd.s32 @!p0 $0x100000, s0;
	[bflag:$0x2] =	sbarrier.arrive $0xFFFF  }
0x4a: {  	[sflag:s0] =	ssyncadd.tile.s32 @!p0 $0x1;
	_ =	shalt  }
.Lfunc_end2:
_tile_overlayer_lowered:
.L_overlay_start_2:
0x4b: {  	(tag) =	ssettag $0x2  }
0x4c: {  	s0 =	rddreg [dreg:$0x0];
	s2 =	stileid.u32  }
0x4d: {  	s1 =	rddreg [dreg:$0x1];
	p0 =	sne.s32 s2, $0x0  }
0x4e: {  	s3 =	rddreg [dreg:$0x2];
	[bflag:$0x3] =	sbarrier.arrive $0xFFFF;
	s2 =	simm.s32 @!p0 $0x1C01  }
0x4f: {  	[timem:s3], [sflag:s2] =	dma.local @!p0 [hbm:s0], s1  }
0x50: {  	s0 =	simm.s32 @!p0 $0x1  }
0x51: {  	_ =	swait.ge @!p0 [sflag:s0], s1  }
0x52: {  	s1 =	ssub.s32 @!p0 $0x0, s1;
	[sflag:s0] =	ssyncset.done @!p0 $0x0  }
0x53: {  	[sflag:s0] =	ssyncadd.s32 @!p0 s1  }
0x54: {  	[bflag:$0x3] =	sbarrier.arrive $0xFFFF  }
0x55: {  	_ =	shalt  }

// kernel: scatter_offload_async_start.1
scs
__scs_entry_jumppad:
0x0: {  	(pc) =	sbr.rel $0x88, $3  }
0x1: {  	(tag) =	ssettag $0x0;
	lr =	simm.s32 $0x1  }
0x2: {  	[smem:$0x3F95] =	sst lr;
	_ =	strace $0xD0000000  }
0x3: {  	_ = 	snop  }
0x4: {  	_ = 	snop  }
0x5: {  	_ = 	snop  }
0x6: {  	_ = 	snop  }
0x7: {  	_ = 	snop  }
__scs_overlays_trampoline_lowered:
0x8: {  	[smem:$0x3FA4] =	sst s0  }
0x9: {  	[smem:$0x3FA5] =	sst s1  }
0xa: {  	[smem:$0x3FA6] =	sst s2  }
0xb: {  	[smem:$0x3FA7] =	sst s3  }
0xc: {  	[smem:$0x3FA8] =	sst s4  }
0xd: {  	[smem:$0x3FA9] =	sst s5  }
0xe: {  	[smem:$0x3FAA] =	sst s6  }
0xf: {  	[smem:$0x3FAB] =	sst s7  }
0x10: {  	[smem:$0x3FAC] =	sst s8  }
0x11: {  	[smem:$0x3FAD] =	sst s9;
	s0 =	simm.s32 @!p0 $0x0  }
0x12: {  	s1 =	sld [smem:$0x3F93];
	s0 =	simm.s32 @p0 $0x1  }
0x13: {  	[smem:$0x3FAE] =	sst s0;
	s0 =	simm.s32 @!p1 $0x0  }
0x14: {  	s2 =	sld [smem:$0x3F92];
	s0 =	simm.s32 @p1 $0x1  }
0x15: {  	[smem:$0x3FAF] =	sst s0;
	s0 =	simm.s32 @!p2 $0x0  }
0x16: {  	s3 =	sld [smem:$0x3FDB];
	s0 =	simm.s32 @p2 $0x1  }
0x17: {  	s4 =	simm.s32 $0x1BF5;
	[smem:$0x3FB1] =	sst s0  }
0x18: {  	s0 =	sld [smem:$0x3F94];
	_ =	swait.ge [sflag:s4], $0x0  }
0x19: {  	s7 =	sld [smem:$0x3F95]  }
0x1a: {  	s8 =	sadd.s32 $0xFFFFE003, lr  }
0x1b: {  	s9 =	sadd.s32 $0xFFFFFEF7, lr;
	s5 =	simm.s32 $0xFFFFFFFF;
	p2 =	slt.u32 s8, $0xFFFFF086  }
0x1c: {  	p1 =	slt.u32 s9, $0xF7A;
	s5 =	simm.s32 @!p2 $0x0  }
0x1d: {  	s5 =	simm.s32 @p1 $0x1;
	p0 =	seq.s32 s7, s2  }
0x1e: {  	s7 =	smul.u32 @!p0 $0xF7A, s2;
	p2 =	seq.s32 @!p0 s5, $0x0  }
0x1f: {  	s9 =	smul.u32 $0xF7A, s1;
	s8 =	simm.s32 @!p0 $0x1BF5;
	p2 =	por !p2, p0  }
0x20: {  	[sflag:s8] =	ssyncset.s32 @!p0 $0xFFFFF086;
	s6 =	sadd.s32 @!p0 s3, s7;
	s7 =	simm.s32 @!p0 $0x108  }
0x21: {  	s3 =	sadd.s32 s3, s9;
	s6 =	sadd.s32 @!p0 $0x88, s6;
	s7 =	simm.s32 @p2 $0x1082  }
0x22: {  	[simem:s7], [sflag:s8] =	dma.local @!p0 [hbm:s6], $0xF7A  }
0x23: {  	s9 =	sor.u32 $0xD0000000, s2;
	s6 =	simm.s32 $0x108;
	_ =	swait.ge @!p0 [sflag:s8], $0x0  }
0x24: {  	s3 =	sadd.s32 $0x88, s3;
	s6 =	simm.s32 @!p1 $0x1082;
	[sflag:s4] =	ssyncset.s32 $0xFFFFF086  }
0x25: {  	[simem:s6], [sflag:s4] =	dma.local [hbm:s3], $0xF7A  }
0x26: {  	[smem:$0x3F95] =	sst s1;
	(tag) =	ssettag s2;
	_ =	strace s9  }
0x27: {  	s1 =	sld [smem:$0x3FA5]  }
0x28: {  	s2 =	sld [smem:$0x3FA6]  }
0x29: {  	s4 =	sld [smem:$0x3FA8]  }
0x2a: {  	p0 =	seq.s32 s5, $0x0;
	s5 =	sld [smem:$0x3FA9]  }
0x2b: {  	s6 =	sld [smem:$0x3FAA]  }
0x2c: {  	s7 =	sld [smem:$0x3FAB]  }
0x2d: {  	s3 =	simm.s32 $0x108;
	s8 =	sld [smem:$0x3FAC]  }
0x2e: {  	s3 =	simm.s32 @!p0 $0x1082;
	s9 =	sld [smem:$0x3FAD]  }
0x2f: {  	lr =	sadd.s32 s0, s3;
	s0 =	sld [smem:$0x3FA4]  }
0x30: {  	s3 =	sld [smem:$0x3FA7]  }
0x31: {  	[smem:$0x3FB0] =	sst s10  }
0x32: {  	s10 =	sld [smem:$0x3FAE];
	_ =	sdelay $0x3  }
0x33: {  	p0 =	seq.s32 s10, $0x1;
	s10 =	sld [smem:$0x3FB0];
	_ =	sdelay $0x3  }
0x34: {  	[smem:$0x3FB0] =	sst s10  }
0x35: {  	s10 =	sld [smem:$0x3FAF];
	_ =	sdelay $0x3  }
0x36: {  	p1 =	seq.s32 s10, $0x1;
	s10 =	sld [smem:$0x3FB0];
	_ =	sdelay $0x3  }
0x37: {  	[smem:$0x3FB0] =	sst s10  }
0x38: {  	s10 =	sld [smem:$0x3FB1]  }
0x39: {  	_ = 	snop;
	(pc) =	sbr.ind lr, $3  }
0x3a: {  	_ = 	snop  }
0x3b: {  	_ = 	snop  }
0x3c: {  	p2 =	seq.s32 s10, $0x1;
	s10 =	sld [smem:$0x3FB0]  }
0x3d: {  	_ =	shalt  }
0x3e: {  	_ =	shalt  }
0x3f: {  	_ =	shalt  }
0x40: {  	_ =	shalt  }
0x41: {  	_ =	shalt  }
0x42: {  	_ =	shalt  }
0x43: {  	_ =	shalt  }
0x44: {  	_ =	shalt  }
0x45: {  	_ =	shalt  }
0x46: {  	_ =	shalt  }
0x47: {  	_ =	shalt  }
0x48: {  	_ =	shalt  }
0x49: {  	_ =	shalt  }
0x4a: {  	_ =	shalt  }
0x4b: {  	_ =	shalt  }
0x4c: {  	_ =	shalt  }
0x4d: {  	_ =	shalt  }
0x4e: {  	_ =	shalt  }
0x4f: {  	_ =	shalt  }
0x50: {  	_ =	shalt  }
0x51: {  	_ =	shalt  }
0x52: {  	_ =	shalt  }
0x53: {  	_ =	shalt  }
0x54: {  	_ =	shalt  }
0x55: {  	_ =	shalt  }
0x56: {  	_ =	shalt  }
0x57: {  	_ =	shalt  }
0x58: {  	_ =	shalt  }
0x59: {  	_ =	shalt  }
0x5a: {  	_ =	shalt  }
0x5b: {  	_ =	shalt  }
0x5c: {  	_ =	shalt  }
0x5d: {  	_ =	shalt  }
0x5e: {  	_ =	shalt  }
0x5f: {  	_ =	shalt  }
0x60: {  	_ =	shalt  }
0x61: {  	_ =	shalt  }
0x62: {  	_ =	shalt  }
0x63: {  	_ =	shalt  }
0x64: {  	_ =	shalt  }
0x65: {  	_ =	shalt  }
0x66: {  	_ =	shalt  }
0x67: {  	_ =	shalt  }
0x68: {  	_ =	shalt  }
0x69: {  	_ =	shalt  }
0x6a: {  	_ =	shalt  }
0x6b: {  	_ =	shalt  }
0x6c: {  	_ =	shalt  }
0x6d: {  	_ =	shalt  }
0x6e: {  	_ =	shalt  }
0x6f: {  	_ =	shalt  }
0x70: {  	_ =	shalt  }
0x71: {  	_ =	shalt  }
0x72: {  	_ =	shalt  }
0x73: {  	_ =	shalt  }
0x74: {  	_ =	shalt  }
0x75: {  	_ =	shalt  }
0x76: {  	_ =	shalt  }
0x77: {  	_ =	shalt  }
0x78: {  	_ =	shalt  }
0x79: {  	_ =	shalt  }
0x7a: {  	_ =	shalt  }
0x7b: {  	_ =	shalt  }
0x7c: {  	_ =	shalt  }
0x7d: {  	_ =	shalt  }
0x7e: {  	_ =	shalt  }
0x7f: {  	_ =	shalt  }
0x80: {  	_ =	shalt  }
0x81: {  	_ =	shalt  }
0x82: {  	_ =	shalt  }
0x83: {  	_ =	shalt  }
0x84: {  	_ =	shalt  }
0x85: {  	_ =	shalt  }
0x86: {  	_ =	shalt  }
0x87: {  	_ =	shalt  }
.Lfunc_end0:
.L_simem_size_0:
called_computation.1_lowered:
.L_overlay_start_0:
0x88: {  	s0 =	sld [smem:$0x3FD9]  }
0x89: {  	s1 =	sld [smem:$0x3FFE];
	_ =	sdelay $0x3  }
0x8a: {  	s0 =	sadd.s32 s1, s0  }
0x8b: {  	[smem:$0x3FBC] =	sst s0  }
0x8c: {  	_ = 	snop  }
0x8d: {  	(tm) =	ssettm $0x1  }
0x8e: {  	s14 =	sld [smem:$0x3FFB];
	_ =	sdelay $0x3  }
0x8f: {  	_ =	strace s14  }
0x90: {  	s0 =	sld [smem:$0x3FFC];
	_ =	sdelay $0x3  }
0x91: {  	_ =	strace s0  }
0x92: {  	s0 =	sld [smem:$0x3FFD];
	_ =	sdelay $0x3  }
0x93: {  	_ =	strace s0  }
0x94: {  	_ =	strace $0x8FFFFFFF  }
0x95: {  	s15 =	sld [smem:$0x3FDB];
	_ =	sdelay $0x1  }
0x96: {  	s16 =	simm.s32 $_scs_section_size  }
0x97: {  	s2 =	simm.s32 $_size__tile_overlayer_lowered;
	s3 =	simm.s32 $_tile_overlayer_lowered  }
0x98: {  	s4 =	simm.s32 $0x1BFF;
	s17 =	sshll.u32 s3, $0x1;
	s1 =	sadd.s32 s16, s15  }
0x99: {  	s18 =	simm.s32 $0x0;
	s2 =	sshll.u32 s2, $0x1;
	s3 =	sadd.s32 s17, s1  }
0x9a: {  	[timem:s18], [sflag:s4] =	dma.local [hbm:s3], s2  }
0x9b: {  	_ =	swait.ge [sflag:s4], s2  }
0x9c: {  	s2 =	ssub.s32 $0x0, s2;
	[sflag:s4] =	ssyncset.done $0x0  }
0x9d: {  	[sflag:s4] =	ssyncadd.s32 s2;
	_ =	sdelay $0x1  }
0x9e: {  	s19 =	simm.s32 $0x1B8B  }
0x9f: {  	_ =	swait.ge [sflag:s19], $0x1  }
0xa0: {  	[sflag:s19] =	ssyncset.done $0x0  }
0xa1: {  	s21 =	simm.s32 $0x1B8E;
	s20 =	sld [smem:$0x3FFE];
	[sflag:s19] =	ssyncadd.s32 $0xFFFFFFFF  }
0xa2: {  	s22 =	simm.s32 $execute0_lowered;
	[smem:$0x3FD2] =	sst s21  }
0xa3: {  	s3 =	sshll.u32 s22, $0x1;
	_ =	strace $0x8000005B;
	[dreg:$0x1] =	wrdreg $0xFFFFFFFF  }
0xa4: {  	s23 =	simm.s32 $_size_execute0_lowered;
	s3 =	sadd.s32 s1, s3;
	[dreg:$0x0] =	wrdreg $0x0  }
0xa5: {  	s4 =	sshll.u32 s23, $0x1;
	[dreg:$0x2] =	wrdreg s3  }
0xa6: {  	[dreg:$0x3] =	wrdreg s4  }
0xa7: {  	[dreg:$0x4] =	wrdreg $0xC0  }
0xa8: {  	s24 =	simm.s32 $execute1_lowered;
	_ =	task [dreg:s18], $0x5FFFF  }
0xa9: {  	s3 =	sshll.u32 s24, $0x1;
	[dreg:$0x1] =	wrdreg $0xFFFFFFFF  }
0xaa: {  	s1 =	sadd.s32 s1, s3;
	[dreg:$0x0] =	wrdreg $0x60  }
0xab: {  	[dreg:$0x2] =	wrdreg s1  }
0xac: {  	[dreg:$0x3] =	wrdreg s20  }
0xad: {  	[dreg:$0x4] =	wrdreg $0x9  }
0xae: {  	_ =	task.clear_ibuf [dreg:s18], $0x5FFFF;
	_ =	strace $0x9000005B  }
0xaf: {  	s25 =	simm.s32 $0x9;
	_ =	strace $0x8000005D  }
0xb0: {  	_ =	swait.ge [sflag:s25], $0x1  }
0xb1: {  	[sflag:s25] =	ssyncadd.s32 $0xFFFFFFFF  }
0xb2: {  	_ =	strace $0x9000005D  }
0xb3: {  	_ =	strace $0x8000005E;
	[dreg:$0x1] =	wrdreg $0xFFFFFFFF  }
0xb4: {  	[dreg:$0x0] =	wrdreg $0x2030  }
0xb5: {  	[dreg:$0x2] =	wrdreg s20  }
0xb6: {  	[dreg:$0x3] =	wrdreg $0xA  }
0xb7: {  	_ =	task.clear_ibuf [dreg:s18], $0x4FFFF;
	_ =	strace $0x9000005E  }
0xb8: {  	s26 =	simm.s32 $0xA;
	_ =	strace $0x80000060  }
0xb9: {  	_ =	swait.ge [sflag:s26], $0x1  }
0xba: {  	[sflag:s26] =	ssyncadd.s32 $0xFFFFFFFF  }
0xbb: {  	_ =	strace $0x90000060  }
0xbc: {  	_ =	sfence  }
0xbd: {  	s28 =	sld [smem:$0x0];
	_ =	sdelay $0x1  }
0xbe: {  	s29 =	srdreg.scid  }
0xbf: {  	s30 =	sshll.u32 s29, $0xD;
	s31 =	sshrl.u32 s29, $0x2  }
0xc0: {  	s2 =	sand.u32 $0x1, s29;
	s3 =	sand.u32 $0x4000, s30;
	s1 =	sadd.s32 s31, s28  }
0xc1: {  	s2 =	sor.u32 s3, s2;
	s1 =	sshll.u32 s1, $0x11  }
0xc2: {  	s1 =	sor.u32 s1, s2  }
0xc3: {  	s1 =	sadd.s32 $0x8F2B, s1  }
0xc4: {  	[sflag:s1] =	ssyncadd.remote.s32 $0x1  }
0xc5: {  	_ =	sfence.sel $0xFFFF  }
0xc6: {  	[dreg:$0x0] =	wrdreg $0xFFFFFFFF;
	(pc) =	sbr.abs _section_cstart, $3  }
0xc7: {  	[dreg:$0x1] =	wrdreg $0xFFFFFFFF  }
0xc8: {  	_ =	task.clear_ibuf [dreg:s18], $0x2FFFF;
	_ =	strace $0x9FFFFFFF  }
0xc9: {  	(tm) =	ssettm $0x7FFFFFFF  }
tec
execute0_lowered:
.L_overlay_start_1:
0x0: {  	(tag) =	ssettag $0x1  }
0x1: {  	s2 =	rddreg [dreg:$0x0]  }
0x2: {  	s4 =	rddreg [dreg:$0x1]  }
0x3: {  	s0 =	rddreg [dreg:$0x2]  }
0x4: {  	s3 =	stileid.u32;
	[bflag:$0x3] =	sbarrier.arrive $0xFFFF;
	s1 =	simm.s32 $_size_execute1_lowered  }
0x5: {  	s8 =	simm.s32 $0x2;
	s10 =	simm.s32 $0x0;
	p0 =	sne.s32 s3, $0x0  }
0x6: {  	s1 =	sshll.u32 s1, $0x1;
	s5 =	simm.s32 @!p0 $0x1C3F;
	s6 =	simm.s32 @!p0 $0x4060  }
0x7: {  	[timem:s6], [sflag:s5] =	dma.local @!p0 [hbm:s2], s1  }
0x8: {  	s9 =	simm.s32 $0x0;
	s2 =	sshll.u32 s3, $0xC;
	s3 =	sshll.u32 s3, $0x9  }
0x9: {  	_ =	strace $0x8000005C;
	s30 =	ssub.s32 $0x10000, s2;
	s31 =	sadd.s32 s3, s4  }
.Ltmp0:
0xa: {  	s3 =	simm.s32 $0x1;
	s7 =	sand.u32 $0xF000, s30;
	(pc) =	sbr.rel .LBB2_1-.Ltmp0, $4  }
0xb: {  	s4 =	sadd.s32 $0x40FC00, s4;
	p1 =	sne.s32 s7, $0x0;
	s7 =	simm.s32 $0x1  }
0xc: {  	[sflag:s3] =	ssyncpa.u1 $0x0;
	s5 =	sshrl.u32 s30, $0x10;
	s7 =	simm.s32 @!p1 $0x0  }
0xd: {  	s6 =	sadd.s32 $0x40BC00, s31;
	[sflag:s8] =	ssyncpa.u1 $0x0;
	s5 =	sadd.s32 s7, s5  }
0xe: {  	s8 =	simm.s32 $0x0;
	p1 =	por $0x0, $0x0;
	s7 =	sadd.s32 $0x1, s5  }
.LBB2_4:
0xf: {  	[tilespmem:s11+$0xB0] =	vst v0  }
0x10: {  	[tilespmem:s11+$0xC0] =	vst v1  }
0x11: {  	[tilespmem:s11+$0xD0] =	vst v2  }
0x12: {  	[tilespmem:s11+$0xE0] =	vst v3;
	s10 =	sshrl.u32 s10, $0x3  }
0x13: {  	[tilespmem:s11+$0xFFFFFF00] =	vst v4;
	s10 =	sadd.s32 s4, s10  }
0x14: {  	[hbm4b:s10+s8] =	stream.linear.scatter [tilespmem:s12], [sflag:$0x2], $0x1000, $0x38;
	[tilespmem:$0x4000] =	vst v63  }
.LBB2_5:
0x15: {  	p3 =	sne.s32 s9, s7  }
.Ltmp1:
0x16: {  	p2 =	slt.u32 s9, $0x2;
	(pc) =	sbr.rel @!p3 .LBB2_6-.Ltmp1, $4  }
0x17: {  	s10 =	simm.s32 @!p2 $0x2  }
0x18: {  	_ =	swait.ge @!p2 [sflag:s10], $0x1000  }
0x19: {  	s11 =	sadd.s32 $0x1, s9;
	p1 =	por !p1, !p1;
	[sflag:s10] =	ssyncset.done @!p2 $0x0  }
0x1a: {  	s9 =	smov.u32 s11;
	[sflag:s10] =	ssyncadd.s32 @!p2 $0xFFFFF000;
	s10 =	smov.u32 s2  }
.LBB2_1:
0x1b: {  	p2 =	sge.u32 s9, s5  }
0x1c: {  	s11 =	sxor.u32 @!p2 $0xFFFFFFFF, s9  }
0x1d: {  	s11 =	sshll.u32 @!p2 s11, $0xC  }
0x1e: {  	s31 =	sadd.s32 $0xFFFFFFFF, s9;
	s12 =	simm.s32 @!p2 $0x0;
	s11 =	sand.u32 @!p2 $0x1000, s11  }
0x1f: {  	[tilespmem:s11], [sflag:$0x1] =	stream.linear.gather @!p2 [hbm4b:s6+s12], $0x1000, $0x38;
	[tilespmem:$0x4000] =	vst v63  }
0x20: {  	p2 =	sge.u32 s31, s5  }
.Ltmp2:
0x21: {  	_ = 	snop;
	(pc) =	sbr.rel @p2 .LBB2_5-.Ltmp2, $1  }
0x22: {  	_ =	sdelay $0x3  }
0x23: {  	s11 =	simm.s32 $0x1  }
0x24: {  	_ =	swait.ge [sflag:s3], $0x1000;
	s11 =	simm.s32 @!p1 $0x0  }
0x25: {  	[sflag:s3] =	ssyncset.done $0x0;
	s11 =	sshll.u32 s11, $0xC  }
0x26: {  	[sflag:s3] =	ssyncadd.s32 $0xFFFFF000;
	s14 =	sor.u32 $0x100, s11  }
0x27: {  	v0 =	vld [tilespmem:s14+$0xF0]  }
0x28: {  	v1 =	vld [tilespmem:s14+$0xFFFFFF10]  }
0x29: {  	v2 =	vld [tilespmem:s14+$0xFFFFFF20]  }
0x2a: {  	v3 =	vld [tilespmem:s14+$0xFFFFFF30]  }
0x2b: {  	s11 =	sor.u32 $0x2100, s11;
	v4 =	vld [tilespmem:s14+$0xFFFFFF40]  }
0x2c: {  	v5 =	vld [tilespmem:s14+$0xFFFFFF50];
	[tilespmem:s11+$0xF0] =	vst v0  }
0x2d: {  	[tilespmem:s11+$0xFFFFFF10] =	vst v1;
	v0 =	vld [tilespmem:s14+$0xFFFFFF60]  }
0x2e: {  	[tilespmem:s11+$0xFFFFFF20] =	vst v2;
	v1 =	vld [tilespmem:s14+$0xFFFFFF70]  }
0x2f: {  	[tilespmem:s11+$0xFFFFFF30] =	vst v3;
	v2 =	vld [tilespmem:s14+$0xFFFFFF80]  }
0x30: {  	[tilespmem:s11+$0xFFFFFF40] =	vst v4;
	v3 =	vld [tilespmem:s14+$0xFFFFFF90]  }
0x31: {  	[tilespmem:s11+$0xFFFFFF50] =	vst v5;
	v4 =	vld [tilespmem:s14+$0xFFFFFFA0]  }
0x32: {  	v5 =	vld [tilespmem:s14+$0xA0];
	[tilespmem:s11+$0xFFFFFF60] =	vst v0  }
0x33: {  	v0 =	vld [tilespmem:s14+$0xFFFFFFB0];
	[tilespmem:s11+$0xFFFFFF70] =	vst v1  }
0x34: {  	v1 =	vld [tilespmem:s14+$0xFFFFFFC0];
	[tilespmem:s11+$0xFFFFFF80] =	vst v2  }
0x35: {  	v2 =	vld [tilespmem:s14+$0xFFFFFFD0];
	[tilespmem:s11+$0xFFFFFF90] =	vst v3  }
0x36: {  	v3 =	vld [tilespmem:s14+$0xFFFFFFE0];
	[tilespmem:s11+$0xFFFFFFA0] =	vst v4  }
0x37: {  	v4 =	vld [tilespmem:s14+$0xFFFFFFF0];
	[tilespmem:s11+$0xA0] =	vst v5  }
0x38: {  	[tilespmem:s11+$0xFFFFFFB0] =	vst v0;
	v0 =	vld [tilespmem:s14+$0x0]  }
0x39: {  	[tilespmem:s11+$0xFFFFFFC0] =	vst v1;
	v1 =	vld [tilespmem:s14+$0x10]  }
0x3a: {  	[tilespmem:s11+$0xFFFFFFD0] =	vst v2;
	v2 =	vld [tilespmem:s14+$0x20]  }
0x3b: {  	[tilespmem:s11+$0xFFFFFFE0] =	vst v3;
	v3 =	vld [tilespmem:s14+$0x30]  }
0x3c: {  	[tilespmem:s11+$0xFFFFFFF0] =	vst v4;
	v4 =	vld [tilespmem:s14+$0x40]  }
0x3d: {  	[tilespmem:s11+$0x0] =	vst v0;
	v0 =	vld [tilespmem:s14+$0x50]  }
0x3e: {  	[tilespmem:s11+$0x10] =	vst v1;
	v1 =	vld [tilespmem:s14+$0x60]  }
0x3f: {  	[tilespmem:s11+$0x20] =	vst v2;
	v2 =	vld [tilespmem:s14+$0x70]  }
0x40: {  	[tilespmem:s11+$0x30] =	vst v3;
	v3 =	vld [tilespmem:s14+$0x80]  }
0x41: {  	[tilespmem:s11+$0x40] =	vst v4;
	v4 =	vld [tilespmem:s14+$0x90]  }
0x42: {  	[tilespmem:s11+$0x50] =	vst v0;
	v0 =	vld [tilespmem:s14+$0xB0]  }
0x43: {  	[tilespmem:s11+$0x60] =	vst v1;
	v1 =	vld [tilespmem:s14+$0xC0]  }
0x44: {  	s12 =	sshll.u32 s9, $0xC;
	[tilespmem:s11+$0x70] =	vst v2;
	v2 =	vld [tilespmem:s14+$0xD0]  }
0x45: {  	s12 =	sand.u32 $0x1000, s12;
	[tilespmem:s11+$0x80] =	vst v3;
	v3 =	vld [tilespmem:s14+$0xE0]  }
0x46: {  	s13 =	simm.s32 $0x0;
	s12 =	sor.u32 $0x2000, s12;
	[tilespmem:s11+$0x90] =	vst v4;
	v4 =	vld [tilespmem:s14+$0xFFFFFF00];
	s14 =	sadd.s32 $0x200, s14  }
.LBB2_3:
0x47: {  	v5 =	vld [tilespmem:s14+$0xF0];
	s13 =	sadd.s32 $0x200, s13;
	[tilespmem:s11+$0xB0] =	vst v0  }
0x48: {  	v0 =	vld [tilespmem:s14+$0xFFFFFF10];
	p2 =	slt.u32 s13, $0xE00;
	[tilespmem:s11+$0xC0] =	vst v1  }
0x49: {  	v1 =	vld [tilespmem:s14+$0xFFFFFF20];
	[tilespmem:s11+$0xD0] =	vst v2  }
0x4a: {  	v2 =	vld [tilespmem:s14+$0xFFFFFF30];
	[tilespmem:s11+$0xE0] =	vst v3  }
0x4b: {  	v3 =	vld [tilespmem:s14+$0xFFFFFF40];
	[tilespmem:s11+$0xFFFFFF00] =	vst v4;
	s11 =	sadd.s32 $0x200, s11  }
0x4c: {  	v4 =	vld [tilespmem:s14+$0xFFFFFF50];
	[tilespmem:s11+$0xF0] =	vst v5  }
0x4d: {  	[tilespmem:s11+$0xFFFFFF10] =	vst v0;
	v0 =	vld [tilespmem:s14+$0xFFFFFF60]  }
0x4e: {  	[tilespmem:s11+$0xFFFFFF20] =	vst v1;
	v1 =	vld [tilespmem:s14+$0xFFFFFF70]  }
0x4f: {  	[tilespmem:s11+$0xFFFFFF30] =	vst v2;
	v2 =	vld [tilespmem:s14+$0xFFFFFF80]  }
0x50: {  	[tilespmem:s11+$0xFFFFFF40] =	vst v3;
	v3 =	vld [tilespmem:s14+$0xFFFFFF90]  }
0x51: {  	[tilespmem:s11+$0xFFFFFF50] =	vst v4;
	v4 =	vld [tilespmem:s14+$0xFFFFFFA0]  }
0x52: {  	[tilespmem:s11+$0xFFFFFF60] =	vst v0;
	v0 =	vld [tilespmem:s14+$0xFFFFFFB0]  }
0x53: {  	[tilespmem:s11+$0xFFFFFF70] =	vst v1;
	v1 =	vld [tilespmem:s14+$0xFFFFFFC0]  }
0x54: {  	[tilespmem:s11+$0xFFFFFF80] =	vst v2;
	v2 =	vld [tilespmem:s14+$0xFFFFFFD0]  }
0x55: {  	[tilespmem:s11+$0xFFFFFF90] =	vst v3;
	v3 =	vld [tilespmem:s14+$0xFFFFFFE0]  }
0x56: {  	[tilespmem:s11+$0xFFFFFFA0] =	vst v4;
	v4 =	vld [tilespmem:s14+$0xFFFFFFF0]  }
0x57: {  	[tilespmem:s11+$0xFFFFFFB0] =	vst v0;
	v0 =	vld [tilespmem:s14+$0x0]  }
0x58: {  	[tilespmem:s11+$0xFFFFFFC0] =	vst v1;
	v1 =	vld [tilespmem:s14+$0x10]  }
0x59: {  	[tilespmem:s11+$0xFFFFFFD0] =	vst v2;
	v2 =	vld [tilespmem:s14+$0x20]  }
0x5a: {  	[tilespmem:s11+$0xFFFFFFE0] =	vst v3;
	v3 =	vld [tilespmem:s14+$0x30]  }
0x5b: {  	[tilespmem:s11+$0xFFFFFFF0] =	vst v4;
	v4 =	vld [tilespmem:s14+$0x40]  }
0x5c: {  	[tilespmem:s11+$0x0] =	vst v0;
	v0 =	vld [tilespmem:s14+$0x50]  }
0x5d: {  	[tilespmem:s11+$0x10] =	vst v1;
	v1 =	vld [tilespmem:s14+$0x60]  }
0x5e: {  	[tilespmem:s11+$0x20] =	vst v2;
	v2 =	vld [tilespmem:s14+$0x70]  }
0x5f: {  	[tilespmem:s11+$0x30] =	vst v3;
	v3 =	vld [tilespmem:s14+$0x80]  }
0x60: {  	[tilespmem:s11+$0x40] =	vst v4;
	v4 =	vld [tilespmem:s14+$0x90]  }
0x61: {  	[tilespmem:s11+$0x50] =	vst v0;
	v5 =	vld [tilespmem:s14+$0xA0]  }
.Ltmp3:
0x62: {  	[tilespmem:s11+$0x60] =	vst v1;
	v0 =	vld [tilespmem:s14+$0xB0];
	(pc) =	sbr.rel @p2 .LBB2_3-.Ltmp3, $4  }
0x63: {  	[tilespmem:s11+$0x70] =	vst v2;
	v1 =	vld [tilespmem:s14+$0xC0]  }
0x64: {  	[tilespmem:s11+$0x80] =	vst v3;
	v2 =	vld [tilespmem:s14+$0xD0]  }
0x65: {  	[tilespmem:s11+$0x90] =	vst v4;
	v3 =	vld [tilespmem:s14+$0xE0]  }
0x66: {  	v4 =	vld [tilespmem:s14+$0xFFFFFF00];
	[tilespmem:s11+$0xA0] =	vst v5;
	s14 =	sadd.s32 $0x200, s14  }
.Ltmp4:
0x67: {  	_ = 	snop;
	(pc) =	sbr.rel .LBB2_4-.Ltmp4, $1  }
0x68: {  	_ =	sdelay $0x3  }
.LBB2_6:
0x69: {  	_ =	sfence.sel $0x180000  }
0x6a: {  	s2 =	simm.s32 $0x1;
	[bflag:$0x0] =	sbarrier.arrive $0xFFFF  }
0x6b: {  	s31 =	simm.s32 $0x2;
	[sflag:s2] =	ssyncpa.u1 $0x1  }
0x6c: {  	[sflag:s31] =	ssyncpa.u1 $0x1  }
0x6d: {  	_ =	strace $0x9000005C  }
0x6e: {  	s0 =	sadd.s32 @!p0 $0x100000, s0;
	[bflag:$0x2] =	sbarrier.arrive $0xFFFF  }
0x6f: {  	[sflag:s0] =	ssyncadd.tile.s32 @!p0 $0x1;
	s0 =	simm.s32 @!p0 $0x3F  }
0x70: {  	_ =	swait.ge @!p0 [sflag:s0], s1  }
0x71: {  	s1 =	ssub.s32 @!p0 $0x0, s1;
	[sflag:s0] =	ssyncset.done @!p0 $0x0  }
0x72: {  	[sflag:s0] =	ssyncadd.s32 @!p0 s1  }
0x73: {  	[bflag:$0x3] =	sbarrier.arrive $0xFFFF  }
0x74: {  	_ =	shalt  }
.Lfunc_end2:
execute1_lowered:
.L_overlay_start_2:
0x75: {  	(tag) =	ssettag $0x2  }
0x76: {  	s2 =	rddreg [dreg:$0x0]  }
0x77: {  	s0 =	rddreg [dreg:$0x1];
	_ =	strace $0x8000005F;
	s3 =	stileid.u32  }
0x78: {  	s4 =	simm.s32 $0x3E;
	s1 =	sadd.s32 $0x40FC00, s2;
	p0 =	sne.s32 s3, $0x0  }
0x79: {  	[sflag:s4] =	ssyncpa.u1 $0x0;
	s5 =	simm.s32 @!p0 $0x1C3E;
	s6 =	simm.s32 @!p0 $0x0  }
0x7a: {  	[spmem:s6], [sflag:s5] =	dma.local @!p0 [hbm:s1], $0x2000  }
0x7b: {  	s5 =	simm.s32 @!p0 $0x3E  }
0x7c: {  	_ =	swait.ge @!p0 [sflag:s5], $0x2000  }
0x7d: {  	[sflag:s5] =	ssyncset.done @!p0 $0x0  }
0x7e: {  	s26 =	simm.s32 $0x1;
	[sflag:s5] =	ssyncadd.s32 @!p0 $0xFFFFE000  }
0x7f: {  	s29 =	simm.s32 $0x2;
	s7 =	simm.s32 $0x2000;
	[bflag:$0x0] =	sbarrier.arrive $0xFFFF  }
0x80: {  	s28 =	sadd.s32 $0x406400, s2;
	s30 =	sadd.s32 $0x40DC00, s2;
	[sflag:s4] =	ssyncpa.u1 $0x1  }
0x81: {  	s3 =	sshll.u32 s3, $0x9;
	s2 =	simm.s32 $0x0;
	[sflag:s26] =	ssyncpa.u1 $0x0  }
0x82: {  	s4 =	sadd.s32 s28, s3;
	(ifvalue) =	ssetifvalue $0x10000;
	[sflag:s29] =	ssyncpa.u1 $0x0  }
0x83: {  	[tilespmem:s7], [sflag:$0x2] =	stream.linear.gather [hbm4b:s4+s2], $0x1000, $0x38;
	[tilespmem:$0x5000] =	vst v63  }
0x84: {  	s31 =	sadd.s32 s30, s3;
	s3 =	simm.s32 $0x4000  }
0x85: {  	[tilespmem:s3], [sflag:$0x2] =	stream.linear.gather [hbm4b:s31+s2], $0x1000, $0x38;
	[tilespmem:$0x5000] =	vst v63  }
0x86: {  	_ =	swait.ge [sflag:s29], $0x2000  }
0x87: {  	[sflag:s29] =	ssyncset.done $0x0  }
0x88: {  	[sflag:s29] =	ssyncadd.s32 $0xFFFFE000  }
0x89: {  	v0 =	vld.msk [tilespmem:s7+$0x0 ss:$0x1], $0xffff;
	_ =	sdelay $0x4  }
0x8a: {  	v0 =	vmin.u32 v0, $0x10000;
	_ =	sdelay $0x3  }
0x8b: {  	vm0 =	vmmov $0xffff;
	s5 =	simm.s32 $0x2010;
	s4 =	simm.s32 $0x0  }
0x8c: {  	[spmem:s2] =	stream.indirect_vreg.scatter.add.s32 [tilespmem:s3], [sflag:$0x1], $0x1, v0, vm0, $0x4038;
	[tilespmem:$0x5000] =	vst v63  }
.LBB3_1:
0x8d: {  	v0 =	vld.msk [tilespmem:s5+$0x0 ss:$0x1], $0xffff;
	s4 =	sadd.s32 $0x10, s4  }
0x8e: {  	p1 =	slt.u32 s4, $0xFF0;
	_ =	sdelay $0x4  }
0x8f: {  	v0 =	vmin.u32 v0, $0x10000  }
.Ltmp5:
0x90: {  	(pc) =	sbr.rel @p1 .LBB3_1-.Ltmp5, $3  }
0x91: {  	_ =	sdelay $0x1  }
0x92: {  	s5 =	sadd.s32 $0x10, s5;
	s3 =	sadd.s32 $0x10, s3  }
0x93: {  	[spmem:s2] =	stream.indirect_vreg.scatter.add.s32 [tilespmem:s3], [sflag:$0x1], $0x1, v0, vm0, $0x4038;
	[tilespmem:$0x5000] =	vst v63  }
0x94: {  	s2 =	simm.s32 $0x1  }
0x95: {  	_ =	swait.ge [sflag:s2], $0x1000  }
0x96: {  	[sflag:s2] =	ssyncset.done $0x0  }
0x97: {  	[sflag:s2] =	ssyncadd.s32 $0xFFFFF000  }
0x98: {  	_ =	sfence.sel $0x180000  }
0x99: {  	s3 =	simm.s32 $0x2;
	[bflag:$0x0] =	sbarrier.arrive $0xFFFF  }
0x9a: {  	[sflag:s3] =	ssyncpa.u1 $0x1  }
0x9b: {  	[sflag:s2] =	ssyncpa.u1 $0x1  }
0x9c: {  	_ =	sfence.stream.spmem  }
0x9d: {  	s31 =	simm.s32 $0x3D;
	[bflag:$0x0] =	sbarrier.arrive $0xFFFF  }
0x9e: {  	s2 =	simm.s32 @p0 $0x3D;
	[sflag:s31] =	ssyncpa.u1 $0x0  }
0x9f: {  	[sflag:s2] =	ssyncpa.u1 @p0 $0x1  }
0xa0: {  	[bflag:$0x0] =	sbarrier.arrive @p0 $0xFFFF  }
0xa1: {  	_ =	strace @p0 $0x9000005F  }
0xa2: {  	s3 =	simm.s32 @!p0 $0x1C3D;
	s2 =	simm.s32 @!p0 $0x0;
	[bflag:$0x2] =	sbarrier.arrive @p0 $0xFFFF  }
0xa3: {  	[hbm:s1], [sflag:s3] =	dma.local @!p0 [spmem:s2], $0x2000  }
0xa4: {  	s1 =	simm.s32 @!p0 $0x3D  }
0xa5: {  	_ =	swait.ge @!p0 [sflag:s1], $0x2000  }
0xa6: {  	[sflag:s1] =	ssyncset.done @!p0 $0x0  }
0xa7: {  	[sflag:s1] =	ssyncadd.s32 @!p0 $0xFFFFE000  }
0xa8: {  	[sflag:s1] =	ssyncpa.u1 @!p0 $0x1  }
0xa9: {  	[bflag:$0x0] =	sbarrier.arrive @!p0 $0xFFFF  }
0xaa: {  	_ =	strace @!p0 $0x9000005F  }
0xab: {  	s0 =	sadd.s32 @!p0 $0x100000, s0;
	[bflag:$0x2] =	sbarrier.arrive @!p0 $0xFFFF  }
0xac: {  	[sflag:s0] =	ssyncadd.tile.s32 @!p0 $0x1;
	_ =	shalt  }
.Lfunc_end3:
_tile_overlayer_lowered:
.L_overlay_start_3:
0xad: {  	(tag) =	ssettag $0x3  }
0xae: {  	s0 =	rddreg [dreg:$0x0];
	s2 =	stileid.u32  }
0xaf: {  	s1 =	rddreg [dreg:$0x1];
	p0 =	sne.s32 s2, $0x0  }
0xb0: {  	s3 =	rddreg [dreg:$0x2];
	[bflag:$0x3] =	sbarrier.arrive $0xFFFF;
	s2 =	simm.s32 @!p0 $0x1C01  }
0xb1: {  	[timem:s3], [sflag:s2] =	dma.local @!p0 [hbm:s0], s1  }
0xb2: {  	s0 =	simm.s32 @!p0 $0x1  }
0xb3: {  	_ =	swait.ge @!p0 [sflag:s0], s1  }
0xb4: {  	s1 =	ssub.s32 @!p0 $0x0, s1;
	[sflag:s0] =	ssyncset.done @!p0 $0x0  }
0xb5: {  	[sflag:s0] =	ssyncadd.s32 @!p0 s1  }
0xb6: {  	[bflag:$0x3] =	sbarrier.arrive $0xFFFF  }
0xb7: {  	_ =	shalt  }

// kernel: scatter_offload_async_start.2
scs
__scs_entry_jumppad:
0x0: {  	(pc) =	sbr.rel $0x88, $3  }
0x1: {  	(tag) =	ssettag $0x0;
	lr =	simm.s32 $0x1  }
0x2: {  	[smem:$0x3F95] =	sst lr;
	_ =	strace $0xD0000000  }
0x3: {  	_ = 	snop  }
0x4: {  	_ = 	snop  }
0x5: {  	_ = 	snop  }
0x6: {  	_ = 	snop  }
0x7: {  	_ = 	snop  }
__scs_overlays_trampoline_lowered:
0x8: {  	[smem:$0x3FA4] =	sst s0  }
0x9: {  	[smem:$0x3FA5] =	sst s1  }
0xa: {  	[smem:$0x3FA6] =	sst s2  }
0xb: {  	[smem:$0x3FA7] =	sst s3  }
0xc: {  	[smem:$0x3FA8] =	sst s4  }
0xd: {  	[smem:$0x3FA9] =	sst s5  }
0xe: {  	[smem:$0x3FAA] =	sst s6  }
0xf: {  	[smem:$0x3FAB] =	sst s7  }
0x10: {  	[smem:$0x3FAC] =	sst s8  }
0x11: {  	[smem:$0x3FAD] =	sst s9;
	s0 =	simm.s32 @!p0 $0x0  }
0x12: {  	s1 =	sld [smem:$0x3F93];
	s0 =	simm.s32 @p0 $0x1  }
0x13: {  	[smem:$0x3FAE] =	sst s0;
	s0 =	simm.s32 @!p1 $0x0  }
0x14: {  	s2 =	sld [smem:$0x3F92];
	s0 =	simm.s32 @p1 $0x1  }
0x15: {  	[smem:$0x3FAF] =	sst s0;
	s0 =	simm.s32 @!p2 $0x0  }
0x16: {  	s3 =	sld [smem:$0x3FDB];
	s0 =	simm.s32 @p2 $0x1  }
0x17: {  	s4 =	simm.s32 $0x1BF5;
	[smem:$0x3FB1] =	sst s0  }
0x18: {  	s0 =	sld [smem:$0x3F94];
	_ =	swait.ge [sflag:s4], $0x0  }
0x19: {  	s7 =	sld [smem:$0x3F95]  }
0x1a: {  	s8 =	sadd.s32 $0xFFFFE003, lr  }
0x1b: {  	s9 =	sadd.s32 $0xFFFFFEF7, lr;
	s5 =	simm.s32 $0xFFFFFFFF;
	p2 =	slt.u32 s8, $0xFFFFF086  }
0x1c: {  	p1 =	slt.u32 s9, $0xF7A;
	s5 =	simm.s32 @!p2 $0x0  }
0x1d: {  	s5 =	simm.s32 @p1 $0x1;
	p0 =	seq.s32 s7, s2  }
0x1e: {  	s7 =	smul.u32 @!p0 $0xF7A, s2;
	p2 =	seq.s32 @!p0 s5, $0x0  }
0x1f: {  	s9 =	smul.u32 $0xF7A, s1;
	s8 =	simm.s32 @!p0 $0x1BF5;
	p2 =	por !p2, p0  }
0x20: {  	[sflag:s8] =	ssyncset.s32 @!p0 $0xFFFFF086;
	s6 =	sadd.s32 @!p0 s3, s7;
	s7 =	simm.s32 @!p0 $0x108  }
0x21: {  	s3 =	sadd.s32 s3, s9;
	s6 =	sadd.s32 @!p0 $0x88, s6;
	s7 =	simm.s32 @p2 $0x1082  }
0x22: {  	[simem:s7], [sflag:s8] =	dma.local @!p0 [hbm:s6], $0xF7A  }
0x23: {  	s9 =	sor.u32 $0xD0000000, s2;
	s6 =	simm.s32 $0x108;
	_ =	swait.ge @!p0 [sflag:s8], $0x0  }
0x24: {  	s3 =	sadd.s32 $0x88, s3;
	s6 =	simm.s32 @!p1 $0x1082;
	[sflag:s4] =	ssyncset.s32 $0xFFFFF086  }
0x25: {  	[simem:s6], [sflag:s4] =	dma.local [hbm:s3], $0xF7A  }
0x26: {  	[smem:$0x3F95] =	sst s1;
	(tag) =	ssettag s2;
	_ =	strace s9  }
0x27: {  	s1 =	sld [smem:$0x3FA5]  }
0x28: {  	s2 =	sld [smem:$0x3FA6]  }
0x29: {  	s4 =	sld [smem:$0x3FA8]  }
0x2a: {  	p0 =	seq.s32 s5, $0x0;
	s5 =	sld [smem:$0x3FA9]  }
0x2b: {  	s6 =	sld [smem:$0x3FAA]  }
0x2c: {  	s7 =	sld [smem:$0x3FAB]  }
0x2d: {  	s3 =	simm.s32 $0x108;
	s8 =	sld [smem:$0x3FAC]  }
0x2e: {  	s3 =	simm.s32 @!p0 $0x1082;
	s9 =	sld [smem:$0x3FAD]  }
0x2f: {  	lr =	sadd.s32 s0, s3;
	s0 =	sld [smem:$0x3FA4]  }
0x30: {  	s3 =	sld [smem:$0x3FA7]  }
0x31: {  	[smem:$0x3FB0] =	sst s10  }
0x32: {  	s10 =	sld [smem:$0x3FAE];
	_ =	sdelay $0x3  }
0x33: {  	p0 =	seq.s32 s10, $0x1;
	s10 =	sld [smem:$0x3FB0];
	_ =	sdelay $0x3  }
0x34: {  	[smem:$0x3FB0] =	sst s10  }
0x35: {  	s10 =	sld [smem:$0x3FAF];
	_ =	sdelay $0x3  }
0x36: {  	p1 =	seq.s32 s10, $0x1;
	s10 =	sld [smem:$0x3FB0];
	_ =	sdelay $0x3  }
0x37: {  	[smem:$0x3FB0] =	sst s10  }
0x38: {  	s10 =	sld [smem:$0x3FB1]  }
0x39: {  	_ = 	snop;
	(pc) =	sbr.ind lr, $3  }
0x3a: {  	_ = 	snop  }
0x3b: {  	_ = 	snop  }
0x3c: {  	p2 =	seq.s32 s10, $0x1;
	s10 =	sld [smem:$0x3FB0]  }
0x3d: {  	_ =	shalt  }
0x3e: {  	_ =	shalt  }
0x3f: {  	_ =	shalt  }
0x40: {  	_ =	shalt  }
0x41: {  	_ =	shalt  }
0x42: {  	_ =	shalt  }
0x43: {  	_ =	shalt  }
0x44: {  	_ =	shalt  }
0x45: {  	_ =	shalt  }
0x46: {  	_ =	shalt  }
0x47: {  	_ =	shalt  }
0x48: {  	_ =	shalt  }
0x49: {  	_ =	shalt  }
0x4a: {  	_ =	shalt  }
0x4b: {  	_ =	shalt  }
0x4c: {  	_ =	shalt  }
0x4d: {  	_ =	shalt  }
0x4e: {  	_ =	shalt  }
0x4f: {  	_ =	shalt  }
0x50: {  	_ =	shalt  }
0x51: {  	_ =	shalt  }
0x52: {  	_ =	shalt  }
0x53: {  	_ =	shalt  }
0x54: {  	_ =	shalt  }
0x55: {  	_ =	shalt  }
0x56: {  	_ =	shalt  }
0x57: {  	_ =	shalt  }
0x58: {  	_ =	shalt  }
0x59: {  	_ =	shalt  }
0x5a: {  	_ =	shalt  }
0x5b: {  	_ =	shalt  }
0x5c: {  	_ =	shalt  }
0x5d: {  	_ =	shalt  }
0x5e: {  	_ =	shalt  }
0x5f: {  	_ =	shalt  }
0x60: {  	_ =	shalt  }
0x61: {  	_ =	shalt  }
0x62: {  	_ =	shalt  }
0x63: {  	_ =	shalt  }
0x64: {  	_ =	shalt  }
0x65: {  	_ =	shalt  }
0x66: {  	_ =	shalt  }
0x67: {  	_ =	shalt  }
0x68: {  	_ =	shalt  }
0x69: {  	_ =	shalt  }
0x6a: {  	_ =	shalt  }
0x6b: {  	_ =	shalt  }
0x6c: {  	_ =	shalt  }
0x6d: {  	_ =	shalt  }
0x6e: {  	_ =	shalt  }
0x6f: {  	_ =	shalt  }
0x70: {  	_ =	shalt  }
0x71: {  	_ =	shalt  }
0x72: {  	_ =	shalt  }
0x73: {  	_ =	shalt  }
0x74: {  	_ =	shalt  }
0x75: {  	_ =	shalt  }
0x76: {  	_ =	shalt  }
0x77: {  	_ =	shalt  }
0x78: {  	_ =	shalt  }
0x79: {  	_ =	shalt  }
0x7a: {  	_ =	shalt  }
0x7b: {  	_ =	shalt  }
0x7c: {  	_ =	shalt  }
0x7d: {  	_ =	shalt  }
0x7e: {  	_ =	shalt  }
0x7f: {  	_ =	shalt  }
0x80: {  	_ =	shalt  }
0x81: {  	_ =	shalt  }
0x82: {  	_ =	shalt  }
0x83: {  	_ =	shalt  }
0x84: {  	_ =	shalt  }
0x85: {  	_ =	shalt  }
0x86: {  	_ =	shalt  }
0x87: {  	_ =	shalt  }
.Lfunc_end0:
.L_simem_size_0:
called_computation.2_lowered:
.L_overlay_start_0:
0x88: {  	s0 =	sld [smem:$0x3FD9]  }
0x89: {  	s1 =	sld [smem:$0x3FFE];
	_ =	sdelay $0x3  }
0x8a: {  	s0 =	sadd.s32 s1, s0  }
0x8b: {  	[smem:$0x3FBC] =	sst s0  }
0x8c: {  	_ = 	snop  }
0x8d: {  	(tm) =	ssettm $0x1  }
0x8e: {  	s14 =	sld [smem:$0x3FFB];
	_ =	sdelay $0x3  }
0x8f: {  	_ =	strace s14  }
0x90: {  	s0 =	sld [smem:$0x3FFC];
	_ =	sdelay $0x3  }
0x91: {  	_ =	strace s0  }
0x92: {  	s0 =	sld [smem:$0x3FFD];
	_ =	sdelay $0x3  }
0x93: {  	_ =	strace s0  }
0x94: {  	_ =	strace $0x8FFFFFFF  }
0x95: {  	s15 =	sld [smem:$0x3FDB];
	_ =	sdelay $0x1  }
0x96: {  	s16 =	simm.s32 $_scs_section_size  }
0x97: {  	s2 =	simm.s32 $_size__tile_overlayer_lowered;
	s3 =	simm.s32 $_tile_overlayer_lowered  }
0x98: {  	s4 =	simm.s32 $0x1BFF;
	s17 =	sshll.u32 s3, $0x1;
	s1 =	sadd.s32 s16, s15  }
0x99: {  	s18 =	simm.s32 $0x0;
	s2 =	sshll.u32 s2, $0x1;
	s3 =	sadd.s32 s17, s1  }
0x9a: {  	[timem:s18], [sflag:s4] =	dma.local [hbm:s3], s2  }
0x9b: {  	_ =	swait.ge [sflag:s4], s2  }
0x9c: {  	s2 =	ssub.s32 $0x0, s2;
	[sflag:s4] =	ssyncset.done $0x0  }
0x9d: {  	[sflag:s4] =	ssyncadd.s32 s2;
	_ =	sdelay $0x1  }
0x9e: {  	s19 =	simm.s32 $0x1B8B  }
0x9f: {  	_ =	swait.ge [sflag:s19], $0x1  }
0xa0: {  	[sflag:s19] =	ssyncset.done $0x0  }
0xa1: {  	s21 =	simm.s32 $0x1B8E;
	s20 =	sld [smem:$0x3FFE];
	[sflag:s19] =	ssyncadd.s32 $0xFFFFFFFF  }
0xa2: {  	s22 =	simm.s32 $execute0_lowered;
	[smem:$0x3FD2] =	sst s21  }
0xa3: {  	s3 =	sshll.u32 s22, $0x1;
	_ =	strace $0x8000004C;
	[dreg:$0x1] =	wrdreg $0xFFFFFFFF  }
0xa4: {  	s23 =	simm.s32 $_size_execute0_lowered;
	s3 =	sadd.s32 s1, s3;
	[dreg:$0x0] =	wrdreg $0x0  }
0xa5: {  	s4 =	sshll.u32 s23, $0x1;
	[dreg:$0x2] =	wrdreg s3  }
0xa6: {  	[dreg:$0x3] =	wrdreg s4  }
0xa7: {  	[dreg:$0x4] =	wrdreg $0xC0  }
0xa8: {  	s24 =	simm.s32 $execute1_lowered;
	_ =	task [dreg:s18], $0x5FFFF  }
0xa9: {  	s3 =	sshll.u32 s24, $0x1;
	[dreg:$0x1] =	wrdreg $0xFFFFFFFF  }
0xaa: {  	s1 =	sadd.s32 s1, s3;
	[dreg:$0x0] =	wrdreg $0x60  }
0xab: {  	[dreg:$0x2] =	wrdreg s1  }
0xac: {  	[dreg:$0x3] =	wrdreg s20  }
0xad: {  	[dreg:$0x4] =	wrdreg $0x9  }
0xae: {  	_ =	task.clear_ibuf [dreg:s18], $0x5FFFF;
	_ =	strace $0x9000004C  }
0xaf: {  	s25 =	simm.s32 $0x9;
	_ =	strace $0x8000004E  }
0xb0: {  	_ =	swait.ge [sflag:s25], $0x1  }
0xb1: {  	[sflag:s25] =	ssyncadd.s32 $0xFFFFFFFF  }
0xb2: {  	_ =	strace $0x9000004E  }
0xb3: {  	_ =	strace $0x8000004F;
	[dreg:$0x1] =	wrdreg $0xFFFFFFFF  }
0xb4: {  	[dreg:$0x0] =	wrdreg $0x2030  }
0xb5: {  	[dreg:$0x2] =	wrdreg s20  }
0xb6: {  	[dreg:$0x3] =	wrdreg $0xA  }
0xb7: {  	_ =	task.clear_ibuf [dreg:s18], $0x4FFFF;
	_ =	strace $0x9000004F  }
0xb8: {  	s26 =	simm.s32 $0xA;
	_ =	strace $0x80000051  }
0xb9: {  	_ =	swait.ge [sflag:s26], $0x1  }
0xba: {  	[sflag:s26] =	ssyncadd.s32 $0xFFFFFFFF  }
0xbb: {  	_ =	strace $0x90000051  }
0xbc: {  	_ =	sfence  }
0xbd: {  	s28 =	sld [smem:$0x0];
	_ =	sdelay $0x1  }
0xbe: {  	s29 =	srdreg.scid  }
0xbf: {  	s30 =	sshll.u32 s29, $0xD;
	s31 =	sshrl.u32 s29, $0x2  }
0xc0: {  	s2 =	sand.u32 $0x1, s29;
	s3 =	sand.u32 $0x4000, s30;
	s1 =	sadd.s32 s31, s28  }
0xc1: {  	s2 =	sor.u32 s3, s2;
	s1 =	sshll.u32 s1, $0x11  }
0xc2: {  	s1 =	sor.u32 s1, s2  }
0xc3: {  	s1 =	sadd.s32 $0x8F2B, s1  }
0xc4: {  	[sflag:s1] =	ssyncadd.remote.s32 $0x1  }
0xc5: {  	_ =	sfence.sel $0xFFFF  }
0xc6: {  	[dreg:$0x0] =	wrdreg $0xFFFFFFFF;
	(pc) =	sbr.abs _section_cstart, $3  }
0xc7: {  	[dreg:$0x1] =	wrdreg $0xFFFFFFFF  }
0xc8: {  	_ =	task.clear_ibuf [dreg:s18], $0x2FFFF;
	_ =	strace $0x9FFFFFFF  }
0xc9: {  	(tm) =	ssettm $0x7FFFFFFF  }
tec
execute0_lowered:
.L_overlay_start_1:
0x0: {  	(tag) =	ssettag $0x1  }
0x1: {  	s2 =	rddreg [dreg:$0x0]  }
0x2: {  	s4 =	rddreg [dreg:$0x1]  }
0x3: {  	s0 =	rddreg [dreg:$0x2]  }
0x4: {  	s3 =	stileid.u32;
	[bflag:$0x3] =	sbarrier.arrive $0xFFFF;
	s1 =	simm.s32 $_size_execute1_lowered  }
0x5: {  	s8 =	simm.s32 $0x2;
	s10 =	simm.s32 $0x0;
	p0 =	sne.s32 s3, $0x0  }
0x6: {  	s1 =	sshll.u32 s1, $0x1;
	s5 =	simm.s32 @!p0 $0x1C3F;
	s6 =	simm.s32 @!p0 $0x4060  }
0x7: {  	[timem:s6], [sflag:s5] =	dma.local @!p0 [hbm:s2], s1  }
0x8: {  	s9 =	simm.s32 $0x0;
	s2 =	sshll.u32 s3, $0xC;
	s3 =	sshll.u32 s3, $0x9  }
0x9: {  	_ =	strace $0x8000004D;
	s30 =	ssub.s32 $0x10000, s2;
	s31 =	sadd.s32 s3, s4  }
.Ltmp0:
0xa: {  	s3 =	simm.s32 $0x1;
	s7 =	sand.u32 $0xF000, s30;
	(pc) =	sbr.rel .LBB2_1-.Ltmp0, $4  }
0xb: {  	s4 =	sadd.s32 $0x40FC00, s4;
	p1 =	sne.s32 s7, $0x0;
	s7 =	simm.s32 $0x1  }
0xc: {  	[sflag:s3] =	ssyncpa.u1 $0x0;
	s5 =	sshrl.u32 s30, $0x10;
	s7 =	simm.s32 @!p1 $0x0  }
0xd: {  	s6 =	sadd.s32 $0x40BC00, s31;
	[sflag:s8] =	ssyncpa.u1 $0x0;
	s5 =	sadd.s32 s7, s5  }
0xe: {  	s8 =	simm.s32 $0x0;
	p1 =	por $0x0, $0x0;
	s7 =	sadd.s32 $0x1, s5  }
.LBB2_4:
0xf: {  	[tilespmem:s11+$0xB0] =	vst v0  }
0x10: {  	[tilespmem:s11+$0xC0] =	vst v1  }
0x11: {  	[tilespmem:s11+$0xD0] =	vst v2  }
0x12: {  	[tilespmem:s11+$0xE0] =	vst v3;
	s10 =	sshrl.u32 s10, $0x3  }
0x13: {  	[tilespmem:s11+$0xFFFFFF00] =	vst v4;
	s10 =	sadd.s32 s4, s10  }
0x14: {  	[hbm4b:s10+s8] =	stream.linear.scatter [tilespmem:s12], [sflag:$0x2], $0x1000, $0x38;
	[tilespmem:$0x4000] =	vst v63  }
.LBB2_5:
0x15: {  	p3 =	sne.s32 s9, s7  }
.Ltmp1:
0x16: {  	p2 =	slt.u32 s9, $0x2;
	(pc) =	sbr.rel @!p3 .LBB2_6-.Ltmp1, $4  }
0x17: {  	s10 =	simm.s32 @!p2 $0x2  }
0x18: {  	_ =	swait.ge @!p2 [sflag:s10], $0x1000  }
0x19: {  	s11 =	sadd.s32 $0x1, s9;
	p1 =	por !p1, !p1;
	[sflag:s10] =	ssyncset.done @!p2 $0x0  }
0x1a: {  	s9 =	smov.u32 s11;
	[sflag:s10] =	ssyncadd.s32 @!p2 $0xFFFFF000;
	s10 =	smov.u32 s2  }
.LBB2_1:
0x1b: {  	p2 =	sge.u32 s9, s5  }
0x1c: {  	s11 =	sxor.u32 @!p2 $0xFFFFFFFF, s9  }
0x1d: {  	s11 =	sshll.u32 @!p2 s11, $0xC  }
0x1e: {  	s31 =	sadd.s32 $0xFFFFFFFF, s9;
	s12 =	simm.s32 @!p2 $0x0;
	s11 =	sand.u32 @!p2 $0x1000, s11  }
0x1f: {  	[tilespmem:s11], [sflag:$0x1] =	stream.linear.gather @!p2 [hbm4b:s6+s12], $0x1000, $0x38;
	[tilespmem:$0x4000] =	vst v63  }
0x20: {  	p2 =	sge.u32 s31, s5  }
.Ltmp2:
0x21: {  	_ = 	snop;
	(pc) =	sbr.rel @p2 .LBB2_5-.Ltmp2, $1  }
0x22: {  	_ =	sdelay $0x3  }
0x23: {  	s11 =	simm.s32 $0x1  }
0x24: {  	_ =	swait.ge [sflag:s3], $0x1000;
	s11 =	simm.s32 @!p1 $0x0  }
0x25: {  	[sflag:s3] =	ssyncset.done $0x0;
	s11 =	sshll.u32 s11, $0xC  }
0x26: {  	[sflag:s3] =	ssyncadd.s32 $0xFFFFF000;
	s14 =	sor.u32 $0x100, s11  }
0x27: {  	v0 =	vld [tilespmem:s14+$0xF0]  }
0x28: {  	v1 =	vld [tilespmem:s14+$0xFFFFFF10]  }
0x29: {  	v2 =	vld [tilespmem:s14+$0xFFFFFF20]  }
0x2a: {  	v3 =	vld [tilespmem:s14+$0xFFFFFF30]  }
0x2b: {  	s11 =	sor.u32 $0x2100, s11;
	v4 =	vld [tilespmem:s14+$0xFFFFFF40]  }
0x2c: {  	v5 =	vld [tilespmem:s14+$0xFFFFFF50];
	[tilespmem:s11+$0xF0] =	vst v0  }
0x2d: {  	[tilespmem:s11+$0xFFFFFF10] =	vst v1;
	v0 =	vld [tilespmem:s14+$0xFFFFFF60]  }
0x2e: {  	[tilespmem:s11+$0xFFFFFF20] =	vst v2;
	v1 =	vld [tilespmem:s14+$0xFFFFFF70]  }
0x2f: {  	[tilespmem:s11+$0xFFFFFF30] =	vst v3;
	v2 =	vld [tilespmem:s14+$0xFFFFFF80]  }
0x30: {  	[tilespmem:s11+$0xFFFFFF40] =	vst v4;
	v3 =	vld [tilespmem:s14+$0xFFFFFF90]  }
0x31: {  	[tilespmem:s11+$0xFFFFFF50] =	vst v5;
	v4 =	vld [tilespmem:s14+$0xFFFFFFA0]  }
0x32: {  	v5 =	vld [tilespmem:s14+$0xA0];
	[tilespmem:s11+$0xFFFFFF60] =	vst v0  }
0x33: {  	v0 =	vld [tilespmem:s14+$0xFFFFFFB0];
	[tilespmem:s11+$0xFFFFFF70] =	vst v1  }
0x34: {  	v1 =	vld [tilespmem:s14+$0xFFFFFFC0];
	[tilespmem:s11+$0xFFFFFF80] =	vst v2  }
0x35: {  	v2 =	vld [tilespmem:s14+$0xFFFFFFD0];
	[tilespmem:s11+$0xFFFFFF90] =	vst v3  }
0x36: {  	v3 =	vld [tilespmem:s14+$0xFFFFFFE0];
	[tilespmem:s11+$0xFFFFFFA0] =	vst v4  }
0x37: {  	v4 =	vld [tilespmem:s14+$0xFFFFFFF0];
	[tilespmem:s11+$0xA0] =	vst v5  }
0x38: {  	[tilespmem:s11+$0xFFFFFFB0] =	vst v0;
	v0 =	vld [tilespmem:s14+$0x0]  }
0x39: {  	[tilespmem:s11+$0xFFFFFFC0] =	vst v1;
	v1 =	vld [tilespmem:s14+$0x10]  }
0x3a: {  	[tilespmem:s11+$0xFFFFFFD0] =	vst v2;
	v2 =	vld [tilespmem:s14+$0x20]  }
0x3b: {  	[tilespmem:s11+$0xFFFFFFE0] =	vst v3;
	v3 =	vld [tilespmem:s14+$0x30]  }
0x3c: {  	[tilespmem:s11+$0xFFFFFFF0] =	vst v4;
	v4 =	vld [tilespmem:s14+$0x40]  }
0x3d: {  	[tilespmem:s11+$0x0] =	vst v0;
	v0 =	vld [tilespmem:s14+$0x50]  }
0x3e: {  	[tilespmem:s11+$0x10] =	vst v1;
	v1 =	vld [tilespmem:s14+$0x60]  }
0x3f: {  	[tilespmem:s11+$0x20] =	vst v2;
	v2 =	vld [tilespmem:s14+$0x70]  }
0x40: {  	[tilespmem:s11+$0x30] =	vst v3;
	v3 =	vld [tilespmem:s14+$0x80]  }
0x41: {  	[tilespmem:s11+$0x40] =	vst v4;
	v4 =	vld [tilespmem:s14+$0x90]  }
0x42: {  	[tilespmem:s11+$0x50] =	vst v0;
	v0 =	vld [tilespmem:s14+$0xB0]  }
0x43: {  	[tilespmem:s11+$0x60] =	vst v1;
	v1 =	vld [tilespmem:s14+$0xC0]  }
0x44: {  	s12 =	sshll.u32 s9, $0xC;
	[tilespmem:s11+$0x70] =	vst v2;
	v2 =	vld [tilespmem:s14+$0xD0]  }
0x45: {  	s12 =	sand.u32 $0x1000, s12;
	[tilespmem:s11+$0x80] =	vst v3;
	v3 =	vld [tilespmem:s14+$0xE0]  }
0x46: {  	s13 =	simm.s32 $0x0;
	s12 =	sor.u32 $0x2000, s12;
	[tilespmem:s11+$0x90] =	vst v4;
	v4 =	vld [tilespmem:s14+$0xFFFFFF00];
	s14 =	sadd.s32 $0x200, s14  }
.LBB2_3:
0x47: {  	v5 =	vld [tilespmem:s14+$0xF0];
	s13 =	sadd.s32 $0x200, s13;
	[tilespmem:s11+$0xB0] =	vst v0  }
0x48: {  	v0 =	vld [tilespmem:s14+$0xFFFFFF10];
	p2 =	slt.u32 s13, $0xE00;
	[tilespmem:s11+$0xC0] =	vst v1  }
0x49: {  	v1 =	vld [tilespmem:s14+$0xFFFFFF20];
	[tilespmem:s11+$0xD0] =	vst v2  }
0x4a: {  	v2 =	vld [tilespmem:s14+$0xFFFFFF30];
	[tilespmem:s11+$0xE0] =	vst v3  }
0x4b: {  	v3 =	vld [tilespmem:s14+$0xFFFFFF40];
	[tilespmem:s11+$0xFFFFFF00] =	vst v4;
	s11 =	sadd.s32 $0x200, s11  }
0x4c: {  	v4 =	vld [tilespmem:s14+$0xFFFFFF50];
	[tilespmem:s11+$0xF0] =	vst v5  }
0x4d: {  	[tilespmem:s11+$0xFFFFFF10] =	vst v0;
	v0 =	vld [tilespmem:s14+$0xFFFFFF60]  }
0x4e: {  	[tilespmem:s11+$0xFFFFFF20] =	vst v1;
	v1 =	vld [tilespmem:s14+$0xFFFFFF70]  }
0x4f: {  	[tilespmem:s11+$0xFFFFFF30] =	vst v2;
	v2 =	vld [tilespmem:s14+$0xFFFFFF80]  }
0x50: {  	[tilespmem:s11+$0xFFFFFF40] =	vst v3;
	v3 =	vld [tilespmem:s14+$0xFFFFFF90]  }
0x51: {  	[tilespmem:s11+$0xFFFFFF50] =	vst v4;
	v4 =	vld [tilespmem:s14+$0xFFFFFFA0]  }
0x52: {  	[tilespmem:s11+$0xFFFFFF60] =	vst v0;
	v0 =	vld [tilespmem:s14+$0xFFFFFFB0]  }
0x53: {  	[tilespmem:s11+$0xFFFFFF70] =	vst v1;
	v1 =	vld [tilespmem:s14+$0xFFFFFFC0]  }
0x54: {  	[tilespmem:s11+$0xFFFFFF80] =	vst v2;
	v2 =	vld [tilespmem:s14+$0xFFFFFFD0]  }
0x55: {  	[tilespmem:s11+$0xFFFFFF90] =	vst v3;
	v3 =	vld [tilespmem:s14+$0xFFFFFFE0]  }
0x56: {  	[tilespmem:s11+$0xFFFFFFA0] =	vst v4;
	v4 =	vld [tilespmem:s14+$0xFFFFFFF0]  }
0x57: {  	[tilespmem:s11+$0xFFFFFFB0] =	vst v0;
	v0 =	vld [tilespmem:s14+$0x0]  }
0x58: {  	[tilespmem:s11+$0xFFFFFFC0] =	vst v1;
	v1 =	vld [tilespmem:s14+$0x10]  }
0x59: {  	[tilespmem:s11+$0xFFFFFFD0] =	vst v2;
	v2 =	vld [tilespmem:s14+$0x20]  }
0x5a: {  	[tilespmem:s11+$0xFFFFFFE0] =	vst v3;
	v3 =	vld [tilespmem:s14+$0x30]  }
0x5b: {  	[tilespmem:s11+$0xFFFFFFF0] =	vst v4;
	v4 =	vld [tilespmem:s14+$0x40]  }
0x5c: {  	[tilespmem:s11+$0x0] =	vst v0;
	v0 =	vld [tilespmem:s14+$0x50]  }
0x5d: {  	[tilespmem:s11+$0x10] =	vst v1;
	v1 =	vld [tilespmem:s14+$0x60]  }
0x5e: {  	[tilespmem:s11+$0x20] =	vst v2;
	v2 =	vld [tilespmem:s14+$0x70]  }
0x5f: {  	[tilespmem:s11+$0x30] =	vst v3;
	v3 =	vld [tilespmem:s14+$0x80]  }
0x60: {  	[tilespmem:s11+$0x40] =	vst v4;
	v4 =	vld [tilespmem:s14+$0x90]  }
0x61: {  	[tilespmem:s11+$0x50] =	vst v0;
	v5 =	vld [tilespmem:s14+$0xA0]  }
.Ltmp3:
0x62: {  	[tilespmem:s11+$0x60] =	vst v1;
	v0 =	vld [tilespmem:s14+$0xB0];
	(pc) =	sbr.rel @p2 .LBB2_3-.Ltmp3, $4  }
0x63: {  	[tilespmem:s11+$0x70] =	vst v2;
	v1 =	vld [tilespmem:s14+$0xC0]  }
0x64: {  	[tilespmem:s11+$0x80] =	vst v3;
	v2 =	vld [tilespmem:s14+$0xD0]  }
0x65: {  	[tilespmem:s11+$0x90] =	vst v4;
	v3 =	vld [tilespmem:s14+$0xE0]  }
0x66: {  	v4 =	vld [tilespmem:s14+$0xFFFFFF00];
	[tilespmem:s11+$0xA0] =	vst v5;
	s14 =	sadd.s32 $0x200, s14  }
.Ltmp4:
0x67: {  	_ = 	snop;
	(pc) =	sbr.rel .LBB2_4-.Ltmp4, $1  }
0x68: {  	_ =	sdelay $0x3  }
.LBB2_6:
0x69: {  	_ =	sfence.sel $0x180000  }
0x6a: {  	s2 =	simm.s32 $0x1;
	[bflag:$0x0] =	sbarrier.arrive $0xFFFF  }
0x6b: {  	s31 =	simm.s32 $0x2;
	[sflag:s2] =	ssyncpa.u1 $0x1  }
0x6c: {  	[sflag:s31] =	ssyncpa.u1 $0x1  }
0x6d: {  	_ =	strace $0x9000004D  }
0x6e: {  	s0 =	sadd.s32 @!p0 $0x100000, s0;
	[bflag:$0x2] =	sbarrier.arrive $0xFFFF  }
0x6f: {  	[sflag:s0] =	ssyncadd.tile.s32 @!p0 $0x1;
	s0 =	simm.s32 @!p0 $0x3F  }
0x70: {  	_ =	swait.ge @!p0 [sflag:s0], s1  }
0x71: {  	s1 =	ssub.s32 @!p0 $0x0, s1;
	[sflag:s0] =	ssyncset.done @!p0 $0x0  }
0x72: {  	[sflag:s0] =	ssyncadd.s32 @!p0 s1  }
0x73: {  	[bflag:$0x3] =	sbarrier.arrive $0xFFFF  }
0x74: {  	_ =	shalt  }
.Lfunc_end2:
execute1_lowered:
.L_overlay_start_2:
0x75: {  	(tag) =	ssettag $0x2  }
0x76: {  	s2 =	rddreg [dreg:$0x0]  }
0x77: {  	s0 =	rddreg [dreg:$0x1];
	_ =	strace $0x80000050;
	s3 =	stileid.u32  }
0x78: {  	s4 =	simm.s32 $0x3E;
	s1 =	sadd.s32 $0x40FC00, s2;
	p0 =	sne.s32 s3, $0x0  }
0x79: {  	[sflag:s4] =	ssyncpa.u1 $0x0;
	s5 =	simm.s32 @!p0 $0x1C3E;
	s6 =	simm.s32 @!p0 $0x0  }
0x7a: {  	[spmem:s6], [sflag:s5] =	dma.local @!p0 [hbm:s1], $0x2000  }
0x7b: {  	s5 =	simm.s32 @!p0 $0x3E  }
0x7c: {  	_ =	swait.ge @!p0 [sflag:s5], $0x2000  }
0x7d: {  	[sflag:s5] =	ssyncset.done @!p0 $0x0  }
0x7e: {  	s26 =	simm.s32 $0x1;
	[sflag:s5] =	ssyncadd.s32 @!p0 $0xFFFFE000  }
0x7f: {  	s29 =	simm.s32 $0x2;
	s7 =	simm.s32 $0x2000;
	[bflag:$0x0] =	sbarrier.arrive $0xFFFF  }
0x80: {  	s28 =	sadd.s32 $0x404400, s2;
	s30 =	sadd.s32 $0x40DC00, s2;
	[sflag:s4] =	ssyncpa.u1 $0x1  }
0x81: {  	s3 =	sshll.u32 s3, $0x9;
	s2 =	simm.s32 $0x0;
	[sflag:s26] =	ssyncpa.u1 $0x0  }
0x82: {  	s4 =	sadd.s32 s28, s3;
	(ifvalue) =	ssetifvalue $0x10000;
	[sflag:s29] =	ssyncpa.u1 $0x0  }
0x83: {  	[tilespmem:s7], [sflag:$0x2] =	stream.linear.gather [hbm4b:s4+s2], $0x1000, $0x38;
	[tilespmem:$0x5000] =	vst v63  }
0x84: {  	s31 =	sadd.s32 s30, s3;
	s3 =	simm.s32 $0x4000  }
0x85: {  	[tilespmem:s3], [sflag:$0x2] =	stream.linear.gather [hbm4b:s31+s2], $0x1000, $0x38;
	[tilespmem:$0x5000] =	vst v63  }
0x86: {  	_ =	swait.ge [sflag:s29], $0x2000  }
0x87: {  	[sflag:s29] =	ssyncset.done $0x0  }
0x88: {  	[sflag:s29] =	ssyncadd.s32 $0xFFFFE000  }
0x89: {  	v0 =	vld.msk [tilespmem:s7+$0x0 ss:$0x1], $0xffff;
	_ =	sdelay $0x4  }
0x8a: {  	v0 =	vmin.u32 v0, $0x10000;
	_ =	sdelay $0x3  }
0x8b: {  	vm0 =	vmmov $0xffff;
	s5 =	simm.s32 $0x2010;
	s4 =	simm.s32 $0x0  }
0x8c: {  	[spmem:s2] =	stream.indirect_vreg.scatter.add.s32 [tilespmem:s3], [sflag:$0x1], $0x1, v0, vm0, $0x4038;
	[tilespmem:$0x5000] =	vst v63  }
.LBB3_1:
0x8d: {  	v0 =	vld.msk [tilespmem:s5+$0x0 ss:$0x1], $0xffff;
	s4 =	sadd.s32 $0x10, s4  }
0x8e: {  	p1 =	slt.u32 s4, $0xFF0;
	_ =	sdelay $0x4  }
0x8f: {  	v0 =	vmin.u32 v0, $0x10000  }
.Ltmp5:
0x90: {  	(pc) =	sbr.rel @p1 .LBB3_1-.Ltmp5, $3  }
0x91: {  	_ =	sdelay $0x1  }
0x92: {  	s5 =	sadd.s32 $0x10, s5;
	s3 =	sadd.s32 $0x10, s3  }
0x93: {  	[spmem:s2] =	stream.indirect_vreg.scatter.add.s32 [tilespmem:s3], [sflag:$0x1], $0x1, v0, vm0, $0x4038;
	[tilespmem:$0x5000] =	vst v63  }
0x94: {  	s2 =	simm.s32 $0x1  }
0x95: {  	_ =	swait.ge [sflag:s2], $0x1000  }
0x96: {  	[sflag:s2] =	ssyncset.done $0x0  }
0x97: {  	[sflag:s2] =	ssyncadd.s32 $0xFFFFF000  }
0x98: {  	_ =	sfence.sel $0x180000  }
0x99: {  	s3 =	simm.s32 $0x2;
	[bflag:$0x0] =	sbarrier.arrive $0xFFFF  }
0x9a: {  	[sflag:s3] =	ssyncpa.u1 $0x1  }
0x9b: {  	[sflag:s2] =	ssyncpa.u1 $0x1  }
0x9c: {  	_ =	sfence.stream.spmem  }
0x9d: {  	s31 =	simm.s32 $0x3D;
	[bflag:$0x0] =	sbarrier.arrive $0xFFFF  }
0x9e: {  	s2 =	simm.s32 @p0 $0x3D;
	[sflag:s31] =	ssyncpa.u1 $0x0  }
0x9f: {  	[sflag:s2] =	ssyncpa.u1 @p0 $0x1  }
0xa0: {  	[bflag:$0x0] =	sbarrier.arrive @p0 $0xFFFF  }
0xa1: {  	_ =	strace @p0 $0x90000050  }
0xa2: {  	s3 =	simm.s32 @!p0 $0x1C3D;
	s2 =	simm.s32 @!p0 $0x0;
	[bflag:$0x2] =	sbarrier.arrive @p0 $0xFFFF  }
0xa3: {  	[hbm:s1], [sflag:s3] =	dma.local @!p0 [spmem:s2], $0x2000  }
0xa4: {  	s1 =	simm.s32 @!p0 $0x3D  }
0xa5: {  	_ =	swait.ge @!p0 [sflag:s1], $0x2000  }
0xa6: {  	[sflag:s1] =	ssyncset.done @!p0 $0x0  }
0xa7: {  	[sflag:s1] =	ssyncadd.s32 @!p0 $0xFFFFE000  }
0xa8: {  	[sflag:s1] =	ssyncpa.u1 @!p0 $0x1  }
0xa9: {  	[bflag:$0x0] =	sbarrier.arrive @!p0 $0xFFFF  }
0xaa: {  	_ =	strace @!p0 $0x90000050  }
0xab: {  	s0 =	sadd.s32 @!p0 $0x100000, s0;
	[bflag:$0x2] =	sbarrier.arrive @!p0 $0xFFFF  }
0xac: {  	[sflag:s0] =	ssyncadd.tile.s32 @!p0 $0x1;
	_ =	shalt  }
.Lfunc_end3:
_tile_overlayer_lowered:
.L_overlay_start_3:
0xad: {  	(tag) =	ssettag $0x3  }
0xae: {  	s0 =	rddreg [dreg:$0x0];
	s2 =	stileid.u32  }
0xaf: {  	s1 =	rddreg [dreg:$0x1];
	p0 =	sne.s32 s2, $0x0  }
0xb0: {  	s3 =	rddreg [dreg:$0x2];
	[bflag:$0x3] =	sbarrier.arrive $0xFFFF;
	s2 =	simm.s32 @!p0 $0x1C01  }
0xb1: {  	[timem:s3], [sflag:s2] =	dma.local @!p0 [hbm:s0], s1  }
0xb2: {  	s0 =	simm.s32 @!p0 $0x1  }
0xb3: {  	_ =	swait.ge @!p0 [sflag:s0], s1  }
0xb4: {  	s1 =	ssub.s32 @!p0 $0x0, s1;
	[sflag:s0] =	ssyncset.done @!p0 $0x0  }
0xb5: {  	[sflag:s0] =	ssyncadd.s32 @!p0 s1  }
0xb6: {  	[bflag:$0x3] =	sbarrier.arrive $0xFFFF  }
0xb7: {  	_ =	shalt  }

// kernel: scatter_offload_async_start.3
scs
__scs_entry_jumppad:
0x0: {  	(pc) =	sbr.rel $0x88, $3  }
0x1: {  	(tag) =	ssettag $0x0;
	lr =	simm.s32 $0x1  }
0x2: {  	[smem:$0x3F95] =	sst lr;
	_ =	strace $0xD0000000  }
0x3: {  	_ = 	snop  }
0x4: {  	_ = 	snop  }
0x5: {  	_ = 	snop  }
0x6: {  	_ = 	snop  }
0x7: {  	_ = 	snop  }
__scs_overlays_trampoline_lowered:
0x8: {  	[smem:$0x3FA4] =	sst s0  }
0x9: {  	[smem:$0x3FA5] =	sst s1  }
0xa: {  	[smem:$0x3FA6] =	sst s2  }
0xb: {  	[smem:$0x3FA7] =	sst s3  }
0xc: {  	[smem:$0x3FA8] =	sst s4  }
0xd: {  	[smem:$0x3FA9] =	sst s5  }
0xe: {  	[smem:$0x3FAA] =	sst s6  }
0xf: {  	[smem:$0x3FAB] =	sst s7  }
0x10: {  	[smem:$0x3FAC] =	sst s8  }
0x11: {  	[smem:$0x3FAD] =	sst s9;
	s0 =	simm.s32 @!p0 $0x0  }
0x12: {  	s1 =	sld [smem:$0x3F93];
	s0 =	simm.s32 @p0 $0x1  }
0x13: {  	[smem:$0x3FAE] =	sst s0;
	s0 =	simm.s32 @!p1 $0x0  }
0x14: {  	s2 =	sld [smem:$0x3F92];
	s0 =	simm.s32 @p1 $0x1  }
0x15: {  	[smem:$0x3FAF] =	sst s0;
	s0 =	simm.s32 @!p2 $0x0  }
0x16: {  	s3 =	sld [smem:$0x3FDB];
	s0 =	simm.s32 @p2 $0x1  }
0x17: {  	s4 =	simm.s32 $0x1BF5;
	[smem:$0x3FB1] =	sst s0  }
0x18: {  	s0 =	sld [smem:$0x3F94];
	_ =	swait.ge [sflag:s4], $0x0  }
0x19: {  	s7 =	sld [smem:$0x3F95]  }
0x1a: {  	s8 =	sadd.s32 $0xFFFFE003, lr  }
0x1b: {  	s9 =	sadd.s32 $0xFFFFFEF7, lr;
	s5 =	simm.s32 $0xFFFFFFFF;
	p2 =	slt.u32 s8, $0xFFFFF086  }
0x1c: {  	p1 =	slt.u32 s9, $0xF7A;
	s5 =	simm.s32 @!p2 $0x0  }
0x1d: {  	s5 =	simm.s32 @p1 $0x1;
	p0 =	seq.s32 s7, s2  }
0x1e: {  	s7 =	smul.u32 @!p0 $0xF7A, s2;
	p2 =	seq.s32 @!p0 s5, $0x0  }
0x1f: {  	s9 =	smul.u32 $0xF7A, s1;
	s8 =	simm.s32 @!p0 $0x1BF5;
	p2 =	por !p2, p0  }
0x20: {  	[sflag:s8] =	ssyncset.s32 @!p0 $0xFFFFF086;
	s6 =	sadd.s32 @!p0 s3, s7;
	s7 =	simm.s32 @!p0 $0x108  }
0x21: {  	s3 =	sadd.s32 s3, s9;
	s6 =	sadd.s32 @!p0 $0x88, s6;
	s7 =	simm.s32 @p2 $0x1082  }
0x22: {  	[simem:s7], [sflag:s8] =	dma.local @!p0 [hbm:s6], $0xF7A  }
0x23: {  	s9 =	sor.u32 $0xD0000000, s2;
	s6 =	simm.s32 $0x108;
	_ =	swait.ge @!p0 [sflag:s8], $0x0  }
0x24: {  	s3 =	sadd.s32 $0x88, s3;
	s6 =	simm.s32 @!p1 $0x1082;
	[sflag:s4] =	ssyncset.s32 $0xFFFFF086  }
0x25: {  	[simem:s6], [sflag:s4] =	dma.local [hbm:s3], $0xF7A  }
0x26: {  	[smem:$0x3F95] =	sst s1;
	(tag) =	ssettag s2;
	_ =	strace s9  }
0x27: {  	s1 =	sld [smem:$0x3FA5]  }
0x28: {  	s2 =	sld [smem:$0x3FA6]  }
0x29: {  	s4 =	sld [smem:$0x3FA8]  }
0x2a: {  	p0 =	seq.s32 s5, $0x0;
	s5 =	sld [smem:$0x3FA9]  }
0x2b: {  	s6 =	sld [smem:$0x3FAA]  }
0x2c: {  	s7 =	sld [smem:$0x3FAB]  }
0x2d: {  	s3 =	simm.s32 $0x108;
	s8 =	sld [smem:$0x3FAC]  }
0x2e: {  	s3 =	simm.s32 @!p0 $0x1082;
	s9 =	sld [smem:$0x3FAD]  }
0x2f: {  	lr =	sadd.s32 s0, s3;
	s0 =	sld [smem:$0x3FA4]  }
0x30: {  	s3 =	sld [smem:$0x3FA7]  }
0x31: {  	[smem:$0x3FB0] =	sst s10  }
0x32: {  	s10 =	sld [smem:$0x3FAE];
	_ =	sdelay $0x3  }
0x33: {  	p0 =	seq.s32 s10, $0x1;
	s10 =	sld [smem:$0x3FB0];
	_ =	sdelay $0x3  }
0x34: {  	[smem:$0x3FB0] =	sst s10  }
0x35: {  	s10 =	sld [smem:$0x3FAF];
	_ =	sdelay $0x3  }
0x36: {  	p1 =	seq.s32 s10, $0x1;
	s10 =	sld [smem:$0x3FB0];
	_ =	sdelay $0x3  }
0x37: {  	[smem:$0x3FB0] =	sst s10  }
0x38: {  	s10 =	sld [smem:$0x3FB1]  }
0x39: {  	_ = 	snop;
	(pc) =	sbr.ind lr, $3  }
0x3a: {  	_ = 	snop  }
0x3b: {  	_ = 	snop  }
0x3c: {  	p2 =	seq.s32 s10, $0x1;
	s10 =	sld [smem:$0x3FB0]  }
0x3d: {  	_ =	shalt  }
0x3e: {  	_ =	shalt  }
0x3f: {  	_ =	shalt  }
0x40: {  	_ =	shalt  }
0x41: {  	_ =	shalt  }
0x42: {  	_ =	shalt  }
0x43: {  	_ =	shalt  }
0x44: {  	_ =	shalt  }
0x45: {  	_ =	shalt  }
0x46: {  	_ =	shalt  }
0x47: {  	_ =	shalt  }
0x48: {  	_ =	shalt  }
0x49: {  	_ =	shalt  }
0x4a: {  	_ =	shalt  }
0x4b: {  	_ =	shalt  }
0x4c: {  	_ =	shalt  }
0x4d: {  	_ =	shalt  }
0x4e: {  	_ =	shalt  }
0x4f: {  	_ =	shalt  }
0x50: {  	_ =	shalt  }
0x51: {  	_ =	shalt  }
0x52: {  	_ =	shalt  }
0x53: {  	_ =	shalt  }
0x54: {  	_ =	shalt  }
0x55: {  	_ =	shalt  }
0x56: {  	_ =	shalt  }
0x57: {  	_ =	shalt  }
0x58: {  	_ =	shalt  }
0x59: {  	_ =	shalt  }
0x5a: {  	_ =	shalt  }
0x5b: {  	_ =	shalt  }
0x5c: {  	_ =	shalt  }
0x5d: {  	_ =	shalt  }
0x5e: {  	_ =	shalt  }
0x5f: {  	_ =	shalt  }
0x60: {  	_ =	shalt  }
0x61: {  	_ =	shalt  }
0x62: {  	_ =	shalt  }
0x63: {  	_ =	shalt  }
0x64: {  	_ =	shalt  }
0x65: {  	_ =	shalt  }
0x66: {  	_ =	shalt  }
0x67: {  	_ =	shalt  }
0x68: {  	_ =	shalt  }
0x69: {  	_ =	shalt  }
0x6a: {  	_ =	shalt  }
0x6b: {  	_ =	shalt  }
0x6c: {  	_ =	shalt  }
0x6d: {  	_ =	shalt  }
0x6e: {  	_ =	shalt  }
0x6f: {  	_ =	shalt  }
0x70: {  	_ =	shalt  }
0x71: {  	_ =	shalt  }
0x72: {  	_ =	shalt  }
0x73: {  	_ =	shalt  }
0x74: {  	_ =	shalt  }
0x75: {  	_ =	shalt  }
0x76: {  	_ =	shalt  }
0x77: {  	_ =	shalt  }
0x78: {  	_ =	shalt  }
0x79: {  	_ =	shalt  }
0x7a: {  	_ =	shalt  }
0x7b: {  	_ =	shalt  }
0x7c: {  	_ =	shalt  }
0x7d: {  	_ =	shalt  }
0x7e: {  	_ =	shalt  }
0x7f: {  	_ =	shalt  }
0x80: {  	_ =	shalt  }
0x81: {  	_ =	shalt  }
0x82: {  	_ =	shalt  }
0x83: {  	_ =	shalt  }
0x84: {  	_ =	shalt  }
0x85: {  	_ =	shalt  }
0x86: {  	_ =	shalt  }
0x87: {  	_ =	shalt  }
.Lfunc_end0:
.L_simem_size_0:
called_computation.3_lowered:
.L_overlay_start_0:
0x88: {  	s0 =	sld [smem:$0x3FD9]  }
0x89: {  	s1 =	sld [smem:$0x3FFE];
	_ =	sdelay $0x3  }
0x8a: {  	s0 =	sadd.s32 s1, s0  }
0x8b: {  	[smem:$0x3FBC] =	sst s0  }
0x8c: {  	_ = 	snop  }
0x8d: {  	(tm) =	ssettm $0x1  }
0x8e: {  	s14 =	sld [smem:$0x3FFB];
	_ =	sdelay $0x3  }
0x8f: {  	_ =	strace s14  }
0x90: {  	s0 =	sld [smem:$0x3FFC];
	_ =	sdelay $0x3  }
0x91: {  	_ =	strace s0  }
0x92: {  	s0 =	sld [smem:$0x3FFD];
	_ =	sdelay $0x3  }
0x93: {  	_ =	strace s0  }
0x94: {  	_ =	strace $0x8FFFFFFF  }
0x95: {  	s15 =	sld [smem:$0x3FDB];
	_ =	sdelay $0x1  }
0x96: {  	s16 =	simm.s32 $_scs_section_size  }
0x97: {  	s2 =	simm.s32 $_size__tile_overlayer_lowered;
	s3 =	simm.s32 $_tile_overlayer_lowered  }
0x98: {  	s4 =	simm.s32 $0x1BFF;
	s17 =	sshll.u32 s3, $0x1;
	s1 =	sadd.s32 s16, s15  }
0x99: {  	s18 =	simm.s32 $0x0;
	s2 =	sshll.u32 s2, $0x1;
	s3 =	sadd.s32 s17, s1  }
0x9a: {  	[timem:s18], [sflag:s4] =	dma.local [hbm:s3], s2  }
0x9b: {  	_ =	swait.ge [sflag:s4], s2  }
0x9c: {  	s2 =	ssub.s32 $0x0, s2;
	[sflag:s4] =	ssyncset.done $0x0  }
0x9d: {  	[sflag:s4] =	ssyncadd.s32 s2;
	_ =	sdelay $0x1  }
0x9e: {  	s19 =	simm.s32 $0x1B8B  }
0x9f: {  	_ =	swait.ge [sflag:s19], $0x1  }
0xa0: {  	[sflag:s19] =	ssyncset.done $0x0  }
0xa1: {  	s21 =	simm.s32 $0x1B8E;
	s20 =	sld [smem:$0x3FFE];
	[sflag:s19] =	ssyncadd.s32 $0xFFFFFFFF  }
0xa2: {  	s22 =	simm.s32 $execute0_lowered;
	[smem:$0x3FD2] =	sst s21  }
0xa3: {  	s3 =	sshll.u32 s22, $0x1;
	_ =	strace $0x80000055;
	[dreg:$0x1] =	wrdreg $0xFFFFFFFF  }
0xa4: {  	s23 =	simm.s32 $_size_execute0_lowered;
	s3 =	sadd.s32 s1, s3;
	[dreg:$0x0] =	wrdreg $0x0  }
0xa5: {  	s4 =	sshll.u32 s23, $0x1;
	[dreg:$0x2] =	wrdreg s3  }
0xa6: {  	[dreg:$0x3] =	wrdreg s4  }
0xa7: {  	[dreg:$0x4] =	wrdreg $0xC0  }
0xa8: {  	s24 =	simm.s32 $execute1_lowered;
	_ =	task [dreg:s18], $0x5FFFF  }
0xa9: {  	s3 =	sshll.u32 s24, $0x1;
	[dreg:$0x1] =	wrdreg $0xFFFFFFFF  }
0xaa: {  	s1 =	sadd.s32 s1, s3;
	[dreg:$0x0] =	wrdreg $0x60  }
0xab: {  	[dreg:$0x2] =	wrdreg s1  }
0xac: {  	[dreg:$0x3] =	wrdreg s20  }
0xad: {  	[dreg:$0x4] =	wrdreg $0x9  }
0xae: {  	_ =	task.clear_ibuf [dreg:s18], $0x5FFFF;
	_ =	strace $0x90000055  }
0xaf: {  	s25 =	simm.s32 $0x9;
	_ =	strace $0x80000057  }
0xb0: {  	_ =	swait.ge [sflag:s25], $0x1  }
0xb1: {  	[sflag:s25] =	ssyncadd.s32 $0xFFFFFFFF  }
0xb2: {  	_ =	strace $0x90000057  }
0xb3: {  	_ =	strace $0x80000058;
	[dreg:$0x1] =	wrdreg $0xFFFFFFFF  }
0xb4: {  	[dreg:$0x0] =	wrdreg $0x2030  }
0xb5: {  	[dreg:$0x2] =	wrdreg s20  }
0xb6: {  	[dreg:$0x3] =	wrdreg $0xA  }
0xb7: {  	_ =	task.clear_ibuf [dreg:s18], $0x4FFFF;
	_ =	strace $0x90000058  }
0xb8: {  	s26 =	simm.s32 $0xA;
	_ =	strace $0x8000005A  }
0xb9: {  	_ =	swait.ge [sflag:s26], $0x1  }
0xba: {  	[sflag:s26] =	ssyncadd.s32 $0xFFFFFFFF  }
0xbb: {  	_ =	strace $0x9000005A  }
0xbc: {  	_ =	sfence  }
0xbd: {  	s28 =	sld [smem:$0x0];
	_ =	sdelay $0x1  }
0xbe: {  	s29 =	srdreg.scid  }
0xbf: {  	s30 =	sshll.u32 s29, $0xD;
	s31 =	sshrl.u32 s29, $0x2  }
0xc0: {  	s2 =	sand.u32 $0x1, s29;
	s3 =	sand.u32 $0x4000, s30;
	s1 =	sadd.s32 s31, s28  }
0xc1: {  	s2 =	sor.u32 s3, s2;
	s1 =	sshll.u32 s1, $0x11  }
0xc2: {  	s1 =	sor.u32 s1, s2  }
0xc3: {  	s1 =	sadd.s32 $0x8F2B, s1  }
0xc4: {  	[sflag:s1] =	ssyncadd.remote.s32 $0x1  }
0xc5: {  	_ =	sfence.sel $0xFFFF  }
0xc6: {  	[dreg:$0x0] =	wrdreg $0xFFFFFFFF;
	(pc) =	sbr.abs _section_cstart, $3  }
0xc7: {  	[dreg:$0x1] =	wrdreg $0xFFFFFFFF  }
0xc8: {  	_ =	task.clear_ibuf [dreg:s18], $0x2FFFF;
	_ =	strace $0x9FFFFFFF  }
0xc9: {  	(tm) =	ssettm $0x7FFFFFFF  }
tec
execute0_lowered:
.L_overlay_start_1:
0x0: {  	(tag) =	ssettag $0x1  }
0x1: {  	s2 =	rddreg [dreg:$0x0]  }
0x2: {  	s4 =	rddreg [dreg:$0x1]  }
0x3: {  	s0 =	rddreg [dreg:$0x2]  }
0x4: {  	s3 =	stileid.u32;
	[bflag:$0x3] =	sbarrier.arrive $0xFFFF;
	s1 =	simm.s32 $_size_execute1_lowered  }
0x5: {  	s8 =	simm.s32 $0x2;
	s10 =	simm.s32 $0x0;
	p0 =	sne.s32 s3, $0x0  }
0x6: {  	s1 =	sshll.u32 s1, $0x1;
	s5 =	simm.s32 @!p0 $0x1C3F;
	s6 =	simm.s32 @!p0 $0x4060  }
0x7: {  	[timem:s6], [sflag:s5] =	dma.local @!p0 [hbm:s2], s1  }
0x8: {  	s9 =	simm.s32 $0x0;
	s2 =	sshll.u32 s3, $0xC;
	s3 =	sshll.u32 s3, $0x9  }
0x9: {  	_ =	strace $0x80000056;
	s30 =	ssub.s32 $0x10000, s2;
	s31 =	sadd.s32 s3, s4  }
.Ltmp0:
0xa: {  	s3 =	simm.s32 $0x1;
	s7 =	sand.u32 $0xF000, s30;
	(pc) =	sbr.rel .LBB2_1-.Ltmp0, $4  }
0xb: {  	s4 =	sadd.s32 $0x40FC00, s4;
	p1 =	sne.s32 s7, $0x0;
	s7 =	simm.s32 $0x1  }
0xc: {  	[sflag:s3] =	ssyncpa.u1 $0x0;
	s5 =	sshrl.u32 s30, $0x10;
	s7 =	simm.s32 @!p1 $0x0  }
0xd: {  	s6 =	sadd.s32 $0x40BC00, s31;
	[sflag:s8] =	ssyncpa.u1 $0x0;
	s5 =	sadd.s32 s7, s5  }
0xe: {  	s8 =	simm.s32 $0x0;
	p1 =	por $0x0, $0x0;
	s7 =	sadd.s32 $0x1, s5  }
.LBB2_4:
0xf: {  	[tilespmem:s11+$0xB0] =	vst v0  }
0x10: {  	[tilespmem:s11+$0xC0] =	vst v1  }
0x11: {  	[tilespmem:s11+$0xD0] =	vst v2  }
0x12: {  	[tilespmem:s11+$0xE0] =	vst v3;
	s10 =	sshrl.u32 s10, $0x3  }
0x13: {  	[tilespmem:s11+$0xFFFFFF00] =	vst v4;
	s10 =	sadd.s32 s4, s10  }
0x14: {  	[hbm4b:s10+s8] =	stream.linear.scatter [tilespmem:s12], [sflag:$0x2], $0x1000, $0x38;
	[tilespmem:$0x4000] =	vst v63  }
.LBB2_5:
0x15: {  	p3 =	sne.s32 s9, s7  }
.Ltmp1:
0x16: {  	p2 =	slt.u32 s9, $0x2;
	(pc) =	sbr.rel @!p3 .LBB2_6-.Ltmp1, $4  }
0x17: {  	s10 =	simm.s32 @!p2 $0x2  }
0x18: {  	_ =	swait.ge @!p2 [sflag:s10], $0x1000  }
0x19: {  	s11 =	sadd.s32 $0x1, s9;
	p1 =	por !p1, !p1;
	[sflag:s10] =	ssyncset.done @!p2 $0x0  }
0x1a: {  	s9 =	smov.u32 s11;
	[sflag:s10] =	ssyncadd.s32 @!p2 $0xFFFFF000;
	s10 =	smov.u32 s2  }
.LBB2_1:
0x1b: {  	p2 =	sge.u32 s9, s5  }
0x1c: {  	s11 =	sxor.u32 @!p2 $0xFFFFFFFF, s9  }
0x1d: {  	s11 =	sshll.u32 @!p2 s11, $0xC  }
0x1e: {  	s31 =	sadd.s32 $0xFFFFFFFF, s9;
	s12 =	simm.s32 @!p2 $0x0;
	s11 =	sand.u32 @!p2 $0x1000, s11  }
0x1f: {  	[tilespmem:s11], [sflag:$0x1] =	stream.linear.gather @!p2 [hbm4b:s6+s12], $0x1000, $0x38;
	[tilespmem:$0x4000] =	vst v63  }
0x20: {  	p2 =	sge.u32 s31, s5  }
.Ltmp2:
0x21: {  	_ = 	snop;
	(pc) =	sbr.rel @p2 .LBB2_5-.Ltmp2, $1  }
0x22: {  	_ =	sdelay $0x3  }
0x23: {  	s11 =	simm.s32 $0x1  }
0x24: {  	_ =	swait.ge [sflag:s3], $0x1000;
	s11 =	simm.s32 @!p1 $0x0  }
0x25: {  	[sflag:s3] =	ssyncset.done $0x0;
	s11 =	sshll.u32 s11, $0xC  }
0x26: {  	[sflag:s3] =	ssyncadd.s32 $0xFFFFF000;
	s14 =	sor.u32 $0x100, s11  }
0x27: {  	v0 =	vld [tilespmem:s14+$0xF0]  }
0x28: {  	v1 =	vld [tilespmem:s14+$0xFFFFFF10]  }
0x29: {  	v2 =	vld [tilespmem:s14+$0xFFFFFF20]  }
0x2a: {  	v3 =	vld [tilespmem:s14+$0xFFFFFF30]  }
0x2b: {  	s11 =	sor.u32 $0x2100, s11;
	v4 =	vld [tilespmem:s14+$0xFFFFFF40]  }
0x2c: {  	v5 =	vld [tilespmem:s14+$0xFFFFFF50];
	[tilespmem:s11+$0xF0] =	vst v0  }
0x2d: {  	[tilespmem:s11+$0xFFFFFF10] =	vst v1;
	v0 =	vld [tilespmem:s14+$0xFFFFFF60]  }
0x2e: {  	[tilespmem:s11+$0xFFFFFF20] =	vst v2;
	v1 =	vld [tilespmem:s14+$0xFFFFFF70]  }
0x2f: {  	[tilespmem:s11+$0xFFFFFF30] =	vst v3;
	v2 =	vld [tilespmem:s14+$0xFFFFFF80]  }
0x30: {  	[tilespmem:s11+$0xFFFFFF40] =	vst v4;
	v3 =	vld [tilespmem:s14+$0xFFFFFF90]  }
0x31: {  	[tilespmem:s11+$0xFFFFFF50] =	vst v5;
	v4 =	vld [tilespmem:s14+$0xFFFFFFA0]  }
0x32: {  	v5 =	vld [tilespmem:s14+$0xA0];
	[tilespmem:s11+$0xFFFFFF60] =	vst v0  }
0x33: {  	v0 =	vld [tilespmem:s14+$0xFFFFFFB0];
	[tilespmem:s11+$0xFFFFFF70] =	vst v1  }
0x34: {  	v1 =	vld [tilespmem:s14+$0xFFFFFFC0];
	[tilespmem:s11+$0xFFFFFF80] =	vst v2  }
0x35: {  	v2 =	vld [tilespmem:s14+$0xFFFFFFD0];
	[tilespmem:s11+$0xFFFFFF90] =	vst v3  }
0x36: {  	v3 =	vld [tilespmem:s14+$0xFFFFFFE0];
	[tilespmem:s11+$0xFFFFFFA0] =	vst v4  }
0x37: {  	v4 =	vld [tilespmem:s14+$0xFFFFFFF0];
	[tilespmem:s11+$0xA0] =	vst v5  }
0x38: {  	[tilespmem:s11+$0xFFFFFFB0] =	vst v0;
	v0 =	vld [tilespmem:s14+$0x0]  }
0x39: {  	[tilespmem:s11+$0xFFFFFFC0] =	vst v1;
	v1 =	vld [tilespmem:s14+$0x10]  }
0x3a: {  	[tilespmem:s11+$0xFFFFFFD0] =	vst v2;
	v2 =	vld [tilespmem:s14+$0x20]  }
0x3b: {  	[tilespmem:s11+$0xFFFFFFE0] =	vst v3;
	v3 =	vld [tilespmem:s14+$0x30]  }
0x3c: {  	[tilespmem:s11+$0xFFFFFFF0] =	vst v4;
	v4 =	vld [tilespmem:s14+$0x40]  }
0x3d: {  	[tilespmem:s11+$0x0] =	vst v0;
	v0 =	vld [tilespmem:s14+$0x50]  }
0x3e: {  	[tilespmem:s11+$0x10] =	vst v1;
	v1 =	vld [tilespmem:s14+$0x60]  }
0x3f: {  	[tilespmem:s11+$0x20] =	vst v2;
	v2 =	vld [tilespmem:s14+$0x70]  }
0x40: {  	[tilespmem:s11+$0x30] =	vst v3;
	v3 =	vld [tilespmem:s14+$0x80]  }
0x41: {  	[tilespmem:s11+$0x40] =	vst v4;
	v4 =	vld [tilespmem:s14+$0x90]  }
0x42: {  	[tilespmem:s11+$0x50] =	vst v0;
	v0 =	vld [tilespmem:s14+$0xB0]  }
0x43: {  	[tilespmem:s11+$0x60] =	vst v1;
	v1 =	vld [tilespmem:s14+$0xC0]  }
0x44: {  	s12 =	sshll.u32 s9, $0xC;
	[tilespmem:s11+$0x70] =	vst v2;
	v2 =	vld [tilespmem:s14+$0xD0]  }
0x45: {  	s12 =	sand.u32 $0x1000, s12;
	[tilespmem:s11+$0x80] =	vst v3;
	v3 =	vld [tilespmem:s14+$0xE0]  }
0x46: {  	s13 =	simm.s32 $0x0;
	s12 =	sor.u32 $0x2000, s12;
	[tilespmem:s11+$0x90] =	vst v4;
	v4 =	vld [tilespmem:s14+$0xFFFFFF00];
	s14 =	sadd.s32 $0x200, s14  }
.LBB2_3:
0x47: {  	v5 =	vld [tilespmem:s14+$0xF0];
	s13 =	sadd.s32 $0x200, s13;
	[tilespmem:s11+$0xB0] =	vst v0  }
0x48: {  	v0 =	vld [tilespmem:s14+$0xFFFFFF10];
	p2 =	slt.u32 s13, $0xE00;
	[tilespmem:s11+$0xC0] =	vst v1  }
0x49: {  	v1 =	vld [tilespmem:s14+$0xFFFFFF20];
	[tilespmem:s11+$0xD0] =	vst v2  }
0x4a: {  	v2 =	vld [tilespmem:s14+$0xFFFFFF30];
	[tilespmem:s11+$0xE0] =	vst v3  }
0x4b: {  	v3 =	vld [tilespmem:s14+$0xFFFFFF40];
	[tilespmem:s11+$0xFFFFFF00] =	vst v4;
	s11 =	sadd.s32 $0x200, s11  }
0x4c: {  	v4 =	vld [tilespmem:s14+$0xFFFFFF50];
	[tilespmem:s11+$0xF0] =	vst v5  }
0x4d: {  	[tilespmem:s11+$0xFFFFFF10] =	vst v0;
	v0 =	vld [tilespmem:s14+$0xFFFFFF60]  }
0x4e: {  	[tilespmem:s11+$0xFFFFFF20] =	vst v1;
	v1 =	vld [tilespmem:s14+$0xFFFFFF70]  }
0x4f: {  	[tilespmem:s11+$0xFFFFFF30] =	vst v2;
	v2 =	vld [tilespmem:s14+$0xFFFFFF80]  }
0x50: {  	[tilespmem:s11+$0xFFFFFF40] =	vst v3;
	v3 =	vld [tilespmem:s14+$0xFFFFFF90]  }
0x51: {  	[tilespmem:s11+$0xFFFFFF50] =	vst v4;
	v4 =	vld [tilespmem:s14+$0xFFFFFFA0]  }
0x52: {  	[tilespmem:s11+$0xFFFFFF60] =	vst v0;
	v0 =	vld [tilespmem:s14+$0xFFFFFFB0]  }
0x53: {  	[tilespmem:s11+$0xFFFFFF70] =	vst v1;
	v1 =	vld [tilespmem:s14+$0xFFFFFFC0]  }
0x54: {  	[tilespmem:s11+$0xFFFFFF80] =	vst v2;
	v2 =	vld [tilespmem:s14+$0xFFFFFFD0]  }
0x55: {  	[tilespmem:s11+$0xFFFFFF90] =	vst v3;
	v3 =	vld [tilespmem:s14+$0xFFFFFFE0]  }
0x56: {  	[tilespmem:s11+$0xFFFFFFA0] =	vst v4;
	v4 =	vld [tilespmem:s14+$0xFFFFFFF0]  }
0x57: {  	[tilespmem:s11+$0xFFFFFFB0] =	vst v0;
	v0 =	vld [tilespmem:s14+$0x0]  }
0x58: {  	[tilespmem:s11+$0xFFFFFFC0] =	vst v1;
	v1 =	vld [tilespmem:s14+$0x10]  }
0x59: {  	[tilespmem:s11+$0xFFFFFFD0] =	vst v2;
	v2 =	vld [tilespmem:s14+$0x20]  }
0x5a: {  	[tilespmem:s11+$0xFFFFFFE0] =	vst v3;
	v3 =	vld [tilespmem:s14+$0x30]  }
0x5b: {  	[tilespmem:s11+$0xFFFFFFF0] =	vst v4;
	v4 =	vld [tilespmem:s14+$0x40]  }
0x5c: {  	[tilespmem:s11+$0x0] =	vst v0;
	v0 =	vld [tilespmem:s14+$0x50]  }
0x5d: {  	[tilespmem:s11+$0x10] =	vst v1;
	v1 =	vld [tilespmem:s14+$0x60]  }
0x5e: {  	[tilespmem:s11+$0x20] =	vst v2;
	v2 =	vld [tilespmem:s14+$0x70]  }
0x5f: {  	[tilespmem:s11+$0x30] =	vst v3;
	v3 =	vld [tilespmem:s14+$0x80]  }
0x60: {  	[tilespmem:s11+$0x40] =	vst v4;
	v4 =	vld [tilespmem:s14+$0x90]  }
0x61: {  	[tilespmem:s11+$0x50] =	vst v0;
	v5 =	vld [tilespmem:s14+$0xA0]  }
.Ltmp3:
0x62: {  	[tilespmem:s11+$0x60] =	vst v1;
	v0 =	vld [tilespmem:s14+$0xB0];
	(pc) =	sbr.rel @p2 .LBB2_3-.Ltmp3, $4  }
0x63: {  	[tilespmem:s11+$0x70] =	vst v2;
	v1 =	vld [tilespmem:s14+$0xC0]  }
0x64: {  	[tilespmem:s11+$0x80] =	vst v3;
	v2 =	vld [tilespmem:s14+$0xD0]  }
0x65: {  	[tilespmem:s11+$0x90] =	vst v4;
	v3 =	vld [tilespmem:s14+$0xE0]  }
0x66: {  	v4 =	vld [tilespmem:s14+$0xFFFFFF00];
	[tilespmem:s11+$0xA0] =	vst v5;
	s14 =	sadd.s32 $0x200, s14  }
.Ltmp4:
0x67: {  	_ = 	snop;
	(pc) =	sbr.rel .LBB2_4-.Ltmp4, $1  }
0x68: {  	_ =	sdelay $0x3  }
.LBB2_6:
0x69: {  	_ =	sfence.sel $0x180000  }
0x6a: {  	s2 =	simm.s32 $0x1;
	[bflag:$0x0] =	sbarrier.arrive $0xFFFF  }
0x6b: {  	s31 =	simm.s32 $0x2;
	[sflag:s2] =	ssyncpa.u1 $0x1  }
0x6c: {  	[sflag:s31] =	ssyncpa.u1 $0x1  }
0x6d: {  	_ =	strace $0x90000056  }
0x6e: {  	s0 =	sadd.s32 @!p0 $0x100000, s0;
	[bflag:$0x2] =	sbarrier.arrive $0xFFFF  }
0x6f: {  	[sflag:s0] =	ssyncadd.tile.s32 @!p0 $0x1;
	s0 =	simm.s32 @!p0 $0x3F  }
0x70: {  	_ =	swait.ge @!p0 [sflag:s0], s1  }
0x71: {  	s1 =	ssub.s32 @!p0 $0x0, s1;
	[sflag:s0] =	ssyncset.done @!p0 $0x0  }
0x72: {  	[sflag:s0] =	ssyncadd.s32 @!p0 s1  }
0x73: {  	[bflag:$0x3] =	sbarrier.arrive $0xFFFF  }
0x74: {  	_ =	shalt  }
.Lfunc_end2:
execute1_lowered:
.L_overlay_start_2:
0x75: {  	(tag) =	ssettag $0x2  }
0x76: {  	s2 =	rddreg [dreg:$0x0]  }
0x77: {  	s0 =	rddreg [dreg:$0x1];
	_ =	strace $0x80000059;
	s3 =	stileid.u32  }
0x78: {  	s4 =	simm.s32 $0x3E;
	s1 =	sadd.s32 $0x40FC00, s2;
	p0 =	sne.s32 s3, $0x0  }
0x79: {  	[sflag:s4] =	ssyncpa.u1 $0x0;
	s5 =	simm.s32 @!p0 $0x1C3E;
	s6 =	simm.s32 @!p0 $0x0  }
0x7a: {  	[spmem:s6], [sflag:s5] =	dma.local @!p0 [hbm:s1], $0x2000  }
0x7b: {  	s5 =	simm.s32 @!p0 $0x3E  }
0x7c: {  	_ =	swait.ge @!p0 [sflag:s5], $0x2000  }
0x7d: {  	[sflag:s5] =	ssyncset.done @!p0 $0x0  }
0x7e: {  	s26 =	simm.s32 $0x1;
	[sflag:s5] =	ssyncadd.s32 @!p0 $0xFFFFE000  }
0x7f: {  	s29 =	simm.s32 $0x2;
	s7 =	simm.s32 $0x2000;
	[bflag:$0x0] =	sbarrier.arrive $0xFFFF  }
0x80: {  	s28 =	sadd.s32 $0x402400, s2;
	s30 =	sadd.s32 $0x40DC00, s2;
	[sflag:s4] =	ssyncpa.u1 $0x1  }
0x81: {  	s3 =	sshll.u32 s3, $0x9;
	s2 =	simm.s32 $0x0;
	[sflag:s26] =	ssyncpa.u1 $0x0  }
0x82: {  	s4 =	sadd.s32 s28, s3;
	(ifvalue) =	ssetifvalue $0x10000;
	[sflag:s29] =	ssyncpa.u1 $0x0  }
0x83: {  	[tilespmem:s7], [sflag:$0x2] =	stream.linear.gather [hbm4b:s4+s2], $0x1000, $0x38;
	[tilespmem:$0x5000] =	vst v63  }
0x84: {  	s31 =	sadd.s32 s30, s3;
	s3 =	simm.s32 $0x4000  }
0x85: {  	[tilespmem:s3], [sflag:$0x2] =	stream.linear.gather [hbm4b:s31+s2], $0x1000, $0x38;
	[tilespmem:$0x5000] =	vst v63  }
0x86: {  	_ =	swait.ge [sflag:s29], $0x2000  }
0x87: {  	[sflag:s29] =	ssyncset.done $0x0  }
0x88: {  	[sflag:s29] =	ssyncadd.s32 $0xFFFFE000  }
0x89: {  	v0 =	vld.msk [tilespmem:s7+$0x0 ss:$0x1], $0xffff;
	_ =	sdelay $0x4  }
0x8a: {  	v0 =	vmin.u32 v0, $0x10000;
	_ =	sdelay $0x3  }
0x8b: {  	vm0 =	vmmov $0xffff;
	s5 =	simm.s32 $0x2010;
	s4 =	simm.s32 $0x0  }
0x8c: {  	[spmem:s2] =	stream.indirect_vreg.scatter.add.s32 [tilespmem:s3], [sflag:$0x1], $0x1, v0, vm0, $0x4038;
	[tilespmem:$0x5000] =	vst v63  }
.LBB3_1:
0x8d: {  	v0 =	vld.msk [tilespmem:s5+$0x0 ss:$0x1], $0xffff;
	s4 =	sadd.s32 $0x10, s4  }
0x8e: {  	p1 =	slt.u32 s4, $0xFF0;
	_ =	sdelay $0x4  }
0x8f: {  	v0 =	vmin.u32 v0, $0x10000  }
.Ltmp5:
0x90: {  	(pc) =	sbr.rel @p1 .LBB3_1-.Ltmp5, $3  }
0x91: {  	_ =	sdelay $0x1  }
0x92: {  	s5 =	sadd.s32 $0x10, s5;
	s3 =	sadd.s32 $0x10, s3  }
0x93: {  	[spmem:s2] =	stream.indirect_vreg.scatter.add.s32 [tilespmem:s3], [sflag:$0x1], $0x1, v0, vm0, $0x4038;
	[tilespmem:$0x5000] =	vst v63  }
0x94: {  	s2 =	simm.s32 $0x1  }
0x95: {  	_ =	swait.ge [sflag:s2], $0x1000  }
0x96: {  	[sflag:s2] =	ssyncset.done $0x0  }
0x97: {  	[sflag:s2] =	ssyncadd.s32 $0xFFFFF000  }
0x98: {  	_ =	sfence.sel $0x180000  }
0x99: {  	s3 =	simm.s32 $0x2;
	[bflag:$0x0] =	sbarrier.arrive $0xFFFF  }
0x9a: {  	[sflag:s3] =	ssyncpa.u1 $0x1  }
0x9b: {  	[sflag:s2] =	ssyncpa.u1 $0x1  }
0x9c: {  	_ =	sfence.stream.spmem  }
0x9d: {  	s31 =	simm.s32 $0x3D;
	[bflag:$0x0] =	sbarrier.arrive $0xFFFF  }
0x9e: {  	s2 =	simm.s32 @p0 $0x3D;
	[sflag:s31] =	ssyncpa.u1 $0x0  }
0x9f: {  	[sflag:s2] =	ssyncpa.u1 @p0 $0x1  }
0xa0: {  	[bflag:$0x0] =	sbarrier.arrive @p0 $0xFFFF  }
0xa1: {  	_ =	strace @p0 $0x90000059  }
0xa2: {  	s3 =	simm.s32 @!p0 $0x1C3D;
	s2 =	simm.s32 @!p0 $0x0;
	[bflag:$0x2] =	sbarrier.arrive @p0 $0xFFFF  }
0xa3: {  	[hbm:s1], [sflag:s3] =	dma.local @!p0 [spmem:s2], $0x2000  }
0xa4: {  	s1 =	simm.s32 @!p0 $0x3D  }
0xa5: {  	_ =	swait.ge @!p0 [sflag:s1], $0x2000  }
0xa6: {  	[sflag:s1] =	ssyncset.done @!p0 $0x0  }
0xa7: {  	[sflag:s1] =	ssyncadd.s32 @!p0 $0xFFFFE000  }
0xa8: {  	[sflag:s1] =	ssyncpa.u1 @!p0 $0x1  }
0xa9: {  	[bflag:$0x0] =	sbarrier.arrive @!p0 $0xFFFF  }
0xaa: {  	_ =	strace @!p0 $0x90000059  }
0xab: {  	s0 =	sadd.s32 @!p0 $0x100000, s0;
	[bflag:$0x2] =	sbarrier.arrive @!p0 $0xFFFF  }
0xac: {  	[sflag:s0] =	ssyncadd.tile.s32 @!p0 $0x1;
	_ =	shalt  }
.Lfunc_end3:
_tile_overlayer_lowered:
.L_overlay_start_3:
0xad: {  	(tag) =	ssettag $0x3  }
0xae: {  	s0 =	rddreg [dreg:$0x0];
	s2 =	stileid.u32  }
0xaf: {  	s1 =	rddreg [dreg:$0x1];
	p0 =	sne.s32 s2, $0x0  }
0xb0: {  	s3 =	rddreg [dreg:$0x2];
	[bflag:$0x3] =	sbarrier.arrive $0xFFFF;
	s2 =	simm.s32 @!p0 $0x1C01  }
0xb1: {  	[timem:s3], [sflag:s2] =	dma.local @!p0 [hbm:s0], s1  }
0xb2: {  	s0 =	simm.s32 @!p0 $0x1  }
0xb3: {  	_ =	swait.ge @!p0 [sflag:s0], s1  }
0xb4: {  	s1 =	ssub.s32 @!p0 $0x0, s1;
	[sflag:s0] =	ssyncset.done @!p0 $0x0  }
0xb5: {  	[sflag:s0] =	ssyncadd.s32 @!p0 s1  }
0xb6: {  	[bflag:$0x3] =	sbarrier.arrive $0xFFFF  }
0xb7: {  	_ =	shalt  }

// kernel: scatter_offload_async_start
scs
__scs_entry_jumppad:
0x0: {  	(pc) =	sbr.rel $0x88, $3  }
0x1: {  	(tag) =	ssettag $0x0;
	lr =	simm.s32 $0x1  }
0x2: {  	[smem:$0x3F95] =	sst lr;
	_ =	strace $0xD0000000  }
0x3: {  	_ = 	snop  }
0x4: {  	_ = 	snop  }
0x5: {  	_ = 	snop  }
0x6: {  	_ = 	snop  }
0x7: {  	_ = 	snop  }
__scs_overlays_trampoline_lowered:
0x8: {  	[smem:$0x3FA4] =	sst s0  }
0x9: {  	[smem:$0x3FA5] =	sst s1  }
0xa: {  	[smem:$0x3FA6] =	sst s2  }
0xb: {  	[smem:$0x3FA7] =	sst s3  }
0xc: {  	[smem:$0x3FA8] =	sst s4  }
0xd: {  	[smem:$0x3FA9] =	sst s5  }
0xe: {  	[smem:$0x3FAA] =	sst s6  }
0xf: {  	[smem:$0x3FAB] =	sst s7  }
0x10: {  	[smem:$0x3FAC] =	sst s8  }
0x11: {  	[smem:$0x3FAD] =	sst s9;
	s0 =	simm.s32 @!p0 $0x0  }
0x12: {  	s1 =	sld [smem:$0x3F93];
	s0 =	simm.s32 @p0 $0x1  }
0x13: {  	[smem:$0x3FAE] =	sst s0;
	s0 =	simm.s32 @!p1 $0x0  }
0x14: {  	s2 =	sld [smem:$0x3F92];
	s0 =	simm.s32 @p1 $0x1  }
0x15: {  	[smem:$0x3FAF] =	sst s0;
	s0 =	simm.s32 @!p2 $0x0  }
0x16: {  	s3 =	sld [smem:$0x3FDB];
	s0 =	simm.s32 @p2 $0x1  }
0x17: {  	s4 =	simm.s32 $0x1BF5;
	[smem:$0x3FB1] =	sst s0  }
0x18: {  	s0 =	sld [smem:$0x3F94];
	_ =	swait.ge [sflag:s4], $0x0  }
0x19: {  	s7 =	sld [smem:$0x3F95]  }
0x1a: {  	s8 =	sadd.s32 $0xFFFFE003, lr  }
0x1b: {  	s9 =	sadd.s32 $0xFFFFFEF7, lr;
	s5 =	simm.s32 $0xFFFFFFFF;
	p2 =	slt.u32 s8, $0xFFFFF086  }
0x1c: {  	p1 =	slt.u32 s9, $0xF7A;
	s5 =	simm.s32 @!p2 $0x0  }
0x1d: {  	s5 =	simm.s32 @p1 $0x1;
	p0 =	seq.s32 s7, s2  }
0x1e: {  	s7 =	smul.u32 @!p0 $0xF7A, s2;
	p2 =	seq.s32 @!p0 s5, $0x0  }
0x1f: {  	s9 =	smul.u32 $0xF7A, s1;
	s8 =	simm.s32 @!p0 $0x1BF5;
	p2 =	por !p2, p0  }
0x20: {  	[sflag:s8] =	ssyncset.s32 @!p0 $0xFFFFF086;
	s6 =	sadd.s32 @!p0 s3, s7;
	s7 =	simm.s32 @!p0 $0x108  }
0x21: {  	s3 =	sadd.s32 s3, s9;
	s6 =	sadd.s32 @!p0 $0x88, s6;
	s7 =	simm.s32 @p2 $0x1082  }
0x22: {  	[simem:s7], [sflag:s8] =	dma.local @!p0 [hbm:s6], $0xF7A  }
0x23: {  	s9 =	sor.u32 $0xD0000000, s2;
	s6 =	simm.s32 $0x108;
	_ =	swait.ge @!p0 [sflag:s8], $0x0  }
0x24: {  	s3 =	sadd.s32 $0x88, s3;
	s6 =	simm.s32 @!p1 $0x1082;
	[sflag:s4] =	ssyncset.s32 $0xFFFFF086  }
0x25: {  	[simem:s6], [sflag:s4] =	dma.local [hbm:s3], $0xF7A  }
0x26: {  	[smem:$0x3F95] =	sst s1;
	(tag) =	ssettag s2;
	_ =	strace s9  }
0x27: {  	s1 =	sld [smem:$0x3FA5]  }
0x28: {  	s2 =	sld [smem:$0x3FA6]  }
0x29: {  	s4 =	sld [smem:$0x3FA8]  }
0x2a: {  	p0 =	seq.s32 s5, $0x0;
	s5 =	sld [smem:$0x3FA9]  }
0x2b: {  	s6 =	sld [smem:$0x3FAA]  }
0x2c: {  	s7 =	sld [smem:$0x3FAB]  }
0x2d: {  	s3 =	simm.s32 $0x108;
	s8 =	sld [smem:$0x3FAC]  }
0x2e: {  	s3 =	simm.s32 @!p0 $0x1082;
	s9 =	sld [smem:$0x3FAD]  }
0x2f: {  	lr =	sadd.s32 s0, s3;
	s0 =	sld [smem:$0x3FA4]  }
0x30: {  	s3 =	sld [smem:$0x3FA7]  }
0x31: {  	[smem:$0x3FB0] =	sst s10  }
0x32: {  	s10 =	sld [smem:$0x3FAE];
	_ =	sdelay $0x3  }
0x33: {  	p0 =	seq.s32 s10, $0x1;
	s10 =	sld [smem:$0x3FB0];
	_ =	sdelay $0x3  }
0x34: {  	[smem:$0x3FB0] =	sst s10  }
0x35: {  	s10 =	sld [smem:$0x3FAF];
	_ =	sdelay $0x3  }
0x36: {  	p1 =	seq.s32 s10, $0x1;
	s10 =	sld [smem:$0x3FB0];
	_ =	sdelay $0x3  }
0x37: {  	[smem:$0x3FB0] =	sst s10  }
0x38: {  	s10 =	sld [smem:$0x3FB1]  }
0x39: {  	_ = 	snop;
	(pc) =	sbr.ind lr, $3  }
0x3a: {  	_ = 	snop  }
0x3b: {  	_ = 	snop  }
0x3c: {  	p2 =	seq.s32 s10, $0x1;
	s10 =	sld [smem:$0x3FB0]  }
0x3d: {  	_ =	shalt  }
0x3e: {  	_ =	shalt  }
0x3f: {  	_ =	shalt  }
0x40: {  	_ =	shalt  }
0x41: {  	_ =	shalt  }
0x42: {  	_ =	shalt  }
0x43: {  	_ =	shalt  }
0x44: {  	_ =	shalt  }
0x45: {  	_ =	shalt  }
0x46: {  	_ =	shalt  }
0x47: {  	_ =	shalt  }
0x48: {  	_ =	shalt  }
0x49: {  	_ =	shalt  }
0x4a: {  	_ =	shalt  }
0x4b: {  	_ =	shalt  }
0x4c: {  	_ =	shalt  }
0x4d: {  	_ =	shalt  }
0x4e: {  	_ =	shalt  }
0x4f: {  	_ =	shalt  }
0x50: {  	_ =	shalt  }
0x51: {  	_ =	shalt  }
0x52: {  	_ =	shalt  }
0x53: {  	_ =	shalt  }
0x54: {  	_ =	shalt  }
0x55: {  	_ =	shalt  }
0x56: {  	_ =	shalt  }
0x57: {  	_ =	shalt  }
0x58: {  	_ =	shalt  }
0x59: {  	_ =	shalt  }
0x5a: {  	_ =	shalt  }
0x5b: {  	_ =	shalt  }
0x5c: {  	_ =	shalt  }
0x5d: {  	_ =	shalt  }
0x5e: {  	_ =	shalt  }
0x5f: {  	_ =	shalt  }
0x60: {  	_ =	shalt  }
0x61: {  	_ =	shalt  }
0x62: {  	_ =	shalt  }
0x63: {  	_ =	shalt  }
0x64: {  	_ =	shalt  }
0x65: {  	_ =	shalt  }
0x66: {  	_ =	shalt  }
0x67: {  	_ =	shalt  }
0x68: {  	_ =	shalt  }
0x69: {  	_ =	shalt  }
0x6a: {  	_ =	shalt  }
0x6b: {  	_ =	shalt  }
0x6c: {  	_ =	shalt  }
0x6d: {  	_ =	shalt  }
0x6e: {  	_ =	shalt  }
0x6f: {  	_ =	shalt  }
0x70: {  	_ =	shalt  }
0x71: {  	_ =	shalt  }
0x72: {  	_ =	shalt  }
0x73: {  	_ =	shalt  }
0x74: {  	_ =	shalt  }
0x75: {  	_ =	shalt  }
0x76: {  	_ =	shalt  }
0x77: {  	_ =	shalt  }
0x78: {  	_ =	shalt  }
0x79: {  	_ =	shalt  }
0x7a: {  	_ =	shalt  }
0x7b: {  	_ =	shalt  }
0x7c: {  	_ =	shalt  }
0x7d: {  	_ =	shalt  }
0x7e: {  	_ =	shalt  }
0x7f: {  	_ =	shalt  }
0x80: {  	_ =	shalt  }
0x81: {  	_ =	shalt  }
0x82: {  	_ =	shalt  }
0x83: {  	_ =	shalt  }
0x84: {  	_ =	shalt  }
0x85: {  	_ =	shalt  }
0x86: {  	_ =	shalt  }
0x87: {  	_ =	shalt  }
.Lfunc_end0:
.L_simem_size_0:
called_computation_lowered:
.L_overlay_start_0:
0x88: {  	s0 =	sld [smem:$0x3FD9]  }
0x89: {  	s1 =	sld [smem:$0x3FFE];
	_ =	sdelay $0x3  }
0x8a: {  	s0 =	sadd.s32 s1, s0  }
0x8b: {  	[smem:$0x3FBC] =	sst s0  }
0x8c: {  	_ = 	snop  }
0x8d: {  	(tm) =	ssettm $0x1  }
0x8e: {  	s15 =	sld [smem:$0x3FFB];
	_ =	sdelay $0x3  }
0x8f: {  	_ =	strace s15  }
0x90: {  	s0 =	sld [smem:$0x3FFC];
	_ =	sdelay $0x3  }
0x91: {  	_ =	strace s0  }
0x92: {  	s0 =	sld [smem:$0x3FFD];
	_ =	sdelay $0x3  }
0x93: {  	_ =	strace s0  }
0x94: {  	_ =	strace $0x8FFFFFFF  }
0x95: {  	s16 =	sld [smem:$0x3FDB];
	_ =	sdelay $0x1  }
0x96: {  	s17 =	simm.s32 $_scs_section_size  }
0x97: {  	s2 =	simm.s32 $_size__tile_overlayer_lowered;
	s3 =	simm.s32 $_tile_overlayer_lowered  }
0x98: {  	s20 =	simm.s32 $0x1BFF;
	s19 =	sshll.u32 s3, $0x1;
	s0 =	sadd.s32 s17, s16  }
0x99: {  	s4 =	simm.s32 $0x0;
	s18 =	sshll.u32 s2, $0x1;
	s2 =	sadd.s32 s19, s0  }
0x9a: {  	[timem:s4], [sflag:s20] =	dma.local [hbm:s2], s18  }
0x9b: {  	_ =	swait.ge [sflag:s20], s18  }
0x9c: {  	s1 =	ssub.s32 $0x0, s18;
	[sflag:s20] =	ssyncset.done $0x0  }
0x9d: {  	[sflag:s20] =	ssyncadd.s32 s1;
	_ =	sdelay $0x1  }
0x9e: {  	s21 =	simm.s32 $0x1B8B  }
0x9f: {  	_ =	swait.ge [sflag:s21], $0x1  }
0xa0: {  	[sflag:s21] =	ssyncset.done $0x0  }
0xa1: {  	s23 =	simm.s32 $0x1B8E;
	s22 =	sld [smem:$0x3FFE];
	[sflag:s21] =	ssyncadd.s32 $0xFFFFFFFF  }
0xa2: {  	s24 =	simm.s32 $execute0_lowered;
	[smem:$0x3FD2] =	sst s23  }
0xa3: {  	s2 =	sshll.u32 s24, $0x1;
	_ =	strace $0x80000052;
	[dreg:$0x1] =	wrdreg $0xFFFFFFFF  }
0xa4: {  	s25 =	simm.s32 $_size_execute0_lowered;
	s0 =	sadd.s32 s0, s2;
	[dreg:$0x0] =	wrdreg $0x0  }
0xa5: {  	s2 =	sshll.u32 s25, $0x1;
	[dreg:$0x2] =	wrdreg s0  }
0xa6: {  	[dreg:$0x3] =	wrdreg s2  }
0xa7: {  	[dreg:$0x4] =	wrdreg $0xC0  }
0xa8: {  	_ =	task [dreg:s4], $0x5FFFF  }
0xa9: {  	[dreg:$0x1] =	wrdreg $0xFFFFFFFF  }
0xaa: {  	[dreg:$0x0] =	wrdreg $0x60  }
0xab: {  	[dreg:$0x2] =	wrdreg s22  }
0xac: {  	[dreg:$0x3] =	wrdreg $0x9  }
0xad: {  	_ =	task.clear_ibuf [dreg:s4], $0x4FFFF;
	_ =	strace $0x90000052  }
0xae: {  	s26 =	simm.s32 $0x9;
	_ =	strace $0x80000054  }
0xaf: {  	_ =	swait.ge [sflag:s26], $0x1  }
0xb0: {  	[sflag:s26] =	ssyncadd.s32 $0xFFFFFFFF  }
0xb1: {  	_ =	strace $0x90000054  }
0xb2: {  	_ =	sfence  }
0xb3: {  	s28 =	sld [smem:$0x0];
	_ =	sdelay $0x1  }
0xb4: {  	s29 =	srdreg.scid  }
0xb5: {  	s30 =	sshll.u32 s29, $0xD;
	s31 =	sshrl.u32 s29, $0x2  }
0xb6: {  	s1 =	sand.u32 $0x1, s29;
	s2 =	sand.u32 $0x4000, s30;
	s0 =	sadd.s32 s31, s28  }
0xb7: {  	s1 =	sor.u32 s2, s1;
	s0 =	sshll.u32 s0, $0x11  }
0xb8: {  	s0 =	sor.u32 s0, s1  }
0xb9: {  	s0 =	sadd.s32 $0x8F2B, s0  }
0xba: {  	[sflag:s0] =	ssyncadd.remote.s32 $0x1  }
0xbb: {  	_ =	sfence.sel $0xFFFF  }
0xbc: {  	[dreg:$0x0] =	wrdreg $0xFFFFFFFF;
	(pc) =	sbr.abs _section_cstart, $3  }
0xbd: {  	[dreg:$0x1] =	wrdreg $0xFFFFFFFF  }
0xbe: {  	_ =	task.clear_ibuf [dreg:s4], $0x2FFFF;
	_ =	strace $0x9FFFFFFF  }
0xbf: {  	(tm) =	ssettm $0x7FFFFFFF  }
tec
execute0_lowered:
.L_overlay_start_1:
0x0: {  	(tag) =	ssettag $0x1  }
0x1: {  	s2 =	rddreg [dreg:$0x0]  }
0x2: {  	s0 =	rddreg [dreg:$0x1];
	_ =	strace $0x80000053;
	s3 =	stileid.u32  }
0x3: {  	s4 =	simm.s32 $0x3E;
	s1 =	sadd.s32 $0x40BC00, s2;
	p0 =	sne.s32 s3, $0x0  }
0x4: {  	[sflag:s4] =	ssyncpa.u1 $0x0;
	s5 =	simm.s32 @!p0 $0x1C3E;
	s6 =	simm.s32 @!p0 $0x0  }
0x5: {  	[spmem:s6], [sflag:s5] =	dma.local @!p0 [hbm:s1], $0x2000  }
0x6: {  	s5 =	simm.s32 @!p0 $0x3E  }
0x7: {  	_ =	swait.ge @!p0 [sflag:s5], $0x2000  }
0x8: {  	[sflag:s5] =	ssyncset.done @!p0 $0x0  }
0x9: {  	s26 =	simm.s32 $0x1;
	[sflag:s5] =	ssyncadd.s32 @!p0 $0xFFFFE000  }
0xa: {  	s29 =	simm.s32 $0x2;
	s7 =	simm.s32 $0x2000;
	[bflag:$0x0] =	sbarrier.arrive $0xFFFF  }
0xb: {  	s28 =	sadd.s32 $0x408400, s2;
	s30 =	sadd.s32 $0x40DC00, s2;
	[sflag:s4] =	ssyncpa.u1 $0x1  }
0xc: {  	s3 =	sshll.u32 s3, $0x9;
	s2 =	simm.s32 $0x0;
	[sflag:s26] =	ssyncpa.u1 $0x0  }
0xd: {  	s4 =	sadd.s32 s28, s3;
	(ifvalue) =	ssetifvalue $0x10000;
	[sflag:s29] =	ssyncpa.u1 $0x0  }
0xe: {  	[tilespmem:s7], [sflag:$0x2] =	stream.linear.gather [hbm4b:s4+s2], $0x1000, $0x38;
	[tilespmem:$0x5000] =	vst v63  }
0xf: {  	s31 =	sadd.s32 s30, s3;
	s3 =	simm.s32 $0x4000  }
0x10: {  	[tilespmem:s3], [sflag:$0x2] =	stream.linear.gather [hbm4b:s31+s2], $0x1000, $0x38;
	[tilespmem:$0x5000] =	vst v63  }
0x11: {  	_ =	swait.ge [sflag:s29], $0x2000  }
0x12: {  	[sflag:s29] =	ssyncset.done $0x0  }
0x13: {  	[sflag:s29] =	ssyncadd.s32 $0xFFFFE000  }
0x14: {  	v0 =	vld.msk [tilespmem:s7+$0x0 ss:$0x1], $0xffff;
	_ =	sdelay $0x4  }
0x15: {  	v0 =	vmin.u32 v0, $0x10000;
	_ =	sdelay $0x3  }
0x16: {  	vm0 =	vmmov $0xffff;
	s5 =	simm.s32 $0x2010;
	s4 =	simm.s32 $0x0  }
0x17: {  	[spmem:s2] =	stream.indirect_vreg.scatter.add.s32 [tilespmem:s3], [sflag:$0x1], $0x1, v0, vm0, $0x4038;
	[tilespmem:$0x5000] =	vst v63  }
.LBB2_1:
0x18: {  	v0 =	vld.msk [tilespmem:s5+$0x0 ss:$0x1], $0xffff;
	s4 =	sadd.s32 $0x10, s4  }
0x19: {  	p1 =	slt.u32 s4, $0xFF0;
	_ =	sdelay $0x4  }
0x1a: {  	v0 =	vmin.u32 v0, $0x10000  }
.Ltmp0:
0x1b: {  	(pc) =	sbr.rel @p1 .LBB2_1-.Ltmp0, $3  }
0x1c: {  	_ =	sdelay $0x1  }
0x1d: {  	s5 =	sadd.s32 $0x10, s5;
	s3 =	sadd.s32 $0x10, s3  }
0x1e: {  	[spmem:s2] =	stream.indirect_vreg.scatter.add.s32 [tilespmem:s3], [sflag:$0x1], $0x1, v0, vm0, $0x4038;
	[tilespmem:$0x5000] =	vst v63  }
0x1f: {  	s2 =	simm.s32 $0x1  }
0x20: {  	_ =	swait.ge [sflag:s2], $0x1000  }
0x21: {  	[sflag:s2] =	ssyncset.done $0x0  }
0x22: {  	[sflag:s2] =	ssyncadd.s32 $0xFFFFF000  }
0x23: {  	_ =	sfence.sel $0x180000  }
0x24: {  	s3 =	simm.s32 $0x2;
	[bflag:$0x0] =	sbarrier.arrive $0xFFFF  }
0x25: {  	[sflag:s3] =	ssyncpa.u1 $0x1  }
0x26: {  	[sflag:s2] =	ssyncpa.u1 $0x1  }
0x27: {  	_ =	sfence.stream.spmem  }
0x28: {  	s31 =	simm.s32 $0x3D;
	[bflag:$0x0] =	sbarrier.arrive $0xFFFF  }
0x29: {  	s2 =	simm.s32 @p0 $0x3D;
	[sflag:s31] =	ssyncpa.u1 $0x0  }
0x2a: {  	[sflag:s2] =	ssyncpa.u1 @p0 $0x1  }
0x2b: {  	[bflag:$0x0] =	sbarrier.arrive @p0 $0xFFFF  }
0x2c: {  	_ =	strace @p0 $0x90000053  }
0x2d: {  	s3 =	simm.s32 @!p0 $0x1C3D;
	s2 =	simm.s32 @!p0 $0x0;
	[bflag:$0x2] =	sbarrier.arrive @p0 $0xFFFF  }
0x2e: {  	[hbm:s1], [sflag:s3] =	dma.local @!p0 [spmem:s2], $0x2000  }
0x2f: {  	s1 =	simm.s32 @!p0 $0x3D  }
0x30: {  	_ =	swait.ge @!p0 [sflag:s1], $0x2000  }
0x31: {  	[sflag:s1] =	ssyncset.done @!p0 $0x0  }
0x32: {  	[sflag:s1] =	ssyncadd.s32 @!p0 $0xFFFFE000  }
0x33: {  	[sflag:s1] =	ssyncpa.u1 @!p0 $0x1  }
0x34: {  	[bflag:$0x0] =	sbarrier.arrive @!p0 $0xFFFF  }
0x35: {  	_ =	strace @!p0 $0x90000053  }
0x36: {  	s0 =	sadd.s32 @!p0 $0x100000, s0;
	[bflag:$0x2] =	sbarrier.arrive @!p0 $0xFFFF  }
0x37: {  	[sflag:s0] =	ssyncadd.tile.s32 @!p0 $0x1;
	_ =	shalt  }
.Lfunc_end2:
_tile_overlayer_lowered:
.L_overlay_start_2:
0x38: {  	(tag) =	ssettag $0x2  }
0x39: {  	s0 =	rddreg [dreg:$0x0];
	s2 =	stileid.u32  }
0x3a: {  	s1 =	rddreg [dreg:$0x1];
	p0 =	sne.s32 s2, $0x0  }
0x3b: {  	s3 =	rddreg [dreg:$0x2];
	[bflag:$0x3] =	sbarrier.arrive $0xFFFF;
	s2 =	simm.s32 @!p0 $0x1C01  }
0x3c: {  	[timem:s3], [sflag:s2] =	dma.local @!p0 [hbm:s0], s1  }
0x3d: {  	s0 =	simm.s32 @!p0 $0x1  }
0x3e: {  	_ =	swait.ge @!p0 [sflag:s0], s1  }
0x3f: {  	s1 =	ssub.s32 @!p0 $0x0, s1;
	[sflag:s0] =	ssyncset.done @!p0 $0x0  }
0x40: {  	[sflag:s0] =	ssyncadd.s32 @!p0 s1  }
0x41: {  	[bflag:$0x3] =	sbarrier.arrive $0xFFFF  }
0x42: {  	_ =	shalt  }

// kernel: sparse-core-data-format-call.cloned.1.call-start
scs
called_computation.4_lowered:
.L_overlay_start_0:
0x0: {  	s2 =	sld [smem:$0x3FD9]  }
0x1: {  	s3 =	sld [smem:$0x3FFE];
	_ =	sdelay $0x1  }
0x2: {  	s1 =	srdreg.scid  }
0x3: {  	s0 =	sand.u32 $0x1, s1  }
0x4: {  	s18 =	sshll.u32 s0, $0xA;
	s2 =	sadd.s32 s3, s2  }
0x5: {  	s2 =	sadd.s32 s2, s18  }
0x6: {  	[smem:$0x3FBC] =	sst s2  }
0x7: {  	_ = 	snop  }
0x8: {  	s2 =	sld [smem:$0x3FD0];
	(tm) =	ssettm $0x1  }
0x9: {  	s19 =	sld [smem:$0x3FFB];
	_ =	sdelay $0x3  }
0xa: {  	_ =	strace s19  }
0xb: {  	s3 =	sld [smem:$0x3FFC];
	_ =	sdelay $0x3  }
0xc: {  	_ =	strace s3  }
0xd: {  	s3 =	sld [smem:$0x3FFD];
	_ =	sdelay $0x3  }
0xe: {  	_ =	strace s3  }
0xf: {  	_ =	strace $0x8FFFFFFF  }
0x10: {  	s20 =	sld [smem:$0x3FDB];
	_ =	sdelay $0x1  }
0x11: {  	s4 =	simm.s32 $_scs_section_size  }
0x12: {  	s5 =	simm.s32 $_size__tile_overlayer_lowered;
	s6 =	simm.s32 $_tile_overlayer_lowered  }
0x13: {  	s23 =	simm.s32 $0x1BFF;
	s22 =	sshll.u32 s6, $0x1;
	s3 =	sadd.s32 s4, s20  }
0x14: {  	s7 =	simm.s32 $0x0;
	s21 =	sshll.u32 s5, $0x1;
	s5 =	sadd.s32 s22, s3  }
0x15: {  	[timem:s7], [sflag:s23] =	dma.local [hbm:s5], s21  }
0x16: {  	_ =	swait.ge [sflag:s23], s21  }
0x17: {  	s4 =	ssub.s32 $0x0, s21;
	[sflag:s23] =	ssyncset.done $0x0  }
0x18: {  	[sflag:s23] =	ssyncadd.s32 s4;
	_ =	sdelay $0x1  }
0x19: {  	s24 =	simm.s32 $0x1B8B  }
0x1a: {  	_ =	swait.ge [sflag:s24], $0x1  }
0x1b: {  	[sflag:s24] =	ssyncset.done $0x0  }
0x1c: {  	s26 =	simm.s32 $0x1B8E;
	s25 =	sld [smem:$0x3FFE];
	[sflag:s24] =	ssyncadd.s32 $0xFFFFFFFF  }
0x1d: {  	s27 =	simm.s32 $execute0_lowered;
	[smem:$0x3FD2] =	sst s26  }
0x1e: {  	s5 =	sshll.u32 s27, $0x1;
	_ =	strace $0x80000073;
	[dreg:$0x1] =	wrdreg $0xFFFFFFFF  }
0x1f: {  	s28 =	simm.s32 $_size_execute0_lowered;
	s3 =	sadd.s32 s3, s5;
	[dreg:$0x0] =	wrdreg $0x0  }
0x20: {  	s5 =	sshll.u32 s28, $0x1;
	[dreg:$0x2] =	wrdreg s3  }
0x21: {  	[dreg:$0x3] =	wrdreg s5  }
0x22: {  	[dreg:$0x4] =	wrdreg $0xC0  }
0x23: {  	_ =	task [dreg:s7], $0x5FFFF  }
0x24: {  	[dreg:$0x1] =	wrdreg $0xFFFFFFFF  }
0x25: {  	[dreg:$0x0] =	wrdreg $0x60  }
0x26: {  	[dreg:$0x2] =	wrdreg s25  }
0x27: {  	[dreg:$0x3] =	wrdreg s2  }
0x28: {  	[dreg:$0x4] =	wrdreg $0x9  }
0x29: {  	_ =	task.clear_ibuf [dreg:s7], $0x5FFFF;
	_ =	strace $0x90000073  }
0x2a: {  	s29 =	simm.s32 $0x9;
	_ =	strace $0x80000075  }
0x2b: {  	_ =	swait.ge [sflag:s29], $0x1  }
0x2c: {  	[sflag:s29] =	ssyncadd.s32 $0xFFFFFFFF  }
0x2d: {  	_ =	strace $0x90000075  }
0x2e: {  	_ =	sfence  }
0x2f: {  	s30 =	sld [smem:$0x0];
	_ =	sdelay $0x2  }
0x30: {  	s31 =	sshll.u32 s1, $0xD;
	s1 =	sshrl.u32 s1, $0x2  }
0x31: {  	s3 =	sand.u32 $0x4000, s31;
	s1 =	sadd.s32 s1, s30  }
0x32: {  	s0 =	sor.u32 s3, s0;
	s1 =	sshll.u32 s1, $0x11  }
0x33: {  	s0 =	sor.u32 s1, s0  }
0x34: {  	s0 =	sadd.s32 $0x8F2B, s0  }
0x35: {  	[sflag:s0] =	ssyncadd.remote.s32 $0x1  }
0x36: {  	_ =	sfence.sel $0xFFFF  }
0x37: {  	[dreg:$0x0] =	wrdreg $0xFFFFFFFF;
	(pc) =	sbr.abs _section_cstart, $3  }
0x38: {  	[dreg:$0x1] =	wrdreg $0xFFFFFFFF  }
0x39: {  	_ =	task.clear_ibuf [dreg:s7], $0x2FFFF;
	_ =	strace $0x9FFFFFFF  }
0x3a: {  	(tm) =	ssettm $0x7FFFFFFF  }
0x3b: {  	_ =	shalt  }
tec
execute0_lowered:
.L_overlay_start_1:
0x0: {  	(tag) =	ssettag $0x1  }
0x1: {  	s1 =	rddreg [dreg:$0x0]  }
0x2: {  	s2 =	rddreg [dreg:$0x1]  }
0x3: {  	s0 =	rddreg [dreg:$0x2]  }
0x4: {  	s4 =	srdreg.scid;
	_ =	strace $0x80000074;
	s6 =	simm.s32 $0x2  }
0x5: {  	s15 =	simm.s32 $0x0;
	p0 =	por $0x0, $0x0;
	s14 =	simm.s32 $0x0  }
0x6: {  	s16 =	simm.s32 $0x0;
	s7 =	simm.s32 $0x0;
	s9 =	simm.s32 $0x0  }
.Ltmp0:
0x7: {  	s10 =	simm.s32 $0x0;
	s11 =	simm.s32 $0x0;
	(pc) =	sbr.rel .LBB1_1-.Ltmp0, $4  }
0x8: {  	s12 =	simm.s32 $0x0;
	s3 =	sadd.s32 $0x400000, s1;
	s4 =	sshll.u32 s4, $0x4  }
0x9: {  	s1 =	stileid.u32;
	s5 =	sand.u32 $0x10, s4;
	s4 =	simm.s32 $0x1  }
0xa: {  	s8 =	simm.s32 $0x0;
	s5 =	sor.u32 s1, s5;
	[sflag:s4] =	ssyncpa.u1 $0x0  }
0xb: {  	[sflag:s6] =	ssyncpa.u1 $0x0;
	s6 =	simm.s32 $0x10000;
	s13 =	smov.u32 s5  }
.LBB1_5:
0xc: {  	p1 =	slt.u32 s8, $0x2;
	s18 =	smov.u32 s16  }
0xd: {  	p2 =	sgt.s32 @!p1 s15, $0x40;
	s17 =	sshra.s32 @!p1 s15, $0x1F;
	p3 =	sgt.s32 @!p1 s16, $0xFF  }
0xe: {  	s19 =	sshra.s32 @!p1 s16, $0x1F;
	p2 =	por !p2, p1;
	s17 =	sand.u32 @!p1 s17, s15  }
0xf: {  	p3 =	por !p3, p1;
	s16 =	sand.u32 @!p1 s19, s16;
	s19 =	sshra.s32 @!p1 s14, $0x1F  }
0x10: {  	s18 =	simm.s32 @p3 $0xFF;
	p3 =	sgt.s32 @!p1 s14, $0x80;
	s15 =	simm.s32 @p2 $0x40  }
0x11: {  	s16 =	ssub.s32 @!p1 s18, s16;
	p3 =	por !p3, p1;
	s18 =	smov.u32 s14  }
0x12: {  	s14 =	sand.u32 @!p1 s19, s14;
	s15 =	ssub.s32 @!p1 s15, s17;
	s18 =	simm.s32 @p3 $0x80  }
0x13: {  	s17 =	sadd.s32 @!p1 $0xFFFFFF01, s16;
	s16 =	ssub.s32 @!p1 $0x100, s16;
	s14 =	ssub.s32 @!p1 s18, s14  }
0x14: {  	s18 =	sadd.s32 @!p1 $0xFFFFFFC0, s15;
	p2 =	sgt.s32 @!p1 s17, $0x0;
	s17 =	sadd.s32 @!p1 $0xFFFFFF80, s14  }
0x15: {  	s15 =	ssub.s32 @!p1 $0xC0, s15;
	p2 =	por !p2, p1;
	p3 =	sgt.s32 @!p1 s17, $0x7F  }
0x16: {  	s14 =	ssub.s32 @!p1 $0x100, s14;
	s16 =	simm.s32 @!p2 $0x0;
	p2 =	por !p3, p1  }
0x17: {  	s17 =	sadd.s32 $0x80, s11;
	p3 =	sgt.s32 @!p1 s18, $0x7F;
	s14 =	simm.s32 @!p2 $0x0  }
0x18: {  	s18 =	smov.u32 s12;
	p2 =	por !p3, p1;
	s14 =	smul.u32 @!p1 s16, s14  }
0x19: {  	s15 =	simm.s32 @!p2 $0x0;
	p2 =	sgt.s32 s17, $0xBF;
	s16 =	sadd.s32 $0x80, s12  }
0x1a: {  	s19 =	smov.u32 s13;
	s18 =	smov.u32 @p2 s16  }
0x1b: {  	s14 =	smul.u32 @!p1 s15, s14;
	p3 =	sgt.s32 s18, $0xFF;
	s15 =	sadd.s32 $0x20, s13  }
0x1c: {  	s8 =	sadd.s32 $0x1, s8;
	p0 =	por !p0, !p0;
	s19 =	smov.u32 @p3 s15  }
0x1d: {  	s20 =	simm.s32 @!p1 $0x2;
	s17 =	simm.s32 @p2 $0x0;
	p2 =	sgt.s32 s19, $0xFF  }
0x1e: {  	s16 =	smov.u32 s10;
	s19 =	smov.u32 @p2 s5;
	p2 =	sne.s32 s8, $0x22  }
.Ltmp1:
0x1f: {  	s10 =	smov.u32 s13;
	s18 =	simm.s32 @p3 $0x0;
	(pc) =	sbr.rel @!p2 .LBB1_6-.Ltmp1, $4  }
0x20: {  	s15 =	smov.u32 s7;
	s7 =	smov.u32 s11;
	s14 =	sand.u32 @!p1 $0x3FFFFFFF, s14  }
0x21: {  	s11 =	smov.u32 s17;
	_ =	swait.ge @!p1 [sflag:s20], s14;
	s21 =	ssub.s32 @!p1 $0x0, s14  }
0x22: {  	s14 =	smov.u32 s9;
	s9 =	smov.u32 s12;
	[sflag:s20] =	ssyncset.done @!p1 $0x0  }
0x23: {  	s12 =	smov.u32 s18;
	s13 =	smov.u32 s19;
	[sflag:s20] =	ssyncadd.s32 @!p1 s21  }
.LBB1_1:
0x24: {  	p1 =	sgt.u32 s8, $0x1F  }
0x25: {  	s17 =	sxor.u32 @!p1 $0xFFFFFFFF, s8  }
0x26: {  	s18 =	sshll.u32 @!p1 s12, $0x8;
	s19 =	sshll.u32 @!p1 s11, $0x3;
	s20 =	sshll.u32 @!p1 s12, $0x7  }
0x27: {  	s21 =	sand.u32 @!p1 $0x78, s11;
	s18 =	sand.u32 @!p1 $0xF800, s18;
	s19 =	sand.u32 @!p1 $0xFC00, s19  }
0x28: {  	s17 =	sshll.u32 @!p1 s17, $0xE;
	s18 =	sadd.s32 @!p1 s18, s19;
	s19 =	sand.u32 @!p1 $0x300, s20  }
0x29: {  	s17 =	sand.u32 @!p1 $0x4000, s17;
	s18 =	sor.u32 @!p1 s19, s18;
	s19 =	sand.u32 @!p1 $0x80, s20  }
0x2a: {  	s20 =	sshll.u32 @!p1 s13, $0xD;
	s19 =	sor.u32 @!p1 s21, s19;
	s18 =	sshrl.u32 @!p1 s18, $0x3  }
0x2b: {  	s20 =	sadd.s32 @!p1 s3, s20;
	s21 =	sand.u32 @!p1 $0x7, s11;
	s19 =	sshrl.u32 @!p1 s19, $0x3  }
0x2c: {  	s18 =	sand.u32 @!p1 $0x1FE0, s18;
	s19 =	sadd.s32 @!p1 s19, s20;
	s20 =	sshll.u32 @!p1 s21, $0x12  }
0x2d: {  	s18 =	sadd.s32 @!p1 s18, s19;
	s19 =	sor.u32 @!p1 $0x400, s20;
	s20 =	simm.s32 @!p1 $0x800  }
0x2e: {  	[tilespmem:s17], [sflag:$0x1] =	stream.strided.gather @!p1 [hbm4b:s18+s19], $0x4000, s20, s19, $0x38;
	[tilespmem:$0x10100] =	vst v63  }
0x2f: {  	p1 =	seq.s32 s8, $0x0  }
0x30: {  	p2 =	seq.s32 @!p1 s8, $0x21  }
0x31: {  	p1 =	por p1, p2  }
.Ltmp2:
0x32: {  	_ = 	snop;
	(pc) =	sbr.rel @p1 .LBB1_5-.Ltmp2, $1  }
0x33: {  	_ =	sdelay $0x3  }
0x34: {  	s17 =	simm.s32 $0x1  }
0x35: {  	_ =	swait.ge [sflag:s4], $0x4000;
	s17 =	simm.s32 @!p0 $0x0  }
0x36: {  	[sflag:s4] =	ssyncset.done $0x0;
	s18 =	sshll.u32 s17, $0xE  }
0x37: {  	[sflag:s4] =	ssyncadd.s32 $0xFFFFC000;
	s18 =	sor.u32 $0x40, s18  }
0x38: {  	s17 =	smul.u32 $0x10200, s17;
	v0 =	vld [tilespmem:s18+$0x30]  }
0x39: {  	v1 =	vld [tilespmem:s18+$0xFFFFFFD0]  }
0x3a: {  	s17 =	sshrl.u32 s17, $0x2;
	v5 =	vld [tilespmem:s18+$0xFFFFFFE0]  }
0x3b: {  	v6 =	vld [tilespmem:s18+$0xFFFFFFF0];
	s20 =	sor.u32 $0x8000, s17  }
0x3c: {  	s31 =	sand.u32 $0x1, s8;
	v4 =	vld [tilespmem:s18+$0x0];
	s19 =	sadd.s32 $0x0, s20  }
0x3d: {  	v3 =	vld [tilespmem:s18+$0x10];
	s17 =	smul.u32 $0x10200, s31;
	[tilespmem:s19+$0x3870 ss:$0x81] =	vst.msk $0xffff, v0  }
0x3e: {  	v2 =	vld [tilespmem:s18+$0x20];
	[tilespmem:s19+$0x810 ss:$0x81] =	vst.msk $0xffff, v1  }
0x3f: {  	s17 =	sshrl.u32 s17, $0x2;
	v1 =	vld [tilespmem:s18+$0xFFFFFFC0];
	[tilespmem:s19+$0x1020 ss:$0x81] =	vst.msk $0xffff, v5;
	s18 =	sadd.s32 $0x80, s18  }
0x40: {  	s21 =	simm.s32 $0x4;
	s22 =	simm.s32 $0x8;
	s17 =	sor.u32 $0x8000, s17;
	[tilespmem:s19+$0x1830 ss:$0x81] =	vst.msk $0xffff, v6;
	v0 =	vld [tilespmem:s18+$0x30]  }
.LBB1_3:
0x41: {  	p1 =	sne.s32 s22, $0x1FC;
	v5 =	vld [tilespmem:s18+$0xFFFFFFD0];
	[tilespmem:s19+$0x2040 ss:$0x81] =	vst.msk $0xffff, v4  }
0x42: {  	v6 =	vld [tilespmem:s18+$0xFFFFFFE0];
	[tilespmem:s19+$0x2850 ss:$0x81] =	vst.msk $0xffff, v3  }
0x43: {  	s23 =	sshra.s32 s21, $0x2;
	s21 =	smov.u32 s22;
	v7 =	vld [tilespmem:s18+$0xFFFFFFF0];
	[tilespmem:s19+$0x3060 ss:$0x81] =	vst.msk $0xffff, v2  }
.Ltmp3:
0x44: {  	v4 =	vld [tilespmem:s18+$0x0];
	[tilespmem:s19+$0x0 ss:$0x81] =	vst.msk $0xffff, v1;
	s19 =	sadd.s32 s23, s20;
	(pc) =	sbr.rel @p1 .LBB1_3-.Ltmp3, $4  }
0x45: {  	v3 =	vld [tilespmem:s18+$0x10];
	[tilespmem:s19+$0x3870 ss:$0x81] =	vst.msk $0xffff, v0  }
0x46: {  	[tilespmem:s19+$0x810 ss:$0x81] =	vst.msk $0xffff, v5;
	v2 =	vld [tilespmem:s18+$0x20]  }
0x47: {  	v1 =	vld [tilespmem:s18+$0xFFFFFFC0];
	[tilespmem:s19+$0x1020 ss:$0x81] =	vst.msk $0xffff, v6;
	s18 =	sadd.s32 $0x80, s18  }
0x48: {  	s22 =	sadd.s32 $0x4, s22;
	v0 =	vld [tilespmem:s18+$0x30];
	[tilespmem:s19+$0x1830 ss:$0x81] =	vst.msk $0xffff, v7  }
0x49: {  	s21 =	sshra.s32 s21, $0x2;
	s22 =	sshll.u32 s10, $0x8;
	s28 =	sshll.u32 s9, $0x3  }
0x4a: {  	p1 =	sgt.s32 s7, $0x40;
	s23 =	smov.u32 s7;
	p2 =	sgt.s32 s10, $0xFF  }
0x4b: {  	s24 =	smov.u32 s10;
	s29 =	sshra.s32 s10, $0x1F;
	s25 =	smov.u32 s9  }
0x4c: {  	s26 =	sshra.s32 s9, $0x1F;
	s20 =	sadd.s32 s21, s20;
	s27 =	sand.u32 $0xF800, s22  }
0x4d: {  	s22 =	sand.u32 $0xFC00, s28;
	s23 =	simm.s32 @!p1 $0x40;
	s24 =	simm.s32 @!p2 $0xFF  }
0x4e: {  	p1 =	sgt.s32 s9, $0x80;
	s26 =	sand.u32 s26, s9;
	s21 =	sadd.s32 s27, s22  }
0x4f: {  	s22 =	sand.u32 s29, s10;
	s25 =	simm.s32 @!p1 $0x80;
	s27 =	sshra.s32 s7, $0x1F  }
0x50: {  	v5 =	vld [tilespmem:s18+$0xFFFFFFD0];
	[tilespmem:s19+$0x2040 ss:$0x81] =	vst.msk $0xffff, v4;
	s22 =	ssub.s32 s24, s22;
	s24 =	ssub.s32 s25, s26;
	s30 =	sand.u32 s27, s7  }
0x51: {  	v58 =	vld [tilespmem:s18+$0xFFFFFFE0];
	[tilespmem:s19+$0x2850 ss:$0x81] =	vst.msk $0xffff, v3;
	s27 =	sshll.u32 s7, $0xD;
	s31 =	sadd.s32 $0xFFFFFF01, s22;
	s28 =	sadd.s32 $0xFFFFFF80, s24  }
0x52: {  	v59 =	vld [tilespmem:s18+$0xFFFFFFF0];
	[tilespmem:s19+$0x3060 ss:$0x81] =	vst.msk $0xffff, v2;
	s23 =	ssub.s32 s23, s30;
	s22 =	ssub.s32 $0x100, s22;
	s24 =	ssub.s32 $0x100, s24  }
0x53: {  	v60 =	vld [tilespmem:s18+$0x0];
	[tilespmem:s19+$0x0 ss:$0x81] =	vst.msk $0xffff, v1;
	s30 =	sand.u32 $0x78, s9;
	p1 =	sgt.s32 s31, $0x0;
	p2 =	sgt.s32 s28, $0x7F  }
0x54: {  	v61 =	vld [tilespmem:s18+$0x10];
	[tilespmem:s20+$0x3870 ss:$0x81] =	vst.msk $0xffff, v0;
	s29 =	sadd.s32 $0xFFFFFFC0, s23;
	s31 =	sshll.u32 s10, $0x7;
	s23 =	ssub.s32 $0xC0, s23  }
0x55: {  	v62 =	vld [tilespmem:s18+$0x20];
	[tilespmem:s20+$0x810 ss:$0x81] =	vst.msk $0xffff, v5;
	s28 =	sand.u32 $0x7, s9;
	s22 =	simm.s32 @p1 $0x0;
	s24 =	simm.s32 @p2 $0x0  }
0x56: {  	v63 =	vld [tilespmem:s18+$0xFFFFFFC0];
	[tilespmem:s20+$0x1020 ss:$0x81] =	vst.msk $0xffff, v58;
	p1 =	sgt.s32 s29, $0x7F;
	s25 =	sand.u32 $0x300, s31;
	s22 =	smul.u32 s22, s24  }
0x57: {  	[tilespmem:s20+$0x1830 ss:$0x81] =	vst.msk $0xffff, v59;
	s24 =	sand.u32 $0x80, s31;
	s18 =	sor.u32 s25, s21;
	s23 =	simm.s32 @p1 $0x0  }
.Ltmp4:
0x58: {  	[tilespmem:s20+$0x2040 ss:$0x81] =	vst.msk $0xffff, v60;
	s19 =	sor.u32 s30, s24;
	s18 =	sshrl.u32 s18, $0x3;
	(pc) =	sbr.rel .LBB1_5-.Ltmp4, $4  }
0x59: {  	[tilespmem:s20+$0x2850 ss:$0x81] =	vst.msk $0xffff, v61;
	s26 =	smul.u32 s23, s22;
	s19 =	sshrl.u32 s19, $0x3;
	s22 =	sadd.s32 s2, s27  }
0x5a: {  	[tilespmem:s20+$0x3060 ss:$0x81] =	vst.msk $0xffff, v62;
	s29 =	sshll.u32 s28, $0x12;
	s18 =	sand.u32 $0x1FE0, s18;
	s19 =	sadd.s32 s19, s22  }
0x5b: {  	[tilespmem:s20+$0x0 ss:$0x81] =	vst.msk $0xffff, v63;
	s31 =	sor.u32 $0x80, s29;
	s30 =	sand.u32 $0x3FFFFFFF, s26;
	s18 =	sadd.s32 s18, s19  }
0x5c: {  	[hbm4b:s18+s31] =	stream.strided.scatter [tilespmem:s17], [sflag:$0x2], s30, s6, s31, $0x20;
	[tilespmem:$0x10100] =	vst v63  }
.LBB1_6:
0x5d: {  	_ =	sfence.sel $0x180000  }
0x5e: {  	s2 =	simm.s32 $0x1;
	[bflag:$0x0] =	sbarrier.arrive $0xFFFF  }
0x5f: {  	s31 =	simm.s32 $0x2;
	[sflag:s2] =	ssyncpa.u1 $0x1  }
0x60: {  	[sflag:s31] =	ssyncpa.u1 $0x1  }
0x61: {  	p0 =	sne.s32 s1, $0x0;
	_ =	strace $0x90000074  }
0x62: {  	s0 =	sadd.s32 @!p0 $0x100000, s0;
	[bflag:$0x2] =	sbarrier.arrive $0xFFFF  }
0x63: {  	[sflag:s0] =	ssyncadd.tile.s32 @!p0 $0x1;
	_ =	shalt  }
.Lfunc_end1:
_tile_overlayer_lowered:
.L_overlay_start_2:
0x64: {  	(tag) =	ssettag $0x2  }
0x65: {  	s0 =	rddreg [dreg:$0x0];
	s2 =	stileid.u32  }
0x66: {  	s1 =	rddreg [dreg:$0x1];
	p0 =	sne.s32 s2, $0x0  }
0x67: {  	s3 =	rddreg [dreg:$0x2];
	[bflag:$0x3] =	sbarrier.arrive $0xFFFF;
	s2 =	simm.s32 @!p0 $0x1C01  }
0x68: {  	[timem:s3], [sflag:s2] =	dma.local @!p0 [hbm:s0], s1  }
0x69: {  	s0 =	simm.s32 @!p0 $0x1  }
0x6a: {  	_ =	swait.ge @!p0 [sflag:s0], s1  }
0x6b: {  	s1 =	ssub.s32 @!p0 $0x0, s1;
	[sflag:s0] =	ssyncset.done @!p0 $0x0  }
0x6c: {  	[sflag:s0] =	ssyncadd.s32 @!p0 s1  }
0x6d: {  	[bflag:$0x3] =	sbarrier.arrive $0xFFFF  }
0x6e: {  	_ =	shalt  }

</sc_bundles>
